<compile_context>
chip_gen: v7x
topology: tpu7x:2x2x1
jax: 0.10.2.dev20260603
libtpu: 0.0.44.dev20260713+nightly
codegen_flags: <defaults>
</compile_context>

<pallas_src>
import functools

import jax
import jax.numpy as jnp
from jax import lax
from jax.experimental import pallas as pl
from jax.experimental.pallas import tpu as pltpu
from jax.experimental.pallas import tpu_sc as plsc

_NUM_TOKENS = 32768
_HIDDEN = 768
_NUM_EXPERTS = 64
_TOP_K = 8

_ROW_BLOCK = 4096

_NUM_WORKERS = 32
_ROWS_PER_W = _NUM_TOKENS // _NUM_WORKERS
_LANES = 16
_GROUPS_PER_W = _ROWS_PER_W // _LANES


def _tc_body(x_ref, w_ref, logits_ref, probs_ref):
    x = x_ref[...]
    w = w_ref[...]
    logits = lax.dot_general(
        x, w, (((1,), (1,)), ((), ())), preferred_element_type=jnp.float32
    )
    m = jnp.max(logits, axis=1, keepdims=True)
    e = jnp.exp(logits - m)
    probs = e / jnp.sum(e, axis=1, keepdims=True)
    logits_ref[...] = logits
    probs_ref[...] = probs


def _tc_logits_probs(x, W):
    grid = (_NUM_TOKENS // _ROW_BLOCK,)
    out_shape = jax.ShapeDtypeStruct((_NUM_TOKENS, _NUM_EXPERTS), jnp.float32)
    return pl.pallas_call(
        _tc_body,
        grid=grid,
        in_specs=[
            pl.BlockSpec((_ROW_BLOCK, _HIDDEN), lambda i: (i, 0)),
            pl.BlockSpec((_NUM_EXPERTS, _HIDDEN), lambda i: (0, 0)),
        ],
        out_specs=[
            pl.BlockSpec((_ROW_BLOCK, _NUM_EXPERTS), lambda i: (i, 0)),
            pl.BlockSpec((_ROW_BLOCK, _NUM_EXPERTS), lambda i: (i, 0)),
        ],
        out_shape=[out_shape, out_shape],
        compiler_params=pltpu.CompilerParams(
            dimension_semantics=("arbitrary",)
        ),
    )(x, W)


_HALF_ROWS = _ROWS_PER_W // 2
_HALF_GROUPS = _HALF_ROWS // _LANES
_SUB_ROWS = 128
_SUB_GROUPS = _SUB_ROWS // _LANES
_SUBS_PER_HALF = _HALF_ROWS // _SUB_ROWS


def _sc_topk_body(logits_hbm, idx_hbm, val_hbm, blk_v, oi_v, ov_v):
    wid = lax.axis_index("s") * 2 + lax.axis_index("c")

    lane = lax.iota(jnp.int32, _LANES)
    neg_inf = jnp.full((_LANES,), -jnp.inf, jnp.float32)
    _CHUNK = 8
    _NCHUNK = _NUM_EXPERTS // _CHUNK

    def _tourney(pairs):
        while len(pairs) > 1:
            nxt = []
            for j in range(0, len(pairs), 2):
                (lv, li), (hv, hi) = pairs[j], pairs[j + 1]
                gt = hv > lv
                nxt.append((jnp.where(gt, hv, lv), jnp.where(gt, hi, li)))
            pairs = nxt
        return pairs[0]

    for h in range(2):
        pltpu.sync_copy(
            logits_hbm.at[pl.ds(wid * _ROWS_PER_W + h * _HALF_ROWS,
                                _HALF_ROWS), :],
            blk_v,
        )

        def sub_body(s, carry, _h=h):
            sub_first = s * _SUB_ROWS

            @plsc.parallel_loop(0, _SUB_GROUPS, unroll=1)
            def group_body(g):
                rows = sub_first + g * _LANES + lane

                chunk_best = []
                for c in range(_NCHUNK):
                    leaves = []
                    for i in range(_CHUNK):
                        e = c * _CHUNK + i
                        col = jnp.full((_LANES,), e, jnp.int32)
                        v = plsc.load_gather(blk_v, [rows, col])
                        leaves.append((v, col))
                    chunk_best.append(_tourney(leaves))

                sel_vals = []
                sel_idxs = []
                for k in range(_TOP_K):
                    wv, wi = _tourney(list(chunk_best))
                    sel_vals.append(wv)
                    sel_idxs.append(wi)
                    if k + 1 == _TOP_K:
                        break
                    plsc.store_scatter(blk_v, [rows, wi], neg_inf)
                    cb = jnp.bitwise_and(
                        wi, jnp.full((_LANES,), -_CHUNK, jnp.int32))
                    leaves = []
                    for i in range(_CHUNK):
                        ic = jnp.full((_LANES,), i, jnp.int32)
                        v = plsc.load_gather(blk_v, [rows, cb + ic])
                        leaves.append((v, cb + ic))
                    nv, ni = _tourney(leaves)
                    for c in range(_NCHUNK):
                        msk = cb == jnp.full(
                            (_LANES,), c * _CHUNK, jnp.int32)
                        ov, oi = chunk_best[c]
                        chunk_best[c] = (
                            jnp.where(msk, nv, ov),
                            jnp.where(msk, ni, oi),
                        )

                top = sel_vals[0]
                exps = [jnp.exp(v - top) for v in sel_vals]
                total = exps[0]
                for p in exps[1:]:
                    total = total + p

                orow = g * _LANES + lane
                for k in range(_TOP_K):
                    kcol = jnp.full((_LANES,), k, jnp.int32)
                    plsc.store_scatter(oi_v, [orow, kcol], sel_idxs[k])
                    plsc.store_scatter(ov_v, [orow, kcol], exps[k] / total)

            obase = wid * _ROWS_PER_W + _h * _HALF_ROWS + s * _SUB_ROWS
            pltpu.sync_copy(oi_v, idx_hbm.at[pl.ds(obase, _SUB_ROWS), :])
            pltpu.sync_copy(ov_v, val_hbm.at[pl.ds(obase, _SUB_ROWS), :])
            return carry

        lax.fori_loop(0, _SUBS_PER_HALF, sub_body, 0)


def _sc_topk(logits):
    mesh = plsc.VectorSubcoreMesh(core_axis_name="c", subcore_axis_name="s")
    fn = functools.partial(
        pl.kernel,
        mesh=mesh,
        out_type=[
            jax.ShapeDtypeStruct((_NUM_TOKENS, _TOP_K), jnp.int32),
            jax.ShapeDtypeStruct((_NUM_TOKENS, _TOP_K), jnp.float32),
        ],
        scratch_types=[
            pltpu.VMEM((_HALF_ROWS, _NUM_EXPERTS), jnp.float32),
            pltpu.VMEM((_SUB_ROWS, _TOP_K), jnp.int32),
            pltpu.VMEM((_SUB_ROWS, _TOP_K), jnp.float32),
        ],
        compiler_params=pltpu.CompilerParams(needs_layout_passes=False),
    )(_sc_topk_body)
    return fn(logits)


def kernel(x, W):
    logits, probs = _tc_logits_probs(x, W)
    top_k_indices, top_k_probs = _sc_topk(logits)
    return (logits, probs, top_k_indices, top_k_probs)

# --- scband reference (transcript-rebuilt; emitter-appended) ---
"""Pipeline reference for scband-top-krouter-43490838839444 (READ-ONLY COPY).

The authoritative reference and input builder live on the scoring server;
editing this copy changes nothing except your own understanding.
"""

import jax, jax.numpy as jnp
import numpy as np

NUM_TOKENS = 32768
HIDDEN = 768
NUM_EXPERTS = 64
TOP_K = 8

def setup_inputs(seed: int = 0) -> dict:
    key = jax.random.key(seed)
    k1, k2 = jax.random.split(key)
    x = jax.random.normal(k1, (NUM_TOKENS, HIDDEN), dtype=jnp.float32)
    # gate weight, initialized as in nn.init.normal_(std=0.02); shape [num_experts, hidden_size]
    W = jax.random.normal(k2, (NUM_EXPERTS, HIDDEN), dtype=jnp.float32) * 0.02
    return {"x": x, "W": W}

def reference(x, W):
    # eval mode: no dropout, no routing noise
    logits = x @ W.T  # [num_tokens, num_experts]
    # normalize_probs=True -> softmax
    probs = jax.nn.softmax(logits, axis=-1)
    top_k_probs, top_k_indices = jax.lax.top_k(probs, TOP_K)
    # renormalize the selected top-k probabilities
    top_k_probs = top_k_probs / jnp.sum(top_k_probs, axis=-1, keepdims=True)
    # dict values from torch forward: logits, probs, expert_indices, expert_weights
    return (logits, probs, top_k_indices, top_k_probs)

if __name__ == "__main__":
    import jax
    _d = setup_inputs()
    print(jax.jit(kernel)(*tuple(_d.values())))

</pallas_src>

<mosaic_0001>
#map = affine_map<(d0, d1) -> (0, 0)>
module attributes {stable_mosaic.version = 14 : i64} {
  func.func @_sc_topk_body(%arg0: i32, %arg1: i32, %arg2: memref<32768x64xf32, #tpu.memory_space<hbm>>, %arg3: memref<32768x8xi32, #tpu.memory_space<hbm>>, %arg4: memref<32768x8xf32, #tpu.memory_space<hbm>>, %arg5: memref<512x64xf32, #tpu.memory_space<vmem>>, %arg6: memref<128x8xi32, #tpu.memory_space<vmem>>, %arg7: memref<128x8xf32, #tpu.memory_space<vmem>>) attributes {dimension_semantics = [#tpu.dimension_semantics<core_parallel>, #tpu.dimension_semantics<subcore_parallel>], iteration_bounds = array<i64: 2, 16>, scalar_prefetch = 0 : i64, scratch_operands = 3 : i64, tpu.core_type = #tpu.core_type<sc_vector_subcore>, window_params = [{transform_indices = #map}, {transform_indices = #map}, {transform_indices = #map}]} {
    %mul3A = arith.constant 2 : i32
    %mul3A_0 = arith.muli %arg1, %mul3A : i32
    %add3A = arith.addi %mul3A_0, %arg0 : i32
    %iota3A = tpu.iota {dimensions = array<i32: 0>} : vector<16xi32>
    %broadcast_in_dim3A = arith.constant 0xFF800000 : f32
    %broadcast_in_dim3A_1 = vector.broadcast %broadcast_in_dim3A : f32 to vector<16xf32>
    %mul3A_2 = arith.constant 1024 : i32
    %mul3A_3 = arith.muli %add3A, %mul3A_2 : i32
    %add3A_4 = arith.constant 0 : i32
    %add3A_5 = arith.addi %mul3A_3, %add3A_4 : i32
    "tpu.region"() ({
      %run_scoped3A = tpu.sem_alloc : memref<!tpu.dma_semaphore, #tpu.memory_space<semaphore_mem>>
      %dma_start3A = arith.constant 0 : i32
      %dma_start3A_21 = tpu.memref_slice %arg2[%add3A_5, %dma_start3A] : memref<32768x64xf32, #tpu.memory_space<hbm>> -> memref<512x64xf32, #tpu.memory_space<hbm>>
      %dma_start3A_22 = arith.constant 0 : i32
      %dma_start3A_23 = tpu.memref_slice %arg2[%add3A_5, %dma_start3A_22] : memref<32768x64xf32, #tpu.memory_space<hbm>> -> memref<512x64xf32, #tpu.memory_space<hbm>>
      tpu.enqueue_dma source(%dma_start3A_23 : memref<512x64xf32, #tpu.memory_space<hbm>>) target(%arg5 : memref<512x64xf32, #tpu.memory_space<vmem>>) target_semaphore(%run_scoped3A : memref<!tpu.dma_semaphore, #tpu.memory_space<semaphore_mem>>)
      %dma_wait3A = arith.constant 0 : i32
      %dma_wait3A_24 = tpu.memref_slice %arg2[%add3A_5, %dma_wait3A] : memref<32768x64xf32, #tpu.memory_space<hbm>> -> memref<512x64xf32, #tpu.memory_space<hbm>>
      %dma_wait3A_25 = arith.constant 0 : i32
      %dma_wait3A_26 = tpu.memref_slice %arg2[%add3A_5, %dma_wait3A_25] : memref<32768x64xf32, #tpu.memory_space<hbm>> -> memref<512x64xf32, #tpu.memory_space<hbm>>
      tpu.wait_dma2 semaphore(%run_scoped3A : memref<!tpu.dma_semaphore, #tpu.memory_space<semaphore_mem>>) src(%dma_wait3A_26 : memref<512x64xf32, #tpu.memory_space<hbm>>) dst(%arg5 : memref<512x64xf32, #tpu.memory_space<vmem>>)
      tpu.yield
    }) : () -> ()
    %scan3A = arith.constant 0 : i32
    %scan3A_6 = arith.constant 0 : i32
    %scan3A_7 = arith.constant 4 : i32
    %scan3A_8 = arith.addi %scan3A_6, %scan3A_7 : i32
    %scan3A_9 = arith.constant 1 : i32
    scf.for %scan3A_21 = %scan3A_6 to %scan3A_8 step %scan3A_9  : i32 {
      %mul3A_22 = arith.constant 128 : i32
      %mul3A_23 = arith.muli %scan3A_21, %mul3A_22 : i32
      %parallel_loop3A = arith.constant 0 : i32
      %parallel_loop3A_24 = arith.constant 8 : i32
      %parallel_loop3A_25 = arith.constant 1 : i32
      scf.for %parallel_loop3A_33 = %parallel_loop3A to %parallel_loop3A_24 step %parallel_loop3A_25  : i32 {
        %parallel_loop3A_34 = arith.constant 16 : i32
        %parallel_loop3A_35 = arith.muli %parallel_loop3A_33, %parallel_loop3A_34 : i32
        %parallel_loop3A_36 = arith.addi %mul3A_23, %parallel_loop3A_35 : i32
        %parallel_loop3A_37 = vector.broadcast %parallel_loop3A_36 : i32 to vector<16xi32>
        %parallel_loop3A_38 = arith.addi %parallel_loop3A_37, %iota3A : vector<16xi32>
        %parallel_loop3A_39 = arith.constant 0 : i32
        %parallel_loop3A_40 = vector.broadcast %parallel_loop3A_39 : i32 to vector<16xi32>
        %parallel_loop3A_41 = tpu.vector_load_idx %arg5[%parallel_loop3A_38, %parallel_loop3A_40] : memref<512x64xf32, #tpu.memory_space<vmem>>[vector<16xi32>, vector<16xi32>], vector<16xf32>,
        %parallel_loop3A_42 = arith.constant 1 : i32
        %parallel_loop3A_43 = vector.broadcast %parallel_loop3A_42 : i32 to vector<16xi32>
        %parallel_loop3A_44 = tpu.vector_load_idx %arg5[%parallel_loop3A_38, %parallel_loop3A_43] : memref<512x64xf32, #tpu.memory_space<vmem>>[vector<16xi32>, vector<16xi32>], vector<16xf32>,
        %parallel_loop3A_45 = arith.constant 2 : i32
        %parallel_loop3A_46 = vector.broadcast %parallel_loop3A_45 : i32 to vector<16xi32>
        %parallel_loop3A_47 = tpu.vector_load_idx %arg5[%parallel_loop3A_38, %parallel_loop3A_46] : memref<512x64xf32, #tpu.memory_space<vmem>>[vector<16xi32>, vector<16xi32>], vector<16xf32>,
        %parallel_loop3A_48 = arith.constant 3 : i32
        %parallel_loop3A_49 = vector.broadcast %parallel_loop3A_48 : i32 to vector<16xi32>
        %parallel_loop3A_50 = tpu.vector_load_idx %arg5[%parallel_loop3A_38, %parallel_loop3A_49] : memref<512x64xf32, #tpu.memory_space<vmem>>[vector<16xi32>, vector<16xi32>], vector<16xf32>,
        %parallel_loop3A_51 = arith.constant 4 : i32
        %parallel_loop3A_52 = vector.broadcast %parallel_loop3A_51 : i32 to vector<16xi32>
        %parallel_loop3A_53 = tpu.vector_load_idx %arg5[%parallel_loop3A_38, %parallel_loop3A_52] : memref<512x64xf32, #tpu.memory_space<vmem>>[vector<16xi32>, vector<16xi32>], vector<16xf32>,
        %parallel_loop3A_54 = arith.constant 5 : i32
        %parallel_loop3A_55 = vector.broadcast %parallel_loop3A_54 : i32 to vector<16xi32>
        %parallel_loop3A_56 = tpu.vector_load_idx %arg5[%parallel_loop3A_38, %parallel_loop3A_55] : memref<512x64xf32, #tpu.memory_space<vmem>>[vector<16xi32>, vector<16xi32>], vector<16xf32>,
        %parallel_loop3A_57 = arith.constant 6 : i32
        %parallel_loop3A_58 = vector.broadcast %parallel_loop3A_57 : i32 to vector<16xi32>
        %parallel_loop3A_59 = tpu.vector_load_idx %arg5[%parallel_loop3A_38, %parallel_loop3A_58] : memref<512x64xf32, #tpu.memory_space<vmem>>[vector<16xi32>, vector<16xi32>], vector<16xf32>,
        %parallel_loop3A_60 = arith.constant 7 : i32
        %parallel_loop3A_61 = vector.broadcast %parallel_loop3A_60 : i32 to vector<16xi32>
        %parallel_loop3A_62 = tpu.vector_load_idx %arg5[%parallel_loop3A_38, %parallel_loop3A_61] : memref<512x64xf32, #tpu.memory_space<vmem>>[vector<16xi32>, vector<16xi32>], vector<16xf32>,
        %parallel_loop3A_63 = arith.cmpf ogt, %parallel_loop3A_44, %parallel_loop3A_41 : vector<16xf32>
        %parallel_loop3A_64 = arith.select %parallel_loop3A_63, %parallel_loop3A_44, %parallel_loop3A_41 : vector<16xi1>, vector<16xf32>
        %parallel_loop3A_65 = arith.select %parallel_loop3A_63, %parallel_loop3A_43, %parallel_loop3A_40 : vector<16xi1>, vector<16xi32>
        %parallel_loop3A_66 = arith.cmpf ogt, %parallel_loop3A_50, %parallel_loop3A_47 : vector<16xf32>
        %parallel_loop3A_67 = arith.select %parallel_loop3A_66, %parallel_loop3A_50, %parallel_loop3A_47 : vector<16xi1>, vector<16xf32>
        %parallel_loop3A_68 = arith.select %parallel_loop3A_66, %parallel_loop3A_49, %parallel_loop3A_46 : vector<16xi1>, vector<16xi32>
        %parallel_loop3A_69 = arith.cmpf ogt, %parallel_loop3A_56, %parallel_loop3A_53 : vector<16xf32>
        %parallel_loop3A_70 = arith.select %parallel_loop3A_69, %parallel_loop3A_56, %parallel_loop3A_53 : vector<16xi1>, vector<16xf32>
        %parallel_loop3A_71 = arith.select %parallel_loop3A_69, %parallel_loop3A_55, %parallel_loop3A_52 : vector<16xi1>, vector<16xi32>
        %parallel_loop3A_72 = arith.cmpf ogt, %parallel_loop3A_62, %parallel_loop3A_59 : vector<16xf32>
        %parallel_loop3A_73 = arith.select %parallel_loop3A_72, %parallel_loop3A_62, %parallel_loop3A_59 : vector<16xi1>, vector<16xf32>
        %parallel_loop3A_74 = arith.select %parallel_loop3A_72, %parallel_loop3A_61, %parallel_loop3A_58 : vector<16xi1>, vector<16xi32>
        %parallel_loop3A_75 = arith.cmpf ogt, %parallel_loop3A_67, %parallel_loop3A_64 : vector<16xf32>
        %parallel_loop3A_76 = arith.select %parallel_loop3A_75, %parallel_loop3A_67, %parallel_loop3A_64 : vector<16xi1>, vector<16xf32>
        %parallel_loop3A_77 = arith.select %parallel_loop3A_75, %parallel_loop3A_68, %parallel_loop3A_65 : vector<16xi1>, vector<16xi32>
        %parallel_loop3A_78 = arith.cmpf ogt, %parallel_loop3A_73, %parallel_loop3A_70 : vector<16xf32>
        %parallel_loop3A_79 = arith.select %parallel_loop3A_78, %parallel_loop3A_73, %parallel_loop3A_70 : vector<16xi1>, vector<16xf32>
        %parallel_loop3A_80 = arith.select %parallel_loop3A_78, %parallel_loop3A_74, %parallel_loop3A_71 : vector<16xi1>, vector<16xi32>
        %parallel_loop3A_81 = arith.cmpf ogt, %parallel_loop3A_79, %parallel_loop3A_76 : vector<16xf32>
        %parallel_loop3A_82 = arith.select %parallel_loop3A_81, %parallel_loop3A_79, %parallel_loop3A_76 : vector<16xi1>, vector<16xf32>
        %parallel_loop3A_83 = arith.select %parallel_loop3A_81, %parallel_loop3A_80, %parallel_loop3A_77 : vector<16xi1>, vector<16xi32>
        %parallel_loop3A_84 = arith.constant 8 : i32
        %parallel_loop3A_85 = vector.broadcast %parallel_loop3A_84 : i32 to vector<16xi32>
        %parallel_loop3A_86 = tpu.vector_load_idx %arg5[%parallel_loop3A_38, %parallel_loop3A_85] : memref<512x64xf32, #tpu.memory_space<vmem>>[vector<16xi32>, vector<16xi32>], vector<16xf32>,
        %parallel_loop3A_87 = arith.constant 9 : i32
        %parallel_loop3A_88 = vector.broadcast %parallel_loop3A_87 : i32 to vector<16xi32>
        %parallel_loop3A_89 = tpu.vector_load_idx %arg5[%parallel_loop3A_38, %parallel_loop3A_88] : memref<512x64xf32, #tpu.memory_space<vmem>>[vector<16xi32>, vector<16xi32>], vector<16xf32>,
        %parallel_loop3A_90 = arith.constant 10 : i32
        %parallel_loop3A_91 = vector.broadcast %parallel_loop3A_90 : i32 to vector<16xi32>
        %parallel_loop3A_92 = tpu.vector_load_idx %arg5[%parallel_loop3A_38, %parallel_loop3A_91] : memref<512x64xf32, #tpu.memory_space<vmem>>[vector<16xi32>, vector<16xi32>], vector<16xf32>,
        %parallel_loop3A_93 = arith.constant 11 : i32
        %parallel_loop3A_94 = vector.broadcast %parallel_loop3A_93 : i32 to vector<16xi32>
        %parallel_loop3A_95 = tpu.vector_load_idx %arg5[%parallel_loop3A_38, %parallel_loop3A_94] : memref<512x64xf32, #tpu.memory_space<vmem>>[vector<16xi32>, vector<16xi32>], vector<16xf32>,
        %parallel_loop3A_96 = arith.constant 12 : i32
        %parallel_loop3A_97 = vector.broadcast %parallel_loop3A_96 : i32 to vector<16xi32>
        %parallel_loop3A_98 = tpu.vector_load_idx %arg5[%parallel_loop3A_38, %parallel_loop3A_97] : memref<512x64xf32, #tpu.memory_space<vmem>>[vector<16xi32>, vector<16xi32>], vector<16xf32>,
        %parallel_loop3A_99 = arith.constant 13 : i32
        %parallel_loop3A_100 = vector.broadcast %parallel_loop3A_99 : i32 to vector<16xi32>
        %parallel_loop3A_101 = tpu.vector_load_idx %arg5[%parallel_loop3A_38, %parallel_loop3A_100] : memref<512x64xf32, #tpu.memory_space<vmem>>[vector<16xi32>, vector<16xi32>], vector<16xf32>,
        %parallel_loop3A_102 = arith.constant 14 : i32
        %parallel_loop3A_103 = vector.broadcast %parallel_loop3A_102 : i32 to vector<16xi32>
        %parallel_loop3A_104 = tpu.vector_load_idx %arg5[%parallel_loop3A_38, %parallel_loop3A_103] : memref<512x64xf32, #tpu.memory_space<vmem>>[vector<16xi32>, vector<16xi32>], vector<16xf32>,
        %parallel_loop3A_105 = arith.constant 15 : i32
        %parallel_loop3A_106 = vector.broadcast %parallel_loop3A_105 : i32 to vector<16xi32>
        %parallel_loop3A_107 = tpu.vector_load_idx %arg5[%parallel_loop3A_38, %parallel_loop3A_106] : memref<512x64xf32, #tpu.memory_space<vmem>>[vector<16xi32>, vector<16xi32>], vector<16xf32>,
        %parallel_loop3A_108 = arith.cmpf ogt, %parallel_loop3A_89, %parallel_loop3A_86 : vector<16xf32>
        %parallel_loop3A_109 = arith.select %parallel_loop3A_108, %parallel_loop3A_89, %parallel_loop3A_86 : vector<16xi1>, vector<16xf32>
        %parallel_loop3A_110 = arith.select %parallel_loop3A_108, %parallel_loop3A_88, %parallel_loop3A_85 : vector<16xi1>, vector<16xi32>
        %parallel_loop3A_111 = arith.cmpf ogt, %parallel_loop3A_95, %parallel_loop3A_92 : vector<16xf32>
        %parallel_loop3A_112 = arith.select %parallel_loop3A_111, %parallel_loop3A_95, %parallel_loop3A_92 : vector<16xi1>, vector<16xf32>
        %parallel_loop3A_113 = arith.select %parallel_loop3A_111, %parallel_loop3A_94, %parallel_loop3A_91 : vector<16xi1>, vector<16xi32>
        %parallel_loop3A_114 = arith.cmpf ogt, %parallel_loop3A_101, %parallel_loop3A_98 : vector<16xf32>
        %parallel_loop3A_115 = arith.select %parallel_loop3A_114, %parallel_loop3A_101, %parallel_loop3A_98 : vector<16xi1>, vector<16xf32>
        %parallel_loop3A_116 = arith.select %parallel_loop3A_114, %parallel_loop3A_100, %parallel_loop3A_97 : vector<16xi1>, vector<16xi32>
        %parallel_loop3A_117 = arith.cmpf ogt, %parallel_loop3A_107, %parallel_loop3A_104 : vector<16xf32>
        %parallel_loop3A_118 = arith.select %parallel_loop3A_117, %parallel_loop3A_107, %parallel_loop3A_104 : vector<16xi1>, vector<16xf32>
        %parallel_loop3A_119 = arith.select %parallel_loop3A_117, %parallel_loop3A_106, %parallel_loop3A_103 : vector<16xi1>, vector<16xi32>
        %parallel_loop3A_120 = arith.cmpf ogt, %parallel_loop3A_112, %parallel_loop3A_109 : vector<16xf32>
        %parallel_loop3A_121 = arith.select %parallel_loop3A_120, %parallel_loop3A_112, %parallel_loop3A_109 : vector<16xi1>, vector<16xf32>
        %parallel_loop3A_122 = arith.select %parallel_loop3A_120, %parallel_loop3A_113, %parallel_loop3A_110 : vector<16xi1>, vector<16xi32>
        %parallel_loop3A_123 = arith.cmpf ogt, %parallel_loop3A_118, %parallel_loop3A_115 : vector<16xf32>
        %parallel_loop3A_124 = arith.select %parallel_loop3A_123, %parallel_loop3A_118, %parallel_loop3A_115 : vector<16xi1>, vector<16xf32>
        %parallel_loop3A_125 = arith.select %parallel_loop3A_123, %parallel_loop3A_119, %parallel_loop3A_116 : vector<16xi1>, vector<16xi32>
        %parallel_loop3A_126 = arith.cmpf ogt, %parallel_loop3A_124, %parallel_loop3A_121 : vector<16xf32>
        %parallel_loop3A_127 = arith.select %parallel_loop3A_126, %parallel_loop3A_124, %parallel_loop3A_121 : vector<16xi1>, vector<16xf32>
        %parallel_loop3A_128 = arith.select %parallel_loop3A_126, %parallel_loop3A_125, %parallel_loop3A_122 : vector<16xi1>, vector<16xi32>
        %parallel_loop3A_129 = arith.constant 16 : i32
        %parallel_loop3A_130 = vector.broadcast %parallel_loop3A_129 : i32 to vector<16xi32>
        %parallel_loop3A_131 = tpu.vector_load_idx %arg5[%parallel_loop3A_38, %parallel_loop3A_130] : memref<512x64xf32, #tpu.memory_space<vmem>>[vector<16xi32>, vector<16xi32>], vector<16xf32>,
        %parallel_loop3A_132 = arith.constant 17 : i32
        %parallel_loop3A_133 = vector.broadcast %parallel_loop3A_132 : i32 to vector<16xi32>
        %parallel_loop3A_134 = tpu.vector_load_idx %arg5[%parallel_loop3A_38, %parallel_loop3A_133] : memref<512x64xf32, #tpu.memory_space<vmem>>[vector<16xi32>, vector<16xi32>], vector<16xf32>,
        %parallel_loop3A_135 = arith.constant 18 : i32
        %parallel_loop3A_136 = vector.broadcast %parallel_loop3A_135 : i32 to vector<16xi32>
        %parallel_loop3A_137 = tpu.vector_load_idx %arg5[%parallel_loop3A_38, %parallel_loop3A_136] : memref<512x64xf32, #tpu.memory_space<vmem>>[vector<16xi32>, vector<16xi32>], vector<16xf32>,
        %parallel_loop3A_138 = arith.constant 19 : i32
        %parallel_loop3A_139 = vector.broadcast %parallel_loop3A_138 : i32 to vector<16xi32>
        %parallel_loop3A_140 = tpu.vector_load_idx %arg5[%parallel_loop3A_38, %parallel_loop3A_139] : memref<512x64xf32, #tpu.memory_space<vmem>>[vector<16xi32>, vector<16xi32>], vector<16xf32>,
        %parallel_loop3A_141 = arith.constant 20 : i32
        %parallel_loop3A_142 = vector.broadcast %parallel_loop3A_141 : i32 to vector<16xi32>
        %parallel_loop3A_143 = tpu.vector_load_idx %arg5[%parallel_loop3A_38, %parallel_loop3A_142] : memref<512x64xf32, #tpu.memory_space<vmem>>[vector<16xi32>, vector<16xi32>], vector<16xf32>,
        %parallel_loop3A_144 = arith.constant 21 : i32
        %parallel_loop3A_145 = vector.broadcast %parallel_loop3A_144 : i32 to vector<16xi32>
        %parallel_loop3A_146 = tpu.vector_load_idx %arg5[%parallel_loop3A_38, %parallel_loop3A_145] : memref<512x64xf32, #tpu.memory_space<vmem>>[vector<16xi32>, vector<16xi32>], vector<16xf32>,
        %parallel_loop3A_147 = arith.constant 22 : i32
        %parallel_loop3A_148 = vector.broadcast %parallel_loop3A_147 : i32 to vector<16xi32>
        %parallel_loop3A_149 = tpu.vector_load_idx %arg5[%parallel_loop3A_38, %parallel_loop3A_148] : memref<512x64xf32, #tpu.memory_space<vmem>>[vector<16xi32>, vector<16xi32>], vector<16xf32>,
        %parallel_loop3A_150 = arith.constant 23 : i32
        %parallel_loop3A_151 = vector.broadcast %parallel_loop3A_150 : i32 to vector<16xi32>
        %parallel_loop3A_152 = tpu.vector_load_idx %arg5[%parallel_loop3A_38, %parallel_loop3A_151] : memref<512x64xf32, #tpu.memory_space<vmem>>[vector<16xi32>, vector<16xi32>], vector<16xf32>,
        %parallel_loop3A_153 = arith.cmpf ogt, %parallel_loop3A_134, %parallel_loop3A_131 : vector<16xf32>
        %parallel_loop3A_154 = arith.select %parallel_loop3A_153, %parallel_loop3A_134, %parallel_loop3A_131 : vector<16xi1>, vector<16xf32>
        %parallel_loop3A_155 = arith.select %parallel_loop3A_153, %parallel_loop3A_133, %parallel_loop3A_130 : vector<16xi1>, vector<16xi32>
        %parallel_loop3A_156 = arith.cmpf ogt, %parallel_loop3A_140, %parallel_loop3A_137 : vector<16xf32>
        %parallel_loop3A_157 = arith.select %parallel_loop3A_156, %parallel_loop3A_140, %parallel_loop3A_137 : vector<16xi1>, vector<16xf32>
        %parallel_loop3A_158 = arith.select %parallel_loop3A_156, %parallel_loop3A_139, %parallel_loop3A_136 : vector<16xi1>, vector<16xi32>
        %parallel_loop3A_159 = arith.cmpf ogt, %parallel_loop3A_146, %parallel_loop3A_143 : vector<16xf32>
        %parallel_loop3A_160 = arith.select %parallel_loop3A_159, %parallel_loop3A_146, %parallel_loop3A_143 : vector<16xi1>, vector<16xf32>
        %parallel_loop3A_161 = arith.select %parallel_loop3A_159, %parallel_loop3A_145, %parallel_loop3A_142 : vector<16xi1>, vector<16xi32>
        %parallel_loop3A_162 = arith.cmpf ogt, %parallel_loop3A_152, %parallel_loop3A_149 : vector<16xf32>
        %parallel_loop3A_163 = arith.select %parallel_loop3A_162, %parallel_loop3A_152, %parallel_loop3A_149 : vector<16xi1>, vector<16xf32>
        %parallel_loop3A_164 = arith.select %parallel_loop3A_162, %parallel_loop3A_151, %parallel_loop3A_148 : vector<16xi1>, vector<16xi32>
        %parallel_loop3A_165 = arith.cmpf ogt, %parallel_loop3A_157, %parallel_loop3A_154 : vector<16xf32>
        %parallel_loop3A_166 = arith.select %parallel_loop3A_165, %parallel_loop3A_157, %parallel_loop3A_154 : vector<16xi1>, vector<16xf32>
        %parallel_loop3A_167 = arith.select %parallel_loop3A_165, %parallel_loop3A_158, %parallel_loop3A_155 : vector<16xi1>, vector<16xi32>
        %parallel_loop3A_168 = arith.cmpf ogt, %parallel_loop3A_163, %parallel_loop3A_160 : vector<16xf32>
        %parallel_loop3A_169 = arith.select %parallel_loop3A_168, %parallel_loop3A_163, %parallel_loop3A_160 : vector<16xi1>, vector<16xf32>
        %parallel_loop3A_170 = arith.select %parallel_loop3A_168, %parallel_loop3A_164, %parallel_loop3A_161 : vector<16xi1>, vector<16xi32>
        %parallel_loop3A_171 = arith.cmpf ogt, %parallel_loop3A_169, %parallel_loop3A_166 : vector<16xf32>
        %parallel_loop3A_172 = arith.select %parallel_loop3A_171, %parallel_loop3A_169, %parallel_loop3A_166 : vector<16xi1>, vector<16xf32>
        %parallel_loop3A_173 = arith.select %parallel_loop3A_171, %parallel_loop3A_170, %parallel_loop3A_167 : vector<16xi1>, vector<16xi32>
        %parallel_loop3A_174 = arith.constant 24 : i32
        %parallel_loop3A_175 = vector.broadcast %parallel_loop3A_174 : i32 to vector<16xi32>
        %parallel_loop3A_176 = tpu.vector_load_idx %arg5[%parallel_loop3A_38, %parallel_loop3A_175] : memref<512x64xf32, #tpu.memory_space<vmem>>[vector<16xi32>, vector<16xi32>], vector<16xf32>,
        %parallel_loop3A_177 = arith.constant 25 : i32
        %parallel_loop3A_178 = vector.broadcast %parallel_loop3A_177 : i32 to vector<16xi32>
        %parallel_loop3A_179 = tpu.vector_load_idx %arg5[%parallel_loop3A_38, %parallel_loop3A_178] : memref<512x64xf32, #tpu.memory_space<vmem>>[vector<16xi32>, vector<16xi32>], vector<16xf32>,
        %parallel_loop3A_180 = arith.constant 26 : i32
        %parallel_loop3A_181 = vector.broadcast %parallel_loop3A_180 : i32 to vector<16xi32>
        %parallel_loop3A_182 = tpu.vector_load_idx %arg5[%parallel_loop3A_38, %parallel_loop3A_181] : memref<512x64xf32, #tpu.memory_space<vmem>>[vector<16xi32>, vector<16xi32>], vector<16xf32>,
        %parallel_loop3A_183 = arith.constant 27 : i32
        %parallel_loop3A_184 = vector.broadcast %parallel_loop3A_183 : i32 to vector<16xi32>
        %parallel_loop3A_185 = tpu.vector_load_idx %arg5[%parallel_loop3A_38, %parallel_loop3A_184] : memref<512x64xf32, #tpu.memory_space<vmem>>[vector<16xi32>, vector<16xi32>], vector<16xf32>,
        %parallel_loop3A_186 = arith.constant 28 : i32
        %parallel_loop3A_187 = vector.broadcast %parallel_loop3A_186 : i32 to vector<16xi32>
        %parallel_loop3A_188 = tpu.vector_load_idx %arg5[%parallel_loop3A_38, %parallel_loop3A_187] : memref<512x64xf32, #tpu.memory_space<vmem>>[vector<16xi32>, vector<16xi32>], vector<16xf32>,
        %parallel_loop3A_189 = arith.constant 29 : i32
        %parallel_loop3A_190 = vector.broadcast %parallel_loop3A_189 : i32 to vector<16xi32>
        %parallel_loop3A_191 = tpu.vector_load_idx %arg5[%parallel_loop3A_38, %parallel_loop3A_190] : memref<512x64xf32, #tpu.memory_space<vmem>>[vector<16xi32>, vector<16xi32>], vector<16xf32>,
        %parallel_loop3A_192 = arith.constant 30 : i32
        %parallel_loop3A_193 = vector.broadcast %parallel_loop3A_192 : i32 to vector<16xi32>
        %parallel_loop3A_194 = tpu.vector_load_idx %arg5[%parallel_loop3A_38, %parallel_loop3A_193] : memref<512x64xf32, #tpu.memory_space<vmem>>[vector<16xi32>, vector<16xi32>], vector<16xf32>,
        %parallel_loop3A_195 = arith.constant 31 : i32
        %parallel_loop3A_196 = vector.broadcast %parallel_loop3A_195 : i32 to vector<16xi32>
        %parallel_loop3A_197 = tpu.vector_load_idx %arg5[%parallel_loop3A_38, %parallel_loop3A_196] : memref<512x64xf32, #tpu.memory_space<vmem>>[vector<16xi32>, vector<16xi32>], vector<16xf32>,
        %parallel_loop3A_198 = arith.cmpf ogt, %parallel_loop3A_179, %parallel_loop3A_176 : vector<16xf32>
        %parallel_loop3A_199 = arith.select %parallel_loop3A_198, %parallel_loop3A_179, %parallel_loop3A_176 : vector<16xi1>, vector<16xf32>
        %parallel_loop3A_200 = arith.select %parallel_loop3A_198, %parallel_loop3A_178, %parallel_loop3A_175 : vector<16xi1>, vector<16xi32>
        %parallel_loop3A_201 = arith.cmpf ogt, %parallel_loop3A_185, %parallel_loop3A_182 : vector<16xf32>
        %parallel_loop3A_202 = arith.select %parallel_loop3A_201, %parallel_loop3A_185, %parallel_loop3A_182 : vector<16xi1>, vector<16xf32>
        %parallel_loop3A_203 = arith.select %parallel_loop3A_201, %parallel_loop3A_184, %parallel_loop3A_181 : vector<16xi1>, vector<16xi32>
        %parallel_loop3A_204 = arith.cmpf ogt, %parallel_loop3A_191, %parallel_loop3A_188 : vector<16xf32>
        %parallel_loop3A_205 = arith.select %parallel_loop3A_204, %parallel_loop3A_191, %parallel_loop3A_188 : vector<16xi1>, vector<16xf32>
        %parallel_loop3A_206 = arith.select %parallel_loop3A_204, %parallel_loop3A_190, %parallel_loop3A_187 : vector<16xi1>, vector<16xi32>
        %parallel_loop3A_207 = arith.cmpf ogt, %parallel_loop3A_197, %parallel_loop3A_194 : vector<16xf32>
        %parallel_loop3A_208 = arith.select %parallel_loop3A_207, %parallel_loop3A_197, %parallel_loop3A_194 : vector<16xi1>, vector<16xf32>
        %parallel_loop3A_209 = arith.select %parallel_loop3A_207, %parallel_loop3A_196, %parallel_loop3A_193 : vector<16xi1>, vector<16xi32>
        %parallel_loop3A_210 = arith.cmpf ogt, %parallel_loop3A_202, %parallel_loop3A_199 : vector<16xf32>
        %parallel_loop3A_211 = arith.select %parallel_loop3A_210, %parallel_loop3A_202, %parallel_loop3A_199 : vector<16xi1>, vector<16xf32>
        %parallel_loop3A_212 = arith.select %parallel_loop3A_210, %parallel_loop3A_203, %parallel_loop3A_200 : vector<16xi1>, vector<16xi32>
        %parallel_loop3A_213 = arith.cmpf ogt, %parallel_loop3A_208, %parallel_loop3A_205 : vector<16xf32>
        %parallel_loop3A_214 = arith.select %parallel_loop3A_213, %parallel_loop3A_208, %parallel_loop3A_205 : vector<16xi1>, vector<16xf32>
        %parallel_loop3A_215 = arith.select %parallel_loop3A_213, %parallel_loop3A_209, %parallel_loop3A_206 : vector<16xi1>, vector<16xi32>
        %parallel_loop3A_216 = arith.cmpf ogt, %parallel_loop3A_214, %parallel_loop3A_211 : vector<16xf32>
        %parallel_loop3A_217 = arith.select %parallel_loop3A_216, %parallel_loop3A_214, %parallel_loop3A_211 : vector<16xi1>, vector<16xf32>
        %parallel_loop3A_218 = arith.select %parallel_loop3A_216, %parallel_loop3A_215, %parallel_loop3A_212 : vector<16xi1>, vector<16xi32>
        %parallel_loop3A_219 = arith.constant 32 : i32
        %parallel_loop3A_220 = vector.broadcast %parallel_loop3A_219 : i32 to vector<16xi32>
        %parallel_loop3A_221 = tpu.vector_load_idx %arg5[%parallel_loop3A_38, %parallel_loop3A_220] : memref<512x64xf32, #tpu.memory_space<vmem>>[vector<16xi32>, vector<16xi32>], vector<16xf32>,
        %parallel_loop3A_222 = arith.constant 33 : i32
        %parallel_loop3A_223 = vector.broadcast %parallel_loop3A_222 : i32 to vector<16xi32>
        %parallel_loop3A_224 = tpu.vector_load_idx %arg5[%parallel_loop3A_38, %parallel_loop3A_223] : memref<512x64xf32, #tpu.memory_space<vmem>>[vector<16xi32>, vector<16xi32>], vector<16xf32>,
        %parallel_loop3A_225 = arith.constant 34 : i32
        %parallel_loop3A_226 = vector.broadcast %parallel_loop3A_225 : i32 to vector<16xi32>
        %parallel_loop3A_227 = tpu.vector_load_idx %arg5[%parallel_loop3A_38, %parallel_loop3A_226] : memref<512x64xf32, #tpu.memory_space<vmem>>[vector<16xi32>, vector<16xi32>], vector<16xf32>,
        %parallel_loop3A_228 = arith.constant 35 : i32
        %parallel_loop3A_229 = vector.broadcast %parallel_loop3A_228 : i32 to vector<16xi32>
        %parallel_loop3A_230 = tpu.vector_load_idx %arg5[%parallel_loop3A_38, %parallel_loop3A_229] : memref<512x64xf32, #tpu.memory_space<vmem>>[vector<16xi32>, vector<16xi32>], vector<16xf32>,
        %parallel_loop3A_231 = arith.constant 36 : i32
        %parallel_loop3A_232 = vector.broadcast %parallel_loop3A_231 : i32 to vector<16xi32>
        %parallel_loop3A_233 = tpu.vector_load_idx %arg5[%parallel_loop3A_38, %parallel_loop3A_232] : memref<512x64xf32, #tpu.memory_space<vmem>>[vector<16xi32>, vector<16xi32>], vector<16xf32>,
        %parallel_loop3A_234 = arith.constant 37 : i32
        %parallel_loop3A_235 = vector.broadcast %parallel_loop3A_234 : i32 to vector<16xi32>
        %parallel_loop3A_236 = tpu.vector_load_idx %arg5[%parallel_loop3A_38, %parallel_loop3A_235] : memref<512x64xf32, #tpu.memory_space<vmem>>[vector<16xi32>, vector<16xi32>], vector<16xf32>,
        %parallel_loop3A_237 = arith.constant 38 : i32
        %parallel_loop3A_238 = vector.broadcast %parallel_loop3A_237 : i32 to vector<16xi32>
        %parallel_loop3A_239 = tpu.vector_load_idx %arg5[%parallel_loop3A_38, %parallel_loop3A_238] : memref<512x64xf32, #tpu.memory_space<vmem>>[vector<16xi32>, vector<16xi32>], vector<16xf32>,
        %parallel_loop3A_240 = arith.constant 39 : i32
        %parallel_loop3A_241 = vector.broadcast %parallel_loop3A_240 : i32 to vector<16xi32>
        %parallel_loop3A_242 = tpu.vector_load_idx %arg5[%parallel_loop3A_38, %parallel_loop3A_241] : memref<512x64xf32, #tpu.memory_space<vmem>>[vector<16xi32>, vector<16xi32>], vector<16xf32>,
        %parallel_loop3A_243 = arith.cmpf ogt, %parallel_loop3A_224, %parallel_loop3A_221 : vector<16xf32>
        %parallel_loop3A_244 = arith.select %parallel_loop3A_243, %parallel_loop3A_224, %parallel_loop3A_221 : vector<16xi1>, vector<16xf32>
        %parallel_loop3A_245 = arith.select %parallel_loop3A_243, %parallel_loop3A_223, %parallel_loop3A_220 : vector<16xi1>, vector<16xi32>
        %parallel_loop3A_246 = arith.cmpf ogt, %parallel_loop3A_230, %parallel_loop3A_227 : vector<16xf32>
        %parallel_loop3A_247 = arith.select %parallel_loop3A_246, %parallel_loop3A_230, %parallel_loop3A_227 : vector<16xi1>, vector<16xf32>
        %parallel_loop3A_248 = arith.select %parallel_loop3A_246, %parallel_loop3A_229, %parallel_loop3A_226 : vector<16xi1>, vector<16xi32>
        %parallel_loop3A_249 = arith.cmpf ogt, %parallel_loop3A_236, %parallel_loop3A_233 : vector<16xf32>
        %parallel_loop3A_250 = arith.select %parallel_loop3A_249, %parallel_loop3A_236, %parallel_loop3A_233 : vector<16xi1>, vector<16xf32>
        %parallel_loop3A_251 = arith.select %parallel_loop3A_249, %parallel_loop3A_235, %parallel_loop3A_232 : vector<16xi1>, vector<16xi32>
        %parallel_loop3A_252 = arith.cmpf ogt, %parallel_loop3A_242, %parallel_loop3A_239 : vector<16xf32>
        %parallel_loop3A_253 = arith.select %parallel_loop3A_252, %parallel_loop3A_242, %parallel_loop3A_239 : vector<16xi1>, vector<16xf32>
        %parallel_loop3A_254 = arith.select %parallel_loop3A_252, %parallel_loop3A_241, %parallel_loop3A_238 : vector<16xi1>, vector<16xi32>
        %parallel_loop3A_255 = arith.cmpf ogt, %parallel_loop3A_247, %parallel_loop3A_244 : vector<16xf32>
        %parallel_loop3A_256 = arith.select %parallel_loop3A_255, %parallel_loop3A_247, %parallel_loop3A_244 : vector<16xi1>, vector<16xf32>
        %parallel_loop3A_257 = arith.select %parallel_loop3A_255, %parallel_loop3A_248, %parallel_loop3A_245 : vector<16xi1>, vector<16xi32>
        %parallel_loop3A_258 = arith.cmpf ogt, %parallel_loop3A_253, %parallel_loop3A_250 : vector<16xf32>
        %parallel_loop3A_259 = arith.select %parallel_loop3A_258, %parallel_loop3A_253, %parallel_loop3A_250 : vector<16xi1>, vector<16xf32>
        %parallel_loop3A_260 = arith.select %parallel_loop3A_258, %parallel_loop3A_254, %parallel_loop3A_251 : vector<16xi1>, vector<16xi32>
        %parallel_loop3A_261 = arith.cmpf ogt, %parallel_loop3A_259, %parallel_loop3A_256 : vector<16xf32>
        %parallel_loop3A_262 = arith.select %parallel_loop3A_261, %parallel_loop3A_259, %parallel_loop3A_256 : vector<16xi1>, vector<16xf32>
        %parallel_loop3A_263 = arith.select %parallel_loop3A_261, %parallel_loop3A_260, %parallel_loop3A_257 : vector<16xi1>, vector<16xi32>
        %parallel_loop3A_264 = arith.constant 40 : i32
        %parallel_loop3A_265 = vector.broadcast %parallel_loop3A_264 : i32 to vector<16xi32>
        %parallel_loop3A_266 = tpu.vector_load_idx %arg5[%parallel_loop3A_38, %parallel_loop3A_265] : memref<512x64xf32, #tpu.memory_space<vmem>>[vector<16xi32>, vector<16xi32>], vector<16xf32>,
        %parallel_loop3A_267 = arith.constant 41 : i32
        %parallel_loop3A_268 = vector.broadcast %parallel_loop3A_267 : i32 to vector<16xi32>
        %parallel_loop3A_269 = tpu.vector_load_idx %arg5[%parallel_loop3A_38, %parallel_loop3A_268] : memref<512x64xf32, #tpu.memory_space<vmem>>[vector<16xi32>, vector<16xi32>], vector<16xf32>,
        %parallel_loop3A_270 = arith.constant 42 : i32
        %parallel_loop3A_271 = vector.broadcast %parallel_loop3A_270 : i32 to vector<16xi32>
        %parallel_loop3A_272 = tpu.vector_load_idx %arg5[%parallel_loop3A_38, %parallel_loop3A_271] : memref<512x64xf32, #tpu.memory_space<vmem>>[vector<16xi32>, vector<16xi32>], vector<16xf32>,
        %parallel_loop3A_273 = arith.constant 43 : i32
        %parallel_loop3A_274 = vector.broadcast %parallel_loop3A_273 : i32 to vector<16xi32>
        %parallel_loop3A_275 = tpu.vector_load_idx %arg5[%parallel_loop3A_38, %parallel_loop3A_274] : memref<512x64xf32, #tpu.memory_space<vmem>>[vector<16xi32>, vector<16xi32>], vector<16xf32>,
        %parallel_loop3A_276 = arith.constant 44 : i32
        %parallel_loop3A_277 = vector.broadcast %parallel_loop3A_276 : i32 to vector<16xi32>
        %parallel_loop3A_278 = tpu.vector_load_idx %arg5[%parallel_loop3A_38, %parallel_loop3A_277] : memref<512x64xf32, #tpu.memory_space<vmem>>[vector<16xi32>, vector<16xi32>], vector<16xf32>,
        %parallel_loop3A_279 = arith.constant 45 : i32
        %parallel_loop3A_280 = vector.broadcast %parallel_loop3A_279 : i32 to vector<16xi32>
        %parallel_loop3A_281 = tpu.vector_load_idx %arg5[%parallel_loop3A_38, %parallel_loop3A_280] : memref<512x64xf32, #tpu.memory_space<vmem>>[vector<16xi32>, vector<16xi32>], vector<16xf32>,
        %parallel_loop3A_282 = arith.constant 46 : i32
        %parallel_loop3A_283 = vector.broadcast %parallel_loop3A_282 : i32 to vector<16xi32>
        %parallel_loop3A_284 = tpu.vector_load_idx %arg5[%parallel_loop3A_38, %parallel_loop3A_283] : memref<512x64xf32, #tpu.memory_space<vmem>>[vector<16xi32>, vector<16xi32>], vector<16xf32>,
        %parallel_loop3A_285 = arith.constant 47 : i32
        %parallel_loop3A_286 = vector.broadcast %parallel_loop3A_285 : i32 to vector<16xi32>
        %parallel_loop3A_287 = tpu.vector_load_idx %arg5[%parallel_loop3A_38, %parallel_loop3A_286] : memref<512x64xf32, #tpu.memory_space<vmem>>[vector<16xi32>, vector<16xi32>], vector<16xf32>,
        %parallel_loop3A_288 = arith.cmpf ogt, %parallel_loop3A_269, %parallel_loop3A_266 : vector<16xf32>
        %parallel_loop3A_289 = arith.select %parallel_loop3A_288, %parallel_loop3A_269, %parallel_loop3A_266 : vector<16xi1>, vector<16xf32>
        %parallel_loop3A_290 = arith.select %parallel_loop3A_288, %parallel_loop3A_268, %parallel_loop3A_265 : vector<16xi1>, vector<16xi32>
        %parallel_loop3A_291 = arith.cmpf ogt, %parallel_loop3A_275, %parallel_loop3A_272 : vector<16xf32>
        %parallel_loop3A_292 = arith.select %parallel_loop3A_291, %parallel_loop3A_275, %parallel_loop3A_272 : vector<16xi1>, vector<16xf32>
        %parallel_loop3A_293 = arith.select %parallel_loop3A_291, %parallel_loop3A_274, %parallel_loop3A_271 : vector<16xi1>, vector<16xi32>
        %parallel_loop3A_294 = arith.cmpf ogt, %parallel_loop3A_281, %parallel_loop3A_278 : vector<16xf32>
        %parallel_loop3A_295 = arith.select %parallel_loop3A_294, %parallel_loop3A_281, %parallel_loop3A_278 : vector<16xi1>, vector<16xf32>
        %parallel_loop3A_296 = arith.select %parallel_loop3A_294, %parallel_loop3A_280, %parallel_loop3A_277 : vector<16xi1>, vector<16xi32>
        %parallel_loop3A_297 = arith.cmpf ogt, %parallel_loop3A_287, %parallel_loop3A_284 : vector<16xf32>
        %parallel_loop3A_298 = arith.select %parallel_loop3A_297, %parallel_loop3A_287, %parallel_loop3A_284 : vector<16xi1>, vector<16xf32>
        %parallel_loop3A_299 = arith.select %parallel_loop3A_297, %parallel_loop3A_286, %parallel_loop3A_283 : vector<16xi1>, vector<16xi32>
        %parallel_loop3A_300 = arith.cmpf ogt, %parallel_loop3A_292, %parallel_loop3A_289 : vector<16xf32>
        %parallel_loop3A_301 = arith.select %parallel_loop3A_300, %parallel_loop3A_292, %parallel_loop3A_289 : vector<16xi1>, vector<16xf32>
        %parallel_loop3A_302 = arith.select %parallel_loop3A_300, %parallel_loop3A_293, %parallel_loop3A_290 : vector<16xi1>, vector<16xi32>
        %parallel_loop3A_303 = arith.cmpf ogt, %parallel_loop3A_298, %parallel_loop3A_295 : vector<16xf32>
        %parallel_loop3A_304 = arith.select %parallel_loop3A_303, %parallel_loop3A_298, %parallel_loop3A_295 : vector<16xi1>, vector<16xf32>
        %parallel_loop3A_305 = arith.select %parallel_loop3A_303, %parallel_loop3A_299, %parallel_loop3A_296 : vector<16xi1>, vector<16xi32>
        %parallel_loop3A_306 = arith.cmpf ogt, %parallel_loop3A_304, %parallel_loop3A_301 : vector<16xf32>
        %parallel_loop3A_307 = arith.select %parallel_loop3A_306, %parallel_loop3A_304, %parallel_loop3A_301 : vector<16xi1>, vector<16xf32>
        %parallel_loop3A_308 = arith.select %parallel_loop3A_306, %parallel_loop3A_305, %parallel_loop3A_302 : vector<16xi1>, vector<16xi32>
        %parallel_loop3A_309 = arith.constant 48 : i32
        %parallel_loop3A_310 = vector.broadcast %parallel_loop3A_309 : i32 to vector<16xi32>
        %parallel_loop3A_311 = tpu.vector_load_idx %arg5[%parallel_loop3A_38, %parallel_loop3A_310] : memref<512x64xf32, #tpu.memory_space<vmem>>[vector<16xi32>, vector<16xi32>], vector<16xf32>,
        %parallel_loop3A_312 = arith.constant 49 : i32
        %parallel_loop3A_313 = vector.broadcast %parallel_loop3A_312 : i32 to vector<16xi32>
        %parallel_loop3A_314 = tpu.vector_load_idx %arg5[%parallel_loop3A_38, %parallel_loop3A_313] : memref<512x64xf32, #tpu.memory_space<vmem>>[vector<16xi32>, vector<16xi32>], vector<16xf32>,
        %parallel_loop3A_315 = arith.constant 50 : i32
        %parallel_loop3A_316 = vector.broadcast %parallel_loop3A_315 : i32 to vector<16xi32>
        %parallel_loop3A_317 = tpu.vector_load_idx %arg5[%parallel_loop3A_38, %parallel_loop3A_316] : memref<512x64xf32, #tpu.memory_space<vmem>>[vector<16xi32>, vector<16xi32>], vector<16xf32>,
        %parallel_loop3A_318 = arith.constant 51 : i32
        %parallel_loop3A_319 = vector.broadcast %parallel_loop3A_318 : i32 to vector<16xi32>
        %parallel_loop3A_320 = tpu.vector_load_idx %arg5[%parallel_loop3A_38, %parallel_loop3A_319] : memref<512x64xf32, #tpu.memory_space<vmem>>[vector<16xi32>, vector<16xi32>], vector<16xf32>,
        %parallel_loop3A_321 = arith.constant 52 : i32
        %parallel_loop3A_322 = vector.broadcast %parallel_loop3A_321 : i32 to vector<16xi32>
        %parallel_loop3A_323 = tpu.vector_load_idx %arg5[%parallel_loop3A_38, %parallel_loop3A_322] : memref<512x64xf32, #tpu.memory_space<vmem>>[vector<16xi32>, vector<16xi32>], vector<16xf32>,
        %parallel_loop3A_324 = arith.constant 53 : i32
        %parallel_loop3A_325 = vector.broadcast %parallel_loop3A_324 : i32 to vector<16xi32>
        %parallel_loop3A_326 = tpu.vector_load_idx %arg5[%parallel_loop3A_38, %parallel_loop3A_325] : memref<512x64xf32, #tpu.memory_space<vmem>>[vector<16xi32>, vector<16xi32>], vector<16xf32>,
        %parallel_loop3A_327 = arith.constant 54 : i32
        %parallel_loop3A_328 = vector.broadcast %parallel_loop3A_327 : i32 to vector<16xi32>
        %parallel_loop3A_329 = tpu.vector_load_idx %arg5[%parallel_loop3A_38, %parallel_loop3A_328] : memref<512x64xf32, #tpu.memory_space<vmem>>[vector<16xi32>, vector<16xi32>], vector<16xf32>,
        %parallel_loop3A_330 = arith.constant 55 : i32
        %parallel_loop3A_331 = vector.broadcast %parallel_loop3A_330 : i32 to vector<16xi32>
        %parallel_loop3A_332 = tpu.vector_load_idx %arg5[%parallel_loop3A_38, %parallel_loop3A_331] : memref<512x64xf32, #tpu.memory_space<vmem>>[vector<16xi32>, vector<16xi32>], vector<16xf32>,
        %parallel_loop3A_333 = arith.cmpf ogt, %parallel_loop3A_314, %parallel_loop3A_311 : vector<16xf32>
        %parallel_loop3A_334 = arith.select %parallel_loop3A_333, %parallel_loop3A_314, %parallel_loop3A_311 : vector<16xi1>, vector<16xf32>
        %parallel_loop3A_335 = arith.select %parallel_loop3A_333, %parallel_loop3A_313, %parallel_loop3A_310 : vector<16xi1>, vector<16xi32>
        %parallel_loop3A_336 = arith.cmpf ogt, %parallel_loop3A_320, %parallel_loop3A_317 : vector<16xf32>
        %parallel_loop3A_337 = arith.select %parallel_loop3A_336, %parallel_loop3A_320, %parallel_loop3A_317 : vector<16xi1>, vector<16xf32>
        %parallel_loop3A_338 = arith.select %parallel_loop3A_336, %parallel_loop3A_319, %parallel_loop3A_316 : vector<16xi1>, vector<16xi32>
        %parallel_loop3A_339 = arith.cmpf ogt, %parallel_loop3A_326, %parallel_loop3A_323 : vector<16xf32>
        %parallel_loop3A_340 = arith.select %parallel_loop3A_339, %parallel_loop3A_326, %parallel_loop3A_323 : vector<16xi1>, vector<16xf32>
        %parallel_loop3A_341 = arith.select %parallel_loop3A_339, %parallel_loop3A_325, %parallel_loop3A_322 : vector<16xi1>, vector<16xi32>
        %parallel_loop3A_342 = arith.cmpf ogt, %parallel_loop3A_332, %parallel_loop3A_329 : vector<16xf32>
        %parallel_loop3A_343 = arith.select %parallel_loop3A_342, %parallel_loop3A_332, %parallel_loop3A_329 : vector<16xi1>, vector<16xf32>
        %parallel_loop3A_344 = arith.select %parallel_loop3A_342, %parallel_loop3A_331, %parallel_loop3A_328 : vector<16xi1>, vector<16xi32>
        %parallel_loop3A_345 = arith.cmpf ogt, %parallel_loop3A_337, %parallel_loop3A_334 : vector<16xf32>
        %parallel_loop3A_346 = arith.select %parallel_loop3A_345, %parallel_loop3A_337, %parallel_loop3A_334 : vector<16xi1>, vector<16xf32>
        %parallel_loop3A_347 = arith.select %parallel_loop3A_345, %parallel_loop3A_338, %parallel_loop3A_335 : vector<16xi1>, vector<16xi32>
        %parallel_loop3A_348 = arith.cmpf ogt, %parallel_loop3A_343, %parallel_loop3A_340 : vector<16xf32>
        %parallel_loop3A_349 = arith.select %parallel_loop3A_348, %parallel_loop3A_343, %parallel_loop3A_340 : vector<16xi1>, vector<16xf32>
        %parallel_loop3A_350 = arith.select %parallel_loop3A_348, %parallel_loop3A_344, %parallel_loop3A_341 : vector<16xi1>, vector<16xi32>
        %parallel_loop3A_351 = arith.cmpf ogt, %parallel_loop3A_349, %parallel_loop3A_346 : vector<16xf32>
        %parallel_loop3A_352 = arith.select %parallel_loop3A_351, %parallel_loop3A_349, %parallel_loop3A_346 : vector<16xi1>, vector<16xf32>
        %parallel_loop3A_353 = arith.select %parallel_loop3A_351, %parallel_loop3A_350, %parallel_loop3A_347 : vector<16xi1>, vector<16xi32>
        %parallel_loop3A_354 = arith.constant 56 : i32
        %parallel_loop3A_355 = vector.broadcast %parallel_loop3A_354 : i32 to vector<16xi32>
        %parallel_loop3A_356 = tpu.vector_load_idx %arg5[%parallel_loop3A_38, %parallel_loop3A_355] : memref<512x64xf32, #tpu.memory_space<vmem>>[vector<16xi32>, vector<16xi32>], vector<16xf32>,
        %parallel_loop3A_357 = arith.constant 57 : i32
        %parallel_loop3A_358 = vector.broadcast %parallel_loop3A_357 : i32 to vector<16xi32>
        %parallel_loop3A_359 = tpu.vector_load_idx %arg5[%parallel_loop3A_38, %parallel_loop3A_358] : memref<512x64xf32, #tpu.memory_space<vmem>>[vector<16xi32>, vector<16xi32>], vector<16xf32>,
        %parallel_loop3A_360 = arith.constant 58 : i32
        %parallel_loop3A_361 = vector.broadcast %parallel_loop3A_360 : i32 to vector<16xi32>
        %parallel_loop3A_362 = tpu.vector_load_idx %arg5[%parallel_loop3A_38, %parallel_loop3A_361] : memref<512x64xf32, #tpu.memory_space<vmem>>[vector<16xi32>, vector<16xi32>], vector<16xf32>,
        %parallel_loop3A_363 = arith.constant 59 : i32
        %parallel_loop3A_364 = vector.broadcast %parallel_loop3A_363 : i32 to vector<16xi32>
        %parallel_loop3A_365 = tpu.vector_load_idx %arg5[%parallel_loop3A_38, %parallel_loop3A_364] : memref<512x64xf32, #tpu.memory_space<vmem>>[vector<16xi32>, vector<16xi32>], vector<16xf32>,
        %parallel_loop3A_366 = arith.constant 60 : i32
        %parallel_loop3A_367 = vector.broadcast %parallel_loop3A_366 : i32 to vector<16xi32>
        %parallel_loop3A_368 = tpu.vector_load_idx %arg5[%parallel_loop3A_38, %parallel_loop3A_367] : memref<512x64xf32, #tpu.memory_space<vmem>>[vector<16xi32>, vector<16xi32>], vector<16xf32>,
        %parallel_loop3A_369 = arith.constant 61 : i32
        %parallel_loop3A_370 = vector.broadcast %parallel_loop3A_369 : i32 to vector<16xi32>
        %parallel_loop3A_371 = tpu.vector_load_idx %arg5[%parallel_loop3A_38, %parallel_loop3A_370] : memref<512x64xf32, #tpu.memory_space<vmem>>[vector<16xi32>, vector<16xi32>], vector<16xf32>,
        %parallel_loop3A_372 = arith.constant 62 : i32
        %parallel_loop3A_373 = vector.broadcast %parallel_loop3A_372 : i32 to vector<16xi32>
        %parallel_loop3A_374 = tpu.vector_load_idx %arg5[%parallel_loop3A_38, %parallel_loop3A_373] : memref<512x64xf32, #tpu.memory_space<vmem>>[vector<16xi32>, vector<16xi32>], vector<16xf32>,
        %parallel_loop3A_375 = arith.constant 63 : i32
        %parallel_loop3A_376 = vector.broadcast %parallel_loop3A_375 : i32 to vector<16xi32>
        %parallel_loop3A_377 = tpu.vector_load_idx %arg5[%parallel_loop3A_38, %parallel_loop3A_376] : memref<512x64xf32, #tpu.memory_space<vmem>>[vector<16xi32>, vector<16xi32>], vector<16xf32>,
        %parallel_loop3A_378 = arith.cmpf ogt, %parallel_loop3A_359, %parallel_loop3A_356 : vector<16xf32>
        %parallel_loop3A_379 = arith.select %parallel_loop3A_378, %parallel_loop3A_359, %parallel_loop3A_356 : vector<16xi1>, vector<16xf32>
        %parallel_loop3A_380 = arith.select %parallel_loop3A_378, %parallel_loop3A_358, %parallel_loop3A_355 : vector<16xi1>, vector<16xi32>
        %parallel_loop3A_381 = arith.cmpf ogt, %parallel_loop3A_365, %parallel_loop3A_362 : vector<16xf32>
        %parallel_loop3A_382 = arith.select %parallel_loop3A_381, %parallel_loop3A_365, %parallel_loop3A_362 : vector<16xi1>, vector<16xf32>
        %parallel_loop3A_383 = arith.select %parallel_loop3A_381, %parallel_loop3A_364, %parallel_loop3A_361 : vector<16xi1>, vector<16xi32>
        %parallel_loop3A_384 = arith.cmpf ogt, %parallel_loop3A_371, %parallel_loop3A_368 : vector<16xf32>
        %parallel_loop3A_385 = arith.select %parallel_loop3A_384, %parallel_loop3A_371, %parallel_loop3A_368 : vector<16xi1>, vector<16xf32>
        %parallel_loop3A_386 = arith.select %parallel_loop3A_384, %parallel_loop3A_370, %parallel_loop3A_367 : vector<16xi1>, vector<16xi32>
        %parallel_loop3A_387 = arith.cmpf ogt, %parallel_loop3A_377, %parallel_loop3A_374 : vector<16xf32>
        %parallel_loop3A_388 = arith.select %parallel_loop3A_387, %parallel_loop3A_377, %parallel_loop3A_374 : vector<16xi1>, vector<16xf32>
        %parallel_loop3A_389 = arith.select %parallel_loop3A_387, %parallel_loop3A_376, %parallel_loop3A_373 : vector<16xi1>, vector<16xi32>
        %parallel_loop3A_390 = arith.cmpf ogt, %parallel_loop3A_382, %parallel_loop3A_379 : vector<16xf32>
        %parallel_loop3A_391 = arith.select %parallel_loop3A_390, %parallel_loop3A_382, %parallel_loop3A_379 : vector<16xi1>, vector<16xf32>
        %parallel_loop3A_392 = arith.select %parallel_loop3A_390, %parallel_loop3A_383, %parallel_loop3A_380 : vector<16xi1>, vector<16xi32>
        %parallel_loop3A_393 = arith.cmpf ogt, %parallel_loop3A_388, %parallel_loop3A_385 : vector<16xf32>
        %parallel_loop3A_394 = arith.select %parallel_loop3A_393, %parallel_loop3A_388, %parallel_loop3A_385 : vector<16xi1>, vector<16xf32>
        %parallel_loop3A_395 = arith.select %parallel_loop3A_393, %parallel_loop3A_389, %parallel_loop3A_386 : vector<16xi1>, vector<16xi32>
        %parallel_loop3A_396 = arith.cmpf ogt, %parallel_loop3A_394, %parallel_loop3A_391 : vector<16xf32>
        %parallel_loop3A_397 = arith.select %parallel_loop3A_396, %parallel_loop3A_394, %parallel_loop3A_391 : vector<16xi1>, vector<16xf32>
        %parallel_loop3A_398 = arith.select %parallel_loop3A_396, %parallel_loop3A_395, %parallel_loop3A_392 : vector<16xi1>, vector<16xi32>
        %parallel_loop3A_399 = arith.cmpf ogt, %parallel_loop3A_127, %parallel_loop3A_82 : vector<16xf32>
        %parallel_loop3A_400 = arith.select %parallel_loop3A_399, %parallel_loop3A_127, %parallel_loop3A_82 : vector<16xi1>, vector<16xf32>
        %parallel_loop3A_401 = arith.select %parallel_loop3A_399, %parallel_loop3A_128, %parallel_loop3A_83 : vector<16xi1>, vector<16xi32>
        %parallel_loop3A_402 = arith.cmpf ogt, %parallel_loop3A_217, %parallel_loop3A_172 : vector<16xf32>
        %parallel_loop3A_403 = arith.select %parallel_loop3A_402, %parallel_loop3A_217, %parallel_loop3A_172 : vector<16xi1>, vector<16xf32>
        %parallel_loop3A_404 = arith.select %parallel_loop3A_402, %parallel_loop3A_218, %parallel_loop3A_173 : vector<16xi1>, vector<16xi32>
        %parallel_loop3A_405 = arith.cmpf ogt, %parallel_loop3A_307, %parallel_loop3A_262 : vector<16xf32>
        %parallel_loop3A_406 = arith.select %parallel_loop3A_405, %parallel_loop3A_307, %parallel_loop3A_262 : vector<16xi1>, vector<16xf32>
        %parallel_loop3A_407 = arith.select %parallel_loop3A_405, %parallel_loop3A_308, %parallel_loop3A_263 : vector<16xi1>, vector<16xi32>
        %parallel_loop3A_408 = arith.cmpf ogt, %parallel_loop3A_397, %parallel_loop3A_352 : vector<16xf32>
        %parallel_loop3A_409 = arith.select %parallel_loop3A_408, %parallel_loop3A_397, %parallel_loop3A_352 : vector<16xi1>, vector<16xf32>
        %parallel_loop3A_410 = arith.select %parallel_loop3A_408, %parallel_loop3A_398, %parallel_loop3A_353 : vector<16xi1>, vector<16xi32>
        %parallel_loop3A_411 = arith.cmpf ogt, %parallel_loop3A_403, %parallel_loop3A_400 : vector<16xf32>
        %parallel_loop3A_412 = arith.select %parallel_loop3A_411, %parallel_loop3A_403, %parallel_loop3A_400 : vector<16xi1>, vector<16xf32>
        %parallel_loop3A_413 = arith.select %parallel_loop3A_411, %parallel_loop3A_404, %parallel_loop3A_401 : vector<16xi1>, vector<16xi32>
        %parallel_loop3A_414 = arith.cmpf ogt, %parallel_loop3A_409, %parallel_loop3A_406 : vector<16xf32>
        %parallel_loop3A_415 = arith.select %parallel_loop3A_414, %parallel_loop3A_409, %parallel_loop3A_406 : vector<16xi1>, vector<16xf32>
        %parallel_loop3A_416 = arith.select %parallel_loop3A_414, %parallel_loop3A_410, %parallel_loop3A_407 : vector<16xi1>, vector<16xi32>
        %parallel_loop3A_417 = arith.cmpf ogt, %parallel_loop3A_415, %parallel_loop3A_412 : vector<16xf32>
        %parallel_loop3A_418 = arith.select %parallel_loop3A_417, %parallel_loop3A_415, %parallel_loop3A_412 : vector<16xi1>, vector<16xf32>
        %parallel_loop3A_419 = arith.select %parallel_loop3A_417, %parallel_loop3A_416, %parallel_loop3A_413 : vector<16xi1>, vector<16xi32>
        tpu.vector_store_idx %arg5[%parallel_loop3A_38, %parallel_loop3A_419], %broadcast_in_dim3A_1 : memref<512x64xf32, #tpu.memory_space<vmem>>[vector<16xi32>, vector<16xi32>], vector<16xf32>,
        %parallel_loop3A_420 = arith.constant -8 : i32
        %parallel_loop3A_421 = vector.broadcast %parallel_loop3A_420 : i32 to vector<16xi32>
        %parallel_loop3A_422 = arith.andi %parallel_loop3A_419, %parallel_loop3A_421 : vector<16xi32>
        %parallel_loop3A_423 = arith.constant 0 : i32
        %parallel_loop3A_424 = vector.broadcast %parallel_loop3A_423 : i32 to vector<16xi32>
        %parallel_loop3A_425 = arith.addi %parallel_loop3A_422, %parallel_loop3A_424 : vector<16xi32>
        %parallel_loop3A_426 = tpu.vector_load_idx %arg5[%parallel_loop3A_38, %parallel_loop3A_425] : memref<512x64xf32, #tpu.memory_space<vmem>>[vector<16xi32>, vector<16xi32>], vector<16xf32>,
        %parallel_loop3A_427 = arith.addi %parallel_loop3A_422, %parallel_loop3A_424 : vector<16xi32>
        %parallel_loop3A_428 = arith.constant 1 : i32
        %parallel_loop3A_429 = vector.broadcast %parallel_loop3A_428 : i32 to vector<16xi32>
        %parallel_loop3A_430 = arith.addi %parallel_loop3A_422, %parallel_loop3A_429 : vector<16xi32>
        %parallel_loop3A_431 = tpu.vector_load_idx %arg5[%parallel_loop3A_38, %parallel_loop3A_430] : memref<512x64xf32, #tpu.memory_space<vmem>>[vector<16xi32>, vector<16xi32>], vector<16xf32>,
        %parallel_loop3A_432 = arith.addi %parallel_loop3A_422, %parallel_loop3A_429 : vector<16xi32>
        %parallel_loop3A_433 = arith.constant 2 : i32
        %parallel_loop3A_434 = vector.broadcast %parallel_loop3A_433 : i32 to vector<16xi32>
        %parallel_loop3A_435 = arith.addi %parallel_loop3A_422, %parallel_loop3A_434 : vector<16xi32>
        %parallel_loop3A_436 = tpu.vector_load_idx %arg5[%parallel_loop3A_38, %parallel_loop3A_435] : memref<512x64xf32, #tpu.memory_space<vmem>>[vector<16xi32>, vector<16xi32>], vector<16xf32>,
        %parallel_loop3A_437 = arith.addi %parallel_loop3A_422, %parallel_loop3A_434 : vector<16xi32>
        %parallel_loop3A_438 = arith.constant 3 : i32
        %parallel_loop3A_439 = vector.broadcast %parallel_loop3A_438 : i32 to vector<16xi32>
        %parallel_loop3A_440 = arith.addi %parallel_loop3A_422, %parallel_loop3A_439 : vector<16xi32>
        %parallel_loop3A_441 = tpu.vector_load_idx %arg5[%parallel_loop3A_38, %parallel_loop3A_440] : memref<512x64xf32, #tpu.memory_space<vmem>>[vector<16xi32>, vector<16xi32>], vector<16xf32>,
        %parallel_loop3A_442 = arith.addi %parallel_loop3A_422, %parallel_loop3A_439 : vector<16xi32>
        %parallel_loop3A_443 = arith.constant 4 : i32
        %parallel_loop3A_444 = vector.broadcast %parallel_loop3A_443 : i32 to vector<16xi32>
        %parallel_loop3A_445 = arith.addi %parallel_loop3A_422, %parallel_loop3A_444 : vector<16xi32>
        %parallel_loop3A_446 = tpu.vector_load_idx %arg5[%parallel_loop3A_38, %parallel_loop3A_445] : memref<512x64xf32, #tpu.memory_space<vmem>>[vector<16xi32>, vector<16xi32>], vector<16xf32>,
        %parallel_loop3A_447 = arith.addi %parallel_loop3A_422, %parallel_loop3A_444 : vector<16xi32>
        %parallel_loop3A_448 = arith.constant 5 : i32
        %parallel_loop3A_449 = vector.broadcast %parallel_loop3A_448 : i32 to vector<16xi32>
        %parallel_loop3A_450 = arith.addi %parallel_loop3A_422, %parallel_loop3A_449 : vector<16xi32>
        %parallel_loop3A_451 = tpu.vector_load_idx %arg5[%parallel_loop3A_38, %parallel_loop3A_450] : memref<512x64xf32, #tpu.memory_space<vmem>>[vector<16xi32>, vector<16xi32>], vector<16xf32>,
        %parallel_loop3A_452 = arith.addi %parallel_loop3A_422, %parallel_loop3A_449 : vector<16xi32>
        %parallel_loop3A_453 = arith.constant 6 : i32
        %parallel_loop3A_454 = vector.broadcast %parallel_loop3A_453 : i32 to vector<16xi32>
        %parallel_loop3A_455 = arith.addi %parallel_loop3A_422, %parallel_loop3A_454 : vector<16xi32>
        %parallel_loop3A_456 = tpu.vector_load_idx %arg5[%parallel_loop3A_38, %parallel_loop3A_455] : memref<512x64xf32, #tpu.memory_space<vmem>>[vector<16xi32>, vector<16xi32>], vector<16xf32>,
        %parallel_loop3A_457 = arith.addi %parallel_loop3A_422, %parallel_loop3A_454 : vector<16xi32>
        %parallel_loop3A_458 = arith.constant 7 : i32
        %parallel_loop3A_459 = vector.broadcast %parallel_loop3A_458 : i32 to vector<16xi32>
        %parallel_loop3A_460 = arith.addi %parallel_loop3A_422, %parallel_loop3A_459 : vector<16xi32>
        %parallel_loop3A_461 = tpu.vector_load_idx %arg5[%parallel_loop3A_38, %parallel_loop3A_460] : memref<512x64xf32, #tpu.memory_space<vmem>>[vector<16xi32>, vector<16xi32>], vector<16xf32>,
        %parallel_loop3A_462 = arith.addi %parallel_loop3A_422, %parallel_loop3A_459 : vector<16xi32>
        %parallel_loop3A_463 = arith.cmpf ogt, %parallel_loop3A_431, %parallel_loop3A_426 : vector<16xf32>
        %parallel_loop3A_464 = arith.select %parallel_loop3A_463, %parallel_loop3A_431, %parallel_loop3A_426 : vector<16xi1>, vector<16xf32>
        %parallel_loop3A_465 = arith.select %parallel_loop3A_463, %parallel_loop3A_432, %parallel_loop3A_427 : vector<16xi1>, vector<16xi32>
        %parallel_loop3A_466 = arith.cmpf ogt, %parallel_loop3A_441, %parallel_loop3A_436 : vector<16xf32>
        %parallel_loop3A_467 = arith.select %parallel_loop3A_466, %parallel_loop3A_441, %parallel_loop3A_436 : vector<16xi1>, vector<16xf32>
        %parallel_loop3A_468 = arith.select %parallel_loop3A_466, %parallel_loop3A_442, %parallel_loop3A_437 : vector<16xi1>, vector<16xi32>
        %parallel_loop3A_469 = arith.cmpf ogt, %parallel_loop3A_451, %parallel_loop3A_446 : vector<16xf32>
        %parallel_loop3A_470 = arith.select %parallel_loop3A_469, %parallel_loop3A_451, %parallel_loop3A_446 : vector<16xi1>, vector<16xf32>
        %parallel_loop3A_471 = arith.select %parallel_loop3A_469, %parallel_loop3A_452, %parallel_loop3A_447 : vector<16xi1>, vector<16xi32>
        %parallel_loop3A_472 = arith.cmpf ogt, %parallel_loop3A_461, %parallel_loop3A_456 : vector<16xf32>
        %parallel_loop3A_473 = arith.select %parallel_loop3A_472, %parallel_loop3A_461, %parallel_loop3A_456 : vector<16xi1>, vector<16xf32>
        %parallel_loop3A_474 = arith.select %parallel_loop3A_472, %parallel_loop3A_462, %parallel_loop3A_457 : vector<16xi1>, vector<16xi32>
        %parallel_loop3A_475 = arith.cmpf ogt, %parallel_loop3A_467, %parallel_loop3A_464 : vector<16xf32>
        %parallel_loop3A_476 = arith.select %parallel_loop3A_475, %parallel_loop3A_467, %parallel_loop3A_464 : vector<16xi1>, vector<16xf32>
        %parallel_loop3A_477 = arith.select %parallel_loop3A_475, %parallel_loop3A_468, %parallel_loop3A_465 : vector<16xi1>, vector<16xi32>
        %parallel_loop3A_478 = arith.cmpf ogt, %parallel_loop3A_473, %parallel_loop3A_470 : vector<16xf32>
        %parallel_loop3A_479 = arith.select %parallel_loop3A_478, %parallel_loop3A_473, %parallel_loop3A_470 : vector<16xi1>, vector<16xf32>
        %parallel_loop3A_480 = arith.select %parallel_loop3A_478, %parallel_loop3A_474, %parallel_loop3A_471 : vector<16xi1>, vector<16xi32>
        %parallel_loop3A_481 = arith.cmpf ogt, %parallel_loop3A_479, %parallel_loop3A_476 : vector<16xf32>
        %parallel_loop3A_482 = arith.select %parallel_loop3A_481, %parallel_loop3A_479, %parallel_loop3A_476 : vector<16xi1>, vector<16xf32>
        %parallel_loop3A_483 = arith.select %parallel_loop3A_481, %parallel_loop3A_480, %parallel_loop3A_477 : vector<16xi1>, vector<16xi32>
        %parallel_loop3A_484 = arith.constant 0 : i32
        %parallel_loop3A_485 = vector.broadcast %parallel_loop3A_484 : i32 to vector<16xi32>
        %parallel_loop3A_486 = arith.cmpi eq, %parallel_loop3A_422, %parallel_loop3A_485 : vector<16xi32>
        %parallel_loop3A_487 = arith.select %parallel_loop3A_486, %parallel_loop3A_482, %parallel_loop3A_82 : vector<16xi1>, vector<16xf32>
        %parallel_loop3A_488 = arith.select %parallel_loop3A_486, %parallel_loop3A_483, %parallel_loop3A_83 : vector<16xi1>, vector<16xi32>
        %parallel_loop3A_489 = arith.constant 8 : i32
        %parallel_loop3A_490 = vector.broadcast %parallel_loop3A_489 : i32 to vector<16xi32>
        %parallel_loop3A_491 = arith.cmpi eq, %parallel_loop3A_422, %parallel_loop3A_490 : vector<16xi32>
        %parallel_loop3A_492 = arith.select %parallel_loop3A_491, %parallel_loop3A_482, %parallel_loop3A_127 : vector<16xi1>, vector<16xf32>
        %parallel_loop3A_493 = arith.select %parallel_loop3A_491, %parallel_loop3A_483, %parallel_loop3A_128 : vector<16xi1>, vector<16xi32>
        %parallel_loop3A_494 = arith.constant 16 : i32
        %parallel_loop3A_495 = vector.broadcast %parallel_loop3A_494 : i32 to vector<16xi32>
        %parallel_loop3A_496 = arith.cmpi eq, %parallel_loop3A_422, %parallel_loop3A_495 : vector<16xi32>
        %parallel_loop3A_497 = arith.select %parallel_loop3A_496, %parallel_loop3A_482, %parallel_loop3A_172 : vector<16xi1>, vector<16xf32>
        %parallel_loop3A_498 = arith.select %parallel_loop3A_496, %parallel_loop3A_483, %parallel_loop3A_173 : vector<16xi1>, vector<16xi32>
        %parallel_loop3A_499 = arith.constant 24 : i32
        %parallel_loop3A_500 = vector.broadcast %parallel_loop3A_499 : i32 to vector<16xi32>
        %parallel_loop3A_501 = arith.cmpi eq, %parallel_loop3A_422, %parallel_loop3A_500 : vector<16xi32>
        %parallel_loop3A_502 = arith.select %parallel_loop3A_501, %parallel_loop3A_482, %parallel_loop3A_217 : vector<16xi1>, vector<16xf32>
        %parallel_loop3A_503 = arith.select %parallel_loop3A_501, %parallel_loop3A_483, %parallel_loop3A_218 : vector<16xi1>, vector<16xi32>
        %parallel_loop3A_504 = arith.constant 32 : i32
        %parallel_loop3A_505 = vector.broadcast %parallel_loop3A_504 : i32 to vector<16xi32>
        %parallel_loop3A_506 = arith.cmpi eq, %parallel_loop3A_422, %parallel_loop3A_505 : vector<16xi32>
        %parallel_loop3A_507 = arith.select %parallel_loop3A_506, %parallel_loop3A_482, %parallel_loop3A_262 : vector<16xi1>, vector<16xf32>
        %parallel_loop3A_508 = arith.select %parallel_loop3A_506, %parallel_loop3A_483, %parallel_loop3A_263 : vector<16xi1>, vector<16xi32>
        %parallel_loop3A_509 = arith.constant 40 : i32
        %parallel_loop3A_510 = vector.broadcast %parallel_loop3A_509 : i32 to vector<16xi32>
        %parallel_loop3A_511 = arith.cmpi eq, %parallel_loop3A_422, %parallel_loop3A_510 : vector<16xi32>
        %parallel_loop3A_512 = arith.select %parallel_loop3A_511, %parallel_loop3A_482, %parallel_loop3A_307 : vector<16xi1>, vector<16xf32>
        %parallel_loop3A_513 = arith.select %parallel_loop3A_511, %parallel_loop3A_483, %parallel_loop3A_308 : vector<16xi1>, vector<16xi32>
        %parallel_loop3A_514 = arith.constant 48 : i32
        %parallel_loop3A_515 = vector.broadcast %parallel_loop3A_514 : i32 to vector<16xi32>
        %parallel_loop3A_516 = arith.cmpi eq, %parallel_loop3A_422, %parallel_loop3A_515 : vector<16xi32>
        %parallel_loop3A_517 = arith.select %parallel_loop3A_516, %parallel_loop3A_482, %parallel_loop3A_352 : vector<16xi1>, vector<16xf32>
        %parallel_loop3A_518 = arith.select %parallel_loop3A_516, %parallel_loop3A_483, %parallel_loop3A_353 : vector<16xi1>, vector<16xi32>
        %parallel_loop3A_519 = arith.constant 56 : i32
        %parallel_loop3A_520 = vector.broadcast %parallel_loop3A_519 : i32 to vector<16xi32>
        %parallel_loop3A_521 = arith.cmpi eq, %parallel_loop3A_422, %parallel_loop3A_520 : vector<16xi32>
        %parallel_loop3A_522 = arith.select %parallel_loop3A_521, %parallel_loop3A_482, %parallel_loop3A_397 : vector<16xi1>, vector<16xf32>
        %parallel_loop3A_523 = arith.select %parallel_loop3A_521, %parallel_loop3A_483, %parallel_loop3A_398 : vector<16xi1>, vector<16xi32>
        %parallel_loop3A_524 = arith.cmpf ogt, %parallel_loop3A_492, %parallel_loop3A_487 : vector<16xf32>
        %parallel_loop3A_525 = arith.select %parallel_loop3A_524, %parallel_loop3A_492, %parallel_loop3A_487 : vector<16xi1>, vector<16xf32>
        %parallel_loop3A_526 = arith.select %parallel_loop3A_524, %parallel_loop3A_493, %parallel_loop3A_488 : vector<16xi1>, vector<16xi32>
        %parallel_loop3A_527 = arith.cmpf ogt, %parallel_loop3A_502, %parallel_loop3A_497 : vector<16xf32>
        %parallel_loop3A_528 = arith.select %parallel_loop3A_527, %parallel_loop3A_502, %parallel_loop3A_497 : vector<16xi1>, vector<16xf32>
        %parallel_loop3A_529 = arith.select %parallel_loop3A_527, %parallel_loop3A_503, %parallel_loop3A_498 : vector<16xi1>, vector<16xi32>
        %parallel_loop3A_530 = arith.cmpf ogt, %parallel_loop3A_512, %parallel_loop3A_507 : vector<16xf32>
        %parallel_loop3A_531 = arith.select %parallel_loop3A_530, %parallel_loop3A_512, %parallel_loop3A_507 : vector<16xi1>, vector<16xf32>
        %parallel_loop3A_532 = arith.select %parallel_loop3A_530, %parallel_loop3A_513, %parallel_loop3A_508 : vector<16xi1>, vector<16xi32>
        %parallel_loop3A_533 = arith.cmpf ogt, %parallel_loop3A_522, %parallel_loop3A_517 : vector<16xf32>
        %parallel_loop3A_534 = arith.select %parallel_loop3A_533, %parallel_loop3A_522, %parallel_loop3A_517 : vector<16xi1>, vector<16xf32>
        %parallel_loop3A_535 = arith.select %parallel_loop3A_533, %parallel_loop3A_523, %parallel_loop3A_518 : vector<16xi1>, vector<16xi32>
        %parallel_loop3A_536 = arith.cmpf ogt, %parallel_loop3A_528, %parallel_loop3A_525 : vector<16xf32>
        %parallel_loop3A_537 = arith.select %parallel_loop3A_536, %parallel_loop3A_528, %parallel_loop3A_525 : vector<16xi1>, vector<16xf32>
        %parallel_loop3A_538 = arith.select %parallel_loop3A_536, %parallel_loop3A_529, %parallel_loop3A_526 : vector<16xi1>, vector<16xi32>
        %parallel_loop3A_539 = arith.cmpf ogt, %parallel_loop3A_534, %parallel_loop3A_531 : vector<16xf32>
        %parallel_loop3A_540 = arith.select %parallel_loop3A_539, %parallel_loop3A_534, %parallel_loop3A_531 : vector<16xi1>, vector<16xf32>
        %parallel_loop3A_541 = arith.select %parallel_loop3A_539, %parallel_loop3A_535, %parallel_loop3A_532 : vector<16xi1>, vector<16xi32>
        %parallel_loop3A_542 = arith.cmpf ogt, %parallel_loop3A_540, %parallel_loop3A_537 : vector<16xf32>
        %parallel_loop3A_543 = arith.select %parallel_loop3A_542, %parallel_loop3A_540, %parallel_loop3A_537 : vector<16xi1>, vector<16xf32>
        %parallel_loop3A_544 = arith.select %parallel_loop3A_542, %parallel_loop3A_541, %parallel_loop3A_538 : vector<16xi1>, vector<16xi32>
        tpu.vector_store_idx %arg5[%parallel_loop3A_38, %parallel_loop3A_544], %broadcast_in_dim3A_1 : memref<512x64xf32, #tpu.memory_space<vmem>>[vector<16xi32>, vector<16xi32>], vector<16xf32>,
        %parallel_loop3A_545 = arith.constant -8 : i32
        %parallel_loop3A_546 = vector.broadcast %parallel_loop3A_545 : i32 to vector<16xi32>
        %parallel_loop3A_547 = arith.andi %parallel_loop3A_544, %parallel_loop3A_546 : vector<16xi32>
        %parallel_loop3A_548 = arith.constant 0 : i32
        %parallel_loop3A_549 = vector.broadcast %parallel_loop3A_548 : i32 to vector<16xi32>
        %parallel_loop3A_550 = arith.addi %parallel_loop3A_547, %parallel_loop3A_549 : vector<16xi32>
        %parallel_loop3A_551 = tpu.vector_load_idx %arg5[%parallel_loop3A_38, %parallel_loop3A_550] : memref<512x64xf32, #tpu.memory_space<vmem>>[vector<16xi32>, vector<16xi32>], vector<16xf32>,
        %parallel_loop3A_552 = arith.addi %parallel_loop3A_547, %parallel_loop3A_549 : vector<16xi32>
        %parallel_loop3A_553 = arith.constant 1 : i32
        %parallel_loop3A_554 = vector.broadcast %parallel_loop3A_553 : i32 to vector<16xi32>
        %parallel_loop3A_555 = arith.addi %parallel_loop3A_547, %parallel_loop3A_554 : vector<16xi32>
        %parallel_loop3A_556 = tpu.vector_load_idx %arg5[%parallel_loop3A_38, %parallel_loop3A_555] : memref<512x64xf32, #tpu.memory_space<vmem>>[vector<16xi32>, vector<16xi32>], vector<16xf32>,
        %parallel_loop3A_557 = arith.addi %parallel_loop3A_547, %parallel_loop3A_554 : vector<16xi32>
        %parallel_loop3A_558 = arith.constant 2 : i32
        %parallel_loop3A_559 = vector.broadcast %parallel_loop3A_558 : i32 to vector<16xi32>
        %parallel_loop3A_560 = arith.addi %parallel_loop3A_547, %parallel_loop3A_559 : vector<16xi32>
        %parallel_loop3A_561 = tpu.vector_load_idx %arg5[%parallel_loop3A_38, %parallel_loop3A_560] : memref<512x64xf32, #tpu.memory_space<vmem>>[vector<16xi32>, vector<16xi32>], vector<16xf32>,
        %parallel_loop3A_562 = arith.addi %parallel_loop3A_547, %parallel_loop3A_559 : vector<16xi32>
        %parallel_loop3A_563 = arith.constant 3 : i32
        %parallel_loop3A_564 = vector.broadcast %parallel_loop3A_563 : i32 to vector<16xi32>
        %parallel_loop3A_565 = arith.addi %parallel_loop3A_547, %parallel_loop3A_564 : vector<16xi32>
        %parallel_loop3A_566 = tpu.vector_load_idx %arg5[%parallel_loop3A_38, %parallel_loop3A_565] : memref<512x64xf32, #tpu.memory_space<vmem>>[vector<16xi32>, vector<16xi32>], vector<16xf32>,
        %parallel_loop3A_567 = arith.addi %parallel_loop3A_547, %parallel_loop3A_564 : vector<16xi32>
        %parallel_loop3A_568 = arith.constant 4 : i32
        %parallel_loop3A_569 = vector.broadcast %parallel_loop3A_568 : i32 to vector<16xi32>
        %parallel_loop3A_570 = arith.addi %parallel_loop3A_547, %parallel_loop3A_569 : vector<16xi32>
        %parallel_loop3A_571 = tpu.vector_load_idx %arg5[%parallel_loop3A_38, %parallel_loop3A_570] : memref<512x64xf32, #tpu.memory_space<vmem>>[vector<16xi32>, vector<16xi32>], vector<16xf32>,
        %parallel_loop3A_572 = arith.addi %parallel_loop3A_547, %parallel_loop3A_569 : vector<16xi32>
        %parallel_loop3A_573 = arith.constant 5 : i32
        %parallel_loop3A_574 = vector.broadcast %parallel_loop3A_573 : i32 to vector<16xi32>
        %parallel_loop3A_575 = arith.addi %parallel_loop3A_547, %parallel_loop3A_574 : vector<16xi32>
        %parallel_loop3A_576 = tpu.vector_load_idx %arg5[%parallel_loop3A_38, %parallel_loop3A_575] : memref<512x64xf32, #tpu.memory_space<vmem>>[vector<16xi32>, vector<16xi32>], vector<16xf32>,
        %parallel_loop3A_577 = arith.addi %parallel_loop3A_547, %parallel_loop3A_574 : vector<16xi32>
        %parallel_loop3A_578 = arith.constant 6 : i32
        %parallel_loop3A_579 = vector.broadcast %parallel_loop3A_578 : i32 to vector<16xi32>
        %parallel_loop3A_580 = arith.addi %parallel_loop3A_547, %parallel_loop3A_579 : vector<16xi32>
        %parallel_loop3A_581 = tpu.vector_load_idx %arg5[%parallel_loop3A_38, %parallel_loop3A_580] : memref<512x64xf32, #tpu.memory_space<vmem>>[vector<16xi32>, vector<16xi32>], vector<16xf32>,
        %parallel_loop3A_582 = arith.addi %parallel_loop3A_547, %parallel_loop3A_579 : vector<16xi32>
        %parallel_loop3A_583 = arith.constant 7 : i32
        %parallel_loop3A_584 = vector.broadcast %parallel_loop3A_583 : i32 to vector<16xi32>
        %parallel_loop3A_585 = arith.addi %parallel_loop3A_547, %parallel_loop3A_584 : vector<16xi32>
        %parallel_loop3A_586 = tpu.vector_load_idx %arg5[%parallel_loop3A_38, %parallel_loop3A_585] : memref<512x64xf32, #tpu.memory_space<vmem>>[vector<16xi32>, vector<16xi32>], vector<16xf32>,
        %parallel_loop3A_587 = arith.addi %parallel_loop3A_547, %parallel_loop3A_584 : vector<16xi32>
        %parallel_loop3A_588 = arith.cmpf ogt, %parallel_loop3A_556, %parallel_loop3A_551 : vector<16xf32>
        %parallel_loop3A_589 = arith.select %parallel_loop3A_588, %parallel_loop3A_556, %parallel_loop3A_551 : vector<16xi1>, vector<16xf32>
        %parallel_loop3A_590 = arith.select %parallel_loop3A_588, %parallel_loop3A_557, %parallel_loop3A_552 : vector<16xi1>, vector<16xi32>
        %parallel_loop3A_591 = arith.cmpf ogt, %parallel_loop3A_566, %parallel_loop3A_561 : vector<16xf32>
        %parallel_loop3A_592 = arith.select %parallel_loop3A_591, %parallel_loop3A_566, %parallel_loop3A_561 : vector<16xi1>, vector<16xf32>
        %parallel_loop3A_593 = arith.select %parallel_loop3A_591, %parallel_loop3A_567, %parallel_loop3A_562 : vector<16xi1>, vector<16xi32>
        %parallel_loop3A_594 = arith.cmpf ogt, %parallel_loop3A_576, %parallel_loop3A_571 : vector<16xf32>
        %parallel_loop3A_595 = arith.select %parallel_loop3A_594, %parallel_loop3A_576, %parallel_loop3A_571 : vector<16xi1>, vector<16xf32>
        %parallel_loop3A_596 = arith.select %parallel_loop3A_594, %parallel_loop3A_577, %parallel_loop3A_572 : vector<16xi1>, vector<16xi32>
        %parallel_loop3A_597 = arith.cmpf ogt, %parallel_loop3A_586, %parallel_loop3A_581 : vector<16xf32>
        %parallel_loop3A_598 = arith.select %parallel_loop3A_597, %parallel_loop3A_586, %parallel_loop3A_581 : vector<16xi1>, vector<16xf32>
        %parallel_loop3A_599 = arith.select %parallel_loop3A_597, %parallel_loop3A_587, %parallel_loop3A_582 : vector<16xi1>, vector<16xi32>
        %parallel_loop3A_600 = arith.cmpf ogt, %parallel_loop3A_592, %parallel_loop3A_589 : vector<16xf32>
        %parallel_loop3A_601 = arith.select %parallel_loop3A_600, %parallel_loop3A_592, %parallel_loop3A_589 : vector<16xi1>, vector<16xf32>
        %parallel_loop3A_602 = arith.select %parallel_loop3A_600, %parallel_loop3A_593, %parallel_loop3A_590 : vector<16xi1>, vector<16xi32>
        %parallel_loop3A_603 = arith.cmpf ogt, %parallel_loop3A_598, %parallel_loop3A_595 : vector<16xf32>
        %parallel_loop3A_604 = arith.select %parallel_loop3A_603, %parallel_loop3A_598, %parallel_loop3A_595 : vector<16xi1>, vector<16xf32>
        %parallel_loop3A_605 = arith.select %parallel_loop3A_603, %parallel_loop3A_599, %parallel_loop3A_596 : vector<16xi1>, vector<16xi32>
        %parallel_loop3A_606 = arith.cmpf ogt, %parallel_loop3A_604, %parallel_loop3A_601 : vector<16xf32>
        %parallel_loop3A_607 = arith.select %parallel_loop3A_606, %parallel_loop3A_604, %parallel_loop3A_601 : vector<16xi1>, vector<16xf32>
        %parallel_loop3A_608 = arith.select %parallel_loop3A_606, %parallel_loop3A_605, %parallel_loop3A_602 : vector<16xi1>, vector<16xi32>
        %parallel_loop3A_609 = arith.constant 0 : i32
        %parallel_loop3A_610 = vector.broadcast %parallel_loop3A_609 : i32 to vector<16xi32>
        %parallel_loop3A_611 = arith.cmpi eq, %parallel_loop3A_547, %parallel_loop3A_610 : vector<16xi32>
        %parallel_loop3A_612 = arith.select %parallel_loop3A_611, %parallel_loop3A_607, %parallel_loop3A_487 : vector<16xi1>, vector<16xf32>
        %parallel_loop3A_613 = arith.select %parallel_loop3A_611, %parallel_loop3A_608, %parallel_loop3A_488 : vector<16xi1>, vector<16xi32>
        %parallel_loop3A_614 = arith.constant 8 : i32
        %parallel_loop3A_615 = vector.broadcast %parallel_loop3A_614 : i32 to vector<16xi32>
        %parallel_loop3A_616 = arith.cmpi eq, %parallel_loop3A_547, %parallel_loop3A_615 : vector<16xi32>
        %parallel_loop3A_617 = arith.select %parallel_loop3A_616, %parallel_loop3A_607, %parallel_loop3A_492 : vector<16xi1>, vector<16xf32>
        %parallel_loop3A_618 = arith.select %parallel_loop3A_616, %parallel_loop3A_608, %parallel_loop3A_493 : vector<16xi1>, vector<16xi32>
        %parallel_loop3A_619 = arith.constant 16 : i32
        %parallel_loop3A_620 = vector.broadcast %parallel_loop3A_619 : i32 to vector<16xi32>
        %parallel_loop3A_621 = arith.cmpi eq, %parallel_loop3A_547, %parallel_loop3A_620 : vector<16xi32>
        %parallel_loop3A_622 = arith.select %parallel_loop3A_621, %parallel_loop3A_607, %parallel_loop3A_497 : vector<16xi1>, vector<16xf32>
        %parallel_loop3A_623 = arith.select %parallel_loop3A_621, %parallel_loop3A_608, %parallel_loop3A_498 : vector<16xi1>, vector<16xi32>
        %parallel_loop3A_624 = arith.constant 24 : i32
        %parallel_loop3A_625 = vector.broadcast %parallel_loop3A_624 : i32 to vector<16xi32>
        %parallel_loop3A_626 = arith.cmpi eq, %parallel_loop3A_547, %parallel_loop3A_625 : vector<16xi32>
        %parallel_loop3A_627 = arith.select %parallel_loop3A_626, %parallel_loop3A_607, %parallel_loop3A_502 : vector<16xi1>, vector<16xf32>
        %parallel_loop3A_628 = arith.select %parallel_loop3A_626, %parallel_loop3A_608, %parallel_loop3A_503 : vector<16xi1>, vector<16xi32>
        %parallel_loop3A_629 = arith.constant 32 : i32
        %parallel_loop3A_630 = vector.broadcast %parallel_loop3A_629 : i32 to vector<16xi32>
        %parallel_loop3A_631 = arith.cmpi eq, %parallel_loop3A_547, %parallel_loop3A_630 : vector<16xi32>
        %parallel_loop3A_632 = arith.select %parallel_loop3A_631, %parallel_loop3A_607, %parallel_loop3A_507 : vector<16xi1>, vector<16xf32>
        %parallel_loop3A_633 = arith.select %parallel_loop3A_631, %parallel_loop3A_608, %parallel_loop3A_508 : vector<16xi1>, vector<16xi32>
        %parallel_loop3A_634 = arith.constant 40 : i32
        %parallel_loop3A_635 = vector.broadcast %parallel_loop3A_634 : i32 to vector<16xi32>
        %parallel_loop3A_636 = arith.cmpi eq, %parallel_loop3A_547, %parallel_loop3A_635 : vector<16xi32>
        %parallel_loop3A_637 = arith.select %parallel_loop3A_636, %parallel_loop3A_607, %parallel_loop3A_512 : vector<16xi1>, vector<16xf32>
        %parallel_loop3A_638 = arith.select %parallel_loop3A_636, %parallel_loop3A_608, %parallel_loop3A_513 : vector<16xi1>, vector<16xi32>
        %parallel_loop3A_639 = arith.constant 48 : i32
        %parallel_loop3A_640 = vector.broadcast %parallel_loop3A_639 : i32 to vector<16xi32>
        %parallel_loop3A_641 = arith.cmpi eq, %parallel_loop3A_547, %parallel_loop3A_640 : vector<16xi32>
        %parallel_loop3A_642 = arith.select %parallel_loop3A_641, %parallel_loop3A_607, %parallel_loop3A_517 : vector<16xi1>, vector<16xf32>
        %parallel_loop3A_643 = arith.select %parallel_loop3A_641, %parallel_loop3A_608, %parallel_loop3A_518 : vector<16xi1>, vector<16xi32>
        %parallel_loop3A_644 = arith.constant 56 : i32
        %parallel_loop3A_645 = vector.broadcast %parallel_loop3A_644 : i32 to vector<16xi32>
        %parallel_loop3A_646 = arith.cmpi eq, %parallel_loop3A_547, %parallel_loop3A_645 : vector<16xi32>
        %parallel_loop3A_647 = arith.select %parallel_loop3A_646, %parallel_loop3A_607, %parallel_loop3A_522 : vector<16xi1>, vector<16xf32>
        %parallel_loop3A_648 = arith.select %parallel_loop3A_646, %parallel_loop3A_608, %parallel_loop3A_523 : vector<16xi1>, vector<16xi32>
        %parallel_loop3A_649 = arith.cmpf ogt, %parallel_loop3A_617, %parallel_loop3A_612 : vector<16xf32>
        %parallel_loop3A_650 = arith.select %parallel_loop3A_649, %parallel_loop3A_617, %parallel_loop3A_612 : vector<16xi1>, vector<16xf32>
        %parallel_loop3A_651 = arith.select %parallel_loop3A_649, %parallel_loop3A_618, %parallel_loop3A_613 : vector<16xi1>, vector<16xi32>
        %parallel_loop3A_652 = arith.cmpf ogt, %parallel_loop3A_627, %parallel_loop3A_622 : vector<16xf32>
        %parallel_loop3A_653 = arith.select %parallel_loop3A_652, %parallel_loop3A_627, %parallel_loop3A_622 : vector<16xi1>, vector<16xf32>
        %parallel_loop3A_654 = arith.select %parallel_loop3A_652, %parallel_loop3A_628, %parallel_loop3A_623 : vector<16xi1>, vector<16xi32>
        %parallel_loop3A_655 = arith.cmpf ogt, %parallel_loop3A_637, %parallel_loop3A_632 : vector<16xf32>
        %parallel_loop3A_656 = arith.select %parallel_loop3A_655, %parallel_loop3A_637, %parallel_loop3A_632 : vector<16xi1>, vector<16xf32>
        %parallel_loop3A_657 = arith.select %parallel_loop3A_655, %parallel_loop3A_638, %parallel_loop3A_633 : vector<16xi1>, vector<16xi32>
        %parallel_loop3A_658 = arith.cmpf ogt, %parallel_loop3A_647, %parallel_loop3A_642 : vector<16xf32>
        %parallel_loop3A_659 = arith.select %parallel_loop3A_658, %parallel_loop3A_647, %parallel_loop3A_642 : vector<16xi1>, vector<16xf32>
        %parallel_loop3A_660 = arith.select %parallel_loop3A_658, %parallel_loop3A_648, %parallel_loop3A_643 : vector<16xi1>, vector<16xi32>
        %parallel_loop3A_661 = arith.cmpf ogt, %parallel_loop3A_653, %parallel_loop3A_650 : vector<16xf32>
        %parallel_loop3A_662 = arith.select %parallel_loop3A_661, %parallel_loop3A_653, %parallel_loop3A_650 : vector<16xi1>, vector<16xf32>
        %parallel_loop3A_663 = arith.select %parallel_loop3A_661, %parallel_loop3A_654, %parallel_loop3A_651 : vector<16xi1>, vector<16xi32>
        %parallel_loop3A_664 = arith.cmpf ogt, %parallel_loop3A_659, %parallel_loop3A_656 : vector<16xf32>
        %parallel_loop3A_665 = arith.select %parallel_loop3A_664, %parallel_loop3A_659, %parallel_loop3A_656 : vector<16xi1>, vector<16xf32>
        %parallel_loop3A_666 = arith.select %parallel_loop3A_664, %parallel_loop3A_660, %parallel_loop3A_657 : vector<16xi1>, vector<16xi32>
        %parallel_loop3A_667 = arith.cmpf ogt, %parallel_loop3A_665, %parallel_loop3A_662 : vector<16xf32>
        %parallel_loop3A_668 = arith.select %parallel_loop3A_667, %parallel_loop3A_665, %parallel_loop3A_662 : vector<16xi1>, vector<16xf32>
        %parallel_loop3A_669 = arith.select %parallel_loop3A_667, %parallel_loop3A_666, %parallel_loop3A_663 : vector<16xi1>, vector<16xi32>
        tpu.vector_store_idx %arg5[%parallel_loop3A_38, %parallel_loop3A_669], %broadcast_in_dim3A_1 : memref<512x64xf32, #tpu.memory_space<vmem>>[vector<16xi32>, vector<16xi32>], vector<16xf32>,
        %parallel_loop3A_670 = arith.constant -8 : i32
        %parallel_loop3A_671 = vector.broadcast %parallel_loop3A_670 : i32 to vector<16xi32>
        %parallel_loop3A_672 = arith.andi %parallel_loop3A_669, %parallel_loop3A_671 : vector<16xi32>
        %parallel_loop3A_673 = arith.constant 0 : i32
        %parallel_loop3A_674 = vector.broadcast %parallel_loop3A_673 : i32 to vector<16xi32>
        %parallel_loop3A_675 = arith.addi %parallel_loop3A_672, %parallel_loop3A_674 : vector<16xi32>
        %parallel_loop3A_676 = tpu.vector_load_idx %arg5[%parallel_loop3A_38, %parallel_loop3A_675] : memref<512x64xf32, #tpu.memory_space<vmem>>[vector<16xi32>, vector<16xi32>], vector<16xf32>,
        %parallel_loop3A_677 = arith.addi %parallel_loop3A_672, %parallel_loop3A_674 : vector<16xi32>
        %parallel_loop3A_678 = arith.constant 1 : i32
        %parallel_loop3A_679 = vector.broadcast %parallel_loop3A_678 : i32 to vector<16xi32>
        %parallel_loop3A_680 = arith.addi %parallel_loop3A_672, %parallel_loop3A_679 : vector<16xi32>
        %parallel_loop3A_681 = tpu.vector_load_idx %arg5[%parallel_loop3A_38, %parallel_loop3A_680] : memref<512x64xf32, #tpu.memory_space<vmem>>[vector<16xi32>, vector<16xi32>], vector<16xf32>,
        %parallel_loop3A_682 = arith.addi %parallel_loop3A_672, %parallel_loop3A_679 : vector<16xi32>
        %parallel_loop3A_683 = arith.constant 2 : i32
        %parallel_loop3A_684 = vector.broadcast %parallel_loop3A_683 : i32 to vector<16xi32>
        %parallel_loop3A_685 = arith.addi %parallel_loop3A_672, %parallel_loop3A_684 : vector<16xi32>
        %parallel_loop3A_686 = tpu.vector_load_idx %arg5[%parallel_loop3A_38, %parallel_loop3A_685] : memref<512x64xf32, #tpu.memory_space<vmem>>[vector<16xi32>, vector<16xi32>], vector<16xf32>,
        %parallel_loop3A_687 = arith.addi %parallel_loop3A_672, %parallel_loop3A_684 : vector<16xi32>
        %parallel_loop3A_688 = arith.constant 3 : i32
        %parallel_loop3A_689 = vector.broadcast %parallel_loop3A_688 : i32 to vector<16xi32>
        %parallel_loop3A_690 = arith.addi %parallel_loop3A_672, %parallel_loop3A_689 : vector<16xi32>
        %parallel_loop3A_691 = tpu.vector_load_idx %arg5[%parallel_loop3A_38, %parallel_loop3A_690] : memref<512x64xf32, #tpu.memory_space<vmem>>[vector<16xi32>, vector<16xi32>], vector<16xf32>,
        %parallel_loop3A_692 = arith.addi %parallel_loop3A_672, %parallel_loop3A_689 : vector<16xi32>
        %parallel_loop3A_693 = arith.constant 4 : i32
        %parallel_loop3A_694 = vector.broadcast %parallel_loop3A_693 : i32 to vector<16xi32>
        %parallel_loop3A_695 = arith.addi %parallel_loop3A_672, %parallel_loop3A_694 : vector<16xi32>
        %parallel_loop3A_696 = tpu.vector_load_idx %arg5[%parallel_loop3A_38, %parallel_loop3A_695] : memref<512x64xf32, #tpu.memory_space<vmem>>[vector<16xi32>, vector<16xi32>], vector<16xf32>,
        %parallel_loop3A_697 = arith.addi %parallel_loop3A_672, %parallel_loop3A_694 : vector<16xi32>
        %parallel_loop3A_698 = arith.constant 5 : i32
        %parallel_loop3A_699 = vector.broadcast %parallel_loop3A_698 : i32 to vector<16xi32>
        %parallel_loop3A_700 = arith.addi %parallel_loop3A_672, %parallel_loop3A_699 : vector<16xi32>
        %parallel_loop3A_701 = tpu.vector_load_idx %arg5[%parallel_loop3A_38, %parallel_loop3A_700] : memref<512x64xf32, #tpu.memory_space<vmem>>[vector<16xi32>, vector<16xi32>], vector<16xf32>,
        %parallel_loop3A_702 = arith.addi %parallel_loop3A_672, %parallel_loop3A_699 : vector<16xi32>
        %parallel_loop3A_703 = arith.constant 6 : i32
        %parallel_loop3A_704 = vector.broadcast %parallel_loop3A_703 : i32 to vector<16xi32>
        %parallel_loop3A_705 = arith.addi %parallel_loop3A_672, %parallel_loop3A_704 : vector<16xi32>
        %parallel_loop3A_706 = tpu.vector_load_idx %arg5[%parallel_loop3A_38, %parallel_loop3A_705] : memref<512x64xf32, #tpu.memory_space<vmem>>[vector<16xi32>, vector<16xi32>], vector<16xf32>,
        %parallel_loop3A_707 = arith.addi %parallel_loop3A_672, %parallel_loop3A_704 : vector<16xi32>
        %parallel_loop3A_708 = arith.constant 7 : i32
        %parallel_loop3A_709 = vector.broadcast %parallel_loop3A_708 : i32 to vector<16xi32>
        %parallel_loop3A_710 = arith.addi %parallel_loop3A_672, %parallel_loop3A_709 : vector<16xi32>
        %parallel_loop3A_711 = tpu.vector_load_idx %arg5[%parallel_loop3A_38, %parallel_loop3A_710] : memref<512x64xf32, #tpu.memory_space<vmem>>[vector<16xi32>, vector<16xi32>], vector<16xf32>,
        %parallel_loop3A_712 = arith.addi %parallel_loop3A_672, %parallel_loop3A_709 : vector<16xi32>
        %parallel_loop3A_713 = arith.cmpf ogt, %parallel_loop3A_681, %parallel_loop3A_676 : vector<16xf32>
        %parallel_loop3A_714 = arith.select %parallel_loop3A_713, %parallel_loop3A_681, %parallel_loop3A_676 : vector<16xi1>, vector<16xf32>
        %parallel_loop3A_715 = arith.select %parallel_loop3A_713, %parallel_loop3A_682, %parallel_loop3A_677 : vector<16xi1>, vector<16xi32>
        %parallel_loop3A_716 = arith.cmpf ogt, %parallel_loop3A_691, %parallel_loop3A_686 : vector<16xf32>
        %parallel_loop3A_717 = arith.select %parallel_loop3A_716, %parallel_loop3A_691, %parallel_loop3A_686 : vector<16xi1>, vector<16xf32>
        %parallel_loop3A_718 = arith.select %parallel_loop3A_716, %parallel_loop3A_692, %parallel_loop3A_687 : vector<16xi1>, vector<16xi32>
        %parallel_loop3A_719 = arith.cmpf ogt, %parallel_loop3A_701, %parallel_loop3A_696 : vector<16xf32>
        %parallel_loop3A_720 = arith.select %parallel_loop3A_719, %parallel_loop3A_701, %parallel_loop3A_696 : vector<16xi1>, vector<16xf32>
        %parallel_loop3A_721 = arith.select %parallel_loop3A_719, %parallel_loop3A_702, %parallel_loop3A_697 : vector<16xi1>, vector<16xi32>
        %parallel_loop3A_722 = arith.cmpf ogt, %parallel_loop3A_711, %parallel_loop3A_706 : vector<16xf32>
        %parallel_loop3A_723 = arith.select %parallel_loop3A_722, %parallel_loop3A_711, %parallel_loop3A_706 : vector<16xi1>, vector<16xf32>
        %parallel_loop3A_724 = arith.select %parallel_loop3A_722, %parallel_loop3A_712, %parallel_loop3A_707 : vector<16xi1>, vector<16xi32>
        %parallel_loop3A_725 = arith.cmpf ogt, %parallel_loop3A_717, %parallel_loop3A_714 : vector<16xf32>
        %parallel_loop3A_726 = arith.select %parallel_loop3A_725, %parallel_loop3A_717, %parallel_loop3A_714 : vector<16xi1>, vector<16xf32>
        %parallel_loop3A_727 = arith.select %parallel_loop3A_725, %parallel_loop3A_718, %parallel_loop3A_715 : vector<16xi1>, vector<16xi32>
        %parallel_loop3A_728 = arith.cmpf ogt, %parallel_loop3A_723, %parallel_loop3A_720 : vector<16xf32>
        %parallel_loop3A_729 = arith.select %parallel_loop3A_728, %parallel_loop3A_723, %parallel_loop3A_720 : vector<16xi1>, vector<16xf32>
        %parallel_loop3A_730 = arith.select %parallel_loop3A_728, %parallel_loop3A_724, %parallel_loop3A_721 : vector<16xi1>, vector<16xi32>
        %parallel_loop3A_731 = arith.cmpf ogt, %parallel_loop3A_729, %parallel_loop3A_726 : vector<16xf32>
        %parallel_loop3A_732 = arith.select %parallel_loop3A_731, %parallel_loop3A_729, %parallel_loop3A_726 : vector<16xi1>, vector<16xf32>
        %parallel_loop3A_733 = arith.select %parallel_loop3A_731, %parallel_loop3A_730, %parallel_loop3A_727 : vector<16xi1>, vector<16xi32>
        %parallel_loop3A_734 = arith.constant 0 : i32
        %parallel_loop3A_735 = vector.broadcast %parallel_loop3A_734 : i32 to vector<16xi32>
        %parallel_loop3A_736 = arith.cmpi eq, %parallel_loop3A_672, %parallel_loop3A_735 : vector<16xi32>
        %parallel_loop3A_737 = arith.select %parallel_loop3A_736, %parallel_loop3A_732, %parallel_loop3A_612 : vector<16xi1>, vector<16xf32>
        %parallel_loop3A_738 = arith.select %parallel_loop3A_736, %parallel_loop3A_733, %parallel_loop3A_613 : vector<16xi1>, vector<16xi32>
        %parallel_loop3A_739 = arith.constant 8 : i32
        %parallel_loop3A_740 = vector.broadcast %parallel_loop3A_739 : i32 to vector<16xi32>
        %parallel_loop3A_741 = arith.cmpi eq, %parallel_loop3A_672, %parallel_loop3A_740 : vector<16xi32>
        %parallel_loop3A_742 = arith.select %parallel_loop3A_741, %parallel_loop3A_732, %parallel_loop3A_617 : vector<16xi1>, vector<16xf32>
        %parallel_loop3A_743 = arith.select %parallel_loop3A_741, %parallel_loop3A_733, %parallel_loop3A_618 : vector<16xi1>, vector<16xi32>
        %parallel_loop3A_744 = arith.constant 16 : i32
        %parallel_loop3A_745 = vector.broadcast %parallel_loop3A_744 : i32 to vector<16xi32>
        %parallel_loop3A_746 = arith.cmpi eq, %parallel_loop3A_672, %parallel_loop3A_745 : vector<16xi32>
        %parallel_loop3A_747 = arith.select %parallel_loop3A_746, %parallel_loop3A_732, %parallel_loop3A_622 : vector<16xi1>, vector<16xf32>
        %parallel_loop3A_748 = arith.select %parallel_loop3A_746, %parallel_loop3A_733, %parallel_loop3A_623 : vector<16xi1>, vector<16xi32>
        %parallel_loop3A_749 = arith.constant 24 : i32
        %parallel_loop3A_750 = vector.broadcast %parallel_loop3A_749 : i32 to vector<16xi32>
        %parallel_loop3A_751 = arith.cmpi eq, %parallel_loop3A_672, %parallel_loop3A_750 : vector<16xi32>
        %parallel_loop3A_752 = arith.select %parallel_loop3A_751, %parallel_loop3A_732, %parallel_loop3A_627 : vector<16xi1>, vector<16xf32>
        %parallel_loop3A_753 = arith.select %parallel_loop3A_751, %parallel_loop3A_733, %parallel_loop3A_628 : vector<16xi1>, vector<16xi32>
        %parallel_loop3A_754 = arith.constant 32 : i32
        %parallel_loop3A_755 = vector.broadcast %parallel_loop3A_754 : i32 to vector<16xi32>
        %parallel_loop3A_756 = arith.cmpi eq, %parallel_loop3A_672, %parallel_loop3A_755 : vector<16xi32>
        %parallel_loop3A_757 = arith.select %parallel_loop3A_756, %parallel_loop3A_732, %parallel_loop3A_632 : vector<16xi1>, vector<16xf32>
        %parallel_loop3A_758 = arith.select %parallel_loop3A_756, %parallel_loop3A_733, %parallel_loop3A_633 : vector<16xi1>, vector<16xi32>
        %parallel_loop3A_759 = arith.constant 40 : i32
        %parallel_loop3A_760 = vector.broadcast %parallel_loop3A_759 : i32 to vector<16xi32>
        %parallel_loop3A_761 = arith.cmpi eq, %parallel_loop3A_672, %parallel_loop3A_760 : vector<16xi32>
        %parallel_loop3A_762 = arith.select %parallel_loop3A_761, %parallel_loop3A_732, %parallel_loop3A_637 : vector<16xi1>, vector<16xf32>
        %parallel_loop3A_763 = arith.select %parallel_loop3A_761, %parallel_loop3A_733, %parallel_loop3A_638 : vector<16xi1>, vector<16xi32>
        %parallel_loop3A_764 = arith.constant 48 : i32
        %parallel_loop3A_765 = vector.broadcast %parallel_loop3A_764 : i32 to vector<16xi32>
        %parallel_loop3A_766 = arith.cmpi eq, %parallel_loop3A_672, %parallel_loop3A_765 : vector<16xi32>
        %parallel_loop3A_767 = arith.select %parallel_loop3A_766, %parallel_loop3A_732, %parallel_loop3A_642 : vector<16xi1>, vector<16xf32>
        %parallel_loop3A_768 = arith.select %parallel_loop3A_766, %parallel_loop3A_733, %parallel_loop3A_643 : vector<16xi1>, vector<16xi32>
        %parallel_loop3A_769 = arith.constant 56 : i32
        %parallel_loop3A_770 = vector.broadcast %parallel_loop3A_769 : i32 to vector<16xi32>
        %parallel_loop3A_771 = arith.cmpi eq, %parallel_loop3A_672, %parallel_loop3A_770 : vector<16xi32>
        %parallel_loop3A_772 = arith.select %parallel_loop3A_771, %parallel_loop3A_732, %parallel_loop3A_647 : vector<16xi1>, vector<16xf32>
        %parallel_loop3A_773 = arith.select %parallel_loop3A_771, %parallel_loop3A_733, %parallel_loop3A_648 : vector<16xi1>, vector<16xi32>
        %parallel_loop3A_774 = arith.cmpf ogt, %parallel_loop3A_742, %parallel_loop3A_737 : vector<16xf32>
        %parallel_loop3A_775 = arith.select %parallel_loop3A_774, %parallel_loop3A_742, %parallel_loop3A_737 : vector<16xi1>, vector<16xf32>
        %parallel_loop3A_776 = arith.select %parallel_loop3A_774, %parallel_loop3A_743, %parallel_loop3A_738 : vector<16xi1>, vector<16xi32>
        %parallel_loop3A_777 = arith.cmpf ogt, %parallel_loop3A_752, %parallel_loop3A_747 : vector<16xf32>
        %parallel_loop3A_778 = arith.select %parallel_loop3A_777, %parallel_loop3A_752, %parallel_loop3A_747 : vector<16xi1>, vector<16xf32>
        %parallel_loop3A_779 = arith.select %parallel_loop3A_777, %parallel_loop3A_753, %parallel_loop3A_748 : vector<16xi1>, vector<16xi32>
        %parallel_loop3A_780 = arith.cmpf ogt, %parallel_loop3A_762, %parallel_loop3A_757 : vector<16xf32>
        %parallel_loop3A_781 = arith.select %parallel_loop3A_780, %parallel_loop3A_762, %parallel_loop3A_757 : vector<16xi1>, vector<16xf32>
        %parallel_loop3A_782 = arith.select %parallel_loop3A_780, %parallel_loop3A_763, %parallel_loop3A_758 : vector<16xi1>, vector<16xi32>
        %parallel_loop3A_783 = arith.cmpf ogt, %parallel_loop3A_772, %parallel_loop3A_767 : vector<16xf32>
        %parallel_loop3A_784 = arith.select %parallel_loop3A_783, %parallel_loop3A_772, %parallel_loop3A_767 : vector<16xi1>, vector<16xf32>
        %parallel_loop3A_785 = arith.select %parallel_loop3A_783, %parallel_loop3A_773, %parallel_loop3A_768 : vector<16xi1>, vector<16xi32>
        %parallel_loop3A_786 = arith.cmpf ogt, %parallel_loop3A_778, %parallel_loop3A_775 : vector<16xf32>
        %parallel_loop3A_787 = arith.select %parallel_loop3A_786, %parallel_loop3A_778, %parallel_loop3A_775 : vector<16xi1>, vector<16xf32>
        %parallel_loop3A_788 = arith.select %parallel_loop3A_786, %parallel_loop3A_779, %parallel_loop3A_776 : vector<16xi1>, vector<16xi32>
        %parallel_loop3A_789 = arith.cmpf ogt, %parallel_loop3A_784, %parallel_loop3A_781 : vector<16xf32>
        %parallel_loop3A_790 = arith.select %parallel_loop3A_789, %parallel_loop3A_784, %parallel_loop3A_781 : vector<16xi1>, vector<16xf32>
        %parallel_loop3A_791 = arith.select %parallel_loop3A_789, %parallel_loop3A_785, %parallel_loop3A_782 : vector<16xi1>, vector<16xi32>
        %parallel_loop3A_792 = arith.cmpf ogt, %parallel_loop3A_790, %parallel_loop3A_787 : vector<16xf32>
        %parallel_loop3A_793 = arith.select %parallel_loop3A_792, %parallel_loop3A_790, %parallel_loop3A_787 : vector<16xi1>, vector<16xf32>
        %parallel_loop3A_794 = arith.select %parallel_loop3A_792, %parallel_loop3A_791, %parallel_loop3A_788 : vector<16xi1>, vector<16xi32>
        tpu.vector_store_idx %arg5[%parallel_loop3A_38, %parallel_loop3A_794], %broadcast_in_dim3A_1 : memref<512x64xf32, #tpu.memory_space<vmem>>[vector<16xi32>, vector<16xi32>], vector<16xf32>,
        %parallel_loop3A_795 = arith.constant -8 : i32
        %parallel_loop3A_796 = vector.broadcast %parallel_loop3A_795 : i32 to vector<16xi32>
        %parallel_loop3A_797 = arith.andi %parallel_loop3A_794, %parallel_loop3A_796 : vector<16xi32>
        %parallel_loop3A_798 = arith.constant 0 : i32
        %parallel_loop3A_799 = vector.broadcast %parallel_loop3A_798 : i32 to vector<16xi32>
        %parallel_loop3A_800 = arith.addi %parallel_loop3A_797, %parallel_loop3A_799 : vector<16xi32>
        %parallel_loop3A_801 = tpu.vector_load_idx %arg5[%parallel_loop3A_38, %parallel_loop3A_800] : memref<512x64xf32, #tpu.memory_space<vmem>>[vector<16xi32>, vector<16xi32>], vector<16xf32>,
        %parallel_loop3A_802 = arith.addi %parallel_loop3A_797, %parallel_loop3A_799 : vector<16xi32>
        %parallel_loop3A_803 = arith.constant 1 : i32
        %parallel_loop3A_804 = vector.broadcast %parallel_loop3A_803 : i32 to vector<16xi32>
        %parallel_loop3A_805 = arith.addi %parallel_loop3A_797, %parallel_loop3A_804 : vector<16xi32>
        %parallel_loop3A_806 = tpu.vector_load_idx %arg5[%parallel_loop3A_38, %parallel_loop3A_805] : memref<512x64xf32, #tpu.memory_space<vmem>>[vector<16xi32>, vector<16xi32>], vector<16xf32>,
        %parallel_loop3A_807 = arith.addi %parallel_loop3A_797, %parallel_loop3A_804 : vector<16xi32>
        %parallel_loop3A_808 = arith.constant 2 : i32
        %parallel_loop3A_809 = vector.broadcast %parallel_loop3A_808 : i32 to vector<16xi32>
        %parallel_loop3A_810 = arith.addi %parallel_loop3A_797, %parallel_loop3A_809 : vector<16xi32>
        %parallel_loop3A_811 = tpu.vector_load_idx %arg5[%parallel_loop3A_38, %parallel_loop3A_810] : memref<512x64xf32, #tpu.memory_space<vmem>>[vector<16xi32>, vector<16xi32>], vector<16xf32>,
        %parallel_loop3A_812 = arith.addi %parallel_loop3A_797, %parallel_loop3A_809 : vector<16xi32>
        %parallel_loop3A_813 = arith.constant 3 : i32
        %parallel_loop3A_814 = vector.broadcast %parallel_loop3A_813 : i32 to vector<16xi32>
        %parallel_loop3A_815 = arith.addi %parallel_loop3A_797, %parallel_loop3A_814 : vector<16xi32>
        %parallel_loop3A_816 = tpu.vector_load_idx %arg5[%parallel_loop3A_38, %parallel_loop3A_815] : memref<512x64xf32, #tpu.memory_space<vmem>>[vector<16xi32>, vector<16xi32>], vector<16xf32>,
        %parallel_loop3A_817 = arith.addi %parallel_loop3A_797, %parallel_loop3A_814 : vector<16xi32>
        %parallel_loop3A_818 = arith.constant 4 : i32
        %parallel_loop3A_819 = vector.broadcast %parallel_loop3A_818 : i32 to vector<16xi32>
        %parallel_loop3A_820 = arith.addi %parallel_loop3A_797, %parallel_loop3A_819 : vector<16xi32>
        %parallel_loop3A_821 = tpu.vector_load_idx %arg5[%parallel_loop3A_38, %parallel_loop3A_820] : memref<512x64xf32, #tpu.memory_space<vmem>>[vector<16xi32>, vector<16xi32>], vector<16xf32>,
        %parallel_loop3A_822 = arith.addi %parallel_loop3A_797, %parallel_loop3A_819 : vector<16xi32>
        %parallel_loop3A_823 = arith.constant 5 : i32
        %parallel_loop3A_824 = vector.broadcast %parallel_loop3A_823 : i32 to vector<16xi32>
        %parallel_loop3A_825 = arith.addi %parallel_loop3A_797, %parallel_loop3A_824 : vector<16xi32>
        %parallel_loop3A_826 = tpu.vector_load_idx %arg5[%parallel_loop3A_38, %parallel_loop3A_825] : memref<512x64xf32, #tpu.memory_space<vmem>>[vector<16xi32>, vector<16xi32>], vector<16xf32>,
        %parallel_loop3A_827 = arith.addi %parallel_loop3A_797, %parallel_loop3A_824 : vector<16xi32>
        %parallel_loop3A_828 = arith.constant 6 : i32
        %parallel_loop3A_829 = vector.broadcast %parallel_loop3A_828 : i32 to vector<16xi32>
        %parallel_loop3A_830 = arith.addi %parallel_loop3A_797, %parallel_loop3A_829 : vector<16xi32>
        %parallel_loop3A_831 = tpu.vector_load_idx %arg5[%parallel_loop3A_38, %parallel_loop3A_830] : memref<512x64xf32, #tpu.memory_space<vmem>>[vector<16xi32>, vector<16xi32>], vector<16xf32>,
        %parallel_loop3A_832 = arith.addi %parallel_loop3A_797, %parallel_loop3A_829 : vector<16xi32>
        %parallel_loop3A_833 = arith.constant 7 : i32
        %parallel_loop3A_834 = vector.broadcast %parallel_loop3A_833 : i32 to vector<16xi32>
        %parallel_loop3A_835 = arith.addi %parallel_loop3A_797, %parallel_loop3A_834 : vector<16xi32>
        %parallel_loop3A_836 = tpu.vector_load_idx %arg5[%parallel_loop3A_38, %parallel_loop3A_835] : memref<512x64xf32, #tpu.memory_space<vmem>>[vector<16xi32>, vector<16xi32>], vector<16xf32>,
        %parallel_loop3A_837 = arith.addi %parallel_loop3A_797, %parallel_loop3A_834 : vector<16xi32>
        %parallel_loop3A_838 = arith.cmpf ogt, %parallel_loop3A_806, %parallel_loop3A_801 : vector<16xf32>
        %parallel_loop3A_839 = arith.select %parallel_loop3A_838, %parallel_loop3A_806, %parallel_loop3A_801 : vector<16xi1>, vector<16xf32>
        %parallel_loop3A_840 = arith.select %parallel_loop3A_838, %parallel_loop3A_807, %parallel_loop3A_802 : vector<16xi1>, vector<16xi32>
        %parallel_loop3A_841 = arith.cmpf ogt, %parallel_loop3A_816, %parallel_loop3A_811 : vector<16xf32>
        %parallel_loop3A_842 = arith.select %parallel_loop3A_841, %parallel_loop3A_816, %parallel_loop3A_811 : vector<16xi1>, vector<16xf32>
        %parallel_loop3A_843 = arith.select %parallel_loop3A_841, %parallel_loop3A_817, %parallel_loop3A_812 : vector<16xi1>, vector<16xi32>
        %parallel_loop3A_844 = arith.cmpf ogt, %parallel_loop3A_826, %parallel_loop3A_821 : vector<16xf32>
        %parallel_loop3A_845 = arith.select %parallel_loop3A_844, %parallel_loop3A_826, %parallel_loop3A_821 : vector<16xi1>, vector<16xf32>
        %parallel_loop3A_846 = arith.select %parallel_loop3A_844, %parallel_loop3A_827, %parallel_loop3A_822 : vector<16xi1>, vector<16xi32>
        %parallel_loop3A_847 = arith.cmpf ogt, %parallel_loop3A_836, %parallel_loop3A_831 : vector<16xf32>
        %parallel_loop3A_848 = arith.select %parallel_loop3A_847, %parallel_loop3A_836, %parallel_loop3A_831 : vector<16xi1>, vector<16xf32>
        %parallel_loop3A_849 = arith.select %parallel_loop3A_847, %parallel_loop3A_837, %parallel_loop3A_832 : vector<16xi1>, vector<16xi32>
        %parallel_loop3A_850 = arith.cmpf ogt, %parallel_loop3A_842, %parallel_loop3A_839 : vector<16xf32>
        %parallel_loop3A_851 = arith.select %parallel_loop3A_850, %parallel_loop3A_842, %parallel_loop3A_839 : vector<16xi1>, vector<16xf32>
        %parallel_loop3A_852 = arith.select %parallel_loop3A_850, %parallel_loop3A_843, %parallel_loop3A_840 : vector<16xi1>, vector<16xi32>
        %parallel_loop3A_853 = arith.cmpf ogt, %parallel_loop3A_848, %parallel_loop3A_845 : vector<16xf32>
        %parallel_loop3A_854 = arith.select %parallel_loop3A_853, %parallel_loop3A_848, %parallel_loop3A_845 : vector<16xi1>, vector<16xf32>
        %parallel_loop3A_855 = arith.select %parallel_loop3A_853, %parallel_loop3A_849, %parallel_loop3A_846 : vector<16xi1>, vector<16xi32>
        %parallel_loop3A_856 = arith.cmpf ogt, %parallel_loop3A_854, %parallel_loop3A_851 : vector<16xf32>
        %parallel_loop3A_857 = arith.select %parallel_loop3A_856, %parallel_loop3A_854, %parallel_loop3A_851 : vector<16xi1>, vector<16xf32>
        %parallel_loop3A_858 = arith.select %parallel_loop3A_856, %parallel_loop3A_855, %parallel_loop3A_852 : vector<16xi1>, vector<16xi32>
        %parallel_loop3A_859 = arith.constant 0 : i32
        %parallel_loop3A_860 = vector.broadcast %parallel_loop3A_859 : i32 to vector<16xi32>
        %parallel_loop3A_861 = arith.cmpi eq, %parallel_loop3A_797, %parallel_loop3A_860 : vector<16xi32>
        %parallel_loop3A_862 = arith.select %parallel_loop3A_861, %parallel_loop3A_857, %parallel_loop3A_737 : vector<16xi1>, vector<16xf32>
        %parallel_loop3A_863 = arith.select %parallel_loop3A_861, %parallel_loop3A_858, %parallel_loop3A_738 : vector<16xi1>, vector<16xi32>
        %parallel_loop3A_864 = arith.constant 8 : i32
        %parallel_loop3A_865 = vector.broadcast %parallel_loop3A_864 : i32 to vector<16xi32>
        %parallel_loop3A_866 = arith.cmpi eq, %parallel_loop3A_797, %parallel_loop3A_865 : vector<16xi32>
        %parallel_loop3A_867 = arith.select %parallel_loop3A_866, %parallel_loop3A_857, %parallel_loop3A_742 : vector<16xi1>, vector<16xf32>
        %parallel_loop3A_868 = arith.select %parallel_loop3A_866, %parallel_loop3A_858, %parallel_loop3A_743 : vector<16xi1>, vector<16xi32>
        %parallel_loop3A_869 = arith.constant 16 : i32
        %parallel_loop3A_870 = vector.broadcast %parallel_loop3A_869 : i32 to vector<16xi32>
        %parallel_loop3A_871 = arith.cmpi eq, %parallel_loop3A_797, %parallel_loop3A_870 : vector<16xi32>
        %parallel_loop3A_872 = arith.select %parallel_loop3A_871, %parallel_loop3A_857, %parallel_loop3A_747 : vector<16xi1>, vector<16xf32>
        %parallel_loop3A_873 = arith.select %parallel_loop3A_871, %parallel_loop3A_858, %parallel_loop3A_748 : vector<16xi1>, vector<16xi32>
        %parallel_loop3A_874 = arith.constant 24 : i32
        %parallel_loop3A_875 = vector.broadcast %parallel_loop3A_874 : i32 to vector<16xi32>
        %parallel_loop3A_876 = arith.cmpi eq, %parallel_loop3A_797, %parallel_loop3A_875 : vector<16xi32>
        %parallel_loop3A_877 = arith.select %parallel_loop3A_876, %parallel_loop3A_857, %parallel_loop3A_752 : vector<16xi1>, vector<16xf32>
        %parallel_loop3A_878 = arith.select %parallel_loop3A_876, %parallel_loop3A_858, %parallel_loop3A_753 : vector<16xi1>, vector<16xi32>
        %parallel_loop3A_879 = arith.constant 32 : i32
        %parallel_loop3A_880 = vector.broadcast %parallel_loop3A_879 : i32 to vector<16xi32>
        %parallel_loop3A_881 = arith.cmpi eq, %parallel_loop3A_797, %parallel_loop3A_880 : vector<16xi32>
        %parallel_loop3A_882 = arith.select %parallel_loop3A_881, %parallel_loop3A_857, %parallel_loop3A_757 : vector<16xi1>, vector<16xf32>
        %parallel_loop3A_883 = arith.select %parallel_loop3A_881, %parallel_loop3A_858, %parallel_loop3A_758 : vector<16xi1>, vector<16xi32>
        %parallel_loop3A_884 = arith.constant 40 : i32
        %parallel_loop3A_885 = vector.broadcast %parallel_loop3A_884 : i32 to vector<16xi32>
        %parallel_loop3A_886 = arith.cmpi eq, %parallel_loop3A_797, %parallel_loop3A_885 : vector<16xi32>
        %parallel_loop3A_887 = arith.select %parallel_loop3A_886, %parallel_loop3A_857, %parallel_loop3A_762 : vector<16xi1>, vector<16xf32>
        %parallel_loop3A_888 = arith.select %parallel_loop3A_886, %parallel_loop3A_858, %parallel_loop3A_763 : vector<16xi1>, vector<16xi32>
        %parallel_loop3A_889 = arith.constant 48 : i32
        %parallel_loop3A_890 = vector.broadcast %parallel_loop3A_889 : i32 to vector<16xi32>
        %parallel_loop3A_891 = arith.cmpi eq, %parallel_loop3A_797, %parallel_loop3A_890 : vector<16xi32>
        %parallel_loop3A_892 = arith.select %parallel_loop3A_891, %parallel_loop3A_857, %parallel_loop3A_767 : vector<16xi1>, vector<16xf32>
        %parallel_loop3A_893 = arith.select %parallel_loop3A_891, %parallel_loop3A_858, %parallel_loop3A_768 : vector<16xi1>, vector<16xi32>
        %parallel_loop3A_894 = arith.constant 56 : i32
        %parallel_loop3A_895 = vector.broadcast %parallel_loop3A_894 : i32 to vector<16xi32>
        %parallel_loop3A_896 = arith.cmpi eq, %parallel_loop3A_797, %parallel_loop3A_895 : vector<16xi32>
        %parallel_loop3A_897 = arith.select %parallel_loop3A_896, %parallel_loop3A_857, %parallel_loop3A_772 : vector<16xi1>, vector<16xf32>
        %parallel_loop3A_898 = arith.select %parallel_loop3A_896, %parallel_loop3A_858, %parallel_loop3A_773 : vector<16xi1>, vector<16xi32>
        %parallel_loop3A_899 = arith.cmpf ogt, %parallel_loop3A_867, %parallel_loop3A_862 : vector<16xf32>
        %parallel_loop3A_900 = arith.select %parallel_loop3A_899, %parallel_loop3A_867, %parallel_loop3A_862 : vector<16xi1>, vector<16xf32>
        %parallel_loop3A_901 = arith.select %parallel_loop3A_899, %parallel_loop3A_868, %parallel_loop3A_863 : vector<16xi1>, vector<16xi32>
        %parallel_loop3A_902 = arith.cmpf ogt, %parallel_loop3A_877, %parallel_loop3A_872 : vector<16xf32>
        %parallel_loop3A_903 = arith.select %parallel_loop3A_902, %parallel_loop3A_877, %parallel_loop3A_872 : vector<16xi1>, vector<16xf32>
        %parallel_loop3A_904 = arith.select %parallel_loop3A_902, %parallel_loop3A_878, %parallel_loop3A_873 : vector<16xi1>, vector<16xi32>
        %parallel_loop3A_905 = arith.cmpf ogt, %parallel_loop3A_887, %parallel_loop3A_882 : vector<16xf32>
        %parallel_loop3A_906 = arith.select %parallel_loop3A_905, %parallel_loop3A_887, %parallel_loop3A_882 : vector<16xi1>, vector<16xf32>
        %parallel_loop3A_907 = arith.select %parallel_loop3A_905, %parallel_loop3A_888, %parallel_loop3A_883 : vector<16xi1>, vector<16xi32>
        %parallel_loop3A_908 = arith.cmpf ogt, %parallel_loop3A_897, %parallel_loop3A_892 : vector<16xf32>
        %parallel_loop3A_909 = arith.select %parallel_loop3A_908, %parallel_loop3A_897, %parallel_loop3A_892 : vector<16xi1>, vector<16xf32>
        %parallel_loop3A_910 = arith.select %parallel_loop3A_908, %parallel_loop3A_898, %parallel_loop3A_893 : vector<16xi1>, vector<16xi32>
        %parallel_loop3A_911 = arith.cmpf ogt, %parallel_loop3A_903, %parallel_loop3A_900 : vector<16xf32>
        %parallel_loop3A_912 = arith.select %parallel_loop3A_911, %parallel_loop3A_903, %parallel_loop3A_900 : vector<16xi1>, vector<16xf32>
        %parallel_loop3A_913 = arith.select %parallel_loop3A_911, %parallel_loop3A_904, %parallel_loop3A_901 : vector<16xi1>, vector<16xi32>
        %parallel_loop3A_914 = arith.cmpf ogt, %parallel_loop3A_909, %parallel_loop3A_906 : vector<16xf32>
        %parallel_loop3A_915 = arith.select %parallel_loop3A_914, %parallel_loop3A_909, %parallel_loop3A_906 : vector<16xi1>, vector<16xf32>
        %parallel_loop3A_916 = arith.select %parallel_loop3A_914, %parallel_loop3A_910, %parallel_loop3A_907 : vector<16xi1>, vector<16xi32>
        %parallel_loop3A_917 = arith.cmpf ogt, %parallel_loop3A_915, %parallel_loop3A_912 : vector<16xf32>
        %parallel_loop3A_918 = arith.select %parallel_loop3A_917, %parallel_loop3A_915, %parallel_loop3A_912 : vector<16xi1>, vector<16xf32>
        %parallel_loop3A_919 = arith.select %parallel_loop3A_917, %parallel_loop3A_916, %parallel_loop3A_913 : vector<16xi1>, vector<16xi32>
        tpu.vector_store_idx %arg5[%parallel_loop3A_38, %parallel_loop3A_919], %broadcast_in_dim3A_1 : memref<512x64xf32, #tpu.memory_space<vmem>>[vector<16xi32>, vector<16xi32>], vector<16xf32>,
        %parallel_loop3A_920 = arith.constant -8 : i32
        %parallel_loop3A_921 = vector.broadcast %parallel_loop3A_920 : i32 to vector<16xi32>
        %parallel_loop3A_922 = arith.andi %parallel_loop3A_919, %parallel_loop3A_921 : vector<16xi32>
        %parallel_loop3A_923 = arith.constant 0 : i32
        %parallel_loop3A_924 = vector.broadcast %parallel_loop3A_923 : i32 to vector<16xi32>
        %parallel_loop3A_925 = arith.addi %parallel_loop3A_922, %parallel_loop3A_924 : vector<16xi32>
        %parallel_loop3A_926 = tpu.vector_load_idx %arg5[%parallel_loop3A_38, %parallel_loop3A_925] : memref<512x64xf32, #tpu.memory_space<vmem>>[vector<16xi32>, vector<16xi32>], vector<16xf32>,
        %parallel_loop3A_927 = arith.addi %parallel_loop3A_922, %parallel_loop3A_924 : vector<16xi32>
        %parallel_loop3A_928 = arith.constant 1 : i32
        %parallel_loop3A_929 = vector.broadcast %parallel_loop3A_928 : i32 to vector<16xi32>
        %parallel_loop3A_930 = arith.addi %parallel_loop3A_922, %parallel_loop3A_929 : vector<16xi32>
        %parallel_loop3A_931 = tpu.vector_load_idx %arg5[%parallel_loop3A_38, %parallel_loop3A_930] : memref<512x64xf32, #tpu.memory_space<vmem>>[vector<16xi32>, vector<16xi32>], vector<16xf32>,
        %parallel_loop3A_932 = arith.addi %parallel_loop3A_922, %parallel_loop3A_929 : vector<16xi32>
        %parallel_loop3A_933 = arith.constant 2 : i32
        %parallel_loop3A_934 = vector.broadcast %parallel_loop3A_933 : i32 to vector<16xi32>
        %parallel_loop3A_935 = arith.addi %parallel_loop3A_922, %parallel_loop3A_934 : vector<16xi32>
        %parallel_loop3A_936 = tpu.vector_load_idx %arg5[%parallel_loop3A_38, %parallel_loop3A_935] : memref<512x64xf32, #tpu.memory_space<vmem>>[vector<16xi32>, vector<16xi32>], vector<16xf32>,
        %parallel_loop3A_937 = arith.addi %parallel_loop3A_922, %parallel_loop3A_934 : vector<16xi32>
        %parallel_loop3A_938 = arith.constant 3 : i32
        %parallel_loop3A_939 = vector.broadcast %parallel_loop3A_938 : i32 to vector<16xi32>
        %parallel_loop3A_940 = arith.addi %parallel_loop3A_922, %parallel_loop3A_939 : vector<16xi32>
        %parallel_loop3A_941 = tpu.vector_load_idx %arg5[%parallel_loop3A_38, %parallel_loop3A_940] : memref<512x64xf32, #tpu.memory_space<vmem>>[vector<16xi32>, vector<16xi32>], vector<16xf32>,
        %parallel_loop3A_942 = arith.addi %parallel_loop3A_922, %parallel_loop3A_939 : vector<16xi32>
        %parallel_loop3A_943 = arith.constant 4 : i32
        %parallel_loop3A_944 = vector.broadcast %parallel_loop3A_943 : i32 to vector<16xi32>
        %parallel_loop3A_945 = arith.addi %parallel_loop3A_922, %parallel_loop3A_944 : vector<16xi32>
        %parallel_loop3A_946 = tpu.vector_load_idx %arg5[%parallel_loop3A_38, %parallel_loop3A_945] : memref<512x64xf32, #tpu.memory_space<vmem>>[vector<16xi32>, vector<16xi32>], vector<16xf32>,
        %parallel_loop3A_947 = arith.addi %parallel_loop3A_922, %parallel_loop3A_944 : vector<16xi32>
        %parallel_loop3A_948 = arith.constant 5 : i32
        %parallel_loop3A_949 = vector.broadcast %parallel_loop3A_948 : i32 to vector<16xi32>
        %parallel_loop3A_950 = arith.addi %parallel_loop3A_922, %parallel_loop3A_949 : vector<16xi32>
        %parallel_loop3A_951 = tpu.vector_load_idx %arg5[%parallel_loop3A_38, %parallel_loop3A_950] : memref<512x64xf32, #tpu.memory_space<vmem>>[vector<16xi32>, vector<16xi32>], vector<16xf32>,
        %parallel_loop3A_952 = arith.addi %parallel_loop3A_922, %parallel_loop3A_949 : vector<16xi32>
        %parallel_loop3A_953 = arith.constant 6 : i32
        %parallel_loop3A_954 = vector.broadcast %parallel_loop3A_953 : i32 to vector<16xi32>
        %parallel_loop3A_955 = arith.addi %parallel_loop3A_922, %parallel_loop3A_954 : vector<16xi32>
        %parallel_loop3A_956 = tpu.vector_load_idx %arg5[%parallel_loop3A_38, %parallel_loop3A_955] : memref<512x64xf32, #tpu.memory_space<vmem>>[vector<16xi32>, vector<16xi32>], vector<16xf32>,
        %parallel_loop3A_957 = arith.addi %parallel_loop3A_922, %parallel_loop3A_954 : vector<16xi32>
        %parallel_loop3A_958 = arith.constant 7 : i32
        %parallel_loop3A_959 = vector.broadcast %parallel_loop3A_958 : i32 to vector<16xi32>
        %parallel_loop3A_960 = arith.addi %parallel_loop3A_922, %parallel_loop3A_959 : vector<16xi32>
        %parallel_loop3A_961 = tpu.vector_load_idx %arg5[%parallel_loop3A_38, %parallel_loop3A_960] : memref<512x64xf32, #tpu.memory_space<vmem>>[vector<16xi32>, vector<16xi32>], vector<16xf32>,
        %parallel_loop3A_962 = arith.addi %parallel_loop3A_922, %parallel_loop3A_959 : vector<16xi32>
        %parallel_loop3A_963 = arith.cmpf ogt, %parallel_loop3A_931, %parallel_loop3A_926 : vector<16xf32>
        %parallel_loop3A_964 = arith.select %parallel_loop3A_963, %parallel_loop3A_931, %parallel_loop3A_926 : vector<16xi1>, vector<16xf32>
        %parallel_loop3A_965 = arith.select %parallel_loop3A_963, %parallel_loop3A_932, %parallel_loop3A_927 : vector<16xi1>, vector<16xi32>
        %parallel_loop3A_966 = arith.cmpf ogt, %parallel_loop3A_941, %parallel_loop3A_936 : vector<16xf32>
        %parallel_loop3A_967 = arith.select %parallel_loop3A_966, %parallel_loop3A_941, %parallel_loop3A_936 : vector<16xi1>, vector<16xf32>
        %parallel_loop3A_968 = arith.select %parallel_loop3A_966, %parallel_loop3A_942, %parallel_loop3A_937 : vector<16xi1>, vector<16xi32>
        %parallel_loop3A_969 = arith.cmpf ogt, %parallel_loop3A_951, %parallel_loop3A_946 : vector<16xf32>
        %parallel_loop3A_970 = arith.select %parallel_loop3A_969, %parallel_loop3A_951, %parallel_loop3A_946 : vector<16xi1>, vector<16xf32>
        %parallel_loop3A_971 = arith.select %parallel_loop3A_969, %parallel_loop3A_952, %parallel_loop3A_947 : vector<16xi1>, vector<16xi32>
        %parallel_loop3A_972 = arith.cmpf ogt, %parallel_loop3A_961, %parallel_loop3A_956 : vector<16xf32>
        %parallel_loop3A_973 = arith.select %parallel_loop3A_972, %parallel_loop3A_961, %parallel_loop3A_956 : vector<16xi1>, vector<16xf32>
        %parallel_loop3A_974 = arith.select %parallel_loop3A_972, %parallel_loop3A_962, %parallel_loop3A_957 : vector<16xi1>, vector<16xi32>
        %parallel_loop3A_975 = arith.cmpf ogt, %parallel_loop3A_967, %parallel_loop3A_964 : vector<16xf32>
        %parallel_loop3A_976 = arith.select %parallel_loop3A_975, %parallel_loop3A_967, %parallel_loop3A_964 : vector<16xi1>, vector<16xf32>
        %parallel_loop3A_977 = arith.select %parallel_loop3A_975, %parallel_loop3A_968, %parallel_loop3A_965 : vector<16xi1>, vector<16xi32>
        %parallel_loop3A_978 = arith.cmpf ogt, %parallel_loop3A_973, %parallel_loop3A_970 : vector<16xf32>
        %parallel_loop3A_979 = arith.select %parallel_loop3A_978, %parallel_loop3A_973, %parallel_loop3A_970 : vector<16xi1>, vector<16xf32>
        %parallel_loop3A_980 = arith.select %parallel_loop3A_978, %parallel_loop3A_974, %parallel_loop3A_971 : vector<16xi1>, vector<16xi32>
        %parallel_loop3A_981 = arith.cmpf ogt, %parallel_loop3A_979, %parallel_loop3A_976 : vector<16xf32>
        %parallel_loop3A_982 = arith.select %parallel_loop3A_981, %parallel_loop3A_979, %parallel_loop3A_976 : vector<16xi1>, vector<16xf32>
        %parallel_loop3A_983 = arith.select %parallel_loop3A_981, %parallel_loop3A_980, %parallel_loop3A_977 : vector<16xi1>, vector<16xi32>
        %parallel_loop3A_984 = arith.constant 0 : i32
        %parallel_loop3A_985 = vector.broadcast %parallel_loop3A_984 : i32 to vector<16xi32>
        %parallel_loop3A_986 = arith.cmpi eq, %parallel_loop3A_922, %parallel_loop3A_985 : vector<16xi32>
        %parallel_loop3A_987 = arith.select %parallel_loop3A_986, %parallel_loop3A_982, %parallel_loop3A_862 : vector<16xi1>, vector<16xf32>
        %parallel_loop3A_988 = arith.select %parallel_loop3A_986, %parallel_loop3A_983, %parallel_loop3A_863 : vector<16xi1>, vector<16xi32>
        %parallel_loop3A_989 = arith.constant 8 : i32
        %parallel_loop3A_990 = vector.broadcast %parallel_loop3A_989 : i32 to vector<16xi32>
        %parallel_loop3A_991 = arith.cmpi eq, %parallel_loop3A_922, %parallel_loop3A_990 : vector<16xi32>
        %parallel_loop3A_992 = arith.select %parallel_loop3A_991, %parallel_loop3A_982, %parallel_loop3A_867 : vector<16xi1>, vector<16xf32>
        %parallel_loop3A_993 = arith.select %parallel_loop3A_991, %parallel_loop3A_983, %parallel_loop3A_868 : vector<16xi1>, vector<16xi32>
        %parallel_loop3A_994 = arith.constant 16 : i32
        %parallel_loop3A_995 = vector.broadcast %parallel_loop3A_994 : i32 to vector<16xi32>
        %parallel_loop3A_996 = arith.cmpi eq, %parallel_loop3A_922, %parallel_loop3A_995 : vector<16xi32>
        %parallel_loop3A_997 = arith.select %parallel_loop3A_996, %parallel_loop3A_982, %parallel_loop3A_872 : vector<16xi1>, vector<16xf32>
        %parallel_loop3A_998 = arith.select %parallel_loop3A_996, %parallel_loop3A_983, %parallel_loop3A_873 : vector<16xi1>, vector<16xi32>
        %parallel_loop3A_999 = arith.constant 24 : i32
        %parallel_loop3A_1000 = vector.broadcast %parallel_loop3A_999 : i32 to vector<16xi32>
        %parallel_loop3A_1001 = arith.cmpi eq, %parallel_loop3A_922, %parallel_loop3A_1000 : vector<16xi32>
        %parallel_loop3A_1002 = arith.select %parallel_loop3A_1001, %parallel_loop3A_982, %parallel_loop3A_877 : vector<16xi1>, vector<16xf32>
        %parallel_loop3A_1003 = arith.select %parallel_loop3A_1001, %parallel_loop3A_983, %parallel_loop3A_878 : vector<16xi1>, vector<16xi32>
        %parallel_loop3A_1004 = arith.constant 32 : i32
        %parallel_loop3A_1005 = vector.broadcast %parallel_loop3A_1004 : i32 to vector<16xi32>
        %parallel_loop3A_1006 = arith.cmpi eq, %parallel_loop3A_922, %parallel_loop3A_1005 : vector<16xi32>
        %parallel_loop3A_1007 = arith.select %parallel_loop3A_1006, %parallel_loop3A_982, %parallel_loop3A_882 : vector<16xi1>, vector<16xf32>
        %parallel_loop3A_1008 = arith.select %parallel_loop3A_1006, %parallel_loop3A_983, %parallel_loop3A_883 : vector<16xi1>, vector<16xi32>
        %parallel_loop3A_1009 = arith.constant 40 : i32
        %parallel_loop3A_1010 = vector.broadcast %parallel_loop3A_1009 : i32 to vector<16xi32>
        %parallel_loop3A_1011 = arith.cmpi eq, %parallel_loop3A_922, %parallel_loop3A_1010 : vector<16xi32>
        %parallel_loop3A_1012 = arith.select %parallel_loop3A_1011, %parallel_loop3A_982, %parallel_loop3A_887 : vector<16xi1>, vector<16xf32>
        %parallel_loop3A_1013 = arith.select %parallel_loop3A_1011, %parallel_loop3A_983, %parallel_loop3A_888 : vector<16xi1>, vector<16xi32>
        %parallel_loop3A_1014 = arith.constant 48 : i32
        %parallel_loop3A_1015 = vector.broadcast %parallel_loop3A_1014 : i32 to vector<16xi32>
        %parallel_loop3A_1016 = arith.cmpi eq, %parallel_loop3A_922, %parallel_loop3A_1015 : vector<16xi32>
        %parallel_loop3A_1017 = arith.select %parallel_loop3A_1016, %parallel_loop3A_982, %parallel_loop3A_892 : vector<16xi1>, vector<16xf32>
        %parallel_loop3A_1018 = arith.select %parallel_loop3A_1016, %parallel_loop3A_983, %parallel_loop3A_893 : vector<16xi1>, vector<16xi32>
        %parallel_loop3A_1019 = arith.constant 56 : i32
        %parallel_loop3A_1020 = vector.broadcast %parallel_loop3A_1019 : i32 to vector<16xi32>
        %parallel_loop3A_1021 = arith.cmpi eq, %parallel_loop3A_922, %parallel_loop3A_1020 : vector<16xi32>
        %parallel_loop3A_1022 = arith.select %parallel_loop3A_1021, %parallel_loop3A_982, %parallel_loop3A_897 : vector<16xi1>, vector<16xf32>
        %parallel_loop3A_1023 = arith.select %parallel_loop3A_1021, %parallel_loop3A_983, %parallel_loop3A_898 : vector<16xi1>, vector<16xi32>
        %parallel_loop3A_1024 = arith.cmpf ogt, %parallel_loop3A_992, %parallel_loop3A_987 : vector<16xf32>
        %parallel_loop3A_1025 = arith.select %parallel_loop3A_1024, %parallel_loop3A_992, %parallel_loop3A_987 : vector<16xi1>, vector<16xf32>
        %parallel_loop3A_1026 = arith.select %parallel_loop3A_1024, %parallel_loop3A_993, %parallel_loop3A_988 : vector<16xi1>, vector<16xi32>
        %parallel_loop3A_1027 = arith.cmpf ogt, %parallel_loop3A_1002, %parallel_loop3A_997 : vector<16xf32>
        %parallel_loop3A_1028 = arith.select %parallel_loop3A_1027, %parallel_loop3A_1002, %parallel_loop3A_997 : vector<16xi1>, vector<16xf32>
        %parallel_loop3A_1029 = arith.select %parallel_loop3A_1027, %parallel_loop3A_1003, %parallel_loop3A_998 : vector<16xi1>, vector<16xi32>
        %parallel_loop3A_1030 = arith.cmpf ogt, %parallel_loop3A_1012, %parallel_loop3A_1007 : vector<16xf32>
        %parallel_loop3A_1031 = arith.select %parallel_loop3A_1030, %parallel_loop3A_1012, %parallel_loop3A_1007 : vector<16xi1>, vector<16xf32>
        %parallel_loop3A_1032 = arith.select %parallel_loop3A_1030, %parallel_loop3A_1013, %parallel_loop3A_1008 : vector<16xi1>, vector<16xi32>
        %parallel_loop3A_1033 = arith.cmpf ogt, %parallel_loop3A_1022, %parallel_loop3A_1017 : vector<16xf32>
        %parallel_loop3A_1034 = arith.select %parallel_loop3A_1033, %parallel_loop3A_1022, %parallel_loop3A_1017 : vector<16xi1>, vector<16xf32>
        %parallel_loop3A_1035 = arith.select %parallel_loop3A_1033, %parallel_loop3A_1023, %parallel_loop3A_1018 : vector<16xi1>, vector<16xi32>
        %parallel_loop3A_1036 = arith.cmpf ogt, %parallel_loop3A_1028, %parallel_loop3A_1025 : vector<16xf32>
        %parallel_loop3A_1037 = arith.select %parallel_loop3A_1036, %parallel_loop3A_1028, %parallel_loop3A_1025 : vector<16xi1>, vector<16xf32>
        %parallel_loop3A_1038 = arith.select %parallel_loop3A_1036, %parallel_loop3A_1029, %parallel_loop3A_1026 : vector<16xi1>, vector<16xi32>
        %parallel_loop3A_1039 = arith.cmpf ogt, %parallel_loop3A_1034, %parallel_loop3A_1031 : vector<16xf32>
        %parallel_loop3A_1040 = arith.select %parallel_loop3A_1039, %parallel_loop3A_1034, %parallel_loop3A_1031 : vector<16xi1>, vector<16xf32>
        %parallel_loop3A_1041 = arith.select %parallel_loop3A_1039, %parallel_loop3A_1035, %parallel_loop3A_1032 : vector<16xi1>, vector<16xi32>
        %parallel_loop3A_1042 = arith.cmpf ogt, %parallel_loop3A_1040, %parallel_loop3A_1037 : vector<16xf32>
        %parallel_loop3A_1043 = arith.select %parallel_loop3A_1042, %parallel_loop3A_1040, %parallel_loop3A_1037 : vector<16xi1>, vector<16xf32>
        %parallel_loop3A_1044 = arith.select %parallel_loop3A_1042, %parallel_loop3A_1041, %parallel_loop3A_1038 : vector<16xi1>, vector<16xi32>
        tpu.vector_store_idx %arg5[%parallel_loop3A_38, %parallel_loop3A_1044], %broadcast_in_dim3A_1 : memref<512x64xf32, #tpu.memory_space<vmem>>[vector<16xi32>, vector<16xi32>], vector<16xf32>,
        %parallel_loop3A_1045 = arith.constant -8 : i32
        %parallel_loop3A_1046 = vector.broadcast %parallel_loop3A_1045 : i32 to vector<16xi32>
        %parallel_loop3A_1047 = arith.andi %parallel_loop3A_1044, %parallel_loop3A_1046 : vector<16xi32>
        %parallel_loop3A_1048 = arith.constant 0 : i32
        %parallel_loop3A_1049 = vector.broadcast %parallel_loop3A_1048 : i32 to vector<16xi32>
        %parallel_loop3A_1050 = arith.addi %parallel_loop3A_1047, %parallel_loop3A_1049 : vector<16xi32>
        %parallel_loop3A_1051 = tpu.vector_load_idx %arg5[%parallel_loop3A_38, %parallel_loop3A_1050] : memref<512x64xf32, #tpu.memory_space<vmem>>[vector<16xi32>, vector<16xi32>], vector<16xf32>,
        %parallel_loop3A_1052 = arith.addi %parallel_loop3A_1047, %parallel_loop3A_1049 : vector<16xi32>
        %parallel_loop3A_1053 = arith.constant 1 : i32
        %parallel_loop3A_1054 = vector.broadcast %parallel_loop3A_1053 : i32 to vector<16xi32>
        %parallel_loop3A_1055 = arith.addi %parallel_loop3A_1047, %parallel_loop3A_1054 : vector<16xi32>
        %parallel_loop3A_1056 = tpu.vector_load_idx %arg5[%parallel_loop3A_38, %parallel_loop3A_1055] : memref<512x64xf32, #tpu.memory_space<vmem>>[vector<16xi32>, vector<16xi32>], vector<16xf32>,
        %parallel_loop3A_1057 = arith.addi %parallel_loop3A_1047, %parallel_loop3A_1054 : vector<16xi32>
        %parallel_loop3A_1058 = arith.constant 2 : i32
        %parallel_loop3A_1059 = vector.broadcast %parallel_loop3A_1058 : i32 to vector<16xi32>
        %parallel_loop3A_1060 = arith.addi %parallel_loop3A_1047, %parallel_loop3A_1059 : vector<16xi32>
        %parallel_loop3A_1061 = tpu.vector_load_idx %arg5[%parallel_loop3A_38, %parallel_loop3A_1060] : memref<512x64xf32, #tpu.memory_space<vmem>>[vector<16xi32>, vector<16xi32>], vector<16xf32>,
        %parallel_loop3A_1062 = arith.addi %parallel_loop3A_1047, %parallel_loop3A_1059 : vector<16xi32>
        %parallel_loop3A_1063 = arith.constant 3 : i32
        %parallel_loop3A_1064 = vector.broadcast %parallel_loop3A_1063 : i32 to vector<16xi32>
        %parallel_loop3A_1065 = arith.addi %parallel_loop3A_1047, %parallel_loop3A_1064 : vector<16xi32>
        %parallel_loop3A_1066 = tpu.vector_load_idx %arg5[%parallel_loop3A_38, %parallel_loop3A_1065] : memref<512x64xf32, #tpu.memory_space<vmem>>[vector<16xi32>, vector<16xi32>], vector<16xf32>,
        %parallel_loop3A_1067 = arith.addi %parallel_loop3A_1047, %parallel_loop3A_1064 : vector<16xi32>
        %parallel_loop3A_1068 = arith.constant 4 : i32
        %parallel_loop3A_1069 = vector.broadcast %parallel_loop3A_1068 : i32 to vector<16xi32>
        %parallel_loop3A_1070 = arith.addi %parallel_loop3A_1047, %parallel_loop3A_1069 : vector<16xi32>
        %parallel_loop3A_1071 = tpu.vector_load_idx %arg5[%parallel_loop3A_38, %parallel_loop3A_1070] : memref<512x64xf32, #tpu.memory_space<vmem>>[vector<16xi32>, vector<16xi32>], vector<16xf32>,
        %parallel_loop3A_1072 = arith.addi %parallel_loop3A_1047, %parallel_loop3A_1069 : vector<16xi32>
        %parallel_loop3A_1073 = arith.constant 5 : i32
        %parallel_loop3A_1074 = vector.broadcast %parallel_loop3A_1073 : i32 to vector<16xi32>
        %parallel_loop3A_1075 = arith.addi %parallel_loop3A_1047, %parallel_loop3A_1074 : vector<16xi32>
        %parallel_loop3A_1076 = tpu.vector_load_idx %arg5[%parallel_loop3A_38, %parallel_loop3A_1075] : memref<512x64xf32, #tpu.memory_space<vmem>>[vector<16xi32>, vector<16xi32>], vector<16xf32>,
        %parallel_loop3A_1077 = arith.addi %parallel_loop3A_1047, %parallel_loop3A_1074 : vector<16xi32>
        %parallel_loop3A_1078 = arith.constant 6 : i32
        %parallel_loop3A_1079 = vector.broadcast %parallel_loop3A_1078 : i32 to vector<16xi32>
        %parallel_loop3A_1080 = arith.addi %parallel_loop3A_1047, %parallel_loop3A_1079 : vector<16xi32>
        %parallel_loop3A_1081 = tpu.vector_load_idx %arg5[%parallel_loop3A_38, %parallel_loop3A_1080] : memref<512x64xf32, #tpu.memory_space<vmem>>[vector<16xi32>, vector<16xi32>], vector<16xf32>,
        %parallel_loop3A_1082 = arith.addi %parallel_loop3A_1047, %parallel_loop3A_1079 : vector<16xi32>
        %parallel_loop3A_1083 = arith.constant 7 : i32
        %parallel_loop3A_1084 = vector.broadcast %parallel_loop3A_1083 : i32 to vector<16xi32>
        %parallel_loop3A_1085 = arith.addi %parallel_loop3A_1047, %parallel_loop3A_1084 : vector<16xi32>
        %parallel_loop3A_1086 = tpu.vector_load_idx %arg5[%parallel_loop3A_38, %parallel_loop3A_1085] : memref<512x64xf32, #tpu.memory_space<vmem>>[vector<16xi32>, vector<16xi32>], vector<16xf32>,
        %parallel_loop3A_1087 = arith.addi %parallel_loop3A_1047, %parallel_loop3A_1084 : vector<16xi32>
        %parallel_loop3A_1088 = arith.cmpf ogt, %parallel_loop3A_1056, %parallel_loop3A_1051 : vector<16xf32>
        %parallel_loop3A_1089 = arith.select %parallel_loop3A_1088, %parallel_loop3A_1056, %parallel_loop3A_1051 : vector<16xi1>, vector<16xf32>
        %parallel_loop3A_1090 = arith.select %parallel_loop3A_1088, %parallel_loop3A_1057, %parallel_loop3A_1052 : vector<16xi1>, vector<16xi32>
        %parallel_loop3A_1091 = arith.cmpf ogt, %parallel_loop3A_1066, %parallel_loop3A_1061 : vector<16xf32>
        %parallel_loop3A_1092 = arith.select %parallel_loop3A_1091, %parallel_loop3A_1066, %parallel_loop3A_1061 : vector<16xi1>, vector<16xf32>
        %parallel_loop3A_1093 = arith.select %parallel_loop3A_1091, %parallel_loop3A_1067, %parallel_loop3A_1062 : vector<16xi1>, vector<16xi32>
        %parallel_loop3A_1094 = arith.cmpf ogt, %parallel_loop3A_1076, %parallel_loop3A_1071 : vector<16xf32>
        %parallel_loop3A_1095 = arith.select %parallel_loop3A_1094, %parallel_loop3A_1076, %parallel_loop3A_1071 : vector<16xi1>, vector<16xf32>
        %parallel_loop3A_1096 = arith.select %parallel_loop3A_1094, %parallel_loop3A_1077, %parallel_loop3A_1072 : vector<16xi1>, vector<16xi32>
        %parallel_loop3A_1097 = arith.cmpf ogt, %parallel_loop3A_1086, %parallel_loop3A_1081 : vector<16xf32>
        %parallel_loop3A_1098 = arith.select %parallel_loop3A_1097, %parallel_loop3A_1086, %parallel_loop3A_1081 : vector<16xi1>, vector<16xf32>
        %parallel_loop3A_1099 = arith.select %parallel_loop3A_1097, %parallel_loop3A_1087, %parallel_loop3A_1082 : vector<16xi1>, vector<16xi32>
        %parallel_loop3A_1100 = arith.cmpf ogt, %parallel_loop3A_1092, %parallel_loop3A_1089 : vector<16xf32>
        %parallel_loop3A_1101 = arith.select %parallel_loop3A_1100, %parallel_loop3A_1092, %parallel_loop3A_1089 : vector<16xi1>, vector<16xf32>
        %parallel_loop3A_1102 = arith.select %parallel_loop3A_1100, %parallel_loop3A_1093, %parallel_loop3A_1090 : vector<16xi1>, vector<16xi32>
        %parallel_loop3A_1103 = arith.cmpf ogt, %parallel_loop3A_1098, %parallel_loop3A_1095 : vector<16xf32>
        %parallel_loop3A_1104 = arith.select %parallel_loop3A_1103, %parallel_loop3A_1098, %parallel_loop3A_1095 : vector<16xi1>, vector<16xf32>
        %parallel_loop3A_1105 = arith.select %parallel_loop3A_1103, %parallel_loop3A_1099, %parallel_loop3A_1096 : vector<16xi1>, vector<16xi32>
        %parallel_loop3A_1106 = arith.cmpf ogt, %parallel_loop3A_1104, %parallel_loop3A_1101 : vector<16xf32>
        %parallel_loop3A_1107 = arith.select %parallel_loop3A_1106, %parallel_loop3A_1104, %parallel_loop3A_1101 : vector<16xi1>, vector<16xf32>
        %parallel_loop3A_1108 = arith.select %parallel_loop3A_1106, %parallel_loop3A_1105, %parallel_loop3A_1102 : vector<16xi1>, vector<16xi32>
        %parallel_loop3A_1109 = arith.constant 0 : i32
        %parallel_loop3A_1110 = vector.broadcast %parallel_loop3A_1109 : i32 to vector<16xi32>
        %parallel_loop3A_1111 = arith.cmpi eq, %parallel_loop3A_1047, %parallel_loop3A_1110 : vector<16xi32>
        %parallel_loop3A_1112 = arith.select %parallel_loop3A_1111, %parallel_loop3A_1107, %parallel_loop3A_987 : vector<16xi1>, vector<16xf32>
        %parallel_loop3A_1113 = arith.select %parallel_loop3A_1111, %parallel_loop3A_1108, %parallel_loop3A_988 : vector<16xi1>, vector<16xi32>
        %parallel_loop3A_1114 = arith.constant 8 : i32
        %parallel_loop3A_1115 = vector.broadcast %parallel_loop3A_1114 : i32 to vector<16xi32>
        %parallel_loop3A_1116 = arith.cmpi eq, %parallel_loop3A_1047, %parallel_loop3A_1115 : vector<16xi32>
        %parallel_loop3A_1117 = arith.select %parallel_loop3A_1116, %parallel_loop3A_1107, %parallel_loop3A_992 : vector<16xi1>, vector<16xf32>
        %parallel_loop3A_1118 = arith.select %parallel_loop3A_1116, %parallel_loop3A_1108, %parallel_loop3A_993 : vector<16xi1>, vector<16xi32>
        %parallel_loop3A_1119 = arith.constant 16 : i32
        %parallel_loop3A_1120 = vector.broadcast %parallel_loop3A_1119 : i32 to vector<16xi32>
        %parallel_loop3A_1121 = arith.cmpi eq, %parallel_loop3A_1047, %parallel_loop3A_1120 : vector<16xi32>
        %parallel_loop3A_1122 = arith.select %parallel_loop3A_1121, %parallel_loop3A_1107, %parallel_loop3A_997 : vector<16xi1>, vector<16xf32>
        %parallel_loop3A_1123 = arith.select %parallel_loop3A_1121, %parallel_loop3A_1108, %parallel_loop3A_998 : vector<16xi1>, vector<16xi32>
        %parallel_loop3A_1124 = arith.constant 24 : i32
        %parallel_loop3A_1125 = vector.broadcast %parallel_loop3A_1124 : i32 to vector<16xi32>
        %parallel_loop3A_1126 = arith.cmpi eq, %parallel_loop3A_1047, %parallel_loop3A_1125 : vector<16xi32>
        %parallel_loop3A_1127 = arith.select %parallel_loop3A_1126, %parallel_loop3A_1107, %parallel_loop3A_1002 : vector<16xi1>, vector<16xf32>
        %parallel_loop3A_1128 = arith.select %parallel_loop3A_1126, %parallel_loop3A_1108, %parallel_loop3A_1003 : vector<16xi1>, vector<16xi32>
        %parallel_loop3A_1129 = arith.constant 32 : i32
        %parallel_loop3A_1130 = vector.broadcast %parallel_loop3A_1129 : i32 to vector<16xi32>
        %parallel_loop3A_1131 = arith.cmpi eq, %parallel_loop3A_1047, %parallel_loop3A_1130 : vector<16xi32>
        %parallel_loop3A_1132 = arith.select %parallel_loop3A_1131, %parallel_loop3A_1107, %parallel_loop3A_1007 : vector<16xi1>, vector<16xf32>
        %parallel_loop3A_1133 = arith.select %parallel_loop3A_1131, %parallel_loop3A_1108, %parallel_loop3A_1008 : vector<16xi1>, vector<16xi32>
        %parallel_loop3A_1134 = arith.constant 40 : i32
        %parallel_loop3A_1135 = vector.broadcast %parallel_loop3A_1134 : i32 to vector<16xi32>
        %parallel_loop3A_1136 = arith.cmpi eq, %parallel_loop3A_1047, %parallel_loop3A_1135 : vector<16xi32>
        %parallel_loop3A_1137 = arith.select %parallel_loop3A_1136, %parallel_loop3A_1107, %parallel_loop3A_1012 : vector<16xi1>, vector<16xf32>
        %parallel_loop3A_1138 = arith.select %parallel_loop3A_1136, %parallel_loop3A_1108, %parallel_loop3A_1013 : vector<16xi1>, vector<16xi32>
        %parallel_loop3A_1139 = arith.constant 48 : i32
        %parallel_loop3A_1140 = vector.broadcast %parallel_loop3A_1139 : i32 to vector<16xi32>
        %parallel_loop3A_1141 = arith.cmpi eq, %parallel_loop3A_1047, %parallel_loop3A_1140 : vector<16xi32>
        %parallel_loop3A_1142 = arith.select %parallel_loop3A_1141, %parallel_loop3A_1107, %parallel_loop3A_1017 : vector<16xi1>, vector<16xf32>
        %parallel_loop3A_1143 = arith.select %parallel_loop3A_1141, %parallel_loop3A_1108, %parallel_loop3A_1018 : vector<16xi1>, vector<16xi32>
        %parallel_loop3A_1144 = arith.constant 56 : i32
        %parallel_loop3A_1145 = vector.broadcast %parallel_loop3A_1144 : i32 to vector<16xi32>
        %parallel_loop3A_1146 = arith.cmpi eq, %parallel_loop3A_1047, %parallel_loop3A_1145 : vector<16xi32>
        %parallel_loop3A_1147 = arith.select %parallel_loop3A_1146, %parallel_loop3A_1107, %parallel_loop3A_1022 : vector<16xi1>, vector<16xf32>
        %parallel_loop3A_1148 = arith.select %parallel_loop3A_1146, %parallel_loop3A_1108, %parallel_loop3A_1023 : vector<16xi1>, vector<16xi32>
        %parallel_loop3A_1149 = arith.cmpf ogt, %parallel_loop3A_1117, %parallel_loop3A_1112 : vector<16xf32>
        %parallel_loop3A_1150 = arith.select %parallel_loop3A_1149, %parallel_loop3A_1117, %parallel_loop3A_1112 : vector<16xi1>, vector<16xf32>
        %parallel_loop3A_1151 = arith.select %parallel_loop3A_1149, %parallel_loop3A_1118, %parallel_loop3A_1113 : vector<16xi1>, vector<16xi32>
        %parallel_loop3A_1152 = arith.cmpf ogt, %parallel_loop3A_1127, %parallel_loop3A_1122 : vector<16xf32>
        %parallel_loop3A_1153 = arith.select %parallel_loop3A_1152, %parallel_loop3A_1127, %parallel_loop3A_1122 : vector<16xi1>, vector<16xf32>
        %parallel_loop3A_1154 = arith.select %parallel_loop3A_1152, %parallel_loop3A_1128, %parallel_loop3A_1123 : vector<16xi1>, vector<16xi32>
        %parallel_loop3A_1155 = arith.cmpf ogt, %parallel_loop3A_1137, %parallel_loop3A_1132 : vector<16xf32>
        %parallel_loop3A_1156 = arith.select %parallel_loop3A_1155, %parallel_loop3A_1137, %parallel_loop3A_1132 : vector<16xi1>, vector<16xf32>
        %parallel_loop3A_1157 = arith.select %parallel_loop3A_1155, %parallel_loop3A_1138, %parallel_loop3A_1133 : vector<16xi1>, vector<16xi32>
        %parallel_loop3A_1158 = arith.cmpf ogt, %parallel_loop3A_1147, %parallel_loop3A_1142 : vector<16xf32>
        %parallel_loop3A_1159 = arith.select %parallel_loop3A_1158, %parallel_loop3A_1147, %parallel_loop3A_1142 : vector<16xi1>, vector<16xf32>
        %parallel_loop3A_1160 = arith.select %parallel_loop3A_1158, %parallel_loop3A_1148, %parallel_loop3A_1143 : vector<16xi1>, vector<16xi32>
        %parallel_loop3A_1161 = arith.cmpf ogt, %parallel_loop3A_1153, %parallel_loop3A_1150 : vector<16xf32>
        %parallel_loop3A_1162 = arith.select %parallel_loop3A_1161, %parallel_loop3A_1153, %parallel_loop3A_1150 : vector<16xi1>, vector<16xf32>
        %parallel_loop3A_1163 = arith.select %parallel_loop3A_1161, %parallel_loop3A_1154, %parallel_loop3A_1151 : vector<16xi1>, vector<16xi32>
        %parallel_loop3A_1164 = arith.cmpf ogt, %parallel_loop3A_1159, %parallel_loop3A_1156 : vector<16xf32>
        %parallel_loop3A_1165 = arith.select %parallel_loop3A_1164, %parallel_loop3A_1159, %parallel_loop3A_1156 : vector<16xi1>, vector<16xf32>
        %parallel_loop3A_1166 = arith.select %parallel_loop3A_1164, %parallel_loop3A_1160, %parallel_loop3A_1157 : vector<16xi1>, vector<16xi32>
        %parallel_loop3A_1167 = arith.cmpf ogt, %parallel_loop3A_1165, %parallel_loop3A_1162 : vector<16xf32>
        %parallel_loop3A_1168 = arith.select %parallel_loop3A_1167, %parallel_loop3A_1165, %parallel_loop3A_1162 : vector<16xi1>, vector<16xf32>
        %parallel_loop3A_1169 = arith.select %parallel_loop3A_1167, %parallel_loop3A_1166, %parallel_loop3A_1163 : vector<16xi1>, vector<16xi32>
        tpu.vector_store_idx %arg5[%parallel_loop3A_38, %parallel_loop3A_1169], %broadcast_in_dim3A_1 : memref<512x64xf32, #tpu.memory_space<vmem>>[vector<16xi32>, vector<16xi32>], vector<16xf32>,
        %parallel_loop3A_1170 = arith.constant -8 : i32
        %parallel_loop3A_1171 = vector.broadcast %parallel_loop3A_1170 : i32 to vector<16xi32>
        %parallel_loop3A_1172 = arith.andi %parallel_loop3A_1169, %parallel_loop3A_1171 : vector<16xi32>
        %parallel_loop3A_1173 = arith.constant 0 : i32
        %parallel_loop3A_1174 = vector.broadcast %parallel_loop3A_1173 : i32 to vector<16xi32>
        %parallel_loop3A_1175 = arith.addi %parallel_loop3A_1172, %parallel_loop3A_1174 : vector<16xi32>
        %parallel_loop3A_1176 = tpu.vector_load_idx %arg5[%parallel_loop3A_38, %parallel_loop3A_1175] : memref<512x64xf32, #tpu.memory_space<vmem>>[vector<16xi32>, vector<16xi32>], vector<16xf32>,
        %parallel_loop3A_1177 = arith.addi %parallel_loop3A_1172, %parallel_loop3A_1174 : vector<16xi32>
        %parallel_loop3A_1178 = arith.constant 1 : i32
        %parallel_loop3A_1179 = vector.broadcast %parallel_loop3A_1178 : i32 to vector<16xi32>
        %parallel_loop3A_1180 = arith.addi %parallel_loop3A_1172, %parallel_loop3A_1179 : vector<16xi32>
        %parallel_loop3A_1181 = tpu.vector_load_idx %arg5[%parallel_loop3A_38, %parallel_loop3A_1180] : memref<512x64xf32, #tpu.memory_space<vmem>>[vector<16xi32>, vector<16xi32>], vector<16xf32>,
        %parallel_loop3A_1182 = arith.addi %parallel_loop3A_1172, %parallel_loop3A_1179 : vector<16xi32>
        %parallel_loop3A_1183 = arith.constant 2 : i32
        %parallel_loop3A_1184 = vector.broadcast %parallel_loop3A_1183 : i32 to vector<16xi32>
        %parallel_loop3A_1185 = arith.addi %parallel_loop3A_1172, %parallel_loop3A_1184 : vector<16xi32>
        %parallel_loop3A_1186 = tpu.vector_load_idx %arg5[%parallel_loop3A_38, %parallel_loop3A_1185] : memref<512x64xf32, #tpu.memory_space<vmem>>[vector<16xi32>, vector<16xi32>], vector<16xf32>,
        %parallel_loop3A_1187 = arith.addi %parallel_loop3A_1172, %parallel_loop3A_1184 : vector<16xi32>
        %parallel_loop3A_1188 = arith.constant 3 : i32
        %parallel_loop3A_1189 = vector.broadcast %parallel_loop3A_1188 : i32 to vector<16xi32>
        %parallel_loop3A_1190 = arith.addi %parallel_loop3A_1172, %parallel_loop3A_1189 : vector<16xi32>
        %parallel_loop3A_1191 = tpu.vector_load_idx %arg5[%parallel_loop3A_38, %parallel_loop3A_1190] : memref<512x64xf32, #tpu.memory_space<vmem>>[vector<16xi32>, vector<16xi32>], vector<16xf32>,
        %parallel_loop3A_1192 = arith.addi %parallel_loop3A_1172, %parallel_loop3A_1189 : vector<16xi32>
        %parallel_loop3A_1193 = arith.constant 4 : i32
        %parallel_loop3A_1194 = vector.broadcast %parallel_loop3A_1193 : i32 to vector<16xi32>
        %parallel_loop3A_1195 = arith.addi %parallel_loop3A_1172, %parallel_loop3A_1194 : vector<16xi32>
        %parallel_loop3A_1196 = tpu.vector_load_idx %arg5[%parallel_loop3A_38, %parallel_loop3A_1195] : memref<512x64xf32, #tpu.memory_space<vmem>>[vector<16xi32>, vector<16xi32>], vector<16xf32>,
        %parallel_loop3A_1197 = arith.addi %parallel_loop3A_1172, %parallel_loop3A_1194 : vector<16xi32>
        %parallel_loop3A_1198 = arith.constant 5 : i32
        %parallel_loop3A_1199 = vector.broadcast %parallel_loop3A_1198 : i32 to vector<16xi32>
        %parallel_loop3A_1200 = arith.addi %parallel_loop3A_1172, %parallel_loop3A_1199 : vector<16xi32>
        %parallel_loop3A_1201 = tpu.vector_load_idx %arg5[%parallel_loop3A_38, %parallel_loop3A_1200] : memref<512x64xf32, #tpu.memory_space<vmem>>[vector<16xi32>, vector<16xi32>], vector<16xf32>,
        %parallel_loop3A_1202 = arith.addi %parallel_loop3A_1172, %parallel_loop3A_1199 : vector<16xi32>
        %parallel_loop3A_1203 = arith.constant 6 : i32
        %parallel_loop3A_1204 = vector.broadcast %parallel_loop3A_1203 : i32 to vector<16xi32>
        %parallel_loop3A_1205 = arith.addi %parallel_loop3A_1172, %parallel_loop3A_1204 : vector<16xi32>
        %parallel_loop3A_1206 = tpu.vector_load_idx %arg5[%parallel_loop3A_38, %parallel_loop3A_1205] : memref<512x64xf32, #tpu.memory_space<vmem>>[vector<16xi32>, vector<16xi32>], vector<16xf32>,
        %parallel_loop3A_1207 = arith.addi %parallel_loop3A_1172, %parallel_loop3A_1204 : vector<16xi32>
        %parallel_loop3A_1208 = arith.constant 7 : i32
        %parallel_loop3A_1209 = vector.broadcast %parallel_loop3A_1208 : i32 to vector<16xi32>
        %parallel_loop3A_1210 = arith.addi %parallel_loop3A_1172, %parallel_loop3A_1209 : vector<16xi32>
        %parallel_loop3A_1211 = tpu.vector_load_idx %arg5[%parallel_loop3A_38, %parallel_loop3A_1210] : memref<512x64xf32, #tpu.memory_space<vmem>>[vector<16xi32>, vector<16xi32>], vector<16xf32>,
        %parallel_loop3A_1212 = arith.addi %parallel_loop3A_1172, %parallel_loop3A_1209 : vector<16xi32>
        %parallel_loop3A_1213 = arith.cmpf ogt, %parallel_loop3A_1181, %parallel_loop3A_1176 : vector<16xf32>
        %parallel_loop3A_1214 = arith.select %parallel_loop3A_1213, %parallel_loop3A_1181, %parallel_loop3A_1176 : vector<16xi1>, vector<16xf32>
        %parallel_loop3A_1215 = arith.select %parallel_loop3A_1213, %parallel_loop3A_1182, %parallel_loop3A_1177 : vector<16xi1>, vector<16xi32>
        %parallel_loop3A_1216 = arith.cmpf ogt, %parallel_loop3A_1191, %parallel_loop3A_1186 : vector<16xf32>
        %parallel_loop3A_1217 = arith.select %parallel_loop3A_1216, %parallel_loop3A_1191, %parallel_loop3A_1186 : vector<16xi1>, vector<16xf32>
        %parallel_loop3A_1218 = arith.select %parallel_loop3A_1216, %parallel_loop3A_1192, %parallel_loop3A_1187 : vector<16xi1>, vector<16xi32>
        %parallel_loop3A_1219 = arith.cmpf ogt, %parallel_loop3A_1201, %parallel_loop3A_1196 : vector<16xf32>
        %parallel_loop3A_1220 = arith.select %parallel_loop3A_1219, %parallel_loop3A_1201, %parallel_loop3A_1196 : vector<16xi1>, vector<16xf32>
        %parallel_loop3A_1221 = arith.select %parallel_loop3A_1219, %parallel_loop3A_1202, %parallel_loop3A_1197 : vector<16xi1>, vector<16xi32>
        %parallel_loop3A_1222 = arith.cmpf ogt, %parallel_loop3A_1211, %parallel_loop3A_1206 : vector<16xf32>
        %parallel_loop3A_1223 = arith.select %parallel_loop3A_1222, %parallel_loop3A_1211, %parallel_loop3A_1206 : vector<16xi1>, vector<16xf32>
        %parallel_loop3A_1224 = arith.select %parallel_loop3A_1222, %parallel_loop3A_1212, %parallel_loop3A_1207 : vector<16xi1>, vector<16xi32>
        %parallel_loop3A_1225 = arith.cmpf ogt, %parallel_loop3A_1217, %parallel_loop3A_1214 : vector<16xf32>
        %parallel_loop3A_1226 = arith.select %parallel_loop3A_1225, %parallel_loop3A_1217, %parallel_loop3A_1214 : vector<16xi1>, vector<16xf32>
        %parallel_loop3A_1227 = arith.select %parallel_loop3A_1225, %parallel_loop3A_1218, %parallel_loop3A_1215 : vector<16xi1>, vector<16xi32>
        %parallel_loop3A_1228 = arith.cmpf ogt, %parallel_loop3A_1223, %parallel_loop3A_1220 : vector<16xf32>
        %parallel_loop3A_1229 = arith.select %parallel_loop3A_1228, %parallel_loop3A_1223, %parallel_loop3A_1220 : vector<16xi1>, vector<16xf32>
        %parallel_loop3A_1230 = arith.select %parallel_loop3A_1228, %parallel_loop3A_1224, %parallel_loop3A_1221 : vector<16xi1>, vector<16xi32>
        %parallel_loop3A_1231 = arith.cmpf ogt, %parallel_loop3A_1229, %parallel_loop3A_1226 : vector<16xf32>
        %parallel_loop3A_1232 = arith.select %parallel_loop3A_1231, %parallel_loop3A_1229, %parallel_loop3A_1226 : vector<16xi1>, vector<16xf32>
        %parallel_loop3A_1233 = arith.select %parallel_loop3A_1231, %parallel_loop3A_1230, %parallel_loop3A_1227 : vector<16xi1>, vector<16xi32>
        %parallel_loop3A_1234 = arith.constant 0 : i32
        %parallel_loop3A_1235 = vector.broadcast %parallel_loop3A_1234 : i32 to vector<16xi32>
        %parallel_loop3A_1236 = arith.cmpi eq, %parallel_loop3A_1172, %parallel_loop3A_1235 : vector<16xi32>
        %parallel_loop3A_1237 = arith.select %parallel_loop3A_1236, %parallel_loop3A_1232, %parallel_loop3A_1112 : vector<16xi1>, vector<16xf32>
        %parallel_loop3A_1238 = arith.select %parallel_loop3A_1236, %parallel_loop3A_1233, %parallel_loop3A_1113 : vector<16xi1>, vector<16xi32>
        %parallel_loop3A_1239 = arith.constant 8 : i32
        %parallel_loop3A_1240 = vector.broadcast %parallel_loop3A_1239 : i32 to vector<16xi32>
        %parallel_loop3A_1241 = arith.cmpi eq, %parallel_loop3A_1172, %parallel_loop3A_1240 : vector<16xi32>
        %parallel_loop3A_1242 = arith.select %parallel_loop3A_1241, %parallel_loop3A_1232, %parallel_loop3A_1117 : vector<16xi1>, vector<16xf32>
        %parallel_loop3A_1243 = arith.select %parallel_loop3A_1241, %parallel_loop3A_1233, %parallel_loop3A_1118 : vector<16xi1>, vector<16xi32>
        %parallel_loop3A_1244 = arith.constant 16 : i32
        %parallel_loop3A_1245 = vector.broadcast %parallel_loop3A_1244 : i32 to vector<16xi32>
        %parallel_loop3A_1246 = arith.cmpi eq, %parallel_loop3A_1172, %parallel_loop3A_1245 : vector<16xi32>
        %parallel_loop3A_1247 = arith.select %parallel_loop3A_1246, %parallel_loop3A_1232, %parallel_loop3A_1122 : vector<16xi1>, vector<16xf32>
        %parallel_loop3A_1248 = arith.select %parallel_loop3A_1246, %parallel_loop3A_1233, %parallel_loop3A_1123 : vector<16xi1>, vector<16xi32>
        %parallel_loop3A_1249 = arith.constant 24 : i32
        %parallel_loop3A_1250 = vector.broadcast %parallel_loop3A_1249 : i32 to vector<16xi32>
        %parallel_loop3A_1251 = arith.cmpi eq, %parallel_loop3A_1172, %parallel_loop3A_1250 : vector<16xi32>
        %parallel_loop3A_1252 = arith.select %parallel_loop3A_1251, %parallel_loop3A_1232, %parallel_loop3A_1127 : vector<16xi1>, vector<16xf32>
        %parallel_loop3A_1253 = arith.select %parallel_loop3A_1251, %parallel_loop3A_1233, %parallel_loop3A_1128 : vector<16xi1>, vector<16xi32>
        %parallel_loop3A_1254 = arith.constant 32 : i32
        %parallel_loop3A_1255 = vector.broadcast %parallel_loop3A_1254 : i32 to vector<16xi32>
        %parallel_loop3A_1256 = arith.cmpi eq, %parallel_loop3A_1172, %parallel_loop3A_1255 : vector<16xi32>
        %parallel_loop3A_1257 = arith.select %parallel_loop3A_1256, %parallel_loop3A_1232, %parallel_loop3A_1132 : vector<16xi1>, vector<16xf32>
        %parallel_loop3A_1258 = arith.select %parallel_loop3A_1256, %parallel_loop3A_1233, %parallel_loop3A_1133 : vector<16xi1>, vector<16xi32>
        %parallel_loop3A_1259 = arith.constant 40 : i32
        %parallel_loop3A_1260 = vector.broadcast %parallel_loop3A_1259 : i32 to vector<16xi32>
        %parallel_loop3A_1261 = arith.cmpi eq, %parallel_loop3A_1172, %parallel_loop3A_1260 : vector<16xi32>
        %parallel_loop3A_1262 = arith.select %parallel_loop3A_1261, %parallel_loop3A_1232, %parallel_loop3A_1137 : vector<16xi1>, vector<16xf32>
        %parallel_loop3A_1263 = arith.select %parallel_loop3A_1261, %parallel_loop3A_1233, %parallel_loop3A_1138 : vector<16xi1>, vector<16xi32>
        %parallel_loop3A_1264 = arith.constant 48 : i32
        %parallel_loop3A_1265 = vector.broadcast %parallel_loop3A_1264 : i32 to vector<16xi32>
        %parallel_loop3A_1266 = arith.cmpi eq, %parallel_loop3A_1172, %parallel_loop3A_1265 : vector<16xi32>
        %parallel_loop3A_1267 = arith.select %parallel_loop3A_1266, %parallel_loop3A_1232, %parallel_loop3A_1142 : vector<16xi1>, vector<16xf32>
        %parallel_loop3A_1268 = arith.select %parallel_loop3A_1266, %parallel_loop3A_1233, %parallel_loop3A_1143 : vector<16xi1>, vector<16xi32>
        %parallel_loop3A_1269 = arith.constant 56 : i32
        %parallel_loop3A_1270 = vector.broadcast %parallel_loop3A_1269 : i32 to vector<16xi32>
        %parallel_loop3A_1271 = arith.cmpi eq, %parallel_loop3A_1172, %parallel_loop3A_1270 : vector<16xi32>
        %parallel_loop3A_1272 = arith.select %parallel_loop3A_1271, %parallel_loop3A_1232, %parallel_loop3A_1147 : vector<16xi1>, vector<16xf32>
        %parallel_loop3A_1273 = arith.select %parallel_loop3A_1271, %parallel_loop3A_1233, %parallel_loop3A_1148 : vector<16xi1>, vector<16xi32>
        %parallel_loop3A_1274 = arith.cmpf ogt, %parallel_loop3A_1242, %parallel_loop3A_1237 : vector<16xf32>
        %parallel_loop3A_1275 = arith.select %parallel_loop3A_1274, %parallel_loop3A_1242, %parallel_loop3A_1237 : vector<16xi1>, vector<16xf32>
        %parallel_loop3A_1276 = arith.select %parallel_loop3A_1274, %parallel_loop3A_1243, %parallel_loop3A_1238 : vector<16xi1>, vector<16xi32>
        %parallel_loop3A_1277 = arith.cmpf ogt, %parallel_loop3A_1252, %parallel_loop3A_1247 : vector<16xf32>
        %parallel_loop3A_1278 = arith.select %parallel_loop3A_1277, %parallel_loop3A_1252, %parallel_loop3A_1247 : vector<16xi1>, vector<16xf32>
        %parallel_loop3A_1279 = arith.select %parallel_loop3A_1277, %parallel_loop3A_1253, %parallel_loop3A_1248 : vector<16xi1>, vector<16xi32>
        %parallel_loop3A_1280 = arith.cmpf ogt, %parallel_loop3A_1262, %parallel_loop3A_1257 : vector<16xf32>
        %parallel_loop3A_1281 = arith.select %parallel_loop3A_1280, %parallel_loop3A_1262, %parallel_loop3A_1257 : vector<16xi1>, vector<16xf32>
        %parallel_loop3A_1282 = arith.select %parallel_loop3A_1280, %parallel_loop3A_1263, %parallel_loop3A_1258 : vector<16xi1>, vector<16xi32>
        %parallel_loop3A_1283 = arith.cmpf ogt, %parallel_loop3A_1272, %parallel_loop3A_1267 : vector<16xf32>
        %parallel_loop3A_1284 = arith.select %parallel_loop3A_1283, %parallel_loop3A_1272, %parallel_loop3A_1267 : vector<16xi1>, vector<16xf32>
        %parallel_loop3A_1285 = arith.select %parallel_loop3A_1283, %parallel_loop3A_1273, %parallel_loop3A_1268 : vector<16xi1>, vector<16xi32>
        %parallel_loop3A_1286 = arith.cmpf ogt, %parallel_loop3A_1278, %parallel_loop3A_1275 : vector<16xf32>
        %parallel_loop3A_1287 = arith.select %parallel_loop3A_1286, %parallel_loop3A_1278, %parallel_loop3A_1275 : vector<16xi1>, vector<16xf32>
        %parallel_loop3A_1288 = arith.select %parallel_loop3A_1286, %parallel_loop3A_1279, %parallel_loop3A_1276 : vector<16xi1>, vector<16xi32>
        %parallel_loop3A_1289 = arith.cmpf ogt, %parallel_loop3A_1284, %parallel_loop3A_1281 : vector<16xf32>
        %parallel_loop3A_1290 = arith.select %parallel_loop3A_1289, %parallel_loop3A_1284, %parallel_loop3A_1281 : vector<16xi1>, vector<16xf32>
        %parallel_loop3A_1291 = arith.select %parallel_loop3A_1289, %parallel_loop3A_1285, %parallel_loop3A_1282 : vector<16xi1>, vector<16xi32>
        %parallel_loop3A_1292 = arith.cmpf ogt, %parallel_loop3A_1290, %parallel_loop3A_1287 : vector<16xf32>
        %parallel_loop3A_1293 = arith.select %parallel_loop3A_1292, %parallel_loop3A_1290, %parallel_loop3A_1287 : vector<16xi1>, vector<16xf32>
        %parallel_loop3A_1294 = arith.select %parallel_loop3A_1292, %parallel_loop3A_1291, %parallel_loop3A_1288 : vector<16xi1>, vector<16xi32>
        %parallel_loop3A_1295 = arith.subf %parallel_loop3A_418, %parallel_loop3A_418 : vector<16xf32>
        %parallel_loop3A_1296 = math.exp %parallel_loop3A_1295 : vector<16xf32>
        %parallel_loop3A_1297 = arith.subf %parallel_loop3A_543, %parallel_loop3A_418 : vector<16xf32>
        %parallel_loop3A_1298 = math.exp %parallel_loop3A_1297 : vector<16xf32>
        %parallel_loop3A_1299 = arith.subf %parallel_loop3A_668, %parallel_loop3A_418 : vector<16xf32>
        %parallel_loop3A_1300 = math.exp %parallel_loop3A_1299 : vector<16xf32>
        %parallel_loop3A_1301 = arith.subf %parallel_loop3A_793, %parallel_loop3A_418 : vector<16xf32>
        %parallel_loop3A_1302 = math.exp %parallel_loop3A_1301 : vector<16xf32>
        %parallel_loop3A_1303 = arith.subf %parallel_loop3A_918, %parallel_loop3A_418 : vector<16xf32>
        %parallel_loop3A_1304 = math.exp %parallel_loop3A_1303 : vector<16xf32>
        %parallel_loop3A_1305 = arith.subf %parallel_loop3A_1043, %parallel_loop3A_418 : vector<16xf32>
        %parallel_loop3A_1306 = math.exp %parallel_loop3A_1305 : vector<16xf32>
        %parallel_loop3A_1307 = arith.subf %parallel_loop3A_1168, %parallel_loop3A_418 : vector<16xf32>
        %parallel_loop3A_1308 = math.exp %parallel_loop3A_1307 : vector<16xf32>
        %parallel_loop3A_1309 = arith.subf %parallel_loop3A_1293, %parallel_loop3A_418 : vector<16xf32>
        %parallel_loop3A_1310 = math.exp %parallel_loop3A_1309 : vector<16xf32>
        %parallel_loop3A_1311 = arith.addf %parallel_loop3A_1296, %parallel_loop3A_1298 : vector<16xf32>
        %parallel_loop3A_1312 = arith.addf %parallel_loop3A_1311, %parallel_loop3A_1300 : vector<16xf32>
        %parallel_loop3A_1313 = arith.addf %parallel_loop3A_1312, %parallel_loop3A_1302 : vector<16xf32>
        %parallel_loop3A_1314 = arith.addf %parallel_loop3A_1313, %parallel_loop3A_1304 : vector<16xf32>
        %parallel_loop3A_1315 = arith.addf %parallel_loop3A_1314, %parallel_loop3A_1306 : vector<16xf32>
        %parallel_loop3A_1316 = arith.addf %parallel_loop3A_1315, %parallel_loop3A_1308 : vector<16xf32>
        %parallel_loop3A_1317 = arith.addf %parallel_loop3A_1316, %parallel_loop3A_1310 : vector<16xf32>
        %parallel_loop3A_1318 = arith.constant 16 : i32
        %parallel_loop3A_1319 = arith.muli %parallel_loop3A_33, %parallel_loop3A_1318 : i32
        %parallel_loop3A_1320 = vector.broadcast %parallel_loop3A_1319 : i32 to vector<16xi32>
        %parallel_loop3A_1321 = arith.addi %parallel_loop3A_1320, %iota3A : vector<16xi32>
        %parallel_loop3A_1322 = arith.constant 0 : i32
        %parallel_loop3A_1323 = vector.broadcast %parallel_loop3A_1322 : i32 to vector<16xi32>
        tpu.vector_store_idx %arg6[%parallel_loop3A_1321, %parallel_loop3A_1323], %parallel_loop3A_419 : memref<128x8xi32, #tpu.memory_space<vmem>>[vector<16xi32>, vector<16xi32>], vector<16xi32>,
        %parallel_loop3A_1324 = arith.divf %parallel_loop3A_1296, %parallel_loop3A_1317 : vector<16xf32>
        tpu.vector_store_idx %arg7[%parallel_loop3A_1321, %parallel_loop3A_1323], %parallel_loop3A_1324 : memref<128x8xf32, #tpu.memory_space<vmem>>[vector<16xi32>, vector<16xi32>], vector<16xf32>,
        %parallel_loop3A_1325 = arith.constant 1 : i32
        %parallel_loop3A_1326 = vector.broadcast %parallel_loop3A_1325 : i32 to vector<16xi32>
        tpu.vector_store_idx %arg6[%parallel_loop3A_1321, %parallel_loop3A_1326], %parallel_loop3A_544 : memref<128x8xi32, #tpu.memory_space<vmem>>[vector<16xi32>, vector<16xi32>], vector<16xi32>,
        %parallel_loop3A_1327 = arith.divf %parallel_loop3A_1298, %parallel_loop3A_1317 : vector<16xf32>
        tpu.vector_store_idx %arg7[%parallel_loop3A_1321, %parallel_loop3A_1326], %parallel_loop3A_1327 : memref<128x8xf32, #tpu.memory_space<vmem>>[vector<16xi32>, vector<16xi32>], vector<16xf32>,
        %parallel_loop3A_1328 = arith.constant 2 : i32
        %parallel_loop3A_1329 = vector.broadcast %parallel_loop3A_1328 : i32 to vector<16xi32>
        tpu.vector_store_idx %arg6[%parallel_loop3A_1321, %parallel_loop3A_1329], %parallel_loop3A_669 : memref<128x8xi32, #tpu.memory_space<vmem>>[vector<16xi32>, vector<16xi32>], vector<16xi32>,
        %parallel_loop3A_1330 = arith.divf %parallel_loop3A_1300, %parallel_loop3A_1317 : vector<16xf32>
        tpu.vector_store_idx %arg7[%parallel_loop3A_1321, %parallel_loop3A_1329], %parallel_loop3A_1330 : memref<128x8xf32, #tpu.memory_space<vmem>>[vector<16xi32>, vector<16xi32>], vector<16xf32>,
        %parallel_loop3A_1331 = arith.constant 3 : i32
        %parallel_loop3A_1332 = vector.broadcast %parallel_loop3A_1331 : i32 to vector<16xi32>
        tpu.vector_store_idx %arg6[%parallel_loop3A_1321, %parallel_loop3A_1332], %parallel_loop3A_794 : memref<128x8xi32, #tpu.memory_space<vmem>>[vector<16xi32>, vector<16xi32>], vector<16xi32>,
        %parallel_loop3A_1333 = arith.divf %parallel_loop3A_1302, %parallel_loop3A_1317 : vector<16xf32>
        tpu.vector_store_idx %arg7[%parallel_loop3A_1321, %parallel_loop3A_1332], %parallel_loop3A_1333 : memref<128x8xf32, #tpu.memory_space<vmem>>[vector<16xi32>, vector<16xi32>], vector<16xf32>,
        %parallel_loop3A_1334 = arith.constant 4 : i32
        %parallel_loop3A_1335 = vector.broadcast %parallel_loop3A_1334 : i32 to vector<16xi32>
        tpu.vector_store_idx %arg6[%parallel_loop3A_1321, %parallel_loop3A_1335], %parallel_loop3A_919 : memref<128x8xi32, #tpu.memory_space<vmem>>[vector<16xi32>, vector<16xi32>], vector<16xi32>,
        %parallel_loop3A_1336 = arith.divf %parallel_loop3A_1304, %parallel_loop3A_1317 : vector<16xf32>
        tpu.vector_store_idx %arg7[%parallel_loop3A_1321, %parallel_loop3A_1335], %parallel_loop3A_1336 : memref<128x8xf32, #tpu.memory_space<vmem>>[vector<16xi32>, vector<16xi32>], vector<16xf32>,
        %parallel_loop3A_1337 = arith.constant 5 : i32
        %parallel_loop3A_1338 = vector.broadcast %parallel_loop3A_1337 : i32 to vector<16xi32>
        tpu.vector_store_idx %arg6[%parallel_loop3A_1321, %parallel_loop3A_1338], %parallel_loop3A_1044 : memref<128x8xi32, #tpu.memory_space<vmem>>[vector<16xi32>, vector<16xi32>], vector<16xi32>,
        %parallel_loop3A_1339 = arith.divf %parallel_loop3A_1306, %parallel_loop3A_1317 : vector<16xf32>
        tpu.vector_store_idx %arg7[%parallel_loop3A_1321, %parallel_loop3A_1338], %parallel_loop3A_1339 : memref<128x8xf32, #tpu.memory_space<vmem>>[vector<16xi32>, vector<16xi32>], vector<16xf32>,
        %parallel_loop3A_1340 = arith.constant 6 : i32
        %parallel_loop3A_1341 = vector.broadcast %parallel_loop3A_1340 : i32 to vector<16xi32>
        tpu.vector_store_idx %arg6[%parallel_loop3A_1321, %parallel_loop3A_1341], %parallel_loop3A_1169 : memref<128x8xi32, #tpu.memory_space<vmem>>[vector<16xi32>, vector<16xi32>], vector<16xi32>,
        %parallel_loop3A_1342 = arith.divf %parallel_loop3A_1308, %parallel_loop3A_1317 : vector<16xf32>
        tpu.vector_store_idx %arg7[%parallel_loop3A_1321, %parallel_loop3A_1341], %parallel_loop3A_1342 : memref<128x8xf32, #tpu.memory_space<vmem>>[vector<16xi32>, vector<16xi32>], vector<16xf32>,
        %parallel_loop3A_1343 = arith.constant 7 : i32
        %parallel_loop3A_1344 = vector.broadcast %parallel_loop3A_1343 : i32 to vector<16xi32>
        tpu.vector_store_idx %arg6[%parallel_loop3A_1321, %parallel_loop3A_1344], %parallel_loop3A_1294 : memref<128x8xi32, #tpu.memory_space<vmem>>[vector<16xi32>, vector<16xi32>], vector<16xi32>,
        %parallel_loop3A_1345 = arith.divf %parallel_loop3A_1310, %parallel_loop3A_1317 : vector<16xf32>
        tpu.vector_store_idx %arg7[%parallel_loop3A_1321, %parallel_loop3A_1344], %parallel_loop3A_1345 : memref<128x8xf32, #tpu.memory_space<vmem>>[vector<16xi32>, vector<16xi32>], vector<16xf32>,
      } {sc.loop_unroll_factor = 1 : i64, sc.parallel_access}
      %mul3A_26 = arith.constant 1024 : i32
      %mul3A_27 = arith.muli %add3A, %mul3A_26 : i32
      %add3A_28 = arith.constant 0 : i32
      %add3A_29 = arith.addi %mul3A_27, %add3A_28 : i32
      %mul3A_30 = arith.constant 128 : i32
      %mul3A_31 = arith.muli %scan3A_21, %mul3A_30 : i32
      %add3A_32 = arith.addi %add3A_29, %mul3A_31 : i32
      "tpu.region"() ({
        %run_scoped3A = tpu.sem_alloc : memref<!tpu.dma_semaphore, #tpu.memory_space<semaphore_mem>>
        %dma_start3A = arith.constant 0 : i32
        %dma_start3A_33 = tpu.memref_slice %arg3[%add3A_32, %dma_start3A] : memref<32768x8xi32, #tpu.memory_space<hbm>> -> memref<128x8xi32, #tpu.memory_space<hbm>>
        %dma_start3A_34 = arith.constant 0 : i32
        %dma_start3A_35 = tpu.memref_slice %arg3[%add3A_32, %dma_start3A_34] : memref<32768x8xi32, #tpu.memory_space<hbm>> -> memref<128x8xi32, #tpu.memory_space<hbm>>
        tpu.enqueue_dma source(%arg6 : memref<128x8xi32, #tpu.memory_space<vmem>>) target(%dma_start3A_35 : memref<128x8xi32, #tpu.memory_space<hbm>>) target_semaphore(%run_scoped3A : memref<!tpu.dma_semaphore, #tpu.memory_space<semaphore_mem>>)
        %dma_wait3A = arith.constant 0 : i32
        %dma_wait3A_36 = tpu.memref_slice %arg3[%add3A_32, %dma_wait3A] : memref<32768x8xi32, #tpu.memory_space<hbm>> -> memref<128x8xi32, #tpu.memory_space<hbm>>
        %dma_wait3A_37 = arith.constant 0 : i32
        %dma_wait3A_38 = tpu.memref_slice %arg3[%add3A_32, %dma_wait3A_37] : memref<32768x8xi32, #tpu.memory_space<hbm>> -> memref<128x8xi32, #tpu.memory_space<hbm>>
        tpu.wait_dma2 semaphore(%run_scoped3A : memref<!tpu.dma_semaphore, #tpu.memory_space<semaphore_mem>>) src(%arg6 : memref<128x8xi32, #tpu.memory_space<vmem>>) dst(%dma_wait3A_38 : memref<128x8xi32, #tpu.memory_space<hbm>>)
        tpu.yield
      }) : () -> ()
      "tpu.region"() ({
        %run_scoped3A = tpu.sem_alloc : memref<!tpu.dma_semaphore, #tpu.memory_space<semaphore_mem>>
        %dma_start3A = arith.constant 0 : i32
        %dma_start3A_33 = tpu.memref_slice %arg4[%add3A_32, %dma_start3A] : memref<32768x8xf32, #tpu.memory_space<hbm>> -> memref<128x8xf32, #tpu.memory_space<hbm>>
        %dma_start3A_34 = arith.constant 0 : i32
        %dma_start3A_35 = tpu.memref_slice %arg4[%add3A_32, %dma_start3A_34] : memref<32768x8xf32, #tpu.memory_space<hbm>> -> memref<128x8xf32, #tpu.memory_space<hbm>>
        tpu.enqueue_dma source(%arg7 : memref<128x8xf32, #tpu.memory_space<vmem>>) target(%dma_start3A_35 : memref<128x8xf32, #tpu.memory_space<hbm>>) target_semaphore(%run_scoped3A : memref<!tpu.dma_semaphore, #tpu.memory_space<semaphore_mem>>)
        %dma_wait3A = arith.constant 0 : i32
        %dma_wait3A_36 = tpu.memref_slice %arg4[%add3A_32, %dma_wait3A] : memref<32768x8xf32, #tpu.memory_space<hbm>> -> memref<128x8xf32, #tpu.memory_space<hbm>>
        %dma_wait3A_37 = arith.constant 0 : i32
        %dma_wait3A_38 = tpu.memref_slice %arg4[%add3A_32, %dma_wait3A_37] : memref<32768x8xf32, #tpu.memory_space<hbm>> -> memref<128x8xf32, #tpu.memory_space<hbm>>
        tpu.wait_dma2 semaphore(%run_scoped3A : memref<!tpu.dma_semaphore, #tpu.memory_space<semaphore_mem>>) src(%arg7 : memref<128x8xf32, #tpu.memory_space<vmem>>) dst(%dma_wait3A_38 : memref<128x8xf32, #tpu.memory_space<hbm>>)
        tpu.yield
      }) : () -> ()
    }
    %scan3A_10 = arith.constant 4 : i32
    %mul3A_11 = arith.constant 1024 : i32
    %mul3A_12 = arith.muli %add3A, %mul3A_11 : i32
    %add3A_13 = arith.constant 512 : i32
    %add3A_14 = arith.addi %mul3A_12, %add3A_13 : i32
    "tpu.region"() ({
      %run_scoped3A = tpu.sem_alloc : memref<!tpu.dma_semaphore, #tpu.memory_space<semaphore_mem>>
      %dma_start3A = arith.constant 0 : i32
      %dma_start3A_21 = tpu.memref_slice %arg2[%add3A_14, %dma_start3A] : memref<32768x64xf32, #tpu.memory_space<hbm>> -> memref<512x64xf32, #tpu.memory_space<hbm>>
      %dma_start3A_22 = arith.constant 0 : i32
      %dma_start3A_23 = tpu.memref_slice %arg2[%add3A_14, %dma_start3A_22] : memref<32768x64xf32, #tpu.memory_space<hbm>> -> memref<512x64xf32, #tpu.memory_space<hbm>>
      tpu.enqueue_dma source(%dma_start3A_23 : memref<512x64xf32, #tpu.memory_space<hbm>>) target(%arg5 : memref<512x64xf32, #tpu.memory_space<vmem>>) target_semaphore(%run_scoped3A : memref<!tpu.dma_semaphore, #tpu.memory_space<semaphore_mem>>)
      %dma_wait3A = arith.constant 0 : i32
      %dma_wait3A_24 = tpu.memref_slice %arg2[%add3A_14, %dma_wait3A] : memref<32768x64xf32, #tpu.memory_space<hbm>> -> memref<512x64xf32, #tpu.memory_space<hbm>>
      %dma_wait3A_25 = arith.constant 0 : i32
      %dma_wait3A_26 = tpu.memref_slice %arg2[%add3A_14, %dma_wait3A_25] : memref<32768x64xf32, #tpu.memory_space<hbm>> -> memref<512x64xf32, #tpu.memory_space<hbm>>
      tpu.wait_dma2 semaphore(%run_scoped3A : memref<!tpu.dma_semaphore, #tpu.memory_space<semaphore_mem>>) src(%dma_wait3A_26 : memref<512x64xf32, #tpu.memory_space<hbm>>) dst(%arg5 : memref<512x64xf32, #tpu.memory_space<vmem>>)
      tpu.yield
    }) : () -> ()
    %scan3A_15 = arith.constant 0 : i32
    %scan3A_16 = arith.constant 0 : i32
    %scan3A_17 = arith.constant 4 : i32
    %scan3A_18 = arith.addi %scan3A_16, %scan3A_17 : i32
    %scan3A_19 = arith.constant 1 : i32
    scf.for %scan3A_21 = %scan3A_16 to %scan3A_18 step %scan3A_19  : i32 {
      %mul3A_22 = arith.constant 128 : i32
      %mul3A_23 = arith.muli %scan3A_21, %mul3A_22 : i32
      %parallel_loop3A = arith.constant 0 : i32
      %parallel_loop3A_24 = arith.constant 8 : i32
      %parallel_loop3A_25 = arith.constant 1 : i32
      scf.for %parallel_loop3A_33 = %parallel_loop3A to %parallel_loop3A_24 step %parallel_loop3A_25  : i32 {
        %parallel_loop3A_34 = arith.constant 16 : i32
        %parallel_loop3A_35 = arith.muli %parallel_loop3A_33, %parallel_loop3A_34 : i32
        %parallel_loop3A_36 = arith.addi %mul3A_23, %parallel_loop3A_35 : i32
        %parallel_loop3A_37 = vector.broadcast %parallel_loop3A_36 : i32 to vector<16xi32>
        %parallel_loop3A_38 = arith.addi %parallel_loop3A_37, %iota3A : vector<16xi32>
        %parallel_loop3A_39 = arith.constant 0 : i32
        %parallel_loop3A_40 = vector.broadcast %parallel_loop3A_39 : i32 to vector<16xi32>
        %parallel_loop3A_41 = tpu.vector_load_idx %arg5[%parallel_loop3A_38, %parallel_loop3A_40] : memref<512x64xf32, #tpu.memory_space<vmem>>[vector<16xi32>, vector<16xi32>], vector<16xf32>,
        %parallel_loop3A_42 = arith.constant 1 : i32
        %parallel_loop3A_43 = vector.broadcast %parallel_loop3A_42 : i32 to vector<16xi32>
        %parallel_loop3A_44 = tpu.vector_load_idx %arg5[%parallel_loop3A_38, %parallel_loop3A_43] : memref<512x64xf32, #tpu.memory_space<vmem>>[vector<16xi32>, vector<16xi32>], vector<16xf32>,
        %parallel_loop3A_45 = arith.constant 2 : i32
        %parallel_loop3A_46 = vector.broadcast %parallel_loop3A_45 : i32 to vector<16xi32>
        %parallel_loop3A_47 = tpu.vector_load_idx %arg5[%parallel_loop3A_38, %parallel_loop3A_46] : memref<512x64xf32, #tpu.memory_space<vmem>>[vector<16xi32>, vector<16xi32>], vector<16xf32>,
        %parallel_loop3A_48 = arith.constant 3 : i32
        %parallel_loop3A_49 = vector.broadcast %parallel_loop3A_48 : i32 to vector<16xi32>
        %parallel_loop3A_50 = tpu.vector_load_idx %arg5[%parallel_loop3A_38, %parallel_loop3A_49] : memref<512x64xf32, #tpu.memory_space<vmem>>[vector<16xi32>, vector<16xi32>], vector<16xf32>,
        %parallel_loop3A_51 = arith.constant 4 : i32
        %parallel_loop3A_52 = vector.broadcast %parallel_loop3A_51 : i32 to vector<16xi32>
        %parallel_loop3A_53 = tpu.vector_load_idx %arg5[%parallel_loop3A_38, %parallel_loop3A_52] : memref<512x64xf32, #tpu.memory_space<vmem>>[vector<16xi32>, vector<16xi32>], vector<16xf32>,
        %parallel_loop3A_54 = arith.constant 5 : i32
        %parallel_loop3A_55 = vector.broadcast %parallel_loop3A_54 : i32 to vector<16xi32>
        %parallel_loop3A_56 = tpu.vector_load_idx %arg5[%parallel_loop3A_38, %parallel_loop3A_55] : memref<512x64xf32, #tpu.memory_space<vmem>>[vector<16xi32>, vector<16xi32>], vector<16xf32>,
        %parallel_loop3A_57 = arith.constant 6 : i32
        %parallel_loop3A_58 = vector.broadcast %parallel_loop3A_57 : i32 to vector<16xi32>
        %parallel_loop3A_59 = tpu.vector_load_idx %arg5[%parallel_loop3A_38, %parallel_loop3A_58] : memref<512x64xf32, #tpu.memory_space<vmem>>[vector<16xi32>, vector<16xi32>], vector<16xf32>,
        %parallel_loop3A_60 = arith.constant 7 : i32
        %parallel_loop3A_61 = vector.broadcast %parallel_loop3A_60 : i32 to vector<16xi32>
        %parallel_loop3A_62 = tpu.vector_load_idx %arg5[%parallel_loop3A_38, %parallel_loop3A_61] : memref<512x64xf32, #tpu.memory_space<vmem>>[vector<16xi32>, vector<16xi32>], vector<16xf32>,
        %parallel_loop3A_63 = arith.cmpf ogt, %parallel_loop3A_44, %parallel_loop3A_41 : vector<16xf32>
        %parallel_loop3A_64 = arith.select %parallel_loop3A_63, %parallel_loop3A_44, %parallel_loop3A_41 : vector<16xi1>, vector<16xf32>
        %parallel_loop3A_65 = arith.select %parallel_loop3A_63, %parallel_loop3A_43, %parallel_loop3A_40 : vector<16xi1>, vector<16xi32>
        %parallel_loop3A_66 = arith.cmpf ogt, %parallel_loop3A_50, %parallel_loop3A_47 : vector<16xf32>
        %parallel_loop3A_67 = arith.select %parallel_loop3A_66, %parallel_loop3A_50, %parallel_loop3A_47 : vector<16xi1>, vector<16xf32>
        %parallel_loop3A_68 = arith.select %parallel_loop3A_66, %parallel_loop3A_49, %parallel_loop3A_46 : vector<16xi1>, vector<16xi32>
        %parallel_loop3A_69 = arith.cmpf ogt, %parallel_loop3A_56, %parallel_loop3A_53 : vector<16xf32>
        %parallel_loop3A_70 = arith.select %parallel_loop3A_69, %parallel_loop3A_56, %parallel_loop3A_53 : vector<16xi1>, vector<16xf32>
        %parallel_loop3A_71 = arith.select %parallel_loop3A_69, %parallel_loop3A_55, %parallel_loop3A_52 : vector<16xi1>, vector<16xi32>
        %parallel_loop3A_72 = arith.cmpf ogt, %parallel_loop3A_62, %parallel_loop3A_59 : vector<16xf32>
        %parallel_loop3A_73 = arith.select %parallel_loop3A_72, %parallel_loop3A_62, %parallel_loop3A_59 : vector<16xi1>, vector<16xf32>
        %parallel_loop3A_74 = arith.select %parallel_loop3A_72, %parallel_loop3A_61, %parallel_loop3A_58 : vector<16xi1>, vector<16xi32>
        %parallel_loop3A_75 = arith.cmpf ogt, %parallel_loop3A_67, %parallel_loop3A_64 : vector<16xf32>
        %parallel_loop3A_76 = arith.select %parallel_loop3A_75, %parallel_loop3A_67, %parallel_loop3A_64 : vector<16xi1>, vector<16xf32>
        %parallel_loop3A_77 = arith.select %parallel_loop3A_75, %parallel_loop3A_68, %parallel_loop3A_65 : vector<16xi1>, vector<16xi32>
        %parallel_loop3A_78 = arith.cmpf ogt, %parallel_loop3A_73, %parallel_loop3A_70 : vector<16xf32>
        %parallel_loop3A_79 = arith.select %parallel_loop3A_78, %parallel_loop3A_73, %parallel_loop3A_70 : vector<16xi1>, vector<16xf32>
        %parallel_loop3A_80 = arith.select %parallel_loop3A_78, %parallel_loop3A_74, %parallel_loop3A_71 : vector<16xi1>, vector<16xi32>
        %parallel_loop3A_81 = arith.cmpf ogt, %parallel_loop3A_79, %parallel_loop3A_76 : vector<16xf32>
        %parallel_loop3A_82 = arith.select %parallel_loop3A_81, %parallel_loop3A_79, %parallel_loop3A_76 : vector<16xi1>, vector<16xf32>
        %parallel_loop3A_83 = arith.select %parallel_loop3A_81, %parallel_loop3A_80, %parallel_loop3A_77 : vector<16xi1>, vector<16xi32>
        %parallel_loop3A_84 = arith.constant 8 : i32
        %parallel_loop3A_85 = vector.broadcast %parallel_loop3A_84 : i32 to vector<16xi32>
        %parallel_loop3A_86 = tpu.vector_load_idx %arg5[%parallel_loop3A_38, %parallel_loop3A_85] : memref<512x64xf32, #tpu.memory_space<vmem>>[vector<16xi32>, vector<16xi32>], vector<16xf32>,
        %parallel_loop3A_87 = arith.constant 9 : i32
        %parallel_loop3A_88 = vector.broadcast %parallel_loop3A_87 : i32 to vector<16xi32>
        %parallel_loop3A_89 = tpu.vector_load_idx %arg5[%parallel_loop3A_38, %parallel_loop3A_88] : memref<512x64xf32, #tpu.memory_space<vmem>>[vector<16xi32>, vector<16xi32>], vector<16xf32>,
        %parallel_loop3A_90 = arith.constant 10 : i32
        %parallel_loop3A_91 = vector.broadcast %parallel_loop3A_90 : i32 to vector<16xi32>
        %parallel_loop3A_92 = tpu.vector_load_idx %arg5[%parallel_loop3A_38, %parallel_loop3A_91] : memref<512x64xf32, #tpu.memory_space<vmem>>[vector<16xi32>, vector<16xi32>], vector<16xf32>,
        %parallel_loop3A_93 = arith.constant 11 : i32
        %parallel_loop3A_94 = vector.broadcast %parallel_loop3A_93 : i32 to vector<16xi32>
        %parallel_loop3A_95 = tpu.vector_load_idx %arg5[%parallel_loop3A_38, %parallel_loop3A_94] : memref<512x64xf32, #tpu.memory_space<vmem>>[vector<16xi32>, vector<16xi32>], vector<16xf32>,
        %parallel_loop3A_96 = arith.constant 12 : i32
        %parallel_loop3A_97 = vector.broadcast %parallel_loop3A_96 : i32 to vector<16xi32>
        %parallel_loop3A_98 = tpu.vector_load_idx %arg5[%parallel_loop3A_38, %parallel_loop3A_97] : memref<512x64xf32, #tpu.memory_space<vmem>>[vector<16xi32>, vector<16xi32>], vector<16xf32>,
        %parallel_loop3A_99 = arith.constant 13 : i32
        %parallel_loop3A_100 = vector.broadcast %parallel_loop3A_99 : i32 to vector<16xi32>
        %parallel_loop3A_101 = tpu.vector_load_idx %arg5[%parallel_loop3A_38, %parallel_loop3A_100] : memref<512x64xf32, #tpu.memory_space<vmem>>[vector<16xi32>, vector<16xi32>], vector<16xf32>,
        %parallel_loop3A_102 = arith.constant 14 : i32
        %parallel_loop3A_103 = vector.broadcast %parallel_loop3A_102 : i32 to vector<16xi32>
        %parallel_loop3A_104 = tpu.vector_load_idx %arg5[%parallel_loop3A_38, %parallel_loop3A_103] : memref<512x64xf32, #tpu.memory_space<vmem>>[vector<16xi32>, vector<16xi32>], vector<16xf32>,
        %parallel_loop3A_105 = arith.constant 15 : i32
        %parallel_loop3A_106 = vector.broadcast %parallel_loop3A_105 : i32 to vector<16xi32>
        %parallel_loop3A_107 = tpu.vector_load_idx %arg5[%parallel_loop3A_38, %parallel_loop3A_106] : memref<512x64xf32, #tpu.memory_space<vmem>>[vector<16xi32>, vector<16xi32>], vector<16xf32>,
        %parallel_loop3A_108 = arith.cmpf ogt, %parallel_loop3A_89, %parallel_loop3A_86 : vector<16xf32>
        %parallel_loop3A_109 = arith.select %parallel_loop3A_108, %parallel_loop3A_89, %parallel_loop3A_86 : vector<16xi1>, vector<16xf32>
        %parallel_loop3A_110 = arith.select %parallel_loop3A_108, %parallel_loop3A_88, %parallel_loop3A_85 : vector<16xi1>, vector<16xi32>
        %parallel_loop3A_111 = arith.cmpf ogt, %parallel_loop3A_95, %parallel_loop3A_92 : vector<16xf32>
        %parallel_loop3A_112 = arith.select %parallel_loop3A_111, %parallel_loop3A_95, %parallel_loop3A_92 : vector<16xi1>, vector<16xf32>
        %parallel_loop3A_113 = arith.select %parallel_loop3A_111, %parallel_loop3A_94, %parallel_loop3A_91 : vector<16xi1>, vector<16xi32>
        %parallel_loop3A_114 = arith.cmpf ogt, %parallel_loop3A_101, %parallel_loop3A_98 : vector<16xf32>
        %parallel_loop3A_115 = arith.select %parallel_loop3A_114, %parallel_loop3A_101, %parallel_loop3A_98 : vector<16xi1>, vector<16xf32>
        %parallel_loop3A_116 = arith.select %parallel_loop3A_114, %parallel_loop3A_100, %parallel_loop3A_97 : vector<16xi1>, vector<16xi32>
        %parallel_loop3A_117 = arith.cmpf ogt, %parallel_loop3A_107, %parallel_loop3A_104 : vector<16xf32>
        %parallel_loop3A_118 = arith.select %parallel_loop3A_117, %parallel_loop3A_107, %parallel_loop3A_104 : vector<16xi1>, vector<16xf32>
        %parallel_loop3A_119 = arith.select %parallel_loop3A_117, %parallel_loop3A_106, %parallel_loop3A_103 : vector<16xi1>, vector<16xi32>
        %parallel_loop3A_120 = arith.cmpf ogt, %parallel_loop3A_112, %parallel_loop3A_109 : vector<16xf32>
        %parallel_loop3A_121 = arith.select %parallel_loop3A_120, %parallel_loop3A_112, %parallel_loop3A_109 : vector<16xi1>, vector<16xf32>
        %parallel_loop3A_122 = arith.select %parallel_loop3A_120, %parallel_loop3A_113, %parallel_loop3A_110 : vector<16xi1>, vector<16xi32>
        %parallel_loop3A_123 = arith.cmpf ogt, %parallel_loop3A_118, %parallel_loop3A_115 : vector<16xf32>
        %parallel_loop3A_124 = arith.select %parallel_loop3A_123, %parallel_loop3A_118, %parallel_loop3A_115 : vector<16xi1>, vector<16xf32>
        %parallel_loop3A_125 = arith.select %parallel_loop3A_123, %parallel_loop3A_119, %parallel_loop3A_116 : vector<16xi1>, vector<16xi32>
        %parallel_loop3A_126 = arith.cmpf ogt, %parallel_loop3A_124, %parallel_loop3A_121 : vector<16xf32>
        %parallel_loop3A_127 = arith.select %parallel_loop3A_126, %parallel_loop3A_124, %parallel_loop3A_121 : vector<16xi1>, vector<16xf32>
        %parallel_loop3A_128 = arith.select %parallel_loop3A_126, %parallel_loop3A_125, %parallel_loop3A_122 : vector<16xi1>, vector<16xi32>
        %parallel_loop3A_129 = arith.constant 16 : i32
        %parallel_loop3A_130 = vector.broadcast %parallel_loop3A_129 : i32 to vector<16xi32>
        %parallel_loop3A_131 = tpu.vector_load_idx %arg5[%parallel_loop3A_38, %parallel_loop3A_130] : memref<512x64xf32, #tpu.memory_space<vmem>>[vector<16xi32>, vector<16xi32>], vector<16xf32>,
        %parallel_loop3A_132 = arith.constant 17 : i32
        %parallel_loop3A_133 = vector.broadcast %parallel_loop3A_132 : i32 to vector<16xi32>
        %parallel_loop3A_134 = tpu.vector_load_idx %arg5[%parallel_loop3A_38, %parallel_loop3A_133] : memref<512x64xf32, #tpu.memory_space<vmem>>[vector<16xi32>, vector<16xi32>], vector<16xf32>,
        %parallel_loop3A_135 = arith.constant 18 : i32
        %parallel_loop3A_136 = vector.broadcast %parallel_loop3A_135 : i32 to vector<16xi32>
        %parallel_loop3A_137 = tpu.vector_load_idx %arg5[%parallel_loop3A_38, %parallel_loop3A_136] : memref<512x64xf32, #tpu.memory_space<vmem>>[vector<16xi32>, vector<16xi32>], vector<16xf32>,
        %parallel_loop3A_138 = arith.constant 19 : i32
        %parallel_loop3A_139 = vector.broadcast %parallel_loop3A_138 : i32 to vector<16xi32>
        %parallel_loop3A_140 = tpu.vector_load_idx %arg5[%parallel_loop3A_38, %parallel_loop3A_139] : memref<512x64xf32, #tpu.memory_space<vmem>>[vector<16xi32>, vector<16xi32>], vector<16xf32>,
        %parallel_loop3A_141 = arith.constant 20 : i32
        %parallel_loop3A_142 = vector.broadcast %parallel_loop3A_141 : i32 to vector<16xi32>
        %parallel_loop3A_143 = tpu.vector_load_idx %arg5[%parallel_loop3A_38, %parallel_loop3A_142] : memref<512x64xf32, #tpu.memory_space<vmem>>[vector<16xi32>, vector<16xi32>], vector<16xf32>,
        %parallel_loop3A_144 = arith.constant 21 : i32
        %parallel_loop3A_145 = vector.broadcast %parallel_loop3A_144 : i32 to vector<16xi32>
        %parallel_loop3A_146 = tpu.vector_load_idx %arg5[%parallel_loop3A_38, %parallel_loop3A_145] : memref<512x64xf32, #tpu.memory_space<vmem>>[vector<16xi32>, vector<16xi32>], vector<16xf32>,
        %parallel_loop3A_147 = arith.constant 22 : i32
        %parallel_loop3A_148 = vector.broadcast %parallel_loop3A_147 : i32 to vector<16xi32>
        %parallel_loop3A_149 = tpu.vector_load_idx %arg5[%parallel_loop3A_38, %parallel_loop3A_148] : memref<512x64xf32, #tpu.memory_space<vmem>>[vector<16xi32>, vector<16xi32>], vector<16xf32>,
        %parallel_loop3A_150 = arith.constant 23 : i32
        %parallel_loop3A_151 = vector.broadcast %parallel_loop3A_150 : i32 to vector<16xi32>
        %parallel_loop3A_152 = tpu.vector_load_idx %arg5[%parallel_loop3A_38, %parallel_loop3A_151] : memref<512x64xf32, #tpu.memory_space<vmem>>[vector<16xi32>, vector<16xi32>], vector<16xf32>,
        %parallel_loop3A_153 = arith.cmpf ogt, %parallel_loop3A_134, %parallel_loop3A_131 : vector<16xf32>
        %parallel_loop3A_154 = arith.select %parallel_loop3A_153, %parallel_loop3A_134, %parallel_loop3A_131 : vector<16xi1>, vector<16xf32>
        %parallel_loop3A_155 = arith.select %parallel_loop3A_153, %parallel_loop3A_133, %parallel_loop3A_130 : vector<16xi1>, vector<16xi32>
        %parallel_loop3A_156 = arith.cmpf ogt, %parallel_loop3A_140, %parallel_loop3A_137 : vector<16xf32>
        %parallel_loop3A_157 = arith.select %parallel_loop3A_156, %parallel_loop3A_140, %parallel_loop3A_137 : vector<16xi1>, vector<16xf32>
        %parallel_loop3A_158 = arith.select %parallel_loop3A_156, %parallel_loop3A_139, %parallel_loop3A_136 : vector<16xi1>, vector<16xi32>
        %parallel_loop3A_159 = arith.cmpf ogt, %parallel_loop3A_146, %parallel_loop3A_143 : vector<16xf32>
        %parallel_loop3A_160 = arith.select %parallel_loop3A_159, %parallel_loop3A_146, %parallel_loop3A_143 : vector<16xi1>, vector<16xf32>
        %parallel_loop3A_161 = arith.select %parallel_loop3A_159, %parallel_loop3A_145, %parallel_loop3A_142 : vector<16xi1>, vector<16xi32>
        %parallel_loop3A_162 = arith.cmpf ogt, %parallel_loop3A_152, %parallel_loop3A_149 : vector<16xf32>
        %parallel_loop3A_163 = arith.select %parallel_loop3A_162, %parallel_loop3A_152, %parallel_loop3A_149 : vector<16xi1>, vector<16xf32>
        %parallel_loop3A_164 = arith.select %parallel_loop3A_162, %parallel_loop3A_151, %parallel_loop3A_148 : vector<16xi1>, vector<16xi32>
        %parallel_loop3A_165 = arith.cmpf ogt, %parallel_loop3A_157, %parallel_loop3A_154 : vector<16xf32>
        %parallel_loop3A_166 = arith.select %parallel_loop3A_165, %parallel_loop3A_157, %parallel_loop3A_154 : vector<16xi1>, vector<16xf32>
        %parallel_loop3A_167 = arith.select %parallel_loop3A_165, %parallel_loop3A_158, %parallel_loop3A_155 : vector<16xi1>, vector<16xi32>
        %parallel_loop3A_168 = arith.cmpf ogt, %parallel_loop3A_163, %parallel_loop3A_160 : vector<16xf32>
        %parallel_loop3A_169 = arith.select %parallel_loop3A_168, %parallel_loop3A_163, %parallel_loop3A_160 : vector<16xi1>, vector<16xf32>
        %parallel_loop3A_170 = arith.select %parallel_loop3A_168, %parallel_loop3A_164, %parallel_loop3A_161 : vector<16xi1>, vector<16xi32>
        %parallel_loop3A_171 = arith.cmpf ogt, %parallel_loop3A_169, %parallel_loop3A_166 : vector<16xf32>
        %parallel_loop3A_172 = arith.select %parallel_loop3A_171, %parallel_loop3A_169, %parallel_loop3A_166 : vector<16xi1>, vector<16xf32>
        %parallel_loop3A_173 = arith.select %parallel_loop3A_171, %parallel_loop3A_170, %parallel_loop3A_167 : vector<16xi1>, vector<16xi32>
        %parallel_loop3A_174 = arith.constant 24 : i32
        %parallel_loop3A_175 = vector.broadcast %parallel_loop3A_174 : i32 to vector<16xi32>
        %parallel_loop3A_176 = tpu.vector_load_idx %arg5[%parallel_loop3A_38, %parallel_loop3A_175] : memref<512x64xf32, #tpu.memory_space<vmem>>[vector<16xi32>, vector<16xi32>], vector<16xf32>,
        %parallel_loop3A_177 = arith.constant 25 : i32
        %parallel_loop3A_178 = vector.broadcast %parallel_loop3A_177 : i32 to vector<16xi32>
        %parallel_loop3A_179 = tpu.vector_load_idx %arg5[%parallel_loop3A_38, %parallel_loop3A_178] : memref<512x64xf32, #tpu.memory_space<vmem>>[vector<16xi32>, vector<16xi32>], vector<16xf32>,
        %parallel_loop3A_180 = arith.constant 26 : i32
        %parallel_loop3A_181 = vector.broadcast %parallel_loop3A_180 : i32 to vector<16xi32>
        %parallel_loop3A_182 = tpu.vector_load_idx %arg5[%parallel_loop3A_38, %parallel_loop3A_181] : memref<512x64xf32, #tpu.memory_space<vmem>>[vector<16xi32>, vector<16xi32>], vector<16xf32>,
        %parallel_loop3A_183 = arith.constant 27 : i32
        %parallel_loop3A_184 = vector.broadcast %parallel_loop3A_183 : i32 to vector<16xi32>
        %parallel_loop3A_185 = tpu.vector_load_idx %arg5[%parallel_loop3A_38, %parallel_loop3A_184] : memref<512x64xf32, #tpu.memory_space<vmem>>[vector<16xi32>, vector<16xi32>], vector<16xf32>,
        %parallel_loop3A_186 = arith.constant 28 : i32
        %parallel_loop3A_187 = vector.broadcast %parallel_loop3A_186 : i32 to vector<16xi32>
        %parallel_loop3A_188 = tpu.vector_load_idx %arg5[%parallel_loop3A_38, %parallel_loop3A_187] : memref<512x64xf32, #tpu.memory_space<vmem>>[vector<16xi32>, vector<16xi32>], vector<16xf32>,
        %parallel_loop3A_189 = arith.constant 29 : i32
        %parallel_loop3A_190 = vector.broadcast %parallel_loop3A_189 : i32 to vector<16xi32>
        %parallel_loop3A_191 = tpu.vector_load_idx %arg5[%parallel_loop3A_38, %parallel_loop3A_190] : memref<512x64xf32, #tpu.memory_space<vmem>>[vector<16xi32>, vector<16xi32>], vector<16xf32>,
        %parallel_loop3A_192 = arith.constant 30 : i32
        %parallel_loop3A_193 = vector.broadcast %parallel_loop3A_192 : i32 to vector<16xi32>
        %parallel_loop3A_194 = tpu.vector_load_idx %arg5[%parallel_loop3A_38, %parallel_loop3A_193] : memref<512x64xf32, #tpu.memory_space<vmem>>[vector<16xi32>, vector<16xi32>], vector<16xf32>,
        %parallel_loop3A_195 = arith.constant 31 : i32
        %parallel_loop3A_196 = vector.broadcast %parallel_loop3A_195 : i32 to vector<16xi32>
        %parallel_loop3A_197 = tpu.vector_load_idx %arg5[%parallel_loop3A_38, %parallel_loop3A_196] : memref<512x64xf32, #tpu.memory_space<vmem>>[vector<16xi32>, vector<16xi32>], vector<16xf32>,
        %parallel_loop3A_198 = arith.cmpf ogt, %parallel_loop3A_179, %parallel_loop3A_176 : vector<16xf32>
        %parallel_loop3A_199 = arith.select %parallel_loop3A_198, %parallel_loop3A_179, %parallel_loop3A_176 : vector<16xi1>, vector<16xf32>
        %parallel_loop3A_200 = arith.select %parallel_loop3A_198, %parallel_loop3A_178, %parallel_loop3A_175 : vector<16xi1>, vector<16xi32>
        %parallel_loop3A_201 = arith.cmpf ogt, %parallel_loop3A_185, %parallel_loop3A_182 : vector<16xf32>
        %parallel_loop3A_202 = arith.select %parallel_loop3A_201, %parallel_loop3A_185, %parallel_loop3A_182 : vector<16xi1>, vector<16xf32>
        %parallel_loop3A_203 = arith.select %parallel_loop3A_201, %parallel_loop3A_184, %parallel_loop3A_181 : vector<16xi1>, vector<16xi32>
        %parallel_loop3A_204 = arith.cmpf ogt, %parallel_loop3A_191, %parallel_loop3A_188 : vector<16xf32>
        %parallel_loop3A_205 = arith.select %parallel_loop3A_204, %parallel_loop3A_191, %parallel_loop3A_188 : vector<16xi1>, vector<16xf32>
        %parallel_loop3A_206 = arith.select %parallel_loop3A_204, %parallel_loop3A_190, %parallel_loop3A_187 : vector<16xi1>, vector<16xi32>
        %parallel_loop3A_207 = arith.cmpf ogt, %parallel_loop3A_197, %parallel_loop3A_194 : vector<16xf32>
        %parallel_loop3A_208 = arith.select %parallel_loop3A_207, %parallel_loop3A_197, %parallel_loop3A_194 : vector<16xi1>, vector<16xf32>
        %parallel_loop3A_209 = arith.select %parallel_loop3A_207, %parallel_loop3A_196, %parallel_loop3A_193 : vector<16xi1>, vector<16xi32>
        %parallel_loop3A_210 = arith.cmpf ogt, %parallel_loop3A_202, %parallel_loop3A_199 : vector<16xf32>
        %parallel_loop3A_211 = arith.select %parallel_loop3A_210, %parallel_loop3A_202, %parallel_loop3A_199 : vector<16xi1>, vector<16xf32>
        %parallel_loop3A_212 = arith.select %parallel_loop3A_210, %parallel_loop3A_203, %parallel_loop3A_200 : vector<16xi1>, vector<16xi32>
        %parallel_loop3A_213 = arith.cmpf ogt, %parallel_loop3A_208, %parallel_loop3A_205 : vector<16xf32>
        %parallel_loop3A_214 = arith.select %parallel_loop3A_213, %parallel_loop3A_208, %parallel_loop3A_205 : vector<16xi1>, vector<16xf32>
        %parallel_loop3A_215 = arith.select %parallel_loop3A_213, %parallel_loop3A_209, %parallel_loop3A_206 : vector<16xi1>, vector<16xi32>
        %parallel_loop3A_216 = arith.cmpf ogt, %parallel_loop3A_214, %parallel_loop3A_211 : vector<16xf32>
        %parallel_loop3A_217 = arith.select %parallel_loop3A_216, %parallel_loop3A_214, %parallel_loop3A_211 : vector<16xi1>, vector<16xf32>
        %parallel_loop3A_218 = arith.select %parallel_loop3A_216, %parallel_loop3A_215, %parallel_loop3A_212 : vector<16xi1>, vector<16xi32>
        %parallel_loop3A_219 = arith.constant 32 : i32
        %parallel_loop3A_220 = vector.broadcast %parallel_loop3A_219 : i32 to vector<16xi32>
        %parallel_loop3A_221 = tpu.vector_load_idx %arg5[%parallel_loop3A_38, %parallel_loop3A_220] : memref<512x64xf32, #tpu.memory_space<vmem>>[vector<16xi32>, vector<16xi32>], vector<16xf32>,
        %parallel_loop3A_222 = arith.constant 33 : i32
        %parallel_loop3A_223 = vector.broadcast %parallel_loop3A_222 : i32 to vector<16xi32>
        %parallel_loop3A_224 = tpu.vector_load_idx %arg5[%parallel_loop3A_38, %parallel_loop3A_223] : memref<512x64xf32, #tpu.memory_space<vmem>>[vector<16xi32>, vector<16xi32>], vector<16xf32>,
        %parallel_loop3A_225 = arith.constant 34 : i32
        %parallel_loop3A_226 = vector.broadcast %parallel_loop3A_225 : i32 to vector<16xi32>
        %parallel_loop3A_227 = tpu.vector_load_idx %arg5[%parallel_loop3A_38, %parallel_loop3A_226] : memref<512x64xf32, #tpu.memory_space<vmem>>[vector<16xi32>, vector<16xi32>], vector<16xf32>,
        %parallel_loop3A_228 = arith.constant 35 : i32
        %parallel_loop3A_229 = vector.broadcast %parallel_loop3A_228 : i32 to vector<16xi32>
        %parallel_loop3A_230 = tpu.vector_load_idx %arg5[%parallel_loop3A_38, %parallel_loop3A_229] : memref<512x64xf32, #tpu.memory_space<vmem>>[vector<16xi32>, vector<16xi32>], vector<16xf32>,
        %parallel_loop3A_231 = arith.constant 36 : i32
        %parallel_loop3A_232 = vector.broadcast %parallel_loop3A_231 : i32 to vector<16xi32>
        %parallel_loop3A_233 = tpu.vector_load_idx %arg5[%parallel_loop3A_38, %parallel_loop3A_232] : memref<512x64xf32, #tpu.memory_space<vmem>>[vector<16xi32>, vector<16xi32>], vector<16xf32>,
        %parallel_loop3A_234 = arith.constant 37 : i32
        %parallel_loop3A_235 = vector.broadcast %parallel_loop3A_234 : i32 to vector<16xi32>
        %parallel_loop3A_236 = tpu.vector_load_idx %arg5[%parallel_loop3A_38, %parallel_loop3A_235] : memref<512x64xf32, #tpu.memory_space<vmem>>[vector<16xi32>, vector<16xi32>], vector<16xf32>,
        %parallel_loop3A_237 = arith.constant 38 : i32
        %parallel_loop3A_238 = vector.broadcast %parallel_loop3A_237 : i32 to vector<16xi32>
        %parallel_loop3A_239 = tpu.vector_load_idx %arg5[%parallel_loop3A_38, %parallel_loop3A_238] : memref<512x64xf32, #tpu.memory_space<vmem>>[vector<16xi32>, vector<16xi32>], vector<16xf32>,
        %parallel_loop3A_240 = arith.constant 39 : i32
        %parallel_loop3A_241 = vector.broadcast %parallel_loop3A_240 : i32 to vector<16xi32>
        %parallel_loop3A_242 = tpu.vector_load_idx %arg5[%parallel_loop3A_38, %parallel_loop3A_241] : memref<512x64xf32, #tpu.memory_space<vmem>>[vector<16xi32>, vector<16xi32>], vector<16xf32>,
        %parallel_loop3A_243 = arith.cmpf ogt, %parallel_loop3A_224, %parallel_loop3A_221 : vector<16xf32>
        %parallel_loop3A_244 = arith.select %parallel_loop3A_243, %parallel_loop3A_224, %parallel_loop3A_221 : vector<16xi1>, vector<16xf32>
        %parallel_loop3A_245 = arith.select %parallel_loop3A_243, %parallel_loop3A_223, %parallel_loop3A_220 : vector<16xi1>, vector<16xi32>
        %parallel_loop3A_246 = arith.cmpf ogt, %parallel_loop3A_230, %parallel_loop3A_227 : vector<16xf32>
        %parallel_loop3A_247 = arith.select %parallel_loop3A_246, %parallel_loop3A_230, %parallel_loop3A_227 : vector<16xi1>, vector<16xf32>
        %parallel_loop3A_248 = arith.select %parallel_loop3A_246, %parallel_loop3A_229, %parallel_loop3A_226 : vector<16xi1>, vector<16xi32>
        %parallel_loop3A_249 = arith.cmpf ogt, %parallel_loop3A_236, %parallel_loop3A_233 : vector<16xf32>
        %parallel_loop3A_250 = arith.select %parallel_loop3A_249, %parallel_loop3A_236, %parallel_loop3A_233 : vector<16xi1>, vector<16xf32>
        %parallel_loop3A_251 = arith.select %parallel_loop3A_249, %parallel_loop3A_235, %parallel_loop3A_232 : vector<16xi1>, vector<16xi32>
        %parallel_loop3A_252 = arith.cmpf ogt, %parallel_loop3A_242, %parallel_loop3A_239 : vector<16xf32>
        %parallel_loop3A_253 = arith.select %parallel_loop3A_252, %parallel_loop3A_242, %parallel_loop3A_239 : vector<16xi1>, vector<16xf32>
        %parallel_loop3A_254 = arith.select %parallel_loop3A_252, %parallel_loop3A_241, %parallel_loop3A_238 : vector<16xi1>, vector<16xi32>
        %parallel_loop3A_255 = arith.cmpf ogt, %parallel_loop3A_247, %parallel_loop3A_244 : vector<16xf32>
        %parallel_loop3A_256 = arith.select %parallel_loop3A_255, %parallel_loop3A_247, %parallel_loop3A_244 : vector<16xi1>, vector<16xf32>
        %parallel_loop3A_257 = arith.select %parallel_loop3A_255, %parallel_loop3A_248, %parallel_loop3A_245 : vector<16xi1>, vector<16xi32>
        %parallel_loop3A_258 = arith.cmpf ogt, %parallel_loop3A_253, %parallel_loop3A_250 : vector<16xf32>
        %parallel_loop3A_259 = arith.select %parallel_loop3A_258, %parallel_loop3A_253, %parallel_loop3A_250 : vector<16xi1>, vector<16xf32>
        %parallel_loop3A_260 = arith.select %parallel_loop3A_258, %parallel_loop3A_254, %parallel_loop3A_251 : vector<16xi1>, vector<16xi32>
        %parallel_loop3A_261 = arith.cmpf ogt, %parallel_loop3A_259, %parallel_loop3A_256 : vector<16xf32>
        %parallel_loop3A_262 = arith.select %parallel_loop3A_261, %parallel_loop3A_259, %parallel_loop3A_256 : vector<16xi1>, vector<16xf32>
        %parallel_loop3A_263 = arith.select %parallel_loop3A_261, %parallel_loop3A_260, %parallel_loop3A_257 : vector<16xi1>, vector<16xi32>
        %parallel_loop3A_264 = arith.constant 40 : i32
        %parallel_loop3A_265 = vector.broadcast %parallel_loop3A_264 : i32 to vector<16xi32>
        %parallel_loop3A_266 = tpu.vector_load_idx %arg5[%parallel_loop3A_38, %parallel_loop3A_265] : memref<512x64xf32, #tpu.memory_space<vmem>>[vector<16xi32>, vector<16xi32>], vector<16xf32>,
        %parallel_loop3A_267 = arith.constant 41 : i32
        %parallel_loop3A_268 = vector.broadcast %parallel_loop3A_267 : i32 to vector<16xi32>
        %parallel_loop3A_269 = tpu.vector_load_idx %arg5[%parallel_loop3A_38, %parallel_loop3A_268] : memref<512x64xf32, #tpu.memory_space<vmem>>[vector<16xi32>, vector<16xi32>], vector<16xf32>,
        %parallel_loop3A_270 = arith.constant 42 : i32
        %parallel_loop3A_271 = vector.broadcast %parallel_loop3A_270 : i32 to vector<16xi32>
        %parallel_loop3A_272 = tpu.vector_load_idx %arg5[%parallel_loop3A_38, %parallel_loop3A_271] : memref<512x64xf32, #tpu.memory_space<vmem>>[vector<16xi32>, vector<16xi32>], vector<16xf32>,
        %parallel_loop3A_273 = arith.constant 43 : i32
        %parallel_loop3A_274 = vector.broadcast %parallel_loop3A_273 : i32 to vector<16xi32>
        %parallel_loop3A_275 = tpu.vector_load_idx %arg5[%parallel_loop3A_38, %parallel_loop3A_274] : memref<512x64xf32, #tpu.memory_space<vmem>>[vector<16xi32>, vector<16xi32>], vector<16xf32>,
        %parallel_loop3A_276 = arith.constant 44 : i32
        %parallel_loop3A_277 = vector.broadcast %parallel_loop3A_276 : i32 to vector<16xi32>
        %parallel_loop3A_278 = tpu.vector_load_idx %arg5[%parallel_loop3A_38, %parallel_loop3A_277] : memref<512x64xf32, #tpu.memory_space<vmem>>[vector<16xi32>, vector<16xi32>], vector<16xf32>,
        %parallel_loop3A_279 = arith.constant 45 : i32
        %parallel_loop3A_280 = vector.broadcast %parallel_loop3A_279 : i32 to vector<16xi32>
        %parallel_loop3A_281 = tpu.vector_load_idx %arg5[%parallel_loop3A_38, %parallel_loop3A_280] : memref<512x64xf32, #tpu.memory_space<vmem>>[vector<16xi32>, vector<16xi32>], vector<16xf32>,
        %parallel_loop3A_282 = arith.constant 46 : i32
        %parallel_loop3A_283 = vector.broadcast %parallel_loop3A_282 : i32 to vector<16xi32>
        %parallel_loop3A_284 = tpu.vector_load_idx %arg5[%parallel_loop3A_38, %parallel_loop3A_283] : memref<512x64xf32, #tpu.memory_space<vmem>>[vector<16xi32>, vector<16xi32>], vector<16xf32>,
        %parallel_loop3A_285 = arith.constant 47 : i32
        %parallel_loop3A_286 = vector.broadcast %parallel_loop3A_285 : i32 to vector<16xi32>
        %parallel_loop3A_287 = tpu.vector_load_idx %arg5[%parallel_loop3A_38, %parallel_loop3A_286] : memref<512x64xf32, #tpu.memory_space<vmem>>[vector<16xi32>, vector<16xi32>], vector<16xf32>,
        %parallel_loop3A_288 = arith.cmpf ogt, %parallel_loop3A_269, %parallel_loop3A_266 : vector<16xf32>
        %parallel_loop3A_289 = arith.select %parallel_loop3A_288, %parallel_loop3A_269, %parallel_loop3A_266 : vector<16xi1>, vector<16xf32>
        %parallel_loop3A_290 = arith.select %parallel_loop3A_288, %parallel_loop3A_268, %parallel_loop3A_265 : vector<16xi1>, vector<16xi32>
        %parallel_loop3A_291 = arith.cmpf ogt, %parallel_loop3A_275, %parallel_loop3A_272 : vector<16xf32>
        %parallel_loop3A_292 = arith.select %parallel_loop3A_291, %parallel_loop3A_275, %parallel_loop3A_272 : vector<16xi1>, vector<16xf32>
        %parallel_loop3A_293 = arith.select %parallel_loop3A_291, %parallel_loop3A_274, %parallel_loop3A_271 : vector<16xi1>, vector<16xi32>
        %parallel_loop3A_294 = arith.cmpf ogt, %parallel_loop3A_281, %parallel_loop3A_278 : vector<16xf32>
        %parallel_loop3A_295 = arith.select %parallel_loop3A_294, %parallel_loop3A_281, %parallel_loop3A_278 : vector<16xi1>, vector<16xf32>
        %parallel_loop3A_296 = arith.select %parallel_loop3A_294, %parallel_loop3A_280, %parallel_loop3A_277 : vector<16xi1>, vector<16xi32>
        %parallel_loop3A_297 = arith.cmpf ogt, %parallel_loop3A_287, %parallel_loop3A_284 : vector<16xf32>
        %parallel_loop3A_298 = arith.select %parallel_loop3A_297, %parallel_loop3A_287, %parallel_loop3A_284 : vector<16xi1>, vector<16xf32>
        %parallel_loop3A_299 = arith.select %parallel_loop3A_297, %parallel_loop3A_286, %parallel_loop3A_283 : vector<16xi1>, vector<16xi32>
        %parallel_loop3A_300 = arith.cmpf ogt, %parallel_loop3A_292, %parallel_loop3A_289 : vector<16xf32>
        %parallel_loop3A_301 = arith.select %parallel_loop3A_300, %parallel_loop3A_292, %parallel_loop3A_289 : vector<16xi1>, vector<16xf32>
        %parallel_loop3A_302 = arith.select %parallel_loop3A_300, %parallel_loop3A_293, %parallel_loop3A_290 : vector<16xi1>, vector<16xi32>
        %parallel_loop3A_303 = arith.cmpf ogt, %parallel_loop3A_298, %parallel_loop3A_295 : vector<16xf32>
        %parallel_loop3A_304 = arith.select %parallel_loop3A_303, %parallel_loop3A_298, %parallel_loop3A_295 : vector<16xi1>, vector<16xf32>
        %parallel_loop3A_305 = arith.select %parallel_loop3A_303, %parallel_loop3A_299, %parallel_loop3A_296 : vector<16xi1>, vector<16xi32>
        %parallel_loop3A_306 = arith.cmpf ogt, %parallel_loop3A_304, %parallel_loop3A_301 : vector<16xf32>
        %parallel_loop3A_307 = arith.select %parallel_loop3A_306, %parallel_loop3A_304, %parallel_loop3A_301 : vector<16xi1>, vector<16xf32>
        %parallel_loop3A_308 = arith.select %parallel_loop3A_306, %parallel_loop3A_305, %parallel_loop3A_302 : vector<16xi1>, vector<16xi32>
        %parallel_loop3A_309 = arith.constant 48 : i32
        %parallel_loop3A_310 = vector.broadcast %parallel_loop3A_309 : i32 to vector<16xi32>
        %parallel_loop3A_311 = tpu.vector_load_idx %arg5[%parallel_loop3A_38, %parallel_loop3A_310] : memref<512x64xf32, #tpu.memory_space<vmem>>[vector<16xi32>, vector<16xi32>], vector<16xf32>,
        %parallel_loop3A_312 = arith.constant 49 : i32
        %parallel_loop3A_313 = vector.broadcast %parallel_loop3A_312 : i32 to vector<16xi32>
        %parallel_loop3A_314 = tpu.vector_load_idx %arg5[%parallel_loop3A_38, %parallel_loop3A_313] : memref<512x64xf32, #tpu.memory_space<vmem>>[vector<16xi32>, vector<16xi32>], vector<16xf32>,
        %parallel_loop3A_315 = arith.constant 50 : i32
        %parallel_loop3A_316 = vector.broadcast %parallel_loop3A_315 : i32 to vector<16xi32>
        %parallel_loop3A_317 = tpu.vector_load_idx %arg5[%parallel_loop3A_38, %parallel_loop3A_316] : memref<512x64xf32, #tpu.memory_space<vmem>>[vector<16xi32>, vector<16xi32>], vector<16xf32>,
        %parallel_loop3A_318 = arith.constant 51 : i32
        %parallel_loop3A_319 = vector.broadcast %parallel_loop3A_318 : i32 to vector<16xi32>
        %parallel_loop3A_320 = tpu.vector_load_idx %arg5[%parallel_loop3A_38, %parallel_loop3A_319] : memref<512x64xf32, #tpu.memory_space<vmem>>[vector<16xi32>, vector<16xi32>], vector<16xf32>,
        %parallel_loop3A_321 = arith.constant 52 : i32
        %parallel_loop3A_322 = vector.broadcast %parallel_loop3A_321 : i32 to vector<16xi32>
        %parallel_loop3A_323 = tpu.vector_load_idx %arg5[%parallel_loop3A_38, %parallel_loop3A_322] : memref<512x64xf32, #tpu.memory_space<vmem>>[vector<16xi32>, vector<16xi32>], vector<16xf32>,
        %parallel_loop3A_324 = arith.constant 53 : i32
        %parallel_loop3A_325 = vector.broadcast %parallel_loop3A_324 : i32 to vector<16xi32>
        %parallel_loop3A_326 = tpu.vector_load_idx %arg5[%parallel_loop3A_38, %parallel_loop3A_325] : memref<512x64xf32, #tpu.memory_space<vmem>>[vector<16xi32>, vector<16xi32>], vector<16xf32>,
        %parallel_loop3A_327 = arith.constant 54 : i32
        %parallel_loop3A_328 = vector.broadcast %parallel_loop3A_327 : i32 to vector<16xi32>
        %parallel_loop3A_329 = tpu.vector_load_idx %arg5[%parallel_loop3A_38, %parallel_loop3A_328] : memref<512x64xf32, #tpu.memory_space<vmem>>[vector<16xi32>, vector<16xi32>], vector<16xf32>,
        %parallel_loop3A_330 = arith.constant 55 : i32
        %parallel_loop3A_331 = vector.broadcast %parallel_loop3A_330 : i32 to vector<16xi32>
        %parallel_loop3A_332 = tpu.vector_load_idx %arg5[%parallel_loop3A_38, %parallel_loop3A_331] : memref<512x64xf32, #tpu.memory_space<vmem>>[vector<16xi32>, vector<16xi32>], vector<16xf32>,
        %parallel_loop3A_333 = arith.cmpf ogt, %parallel_loop3A_314, %parallel_loop3A_311 : vector<16xf32>
        %parallel_loop3A_334 = arith.select %parallel_loop3A_333, %parallel_loop3A_314, %parallel_loop3A_311 : vector<16xi1>, vector<16xf32>
        %parallel_loop3A_335 = arith.select %parallel_loop3A_333, %parallel_loop3A_313, %parallel_loop3A_310 : vector<16xi1>, vector<16xi32>
        %parallel_loop3A_336 = arith.cmpf ogt, %parallel_loop3A_320, %parallel_loop3A_317 : vector<16xf32>
        %parallel_loop3A_337 = arith.select %parallel_loop3A_336, %parallel_loop3A_320, %parallel_loop3A_317 : vector<16xi1>, vector<16xf32>
        %parallel_loop3A_338 = arith.select %parallel_loop3A_336, %parallel_loop3A_319, %parallel_loop3A_316 : vector<16xi1>, vector<16xi32>
        %parallel_loop3A_339 = arith.cmpf ogt, %parallel_loop3A_326, %parallel_loop3A_323 : vector<16xf32>
        %parallel_loop3A_340 = arith.select %parallel_loop3A_339, %parallel_loop3A_326, %parallel_loop3A_323 : vector<16xi1>, vector<16xf32>
        %parallel_loop3A_341 = arith.select %parallel_loop3A_339, %parallel_loop3A_325, %parallel_loop3A_322 : vector<16xi1>, vector<16xi32>
        %parallel_loop3A_342 = arith.cmpf ogt, %parallel_loop3A_332, %parallel_loop3A_329 : vector<16xf32>
        %parallel_loop3A_343 = arith.select %parallel_loop3A_342, %parallel_loop3A_332, %parallel_loop3A_329 : vector<16xi1>, vector<16xf32>
        %parallel_loop3A_344 = arith.select %parallel_loop3A_342, %parallel_loop3A_331, %parallel_loop3A_328 : vector<16xi1>, vector<16xi32>
        %parallel_loop3A_345 = arith.cmpf ogt, %parallel_loop3A_337, %parallel_loop3A_334 : vector<16xf32>
        %parallel_loop3A_346 = arith.select %parallel_loop3A_345, %parallel_loop3A_337, %parallel_loop3A_334 : vector<16xi1>, vector<16xf32>
        %parallel_loop3A_347 = arith.select %parallel_loop3A_345, %parallel_loop3A_338, %parallel_loop3A_335 : vector<16xi1>, vector<16xi32>
        %parallel_loop3A_348 = arith.cmpf ogt, %parallel_loop3A_343, %parallel_loop3A_340 : vector<16xf32>
        %parallel_loop3A_349 = arith.select %parallel_loop3A_348, %parallel_loop3A_343, %parallel_loop3A_340 : vector<16xi1>, vector<16xf32>
        %parallel_loop3A_350 = arith.select %parallel_loop3A_348, %parallel_loop3A_344, %parallel_loop3A_341 : vector<16xi1>, vector<16xi32>
        %parallel_loop3A_351 = arith.cmpf ogt, %parallel_loop3A_349, %parallel_loop3A_346 : vector<16xf32>
        %parallel_loop3A_352 = arith.select %parallel_loop3A_351, %parallel_loop3A_349, %parallel_loop3A_346 : vector<16xi1>, vector<16xf32>
        %parallel_loop3A_353 = arith.select %parallel_loop3A_351, %parallel_loop3A_350, %parallel_loop3A_347 : vector<16xi1>, vector<16xi32>
        %parallel_loop3A_354 = arith.constant 56 : i32
        %parallel_loop3A_355 = vector.broadcast %parallel_loop3A_354 : i32 to vector<16xi32>
        %parallel_loop3A_356 = tpu.vector_load_idx %arg5[%parallel_loop3A_38, %parallel_loop3A_355] : memref<512x64xf32, #tpu.memory_space<vmem>>[vector<16xi32>, vector<16xi32>], vector<16xf32>,
        %parallel_loop3A_357 = arith.constant 57 : i32
        %parallel_loop3A_358 = vector.broadcast %parallel_loop3A_357 : i32 to vector<16xi32>
        %parallel_loop3A_359 = tpu.vector_load_idx %arg5[%parallel_loop3A_38, %parallel_loop3A_358] : memref<512x64xf32, #tpu.memory_space<vmem>>[vector<16xi32>, vector<16xi32>], vector<16xf32>,
        %parallel_loop3A_360 = arith.constant 58 : i32
        %parallel_loop3A_361 = vector.broadcast %parallel_loop3A_360 : i32 to vector<16xi32>
        %parallel_loop3A_362 = tpu.vector_load_idx %arg5[%parallel_loop3A_38, %parallel_loop3A_361] : memref<512x64xf32, #tpu.memory_space<vmem>>[vector<16xi32>, vector<16xi32>], vector<16xf32>,
        %parallel_loop3A_363 = arith.constant 59 : i32
        %parallel_loop3A_364 = vector.broadcast %parallel_loop3A_363 : i32 to vector<16xi32>
        %parallel_loop3A_365 = tpu.vector_load_idx %arg5[%parallel_loop3A_38, %parallel_loop3A_364] : memref<512x64xf32, #tpu.memory_space<vmem>>[vector<16xi32>, vector<16xi32>], vector<16xf32>,
        %parallel_loop3A_366 = arith.constant 60 : i32
        %parallel_loop3A_367 = vector.broadcast %parallel_loop3A_366 : i32 to vector<16xi32>
        %parallel_loop3A_368 = tpu.vector_load_idx %arg5[%parallel_loop3A_38, %parallel_loop3A_367] : memref<512x64xf32, #tpu.memory_space<vmem>>[vector<16xi32>, vector<16xi32>], vector<16xf32>,
        %parallel_loop3A_369 = arith.constant 61 : i32
        %parallel_loop3A_370 = vector.broadcast %parallel_loop3A_369 : i32 to vector<16xi32>
        %parallel_loop3A_371 = tpu.vector_load_idx %arg5[%parallel_loop3A_38, %parallel_loop3A_370] : memref<512x64xf32, #tpu.memory_space<vmem>>[vector<16xi32>, vector<16xi32>], vector<16xf32>,
        %parallel_loop3A_372 = arith.constant 62 : i32
        %parallel_loop3A_373 = vector.broadcast %parallel_loop3A_372 : i32 to vector<16xi32>
        %parallel_loop3A_374 = tpu.vector_load_idx %arg5[%parallel_loop3A_38, %parallel_loop3A_373] : memref<512x64xf32, #tpu.memory_space<vmem>>[vector<16xi32>, vector<16xi32>], vector<16xf32>,
        %parallel_loop3A_375 = arith.constant 63 : i32
        %parallel_loop3A_376 = vector.broadcast %parallel_loop3A_375 : i32 to vector<16xi32>
        %parallel_loop3A_377 = tpu.vector_load_idx %arg5[%parallel_loop3A_38, %parallel_loop3A_376] : memref<512x64xf32, #tpu.memory_space<vmem>>[vector<16xi32>, vector<16xi32>], vector<16xf32>,
        %parallel_loop3A_378 = arith.cmpf ogt, %parallel_loop3A_359, %parallel_loop3A_356 : vector<16xf32>
        %parallel_loop3A_379 = arith.select %parallel_loop3A_378, %parallel_loop3A_359, %parallel_loop3A_356 : vector<16xi1>, vector<16xf32>
        %parallel_loop3A_380 = arith.select %parallel_loop3A_378, %parallel_loop3A_358, %parallel_loop3A_355 : vector<16xi1>, vector<16xi32>
        %parallel_loop3A_381 = arith.cmpf ogt, %parallel_loop3A_365, %parallel_loop3A_362 : vector<16xf32>
        %parallel_loop3A_382 = arith.select %parallel_loop3A_381, %parallel_loop3A_365, %parallel_loop3A_362 : vector<16xi1>, vector<16xf32>
        %parallel_loop3A_383 = arith.select %parallel_loop3A_381, %parallel_loop3A_364, %parallel_loop3A_361 : vector<16xi1>, vector<16xi32>
        %parallel_loop3A_384 = arith.cmpf ogt, %parallel_loop3A_371, %parallel_loop3A_368 : vector<16xf32>
        %parallel_loop3A_385 = arith.select %parallel_loop3A_384, %parallel_loop3A_371, %parallel_loop3A_368 : vector<16xi1>, vector<16xf32>
        %parallel_loop3A_386 = arith.select %parallel_loop3A_384, %parallel_loop3A_370, %parallel_loop3A_367 : vector<16xi1>, vector<16xi32>
        %parallel_loop3A_387 = arith.cmpf ogt, %parallel_loop3A_377, %parallel_loop3A_374 : vector<16xf32>
        %parallel_loop3A_388 = arith.select %parallel_loop3A_387, %parallel_loop3A_377, %parallel_loop3A_374 : vector<16xi1>, vector<16xf32>
        %parallel_loop3A_389 = arith.select %parallel_loop3A_387, %parallel_loop3A_376, %parallel_loop3A_373 : vector<16xi1>, vector<16xi32>
        %parallel_loop3A_390 = arith.cmpf ogt, %parallel_loop3A_382, %parallel_loop3A_379 : vector<16xf32>
        %parallel_loop3A_391 = arith.select %parallel_loop3A_390, %parallel_loop3A_382, %parallel_loop3A_379 : vector<16xi1>, vector<16xf32>
        %parallel_loop3A_392 = arith.select %parallel_loop3A_390, %parallel_loop3A_383, %parallel_loop3A_380 : vector<16xi1>, vector<16xi32>
        %parallel_loop3A_393 = arith.cmpf ogt, %parallel_loop3A_388, %parallel_loop3A_385 : vector<16xf32>
        %parallel_loop3A_394 = arith.select %parallel_loop3A_393, %parallel_loop3A_388, %parallel_loop3A_385 : vector<16xi1>, vector<16xf32>
        %parallel_loop3A_395 = arith.select %parallel_loop3A_393, %parallel_loop3A_389, %parallel_loop3A_386 : vector<16xi1>, vector<16xi32>
        %parallel_loop3A_396 = arith.cmpf ogt, %parallel_loop3A_394, %parallel_loop3A_391 : vector<16xf32>
        %parallel_loop3A_397 = arith.select %parallel_loop3A_396, %parallel_loop3A_394, %parallel_loop3A_391 : vector<16xi1>, vector<16xf32>
        %parallel_loop3A_398 = arith.select %parallel_loop3A_396, %parallel_loop3A_395, %parallel_loop3A_392 : vector<16xi1>, vector<16xi32>
        %parallel_loop3A_399 = arith.cmpf ogt, %parallel_loop3A_127, %parallel_loop3A_82 : vector<16xf32>
        %parallel_loop3A_400 = arith.select %parallel_loop3A_399, %parallel_loop3A_127, %parallel_loop3A_82 : vector<16xi1>, vector<16xf32>
        %parallel_loop3A_401 = arith.select %parallel_loop3A_399, %parallel_loop3A_128, %parallel_loop3A_83 : vector<16xi1>, vector<16xi32>
        %parallel_loop3A_402 = arith.cmpf ogt, %parallel_loop3A_217, %parallel_loop3A_172 : vector<16xf32>
        %parallel_loop3A_403 = arith.select %parallel_loop3A_402, %parallel_loop3A_217, %parallel_loop3A_172 : vector<16xi1>, vector<16xf32>
        %parallel_loop3A_404 = arith.select %parallel_loop3A_402, %parallel_loop3A_218, %parallel_loop3A_173 : vector<16xi1>, vector<16xi32>
        %parallel_loop3A_405 = arith.cmpf ogt, %parallel_loop3A_307, %parallel_loop3A_262 : vector<16xf32>
        %parallel_loop3A_406 = arith.select %parallel_loop3A_405, %parallel_loop3A_307, %parallel_loop3A_262 : vector<16xi1>, vector<16xf32>
        %parallel_loop3A_407 = arith.select %parallel_loop3A_405, %parallel_loop3A_308, %parallel_loop3A_263 : vector<16xi1>, vector<16xi32>
        %parallel_loop3A_408 = arith.cmpf ogt, %parallel_loop3A_397, %parallel_loop3A_352 : vector<16xf32>
        %parallel_loop3A_409 = arith.select %parallel_loop3A_408, %parallel_loop3A_397, %parallel_loop3A_352 : vector<16xi1>, vector<16xf32>
        %parallel_loop3A_410 = arith.select %parallel_loop3A_408, %parallel_loop3A_398, %parallel_loop3A_353 : vector<16xi1>, vector<16xi32>
        %parallel_loop3A_411 = arith.cmpf ogt, %parallel_loop3A_403, %parallel_loop3A_400 : vector<16xf32>
        %parallel_loop3A_412 = arith.select %parallel_loop3A_411, %parallel_loop3A_403, %parallel_loop3A_400 : vector<16xi1>, vector<16xf32>
        %parallel_loop3A_413 = arith.select %parallel_loop3A_411, %parallel_loop3A_404, %parallel_loop3A_401 : vector<16xi1>, vector<16xi32>
        %parallel_loop3A_414 = arith.cmpf ogt, %parallel_loop3A_409, %parallel_loop3A_406 : vector<16xf32>
        %parallel_loop3A_415 = arith.select %parallel_loop3A_414, %parallel_loop3A_409, %parallel_loop3A_406 : vector<16xi1>, vector<16xf32>
        %parallel_loop3A_416 = arith.select %parallel_loop3A_414, %parallel_loop3A_410, %parallel_loop3A_407 : vector<16xi1>, vector<16xi32>
        %parallel_loop3A_417 = arith.cmpf ogt, %parallel_loop3A_415, %parallel_loop3A_412 : vector<16xf32>
        %parallel_loop3A_418 = arith.select %parallel_loop3A_417, %parallel_loop3A_415, %parallel_loop3A_412 : vector<16xi1>, vector<16xf32>
        %parallel_loop3A_419 = arith.select %parallel_loop3A_417, %parallel_loop3A_416, %parallel_loop3A_413 : vector<16xi1>, vector<16xi32>
        tpu.vector_store_idx %arg5[%parallel_loop3A_38, %parallel_loop3A_419], %broadcast_in_dim3A_1 : memref<512x64xf32, #tpu.memory_space<vmem>>[vector<16xi32>, vector<16xi32>], vector<16xf32>,
        %parallel_loop3A_420 = arith.constant -8 : i32
        %parallel_loop3A_421 = vector.broadcast %parallel_loop3A_420 : i32 to vector<16xi32>
        %parallel_loop3A_422 = arith.andi %parallel_loop3A_419, %parallel_loop3A_421 : vector<16xi32>
        %parallel_loop3A_423 = arith.constant 0 : i32
        %parallel_loop3A_424 = vector.broadcast %parallel_loop3A_423 : i32 to vector<16xi32>
        %parallel_loop3A_425 = arith.addi %parallel_loop3A_422, %parallel_loop3A_424 : vector<16xi32>
        %parallel_loop3A_426 = tpu.vector_load_idx %arg5[%parallel_loop3A_38, %parallel_loop3A_425] : memref<512x64xf32, #tpu.memory_space<vmem>>[vector<16xi32>, vector<16xi32>], vector<16xf32>,
        %parallel_loop3A_427 = arith.addi %parallel_loop3A_422, %parallel_loop3A_424 : vector<16xi32>
        %parallel_loop3A_428 = arith.constant 1 : i32
        %parallel_loop3A_429 = vector.broadcast %parallel_loop3A_428 : i32 to vector<16xi32>
        %parallel_loop3A_430 = arith.addi %parallel_loop3A_422, %parallel_loop3A_429 : vector<16xi32>
        %parallel_loop3A_431 = tpu.vector_load_idx %arg5[%parallel_loop3A_38, %parallel_loop3A_430] : memref<512x64xf32, #tpu.memory_space<vmem>>[vector<16xi32>, vector<16xi32>], vector<16xf32>,
        %parallel_loop3A_432 = arith.addi %parallel_loop3A_422, %parallel_loop3A_429 : vector<16xi32>
        %parallel_loop3A_433 = arith.constant 2 : i32
        %parallel_loop3A_434 = vector.broadcast %parallel_loop3A_433 : i32 to vector<16xi32>
        %parallel_loop3A_435 = arith.addi %parallel_loop3A_422, %parallel_loop3A_434 : vector<16xi32>
        %parallel_loop3A_436 = tpu.vector_load_idx %arg5[%parallel_loop3A_38, %parallel_loop3A_435] : memref<512x64xf32, #tpu.memory_space<vmem>>[vector<16xi32>, vector<16xi32>], vector<16xf32>,
        %parallel_loop3A_437 = arith.addi %parallel_loop3A_422, %parallel_loop3A_434 : vector<16xi32>
        %parallel_loop3A_438 = arith.constant 3 : i32
        %parallel_loop3A_439 = vector.broadcast %parallel_loop3A_438 : i32 to vector<16xi32>
        %parallel_loop3A_440 = arith.addi %parallel_loop3A_422, %parallel_loop3A_439 : vector<16xi32>
        %parallel_loop3A_441 = tpu.vector_load_idx %arg5[%parallel_loop3A_38, %parallel_loop3A_440] : memref<512x64xf32, #tpu.memory_space<vmem>>[vector<16xi32>, vector<16xi32>], vector<16xf32>,
        %parallel_loop3A_442 = arith.addi %parallel_loop3A_422, %parallel_loop3A_439 : vector<16xi32>
        %parallel_loop3A_443 = arith.constant 4 : i32
        %parallel_loop3A_444 = vector.broadcast %parallel_loop3A_443 : i32 to vector<16xi32>
        %parallel_loop3A_445 = arith.addi %parallel_loop3A_422, %parallel_loop3A_444 : vector<16xi32>
        %parallel_loop3A_446 = tpu.vector_load_idx %arg5[%parallel_loop3A_38, %parallel_loop3A_445] : memref<512x64xf32, #tpu.memory_space<vmem>>[vector<16xi32>, vector<16xi32>], vector<16xf32>,
        %parallel_loop3A_447 = arith.addi %parallel_loop3A_422, %parallel_loop3A_444 : vector<16xi32>
        %parallel_loop3A_448 = arith.constant 5 : i32
        %parallel_loop3A_449 = vector.broadcast %parallel_loop3A_448 : i32 to vector<16xi32>
        %parallel_loop3A_450 = arith.addi %parallel_loop3A_422, %parallel_loop3A_449 : vector<16xi32>
        %parallel_loop3A_451 = tpu.vector_load_idx %arg5[%parallel_loop3A_38, %parallel_loop3A_450] : memref<512x64xf32, #tpu.memory_space<vmem>>[vector<16xi32>, vector<16xi32>], vector<16xf32>,
        %parallel_loop3A_452 = arith.addi %parallel_loop3A_422, %parallel_loop3A_449 : vector<16xi32>
        %parallel_loop3A_453 = arith.constant 6 : i32
        %parallel_loop3A_454 = vector.broadcast %parallel_loop3A_453 : i32 to vector<16xi32>
        %parallel_loop3A_455 = arith.addi %parallel_loop3A_422, %parallel_loop3A_454 : vector<16xi32>
        %parallel_loop3A_456 = tpu.vector_load_idx %arg5[%parallel_loop3A_38, %parallel_loop3A_455] : memref<512x64xf32, #tpu.memory_space<vmem>>[vector<16xi32>, vector<16xi32>], vector<16xf32>,
        %parallel_loop3A_457 = arith.addi %parallel_loop3A_422, %parallel_loop3A_454 : vector<16xi32>
        %parallel_loop3A_458 = arith.constant 7 : i32
        %parallel_loop3A_459 = vector.broadcast %parallel_loop3A_458 : i32 to vector<16xi32>
        %parallel_loop3A_460 = arith.addi %parallel_loop3A_422, %parallel_loop3A_459 : vector<16xi32>
        %parallel_loop3A_461 = tpu.vector_load_idx %arg5[%parallel_loop3A_38, %parallel_loop3A_460] : memref<512x64xf32, #tpu.memory_space<vmem>>[vector<16xi32>, vector<16xi32>], vector<16xf32>,
        %parallel_loop3A_462 = arith.addi %parallel_loop3A_422, %parallel_loop3A_459 : vector<16xi32>
        %parallel_loop3A_463 = arith.cmpf ogt, %parallel_loop3A_431, %parallel_loop3A_426 : vector<16xf32>
        %parallel_loop3A_464 = arith.select %parallel_loop3A_463, %parallel_loop3A_431, %parallel_loop3A_426 : vector<16xi1>, vector<16xf32>
        %parallel_loop3A_465 = arith.select %parallel_loop3A_463, %parallel_loop3A_432, %parallel_loop3A_427 : vector<16xi1>, vector<16xi32>
        %parallel_loop3A_466 = arith.cmpf ogt, %parallel_loop3A_441, %parallel_loop3A_436 : vector<16xf32>
        %parallel_loop3A_467 = arith.select %parallel_loop3A_466, %parallel_loop3A_441, %parallel_loop3A_436 : vector<16xi1>, vector<16xf32>
        %parallel_loop3A_468 = arith.select %parallel_loop3A_466, %parallel_loop3A_442, %parallel_loop3A_437 : vector<16xi1>, vector<16xi32>
        %parallel_loop3A_469 = arith.cmpf ogt, %parallel_loop3A_451, %parallel_loop3A_446 : vector<16xf32>
        %parallel_loop3A_470 = arith.select %parallel_loop3A_469, %parallel_loop3A_451, %parallel_loop3A_446 : vector<16xi1>, vector<16xf32>
        %parallel_loop3A_471 = arith.select %parallel_loop3A_469, %parallel_loop3A_452, %parallel_loop3A_447 : vector<16xi1>, vector<16xi32>
        %parallel_loop3A_472 = arith.cmpf ogt, %parallel_loop3A_461, %parallel_loop3A_456 : vector<16xf32>
        %parallel_loop3A_473 = arith.select %parallel_loop3A_472, %parallel_loop3A_461, %parallel_loop3A_456 : vector<16xi1>, vector<16xf32>
        %parallel_loop3A_474 = arith.select %parallel_loop3A_472, %parallel_loop3A_462, %parallel_loop3A_457 : vector<16xi1>, vector<16xi32>
        %parallel_loop3A_475 = arith.cmpf ogt, %parallel_loop3A_467, %parallel_loop3A_464 : vector<16xf32>
        %parallel_loop3A_476 = arith.select %parallel_loop3A_475, %parallel_loop3A_467, %parallel_loop3A_464 : vector<16xi1>, vector<16xf32>
        %parallel_loop3A_477 = arith.select %parallel_loop3A_475, %parallel_loop3A_468, %parallel_loop3A_465 : vector<16xi1>, vector<16xi32>
        %parallel_loop3A_478 = arith.cmpf ogt, %parallel_loop3A_473, %parallel_loop3A_470 : vector<16xf32>
        %parallel_loop3A_479 = arith.select %parallel_loop3A_478, %parallel_loop3A_473, %parallel_loop3A_470 : vector<16xi1>, vector<16xf32>
        %parallel_loop3A_480 = arith.select %parallel_loop3A_478, %parallel_loop3A_474, %parallel_loop3A_471 : vector<16xi1>, vector<16xi32>
        %parallel_loop3A_481 = arith.cmpf ogt, %parallel_loop3A_479, %parallel_loop3A_476 : vector<16xf32>
        %parallel_loop3A_482 = arith.select %parallel_loop3A_481, %parallel_loop3A_479, %parallel_loop3A_476 : vector<16xi1>, vector<16xf32>
        %parallel_loop3A_483 = arith.select %parallel_loop3A_481, %parallel_loop3A_480, %parallel_loop3A_477 : vector<16xi1>, vector<16xi32>
        %parallel_loop3A_484 = arith.constant 0 : i32
        %parallel_loop3A_485 = vector.broadcast %parallel_loop3A_484 : i32 to vector<16xi32>
        %parallel_loop3A_486 = arith.cmpi eq, %parallel_loop3A_422, %parallel_loop3A_485 : vector<16xi32>
        %parallel_loop3A_487 = arith.select %parallel_loop3A_486, %parallel_loop3A_482, %parallel_loop3A_82 : vector<16xi1>, vector<16xf32>
        %parallel_loop3A_488 = arith.select %parallel_loop3A_486, %parallel_loop3A_483, %parallel_loop3A_83 : vector<16xi1>, vector<16xi32>
        %parallel_loop3A_489 = arith.constant 8 : i32
        %parallel_loop3A_490 = vector.broadcast %parallel_loop3A_489 : i32 to vector<16xi32>
        %parallel_loop3A_491 = arith.cmpi eq, %parallel_loop3A_422, %parallel_loop3A_490 : vector<16xi32>
        %parallel_loop3A_492 = arith.select %parallel_loop3A_491, %parallel_loop3A_482, %parallel_loop3A_127 : vector<16xi1>, vector<16xf32>
        %parallel_loop3A_493 = arith.select %parallel_loop3A_491, %parallel_loop3A_483, %parallel_loop3A_128 : vector<16xi1>, vector<16xi32>
        %parallel_loop3A_494 = arith.constant 16 : i32
        %parallel_loop3A_495 = vector.broadcast %parallel_loop3A_494 : i32 to vector<16xi32>
        %parallel_loop3A_496 = arith.cmpi eq, %parallel_loop3A_422, %parallel_loop3A_495 : vector<16xi32>
        %parallel_loop3A_497 = arith.select %parallel_loop3A_496, %parallel_loop3A_482, %parallel_loop3A_172 : vector<16xi1>, vector<16xf32>
        %parallel_loop3A_498 = arith.select %parallel_loop3A_496, %parallel_loop3A_483, %parallel_loop3A_173 : vector<16xi1>, vector<16xi32>
        %parallel_loop3A_499 = arith.constant 24 : i32
        %parallel_loop3A_500 = vector.broadcast %parallel_loop3A_499 : i32 to vector<16xi32>
        %parallel_loop3A_501 = arith.cmpi eq, %parallel_loop3A_422, %parallel_loop3A_500 : vector<16xi32>
        %parallel_loop3A_502 = arith.select %parallel_loop3A_501, %parallel_loop3A_482, %parallel_loop3A_217 : vector<16xi1>, vector<16xf32>
        %parallel_loop3A_503 = arith.select %parallel_loop3A_501, %parallel_loop3A_483, %parallel_loop3A_218 : vector<16xi1>, vector<16xi32>
        %parallel_loop3A_504 = arith.constant 32 : i32
        %parallel_loop3A_505 = vector.broadcast %parallel_loop3A_504 : i32 to vector<16xi32>
        %parallel_loop3A_506 = arith.cmpi eq, %parallel_loop3A_422, %parallel_loop3A_505 : vector<16xi32>
        %parallel_loop3A_507 = arith.select %parallel_loop3A_506, %parallel_loop3A_482, %parallel_loop3A_262 : vector<16xi1>, vector<16xf32>
        %parallel_loop3A_508 = arith.select %parallel_loop3A_506, %parallel_loop3A_483, %parallel_loop3A_263 : vector<16xi1>, vector<16xi32>
        %parallel_loop3A_509 = arith.constant 40 : i32
        %parallel_loop3A_510 = vector.broadcast %parallel_loop3A_509 : i32 to vector<16xi32>
        %parallel_loop3A_511 = arith.cmpi eq, %parallel_loop3A_422, %parallel_loop3A_510 : vector<16xi32>
        %parallel_loop3A_512 = arith.select %parallel_loop3A_511, %parallel_loop3A_482, %parallel_loop3A_307 : vector<16xi1>, vector<16xf32>
        %parallel_loop3A_513 = arith.select %parallel_loop3A_511, %parallel_loop3A_483, %parallel_loop3A_308 : vector<16xi1>, vector<16xi32>
        %parallel_loop3A_514 = arith.constant 48 : i32
        %parallel_loop3A_515 = vector.broadcast %parallel_loop3A_514 : i32 to vector<16xi32>
        %parallel_loop3A_516 = arith.cmpi eq, %parallel_loop3A_422, %parallel_loop3A_515 : vector<16xi32>
        %parallel_loop3A_517 = arith.select %parallel_loop3A_516, %parallel_loop3A_482, %parallel_loop3A_352 : vector<16xi1>, vector<16xf32>
        %parallel_loop3A_518 = arith.select %parallel_loop3A_516, %parallel_loop3A_483, %parallel_loop3A_353 : vector<16xi1>, vector<16xi32>
        %parallel_loop3A_519 = arith.constant 56 : i32
        %parallel_loop3A_520 = vector.broadcast %parallel_loop3A_519 : i32 to vector<16xi32>
        %parallel_loop3A_521 = arith.cmpi eq, %parallel_loop3A_422, %parallel_loop3A_520 : vector<16xi32>
        %parallel_loop3A_522 = arith.select %parallel_loop3A_521, %parallel_loop3A_482, %parallel_loop3A_397 : vector<16xi1>, vector<16xf32>
        %parallel_loop3A_523 = arith.select %parallel_loop3A_521, %parallel_loop3A_483, %parallel_loop3A_398 : vector<16xi1>, vector<16xi32>
        %parallel_loop3A_524 = arith.cmpf ogt, %parallel_loop3A_492, %parallel_loop3A_487 : vector<16xf32>
        %parallel_loop3A_525 = arith.select %parallel_loop3A_524, %parallel_loop3A_492, %parallel_loop3A_487 : vector<16xi1>, vector<16xf32>
        %parallel_loop3A_526 = arith.select %parallel_loop3A_524, %parallel_loop3A_493, %parallel_loop3A_488 : vector<16xi1>, vector<16xi32>
        %parallel_loop3A_527 = arith.cmpf ogt, %parallel_loop3A_502, %parallel_loop3A_497 : vector<16xf32>
        %parallel_loop3A_528 = arith.select %parallel_loop3A_527, %parallel_loop3A_502, %parallel_loop3A_497 : vector<16xi1>, vector<16xf32>
        %parallel_loop3A_529 = arith.select %parallel_loop3A_527, %parallel_loop3A_503, %parallel_loop3A_498 : vector<16xi1>, vector<16xi32>
        %parallel_loop3A_530 = arith.cmpf ogt, %parallel_loop3A_512, %parallel_loop3A_507 : vector<16xf32>
        %parallel_loop3A_531 = arith.select %parallel_loop3A_530, %parallel_loop3A_512, %parallel_loop3A_507 : vector<16xi1>, vector<16xf32>
        %parallel_loop3A_532 = arith.select %parallel_loop3A_530, %parallel_loop3A_513, %parallel_loop3A_508 : vector<16xi1>, vector<16xi32>
        %parallel_loop3A_533 = arith.cmpf ogt, %parallel_loop3A_522, %parallel_loop3A_517 : vector<16xf32>
        %parallel_loop3A_534 = arith.select %parallel_loop3A_533, %parallel_loop3A_522, %parallel_loop3A_517 : vector<16xi1>, vector<16xf32>
        %parallel_loop3A_535 = arith.select %parallel_loop3A_533, %parallel_loop3A_523, %parallel_loop3A_518 : vector<16xi1>, vector<16xi32>
        %parallel_loop3A_536 = arith.cmpf ogt, %parallel_loop3A_528, %parallel_loop3A_525 : vector<16xf32>
        %parallel_loop3A_537 = arith.select %parallel_loop3A_536, %parallel_loop3A_528, %parallel_loop3A_525 : vector<16xi1>, vector<16xf32>
        %parallel_loop3A_538 = arith.select %parallel_loop3A_536, %parallel_loop3A_529, %parallel_loop3A_526 : vector<16xi1>, vector<16xi32>
        %parallel_loop3A_539 = arith.cmpf ogt, %parallel_loop3A_534, %parallel_loop3A_531 : vector<16xf32>
        %parallel_loop3A_540 = arith.select %parallel_loop3A_539, %parallel_loop3A_534, %parallel_loop3A_531 : vector<16xi1>, vector<16xf32>
        %parallel_loop3A_541 = arith.select %parallel_loop3A_539, %parallel_loop3A_535, %parallel_loop3A_532 : vector<16xi1>, vector<16xi32>
        %parallel_loop3A_542 = arith.cmpf ogt, %parallel_loop3A_540, %parallel_loop3A_537 : vector<16xf32>
        %parallel_loop3A_543 = arith.select %parallel_loop3A_542, %parallel_loop3A_540, %parallel_loop3A_537 : vector<16xi1>, vector<16xf32>
        %parallel_loop3A_544 = arith.select %parallel_loop3A_542, %parallel_loop3A_541, %parallel_loop3A_538 : vector<16xi1>, vector<16xi32>
        tpu.vector_store_idx %arg5[%parallel_loop3A_38, %parallel_loop3A_544], %broadcast_in_dim3A_1 : memref<512x64xf32, #tpu.memory_space<vmem>>[vector<16xi32>, vector<16xi32>], vector<16xf32>,
        %parallel_loop3A_545 = arith.constant -8 : i32
        %parallel_loop3A_546 = vector.broadcast %parallel_loop3A_545 : i32 to vector<16xi32>
        %parallel_loop3A_547 = arith.andi %parallel_loop3A_544, %parallel_loop3A_546 : vector<16xi32>
        %parallel_loop3A_548 = arith.constant 0 : i32
        %parallel_loop3A_549 = vector.broadcast %parallel_loop3A_548 : i32 to vector<16xi32>
        %parallel_loop3A_550 = arith.addi %parallel_loop3A_547, %parallel_loop3A_549 : vector<16xi32>
        %parallel_loop3A_551 = tpu.vector_load_idx %arg5[%parallel_loop3A_38, %parallel_loop3A_550] : memref<512x64xf32, #tpu.memory_space<vmem>>[vector<16xi32>, vector<16xi32>], vector<16xf32>,
        %parallel_loop3A_552 = arith.addi %parallel_loop3A_547, %parallel_loop3A_549 : vector<16xi32>
        %parallel_loop3A_553 = arith.constant 1 : i32
        %parallel_loop3A_554 = vector.broadcast %parallel_loop3A_553 : i32 to vector<16xi32>
        %parallel_loop3A_555 = arith.addi %parallel_loop3A_547, %parallel_loop3A_554 : vector<16xi32>
        %parallel_loop3A_556 = tpu.vector_load_idx %arg5[%parallel_loop3A_38, %parallel_loop3A_555] : memref<512x64xf32, #tpu.memory_space<vmem>>[vector<16xi32>, vector<16xi32>], vector<16xf32>,
        %parallel_loop3A_557 = arith.addi %parallel_loop3A_547, %parallel_loop3A_554 : vector<16xi32>
        %parallel_loop3A_558 = arith.constant 2 : i32
        %parallel_loop3A_559 = vector.broadcast %parallel_loop3A_558 : i32 to vector<16xi32>
        %parallel_loop3A_560 = arith.addi %parallel_loop3A_547, %parallel_loop3A_559 : vector<16xi32>
        %parallel_loop3A_561 = tpu.vector_load_idx %arg5[%parallel_loop3A_38, %parallel_loop3A_560] : memref<512x64xf32, #tpu.memory_space<vmem>>[vector<16xi32>, vector<16xi32>], vector<16xf32>,
        %parallel_loop3A_562 = arith.addi %parallel_loop3A_547, %parallel_loop3A_559 : vector<16xi32>
        %parallel_loop3A_563 = arith.constant 3 : i32
        %parallel_loop3A_564 = vector.broadcast %parallel_loop3A_563 : i32 to vector<16xi32>
        %parallel_loop3A_565 = arith.addi %parallel_loop3A_547, %parallel_loop3A_564 : vector<16xi32>
        %parallel_loop3A_566 = tpu.vector_load_idx %arg5[%parallel_loop3A_38, %parallel_loop3A_565] : memref<512x64xf32, #tpu.memory_space<vmem>>[vector<16xi32>, vector<16xi32>], vector<16xf32>,
        %parallel_loop3A_567 = arith.addi %parallel_loop3A_547, %parallel_loop3A_564 : vector<16xi32>
        %parallel_loop3A_568 = arith.constant 4 : i32
        %parallel_loop3A_569 = vector.broadcast %parallel_loop3A_568 : i32 to vector<16xi32>
        %parallel_loop3A_570 = arith.addi %parallel_loop3A_547, %parallel_loop3A_569 : vector<16xi32>
        %parallel_loop3A_571 = tpu.vector_load_idx %arg5[%parallel_loop3A_38, %parallel_loop3A_570] : memref<512x64xf32, #tpu.memory_space<vmem>>[vector<16xi32>, vector<16xi32>], vector<16xf32>,
        %parallel_loop3A_572 = arith.addi %parallel_loop3A_547, %parallel_loop3A_569 : vector<16xi32>
        %parallel_loop3A_573 = arith.constant 5 : i32
        %parallel_loop3A_574 = vector.broadcast %parallel_loop3A_573 : i32 to vector<16xi32>
        %parallel_loop3A_575 = arith.addi %parallel_loop3A_547, %parallel_loop3A_574 : vector<16xi32>
        %parallel_loop3A_576 = tpu.vector_load_idx %arg5[%parallel_loop3A_38, %parallel_loop3A_575] : memref<512x64xf32, #tpu.memory_space<vmem>>[vector<16xi32>, vector<16xi32>], vector<16xf32>,
        %parallel_loop3A_577 = arith.addi %parallel_loop3A_547, %parallel_loop3A_574 : vector<16xi32>
        %parallel_loop3A_578 = arith.constant 6 : i32
        %parallel_loop3A_579 = vector.broadcast %parallel_loop3A_578 : i32 to vector<16xi32>
        %parallel_loop3A_580 = arith.addi %parallel_loop3A_547, %parallel_loop3A_579 : vector<16xi32>
        %parallel_loop3A_581 = tpu.vector_load_idx %arg5[%parallel_loop3A_38, %parallel_loop3A_580] : memref<512x64xf32, #tpu.memory_space<vmem>>[vector<16xi32>, vector<16xi32>], vector<16xf32>,
        %parallel_loop3A_582 = arith.addi %parallel_loop3A_547, %parallel_loop3A_579 : vector<16xi32>
        %parallel_loop3A_583 = arith.constant 7 : i32
        %parallel_loop3A_584 = vector.broadcast %parallel_loop3A_583 : i32 to vector<16xi32>
        %parallel_loop3A_585 = arith.addi %parallel_loop3A_547, %parallel_loop3A_584 : vector<16xi32>
        %parallel_loop3A_586 = tpu.vector_load_idx %arg5[%parallel_loop3A_38, %parallel_loop3A_585] : memref<512x64xf32, #tpu.memory_space<vmem>>[vector<16xi32>, vector<16xi32>], vector<16xf32>,
        %parallel_loop3A_587 = arith.addi %parallel_loop3A_547, %parallel_loop3A_584 : vector<16xi32>
        %parallel_loop3A_588 = arith.cmpf ogt, %parallel_loop3A_556, %parallel_loop3A_551 : vector<16xf32>
        %parallel_loop3A_589 = arith.select %parallel_loop3A_588, %parallel_loop3A_556, %parallel_loop3A_551 : vector<16xi1>, vector<16xf32>
        %parallel_loop3A_590 = arith.select %parallel_loop3A_588, %parallel_loop3A_557, %parallel_loop3A_552 : vector<16xi1>, vector<16xi32>
        %parallel_loop3A_591 = arith.cmpf ogt, %parallel_loop3A_566, %parallel_loop3A_561 : vector<16xf32>
        %parallel_loop3A_592 = arith.select %parallel_loop3A_591, %parallel_loop3A_566, %parallel_loop3A_561 : vector<16xi1>, vector<16xf32>
        %parallel_loop3A_593 = arith.select %parallel_loop3A_591, %parallel_loop3A_567, %parallel_loop3A_562 : vector<16xi1>, vector<16xi32>
        %parallel_loop3A_594 = arith.cmpf ogt, %parallel_loop3A_576, %parallel_loop3A_571 : vector<16xf32>
        %parallel_loop3A_595 = arith.select %parallel_loop3A_594, %parallel_loop3A_576, %parallel_loop3A_571 : vector<16xi1>, vector<16xf32>
        %parallel_loop3A_596 = arith.select %parallel_loop3A_594, %parallel_loop3A_577, %parallel_loop3A_572 : vector<16xi1>, vector<16xi32>
        %parallel_loop3A_597 = arith.cmpf ogt, %parallel_loop3A_586, %parallel_loop3A_581 : vector<16xf32>
        %parallel_loop3A_598 = arith.select %parallel_loop3A_597, %parallel_loop3A_586, %parallel_loop3A_581 : vector<16xi1>, vector<16xf32>
        %parallel_loop3A_599 = arith.select %parallel_loop3A_597, %parallel_loop3A_587, %parallel_loop3A_582 : vector<16xi1>, vector<16xi32>
        %parallel_loop3A_600 = arith.cmpf ogt, %parallel_loop3A_592, %parallel_loop3A_589 : vector<16xf32>
        %parallel_loop3A_601 = arith.select %parallel_loop3A_600, %parallel_loop3A_592, %parallel_loop3A_589 : vector<16xi1>, vector<16xf32>
        %parallel_loop3A_602 = arith.select %parallel_loop3A_600, %parallel_loop3A_593, %parallel_loop3A_590 : vector<16xi1>, vector<16xi32>
        %parallel_loop3A_603 = arith.cmpf ogt, %parallel_loop3A_598, %parallel_loop3A_595 : vector<16xf32>
        %parallel_loop3A_604 = arith.select %parallel_loop3A_603, %parallel_loop3A_598, %parallel_loop3A_595 : vector<16xi1>, vector<16xf32>
        %parallel_loop3A_605 = arith.select %parallel_loop3A_603, %parallel_loop3A_599, %parallel_loop3A_596 : vector<16xi1>, vector<16xi32>
        %parallel_loop3A_606 = arith.cmpf ogt, %parallel_loop3A_604, %parallel_loop3A_601 : vector<16xf32>
        %parallel_loop3A_607 = arith.select %parallel_loop3A_606, %parallel_loop3A_604, %parallel_loop3A_601 : vector<16xi1>, vector<16xf32>
        %parallel_loop3A_608 = arith.select %parallel_loop3A_606, %parallel_loop3A_605, %parallel_loop3A_602 : vector<16xi1>, vector<16xi32>
        %parallel_loop3A_609 = arith.constant 0 : i32
        %parallel_loop3A_610 = vector.broadcast %parallel_loop3A_609 : i32 to vector<16xi32>
        %parallel_loop3A_611 = arith.cmpi eq, %parallel_loop3A_547, %parallel_loop3A_610 : vector<16xi32>
        %parallel_loop3A_612 = arith.select %parallel_loop3A_611, %parallel_loop3A_607, %parallel_loop3A_487 : vector<16xi1>, vector<16xf32>
        %parallel_loop3A_613 = arith.select %parallel_loop3A_611, %parallel_loop3A_608, %parallel_loop3A_488 : vector<16xi1>, vector<16xi32>
        %parallel_loop3A_614 = arith.constant 8 : i32
        %parallel_loop3A_615 = vector.broadcast %parallel_loop3A_614 : i32 to vector<16xi32>
        %parallel_loop3A_616 = arith.cmpi eq, %parallel_loop3A_547, %parallel_loop3A_615 : vector<16xi32>
        %parallel_loop3A_617 = arith.select %parallel_loop3A_616, %parallel_loop3A_607, %parallel_loop3A_492 : vector<16xi1>, vector<16xf32>
        %parallel_loop3A_618 = arith.select %parallel_loop3A_616, %parallel_loop3A_608, %parallel_loop3A_493 : vector<16xi1>, vector<16xi32>
        %parallel_loop3A_619 = arith.constant 16 : i32
        %parallel_loop3A_620 = vector.broadcast %parallel_loop3A_619 : i32 to vector<16xi32>
        %parallel_loop3A_621 = arith.cmpi eq, %parallel_loop3A_547, %parallel_loop3A_620 : vector<16xi32>
        %parallel_loop3A_622 = arith.select %parallel_loop3A_621, %parallel_loop3A_607, %parallel_loop3A_497 : vector<16xi1>, vector<16xf32>
        %parallel_loop3A_623 = arith.select %parallel_loop3A_621, %parallel_loop3A_608, %parallel_loop3A_498 : vector<16xi1>, vector<16xi32>
        %parallel_loop3A_624 = arith.constant 24 : i32
        %parallel_loop3A_625 = vector.broadcast %parallel_loop3A_624 : i32 to vector<16xi32>
        %parallel_loop3A_626 = arith.cmpi eq, %parallel_loop3A_547, %parallel_loop3A_625 : vector<16xi32>
        %parallel_loop3A_627 = arith.select %parallel_loop3A_626, %parallel_loop3A_607, %parallel_loop3A_502 : vector<16xi1>, vector<16xf32>
        %parallel_loop3A_628 = arith.select %parallel_loop3A_626, %parallel_loop3A_608, %parallel_loop3A_503 : vector<16xi1>, vector<16xi32>
        %parallel_loop3A_629 = arith.constant 32 : i32
        %parallel_loop3A_630 = vector.broadcast %parallel_loop3A_629 : i32 to vector<16xi32>
        %parallel_loop3A_631 = arith.cmpi eq, %parallel_loop3A_547, %parallel_loop3A_630 : vector<16xi32>
        %parallel_loop3A_632 = arith.select %parallel_loop3A_631, %parallel_loop3A_607, %parallel_loop3A_507 : vector<16xi1>, vector<16xf32>
        %parallel_loop3A_633 = arith.select %parallel_loop3A_631, %parallel_loop3A_608, %parallel_loop3A_508 : vector<16xi1>, vector<16xi32>
        %parallel_loop3A_634 = arith.constant 40 : i32
        %parallel_loop3A_635 = vector.broadcast %parallel_loop3A_634 : i32 to vector<16xi32>
        %parallel_loop3A_636 = arith.cmpi eq, %parallel_loop3A_547, %parallel_loop3A_635 : vector<16xi32>
        %parallel_loop3A_637 = arith.select %parallel_loop3A_636, %parallel_loop3A_607, %parallel_loop3A_512 : vector<16xi1>, vector<16xf32>
        %parallel_loop3A_638 = arith.select %parallel_loop3A_636, %parallel_loop3A_608, %parallel_loop3A_513 : vector<16xi1>, vector<16xi32>
        %parallel_loop3A_639 = arith.constant 48 : i32
        %parallel_loop3A_640 = vector.broadcast %parallel_loop3A_639 : i32 to vector<16xi32>
        %parallel_loop3A_641 = arith.cmpi eq, %parallel_loop3A_547, %parallel_loop3A_640 : vector<16xi32>
        %parallel_loop3A_642 = arith.select %parallel_loop3A_641, %parallel_loop3A_607, %parallel_loop3A_517 : vector<16xi1>, vector<16xf32>
        %parallel_loop3A_643 = arith.select %parallel_loop3A_641, %parallel_loop3A_608, %parallel_loop3A_518 : vector<16xi1>, vector<16xi32>
        %parallel_loop3A_644 = arith.constant 56 : i32
        %parallel_loop3A_645 = vector.broadcast %parallel_loop3A_644 : i32 to vector<16xi32>
        %parallel_loop3A_646 = arith.cmpi eq, %parallel_loop3A_547, %parallel_loop3A_645 : vector<16xi32>
        %parallel_loop3A_647 = arith.select %parallel_loop3A_646, %parallel_loop3A_607, %parallel_loop3A_522 : vector<16xi1>, vector<16xf32>
        %parallel_loop3A_648 = arith.select %parallel_loop3A_646, %parallel_loop3A_608, %parallel_loop3A_523 : vector<16xi1>, vector<16xi32>
        %parallel_loop3A_649 = arith.cmpf ogt, %parallel_loop3A_617, %parallel_loop3A_612 : vector<16xf32>
        %parallel_loop3A_650 = arith.select %parallel_loop3A_649, %parallel_loop3A_617, %parallel_loop3A_612 : vector<16xi1>, vector<16xf32>
        %parallel_loop3A_651 = arith.select %parallel_loop3A_649, %parallel_loop3A_618, %parallel_loop3A_613 : vector<16xi1>, vector<16xi32>
        %parallel_loop3A_652 = arith.cmpf ogt, %parallel_loop3A_627, %parallel_loop3A_622 : vector<16xf32>
        %parallel_loop3A_653 = arith.select %parallel_loop3A_652, %parallel_loop3A_627, %parallel_loop3A_622 : vector<16xi1>, vector<16xf32>
        %parallel_loop3A_654 = arith.select %parallel_loop3A_652, %parallel_loop3A_628, %parallel_loop3A_623 : vector<16xi1>, vector<16xi32>
        %parallel_loop3A_655 = arith.cmpf ogt, %parallel_loop3A_637, %parallel_loop3A_632 : vector<16xf32>
        %parallel_loop3A_656 = arith.select %parallel_loop3A_655, %parallel_loop3A_637, %parallel_loop3A_632 : vector<16xi1>, vector<16xf32>
        %parallel_loop3A_657 = arith.select %parallel_loop3A_655, %parallel_loop3A_638, %parallel_loop3A_633 : vector<16xi1>, vector<16xi32>
        %parallel_loop3A_658 = arith.cmpf ogt, %parallel_loop3A_647, %parallel_loop3A_642 : vector<16xf32>
        %parallel_loop3A_659 = arith.select %parallel_loop3A_658, %parallel_loop3A_647, %parallel_loop3A_642 : vector<16xi1>, vector<16xf32>
        %parallel_loop3A_660 = arith.select %parallel_loop3A_658, %parallel_loop3A_648, %parallel_loop3A_643 : vector<16xi1>, vector<16xi32>
        %parallel_loop3A_661 = arith.cmpf ogt, %parallel_loop3A_653, %parallel_loop3A_650 : vector<16xf32>
        %parallel_loop3A_662 = arith.select %parallel_loop3A_661, %parallel_loop3A_653, %parallel_loop3A_650 : vector<16xi1>, vector<16xf32>
        %parallel_loop3A_663 = arith.select %parallel_loop3A_661, %parallel_loop3A_654, %parallel_loop3A_651 : vector<16xi1>, vector<16xi32>
        %parallel_loop3A_664 = arith.cmpf ogt, %parallel_loop3A_659, %parallel_loop3A_656 : vector<16xf32>
        %parallel_loop3A_665 = arith.select %parallel_loop3A_664, %parallel_loop3A_659, %parallel_loop3A_656 : vector<16xi1>, vector<16xf32>
        %parallel_loop3A_666 = arith.select %parallel_loop3A_664, %parallel_loop3A_660, %parallel_loop3A_657 : vector<16xi1>, vector<16xi32>
        %parallel_loop3A_667 = arith.cmpf ogt, %parallel_loop3A_665, %parallel_loop3A_662 : vector<16xf32>
        %parallel_loop3A_668 = arith.select %parallel_loop3A_667, %parallel_loop3A_665, %parallel_loop3A_662 : vector<16xi1>, vector<16xf32>
        %parallel_loop3A_669 = arith.select %parallel_loop3A_667, %parallel_loop3A_666, %parallel_loop3A_663 : vector<16xi1>, vector<16xi32>
        tpu.vector_store_idx %arg5[%parallel_loop3A_38, %parallel_loop3A_669], %broadcast_in_dim3A_1 : memref<512x64xf32, #tpu.memory_space<vmem>>[vector<16xi32>, vector<16xi32>], vector<16xf32>,
        %parallel_loop3A_670 = arith.constant -8 : i32
        %parallel_loop3A_671 = vector.broadcast %parallel_loop3A_670 : i32 to vector<16xi32>
        %parallel_loop3A_672 = arith.andi %parallel_loop3A_669, %parallel_loop3A_671 : vector<16xi32>
        %parallel_loop3A_673 = arith.constant 0 : i32
        %parallel_loop3A_674 = vector.broadcast %parallel_loop3A_673 : i32 to vector<16xi32>
        %parallel_loop3A_675 = arith.addi %parallel_loop3A_672, %parallel_loop3A_674 : vector<16xi32>
        %parallel_loop3A_676 = tpu.vector_load_idx %arg5[%parallel_loop3A_38, %parallel_loop3A_675] : memref<512x64xf32, #tpu.memory_space<vmem>>[vector<16xi32>, vector<16xi32>], vector<16xf32>,
        %parallel_loop3A_677 = arith.addi %parallel_loop3A_672, %parallel_loop3A_674 : vector<16xi32>
        %parallel_loop3A_678 = arith.constant 1 : i32
        %parallel_loop3A_679 = vector.broadcast %parallel_loop3A_678 : i32 to vector<16xi32>
        %parallel_loop3A_680 = arith.addi %parallel_loop3A_672, %parallel_loop3A_679 : vector<16xi32>
        %parallel_loop3A_681 = tpu.vector_load_idx %arg5[%parallel_loop3A_38, %parallel_loop3A_680] : memref<512x64xf32, #tpu.memory_space<vmem>>[vector<16xi32>, vector<16xi32>], vector<16xf32>,
        %parallel_loop3A_682 = arith.addi %parallel_loop3A_672, %parallel_loop3A_679 : vector<16xi32>
        %parallel_loop3A_683 = arith.constant 2 : i32
        %parallel_loop3A_684 = vector.broadcast %parallel_loop3A_683 : i32 to vector<16xi32>
        %parallel_loop3A_685 = arith.addi %parallel_loop3A_672, %parallel_loop3A_684 : vector<16xi32>
        %parallel_loop3A_686 = tpu.vector_load_idx %arg5[%parallel_loop3A_38, %parallel_loop3A_685] : memref<512x64xf32, #tpu.memory_space<vmem>>[vector<16xi32>, vector<16xi32>], vector<16xf32>,
        %parallel_loop3A_687 = arith.addi %parallel_loop3A_672, %parallel_loop3A_684 : vector<16xi32>
        %parallel_loop3A_688 = arith.constant 3 : i32
        %parallel_loop3A_689 = vector.broadcast %parallel_loop3A_688 : i32 to vector<16xi32>
        %parallel_loop3A_690 = arith.addi %parallel_loop3A_672, %parallel_loop3A_689 : vector<16xi32>
        %parallel_loop3A_691 = tpu.vector_load_idx %arg5[%parallel_loop3A_38, %parallel_loop3A_690] : memref<512x64xf32, #tpu.memory_space<vmem>>[vector<16xi32>, vector<16xi32>], vector<16xf32>,
        %parallel_loop3A_692 = arith.addi %parallel_loop3A_672, %parallel_loop3A_689 : vector<16xi32>
        %parallel_loop3A_693 = arith.constant 4 : i32
        %parallel_loop3A_694 = vector.broadcast %parallel_loop3A_693 : i32 to vector<16xi32>
        %parallel_loop3A_695 = arith.addi %parallel_loop3A_672, %parallel_loop3A_694 : vector<16xi32>
        %parallel_loop3A_696 = tpu.vector_load_idx %arg5[%parallel_loop3A_38, %parallel_loop3A_695] : memref<512x64xf32, #tpu.memory_space<vmem>>[vector<16xi32>, vector<16xi32>], vector<16xf32>,
        %parallel_loop3A_697 = arith.addi %parallel_loop3A_672, %parallel_loop3A_694 : vector<16xi32>
        %parallel_loop3A_698 = arith.constant 5 : i32
        %parallel_loop3A_699 = vector.broadcast %parallel_loop3A_698 : i32 to vector<16xi32>
        %parallel_loop3A_700 = arith.addi %parallel_loop3A_672, %parallel_loop3A_699 : vector<16xi32>
        %parallel_loop3A_701 = tpu.vector_load_idx %arg5[%parallel_loop3A_38, %parallel_loop3A_700] : memref<512x64xf32, #tpu.memory_space<vmem>>[vector<16xi32>, vector<16xi32>], vector<16xf32>,
        %parallel_loop3A_702 = arith.addi %parallel_loop3A_672, %parallel_loop3A_699 : vector<16xi32>
        %parallel_loop3A_703 = arith.constant 6 : i32
        %parallel_loop3A_704 = vector.broadcast %parallel_loop3A_703 : i32 to vector<16xi32>
        %parallel_loop3A_705 = arith.addi %parallel_loop3A_672, %parallel_loop3A_704 : vector<16xi32>
        %parallel_loop3A_706 = tpu.vector_load_idx %arg5[%parallel_loop3A_38, %parallel_loop3A_705] : memref<512x64xf32, #tpu.memory_space<vmem>>[vector<16xi32>, vector<16xi32>], vector<16xf32>,
        %parallel_loop3A_707 = arith.addi %parallel_loop3A_672, %parallel_loop3A_704 : vector<16xi32>
        %parallel_loop3A_708 = arith.constant 7 : i32
        %parallel_loop3A_709 = vector.broadcast %parallel_loop3A_708 : i32 to vector<16xi32>
        %parallel_loop3A_710 = arith.addi %parallel_loop3A_672, %parallel_loop3A_709 : vector<16xi32>
        %parallel_loop3A_711 = tpu.vector_load_idx %arg5[%parallel_loop3A_38, %parallel_loop3A_710] : memref<512x64xf32, #tpu.memory_space<vmem>>[vector<16xi32>, vector<16xi32>], vector<16xf32>,
        %parallel_loop3A_712 = arith.addi %parallel_loop3A_672, %parallel_loop3A_709 : vector<16xi32>
        %parallel_loop3A_713 = arith.cmpf ogt, %parallel_loop3A_681, %parallel_loop3A_676 : vector<16xf32>
        %parallel_loop3A_714 = arith.select %parallel_loop3A_713, %parallel_loop3A_681, %parallel_loop3A_676 : vector<16xi1>, vector<16xf32>
        %parallel_loop3A_715 = arith.select %parallel_loop3A_713, %parallel_loop3A_682, %parallel_loop3A_677 : vector<16xi1>, vector<16xi32>
        %parallel_loop3A_716 = arith.cmpf ogt, %parallel_loop3A_691, %parallel_loop3A_686 : vector<16xf32>
        %parallel_loop3A_717 = arith.select %parallel_loop3A_716, %parallel_loop3A_691, %parallel_loop3A_686 : vector<16xi1>, vector<16xf32>
        %parallel_loop3A_718 = arith.select %parallel_loop3A_716, %parallel_loop3A_692, %parallel_loop3A_687 : vector<16xi1>, vector<16xi32>
        %parallel_loop3A_719 = arith.cmpf ogt, %parallel_loop3A_701, %parallel_loop3A_696 : vector<16xf32>
        %parallel_loop3A_720 = arith.select %parallel_loop3A_719, %parallel_loop3A_701, %parallel_loop3A_696 : vector<16xi1>, vector<16xf32>
        %parallel_loop3A_721 = arith.select %parallel_loop3A_719, %parallel_loop3A_702, %parallel_loop3A_697 : vector<16xi1>, vector<16xi32>
        %parallel_loop3A_722 = arith.cmpf ogt, %parallel_loop3A_711, %parallel_loop3A_706 : vector<16xf32>
        %parallel_loop3A_723 = arith.select %parallel_loop3A_722, %parallel_loop3A_711, %parallel_loop3A_706 : vector<16xi1>, vector<16xf32>
        %parallel_loop3A_724 = arith.select %parallel_loop3A_722, %parallel_loop3A_712, %parallel_loop3A_707 : vector<16xi1>, vector<16xi32>
        %parallel_loop3A_725 = arith.cmpf ogt, %parallel_loop3A_717, %parallel_loop3A_714 : vector<16xf32>
        %parallel_loop3A_726 = arith.select %parallel_loop3A_725, %parallel_loop3A_717, %parallel_loop3A_714 : vector<16xi1>, vector<16xf32>
        %parallel_loop3A_727 = arith.select %parallel_loop3A_725, %parallel_loop3A_718, %parallel_loop3A_715 : vector<16xi1>, vector<16xi32>
        %parallel_loop3A_728 = arith.cmpf ogt, %parallel_loop3A_723, %parallel_loop3A_720 : vector<16xf32>
        %parallel_loop3A_729 = arith.select %parallel_loop3A_728, %parallel_loop3A_723, %parallel_loop3A_720 : vector<16xi1>, vector<16xf32>
        %parallel_loop3A_730 = arith.select %parallel_loop3A_728, %parallel_loop3A_724, %parallel_loop3A_721 : vector<16xi1>, vector<16xi32>
        %parallel_loop3A_731 = arith.cmpf ogt, %parallel_loop3A_729, %parallel_loop3A_726 : vector<16xf32>
        %parallel_loop3A_732 = arith.select %parallel_loop3A_731, %parallel_loop3A_729, %parallel_loop3A_726 : vector<16xi1>, vector<16xf32>
        %parallel_loop3A_733 = arith.select %parallel_loop3A_731, %parallel_loop3A_730, %parallel_loop3A_727 : vector<16xi1>, vector<16xi32>
        %parallel_loop3A_734 = arith.constant 0 : i32
        %parallel_loop3A_735 = vector.broadcast %parallel_loop3A_734 : i32 to vector<16xi32>
        %parallel_loop3A_736 = arith.cmpi eq, %parallel_loop3A_672, %parallel_loop3A_735 : vector<16xi32>
        %parallel_loop3A_737 = arith.select %parallel_loop3A_736, %parallel_loop3A_732, %parallel_loop3A_612 : vector<16xi1>, vector<16xf32>
        %parallel_loop3A_738 = arith.select %parallel_loop3A_736, %parallel_loop3A_733, %parallel_loop3A_613 : vector<16xi1>, vector<16xi32>
        %parallel_loop3A_739 = arith.constant 8 : i32
        %parallel_loop3A_740 = vector.broadcast %parallel_loop3A_739 : i32 to vector<16xi32>
        %parallel_loop3A_741 = arith.cmpi eq, %parallel_loop3A_672, %parallel_loop3A_740 : vector<16xi32>
        %parallel_loop3A_742 = arith.select %parallel_loop3A_741, %parallel_loop3A_732, %parallel_loop3A_617 : vector<16xi1>, vector<16xf32>
        %parallel_loop3A_743 = arith.select %parallel_loop3A_741, %parallel_loop3A_733, %parallel_loop3A_618 : vector<16xi1>, vector<16xi32>
        %parallel_loop3A_744 = arith.constant 16 : i32
        %parallel_loop3A_745 = vector.broadcast %parallel_loop3A_744 : i32 to vector<16xi32>
        %parallel_loop3A_746 = arith.cmpi eq, %parallel_loop3A_672, %parallel_loop3A_745 : vector<16xi32>
        %parallel_loop3A_747 = arith.select %parallel_loop3A_746, %parallel_loop3A_732, %parallel_loop3A_622 : vector<16xi1>, vector<16xf32>
        %parallel_loop3A_748 = arith.select %parallel_loop3A_746, %parallel_loop3A_733, %parallel_loop3A_623 : vector<16xi1>, vector<16xi32>
        %parallel_loop3A_749 = arith.constant 24 : i32
        %parallel_loop3A_750 = vector.broadcast %parallel_loop3A_749 : i32 to vector<16xi32>
        %parallel_loop3A_751 = arith.cmpi eq, %parallel_loop3A_672, %parallel_loop3A_750 : vector<16xi32>
        %parallel_loop3A_752 = arith.select %parallel_loop3A_751, %parallel_loop3A_732, %parallel_loop3A_627 : vector<16xi1>, vector<16xf32>
        %parallel_loop3A_753 = arith.select %parallel_loop3A_751, %parallel_loop3A_733, %parallel_loop3A_628 : vector<16xi1>, vector<16xi32>
        %parallel_loop3A_754 = arith.constant 32 : i32
        %parallel_loop3A_755 = vector.broadcast %parallel_loop3A_754 : i32 to vector<16xi32>
        %parallel_loop3A_756 = arith.cmpi eq, %parallel_loop3A_672, %parallel_loop3A_755 : vector<16xi32>
        %parallel_loop3A_757 = arith.select %parallel_loop3A_756, %parallel_loop3A_732, %parallel_loop3A_632 : vector<16xi1>, vector<16xf32>
        %parallel_loop3A_758 = arith.select %parallel_loop3A_756, %parallel_loop3A_733, %parallel_loop3A_633 : vector<16xi1>, vector<16xi32>
        %parallel_loop3A_759 = arith.constant 40 : i32
        %parallel_loop3A_760 = vector.broadcast %parallel_loop3A_759 : i32 to vector<16xi32>
        %parallel_loop3A_761 = arith.cmpi eq, %parallel_loop3A_672, %parallel_loop3A_760 : vector<16xi32>
        %parallel_loop3A_762 = arith.select %parallel_loop3A_761, %parallel_loop3A_732, %parallel_loop3A_637 : vector<16xi1>, vector<16xf32>
        %parallel_loop3A_763 = arith.select %parallel_loop3A_761, %parallel_loop3A_733, %parallel_loop3A_638 : vector<16xi1>, vector<16xi32>
        %parallel_loop3A_764 = arith.constant 48 : i32
        %parallel_loop3A_765 = vector.broadcast %parallel_loop3A_764 : i32 to vector<16xi32>
        %parallel_loop3A_766 = arith.cmpi eq, %parallel_loop3A_672, %parallel_loop3A_765 : vector<16xi32>
        %parallel_loop3A_767 = arith.select %parallel_loop3A_766, %parallel_loop3A_732, %parallel_loop3A_642 : vector<16xi1>, vector<16xf32>
        %parallel_loop3A_768 = arith.select %parallel_loop3A_766, %parallel_loop3A_733, %parallel_loop3A_643 : vector<16xi1>, vector<16xi32>
        %parallel_loop3A_769 = arith.constant 56 : i32
        %parallel_loop3A_770 = vector.broadcast %parallel_loop3A_769 : i32 to vector<16xi32>
        %parallel_loop3A_771 = arith.cmpi eq, %parallel_loop3A_672, %parallel_loop3A_770 : vector<16xi32>
        %parallel_loop3A_772 = arith.select %parallel_loop3A_771, %parallel_loop3A_732, %parallel_loop3A_647 : vector<16xi1>, vector<16xf32>
        %parallel_loop3A_773 = arith.select %parallel_loop3A_771, %parallel_loop3A_733, %parallel_loop3A_648 : vector<16xi1>, vector<16xi32>
        %parallel_loop3A_774 = arith.cmpf ogt, %parallel_loop3A_742, %parallel_loop3A_737 : vector<16xf32>
        %parallel_loop3A_775 = arith.select %parallel_loop3A_774, %parallel_loop3A_742, %parallel_loop3A_737 : vector<16xi1>, vector<16xf32>
        %parallel_loop3A_776 = arith.select %parallel_loop3A_774, %parallel_loop3A_743, %parallel_loop3A_738 : vector<16xi1>, vector<16xi32>
        %parallel_loop3A_777 = arith.cmpf ogt, %parallel_loop3A_752, %parallel_loop3A_747 : vector<16xf32>
        %parallel_loop3A_778 = arith.select %parallel_loop3A_777, %parallel_loop3A_752, %parallel_loop3A_747 : vector<16xi1>, vector<16xf32>
        %parallel_loop3A_779 = arith.select %parallel_loop3A_777, %parallel_loop3A_753, %parallel_loop3A_748 : vector<16xi1>, vector<16xi32>
        %parallel_loop3A_780 = arith.cmpf ogt, %parallel_loop3A_762, %parallel_loop3A_757 : vector<16xf32>
        %parallel_loop3A_781 = arith.select %parallel_loop3A_780, %parallel_loop3A_762, %parallel_loop3A_757 : vector<16xi1>, vector<16xf32>
        %parallel_loop3A_782 = arith.select %parallel_loop3A_780, %parallel_loop3A_763, %parallel_loop3A_758 : vector<16xi1>, vector<16xi32>
        %parallel_loop3A_783 = arith.cmpf ogt, %parallel_loop3A_772, %parallel_loop3A_767 : vector<16xf32>
        %parallel_loop3A_784 = arith.select %parallel_loop3A_783, %parallel_loop3A_772, %parallel_loop3A_767 : vector<16xi1>, vector<16xf32>
        %parallel_loop3A_785 = arith.select %parallel_loop3A_783, %parallel_loop3A_773, %parallel_loop3A_768 : vector<16xi1>, vector<16xi32>
        %parallel_loop3A_786 = arith.cmpf ogt, %parallel_loop3A_778, %parallel_loop3A_775 : vector<16xf32>
        %parallel_loop3A_787 = arith.select %parallel_loop3A_786, %parallel_loop3A_778, %parallel_loop3A_775 : vector<16xi1>, vector<16xf32>
        %parallel_loop3A_788 = arith.select %parallel_loop3A_786, %parallel_loop3A_779, %parallel_loop3A_776 : vector<16xi1>, vector<16xi32>
        %parallel_loop3A_789 = arith.cmpf ogt, %parallel_loop3A_784, %parallel_loop3A_781 : vector<16xf32>
        %parallel_loop3A_790 = arith.select %parallel_loop3A_789, %parallel_loop3A_784, %parallel_loop3A_781 : vector<16xi1>, vector<16xf32>
        %parallel_loop3A_791 = arith.select %parallel_loop3A_789, %parallel_loop3A_785, %parallel_loop3A_782 : vector<16xi1>, vector<16xi32>
        %parallel_loop3A_792 = arith.cmpf ogt, %parallel_loop3A_790, %parallel_loop3A_787 : vector<16xf32>
        %parallel_loop3A_793 = arith.select %parallel_loop3A_792, %parallel_loop3A_790, %parallel_loop3A_787 : vector<16xi1>, vector<16xf32>
        %parallel_loop3A_794 = arith.select %parallel_loop3A_792, %parallel_loop3A_791, %parallel_loop3A_788 : vector<16xi1>, vector<16xi32>
        tpu.vector_store_idx %arg5[%parallel_loop3A_38, %parallel_loop3A_794], %broadcast_in_dim3A_1 : memref<512x64xf32, #tpu.memory_space<vmem>>[vector<16xi32>, vector<16xi32>], vector<16xf32>,
        %parallel_loop3A_795 = arith.constant -8 : i32
        %parallel_loop3A_796 = vector.broadcast %parallel_loop3A_795 : i32 to vector<16xi32>
        %parallel_loop3A_797 = arith.andi %parallel_loop3A_794, %parallel_loop3A_796 : vector<16xi32>
        %parallel_loop3A_798 = arith.constant 0 : i32
        %parallel_loop3A_799 = vector.broadcast %parallel_loop3A_798 : i32 to vector<16xi32>
        %parallel_loop3A_800 = arith.addi %parallel_loop3A_797, %parallel_loop3A_799 : vector<16xi32>
        %parallel_loop3A_801 = tpu.vector_load_idx %arg5[%parallel_loop3A_38, %parallel_loop3A_800] : memref<512x64xf32, #tpu.memory_space<vmem>>[vector<16xi32>, vector<16xi32>], vector<16xf32>,
        %parallel_loop3A_802 = arith.addi %parallel_loop3A_797, %parallel_loop3A_799 : vector<16xi32>
        %parallel_loop3A_803 = arith.constant 1 : i32
        %parallel_loop3A_804 = vector.broadcast %parallel_loop3A_803 : i32 to vector<16xi32>
        %parallel_loop3A_805 = arith.addi %parallel_loop3A_797, %parallel_loop3A_804 : vector<16xi32>
        %parallel_loop3A_806 = tpu.vector_load_idx %arg5[%parallel_loop3A_38, %parallel_loop3A_805] : memref<512x64xf32, #tpu.memory_space<vmem>>[vector<16xi32>, vector<16xi32>], vector<16xf32>,
        %parallel_loop3A_807 = arith.addi %parallel_loop3A_797, %parallel_loop3A_804 : vector<16xi32>
        %parallel_loop3A_808 = arith.constant 2 : i32
        %parallel_loop3A_809 = vector.broadcast %parallel_loop3A_808 : i32 to vector<16xi32>
        %parallel_loop3A_810 = arith.addi %parallel_loop3A_797, %parallel_loop3A_809 : vector<16xi32>
        %parallel_loop3A_811 = tpu.vector_load_idx %arg5[%parallel_loop3A_38, %parallel_loop3A_810] : memref<512x64xf32, #tpu.memory_space<vmem>>[vector<16xi32>, vector<16xi32>], vector<16xf32>,
        %parallel_loop3A_812 = arith.addi %parallel_loop3A_797, %parallel_loop3A_809 : vector<16xi32>
        %parallel_loop3A_813 = arith.constant 3 : i32
        %parallel_loop3A_814 = vector.broadcast %parallel_loop3A_813 : i32 to vector<16xi32>
        %parallel_loop3A_815 = arith.addi %parallel_loop3A_797, %parallel_loop3A_814 : vector<16xi32>
        %parallel_loop3A_816 = tpu.vector_load_idx %arg5[%parallel_loop3A_38, %parallel_loop3A_815] : memref<512x64xf32, #tpu.memory_space<vmem>>[vector<16xi32>, vector<16xi32>], vector<16xf32>,
        %parallel_loop3A_817 = arith.addi %parallel_loop3A_797, %parallel_loop3A_814 : vector<16xi32>
        %parallel_loop3A_818 = arith.constant 4 : i32
        %parallel_loop3A_819 = vector.broadcast %parallel_loop3A_818 : i32 to vector<16xi32>
        %parallel_loop3A_820 = arith.addi %parallel_loop3A_797, %parallel_loop3A_819 : vector<16xi32>
        %parallel_loop3A_821 = tpu.vector_load_idx %arg5[%parallel_loop3A_38, %parallel_loop3A_820] : memref<512x64xf32, #tpu.memory_space<vmem>>[vector<16xi32>, vector<16xi32>], vector<16xf32>,
        %parallel_loop3A_822 = arith.addi %parallel_loop3A_797, %parallel_loop3A_819 : vector<16xi32>
        %parallel_loop3A_823 = arith.constant 5 : i32
        %parallel_loop3A_824 = vector.broadcast %parallel_loop3A_823 : i32 to vector<16xi32>
        %parallel_loop3A_825 = arith.addi %parallel_loop3A_797, %parallel_loop3A_824 : vector<16xi32>
        %parallel_loop3A_826 = tpu.vector_load_idx %arg5[%parallel_loop3A_38, %parallel_loop3A_825] : memref<512x64xf32, #tpu.memory_space<vmem>>[vector<16xi32>, vector<16xi32>], vector<16xf32>,
        %parallel_loop3A_827 = arith.addi %parallel_loop3A_797, %parallel_loop3A_824 : vector<16xi32>
        %parallel_loop3A_828 = arith.constant 6 : i32
        %parallel_loop3A_829 = vector.broadcast %parallel_loop3A_828 : i32 to vector<16xi32>
        %parallel_loop3A_830 = arith.addi %parallel_loop3A_797, %parallel_loop3A_829 : vector<16xi32>
        %parallel_loop3A_831 = tpu.vector_load_idx %arg5[%parallel_loop3A_38, %parallel_loop3A_830] : memref<512x64xf32, #tpu.memory_space<vmem>>[vector<16xi32>, vector<16xi32>], vector<16xf32>,
        %parallel_loop3A_832 = arith.addi %parallel_loop3A_797, %parallel_loop3A_829 : vector<16xi32>
        %parallel_loop3A_833 = arith.constant 7 : i32
        %parallel_loop3A_834 = vector.broadcast %parallel_loop3A_833 : i32 to vector<16xi32>
        %parallel_loop3A_835 = arith.addi %parallel_loop3A_797, %parallel_loop3A_834 : vector<16xi32>
        %parallel_loop3A_836 = tpu.vector_load_idx %arg5[%parallel_loop3A_38, %parallel_loop3A_835] : memref<512x64xf32, #tpu.memory_space<vmem>>[vector<16xi32>, vector<16xi32>], vector<16xf32>,
        %parallel_loop3A_837 = arith.addi %parallel_loop3A_797, %parallel_loop3A_834 : vector<16xi32>
        %parallel_loop3A_838 = arith.cmpf ogt, %parallel_loop3A_806, %parallel_loop3A_801 : vector<16xf32>
        %parallel_loop3A_839 = arith.select %parallel_loop3A_838, %parallel_loop3A_806, %parallel_loop3A_801 : vector<16xi1>, vector<16xf32>
        %parallel_loop3A_840 = arith.select %parallel_loop3A_838, %parallel_loop3A_807, %parallel_loop3A_802 : vector<16xi1>, vector<16xi32>
        %parallel_loop3A_841 = arith.cmpf ogt, %parallel_loop3A_816, %parallel_loop3A_811 : vector<16xf32>
        %parallel_loop3A_842 = arith.select %parallel_loop3A_841, %parallel_loop3A_816, %parallel_loop3A_811 : vector<16xi1>, vector<16xf32>
        %parallel_loop3A_843 = arith.select %parallel_loop3A_841, %parallel_loop3A_817, %parallel_loop3A_812 : vector<16xi1>, vector<16xi32>
        %parallel_loop3A_844 = arith.cmpf ogt, %parallel_loop3A_826, %parallel_loop3A_821 : vector<16xf32>
        %parallel_loop3A_845 = arith.select %parallel_loop3A_844, %parallel_loop3A_826, %parallel_loop3A_821 : vector<16xi1>, vector<16xf32>
        %parallel_loop3A_846 = arith.select %parallel_loop3A_844, %parallel_loop3A_827, %parallel_loop3A_822 : vector<16xi1>, vector<16xi32>
        %parallel_loop3A_847 = arith.cmpf ogt, %parallel_loop3A_836, %parallel_loop3A_831 : vector<16xf32>
        %parallel_loop3A_848 = arith.select %parallel_loop3A_847, %parallel_loop3A_836, %parallel_loop3A_831 : vector<16xi1>, vector<16xf32>
        %parallel_loop3A_849 = arith.select %parallel_loop3A_847, %parallel_loop3A_837, %parallel_loop3A_832 : vector<16xi1>, vector<16xi32>
        %parallel_loop3A_850 = arith.cmpf ogt, %parallel_loop3A_842, %parallel_loop3A_839 : vector<16xf32>
        %parallel_loop3A_851 = arith.select %parallel_loop3A_850, %parallel_loop3A_842, %parallel_loop3A_839 : vector<16xi1>, vector<16xf32>
        %parallel_loop3A_852 = arith.select %parallel_loop3A_850, %parallel_loop3A_843, %parallel_loop3A_840 : vector<16xi1>, vector<16xi32>
        %parallel_loop3A_853 = arith.cmpf ogt, %parallel_loop3A_848, %parallel_loop3A_845 : vector<16xf32>
        %parallel_loop3A_854 = arith.select %parallel_loop3A_853, %parallel_loop3A_848, %parallel_loop3A_845 : vector<16xi1>, vector<16xf32>
        %parallel_loop3A_855 = arith.select %parallel_loop3A_853, %parallel_loop3A_849, %parallel_loop3A_846 : vector<16xi1>, vector<16xi32>
        %parallel_loop3A_856 = arith.cmpf ogt, %parallel_loop3A_854, %parallel_loop3A_851 : vector<16xf32>
        %parallel_loop3A_857 = arith.select %parallel_loop3A_856, %parallel_loop3A_854, %parallel_loop3A_851 : vector<16xi1>, vector<16xf32>
        %parallel_loop3A_858 = arith.select %parallel_loop3A_856, %parallel_loop3A_855, %parallel_loop3A_852 : vector<16xi1>, vector<16xi32>
        %parallel_loop3A_859 = arith.constant 0 : i32
        %parallel_loop3A_860 = vector.broadcast %parallel_loop3A_859 : i32 to vector<16xi32>
        %parallel_loop3A_861 = arith.cmpi eq, %parallel_loop3A_797, %parallel_loop3A_860 : vector<16xi32>
        %parallel_loop3A_862 = arith.select %parallel_loop3A_861, %parallel_loop3A_857, %parallel_loop3A_737 : vector<16xi1>, vector<16xf32>
        %parallel_loop3A_863 = arith.select %parallel_loop3A_861, %parallel_loop3A_858, %parallel_loop3A_738 : vector<16xi1>, vector<16xi32>
        %parallel_loop3A_864 = arith.constant 8 : i32
        %parallel_loop3A_865 = vector.broadcast %parallel_loop3A_864 : i32 to vector<16xi32>
        %parallel_loop3A_866 = arith.cmpi eq, %parallel_loop3A_797, %parallel_loop3A_865 : vector<16xi32>
        %parallel_loop3A_867 = arith.select %parallel_loop3A_866, %parallel_loop3A_857, %parallel_loop3A_742 : vector<16xi1>, vector<16xf32>
        %parallel_loop3A_868 = arith.select %parallel_loop3A_866, %parallel_loop3A_858, %parallel_loop3A_743 : vector<16xi1>, vector<16xi32>
        %parallel_loop3A_869 = arith.constant 16 : i32
        %parallel_loop3A_870 = vector.broadcast %parallel_loop3A_869 : i32 to vector<16xi32>
        %parallel_loop3A_871 = arith.cmpi eq, %parallel_loop3A_797, %parallel_loop3A_870 : vector<16xi32>
        %parallel_loop3A_872 = arith.select %parallel_loop3A_871, %parallel_loop3A_857, %parallel_loop3A_747 : vector<16xi1>, vector<16xf32>
        %parallel_loop3A_873 = arith.select %parallel_loop3A_871, %parallel_loop3A_858, %parallel_loop3A_748 : vector<16xi1>, vector<16xi32>
        %parallel_loop3A_874 = arith.constant 24 : i32
        %parallel_loop3A_875 = vector.broadcast %parallel_loop3A_874 : i32 to vector<16xi32>
        %parallel_loop3A_876 = arith.cmpi eq, %parallel_loop3A_797, %parallel_loop3A_875 : vector<16xi32>
        %parallel_loop3A_877 = arith.select %parallel_loop3A_876, %parallel_loop3A_857, %parallel_loop3A_752 : vector<16xi1>, vector<16xf32>
        %parallel_loop3A_878 = arith.select %parallel_loop3A_876, %parallel_loop3A_858, %parallel_loop3A_753 : vector<16xi1>, vector<16xi32>
        %parallel_loop3A_879 = arith.constant 32 : i32
        %parallel_loop3A_880 = vector.broadcast %parallel_loop3A_879 : i32 to vector<16xi32>
        %parallel_loop3A_881 = arith.cmpi eq, %parallel_loop3A_797, %parallel_loop3A_880 : vector<16xi32>
        %parallel_loop3A_882 = arith.select %parallel_loop3A_881, %parallel_loop3A_857, %parallel_loop3A_757 : vector<16xi1>, vector<16xf32>
        %parallel_loop3A_883 = arith.select %parallel_loop3A_881, %parallel_loop3A_858, %parallel_loop3A_758 : vector<16xi1>, vector<16xi32>
        %parallel_loop3A_884 = arith.constant 40 : i32
        %parallel_loop3A_885 = vector.broadcast %parallel_loop3A_884 : i32 to vector<16xi32>
        %parallel_loop3A_886 = arith.cmpi eq, %parallel_loop3A_797, %parallel_loop3A_885 : vector<16xi32>
        %parallel_loop3A_887 = arith.select %parallel_loop3A_886, %parallel_loop3A_857, %parallel_loop3A_762 : vector<16xi1>, vector<16xf32>
        %parallel_loop3A_888 = arith.select %parallel_loop3A_886, %parallel_loop3A_858, %parallel_loop3A_763 : vector<16xi1>, vector<16xi32>
        %parallel_loop3A_889 = arith.constant 48 : i32
        %parallel_loop3A_890 = vector.broadcast %parallel_loop3A_889 : i32 to vector<16xi32>
        %parallel_loop3A_891 = arith.cmpi eq, %parallel_loop3A_797, %parallel_loop3A_890 : vector<16xi32>
        %parallel_loop3A_892 = arith.select %parallel_loop3A_891, %parallel_loop3A_857, %parallel_loop3A_767 : vector<16xi1>, vector<16xf32>
        %parallel_loop3A_893 = arith.select %parallel_loop3A_891, %parallel_loop3A_858, %parallel_loop3A_768 : vector<16xi1>, vector<16xi32>
        %parallel_loop3A_894 = arith.constant 56 : i32
        %parallel_loop3A_895 = vector.broadcast %parallel_loop3A_894 : i32 to vector<16xi32>
        %parallel_loop3A_896 = arith.cmpi eq, %parallel_loop3A_797, %parallel_loop3A_895 : vector<16xi32>
        %parallel_loop3A_897 = arith.select %parallel_loop3A_896, %parallel_loop3A_857, %parallel_loop3A_772 : vector<16xi1>, vector<16xf32>
        %parallel_loop3A_898 = arith.select %parallel_loop3A_896, %parallel_loop3A_858, %parallel_loop3A_773 : vector<16xi1>, vector<16xi32>
        %parallel_loop3A_899 = arith.cmpf ogt, %parallel_loop3A_867, %parallel_loop3A_862 : vector<16xf32>
        %parallel_loop3A_900 = arith.select %parallel_loop3A_899, %parallel_loop3A_867, %parallel_loop3A_862 : vector<16xi1>, vector<16xf32>
        %parallel_loop3A_901 = arith.select %parallel_loop3A_899, %parallel_loop3A_868, %parallel_loop3A_863 : vector<16xi1>, vector<16xi32>
        %parallel_loop3A_902 = arith.cmpf ogt, %parallel_loop3A_877, %parallel_loop3A_872 : vector<16xf32>
        %parallel_loop3A_903 = arith.select %parallel_loop3A_902, %parallel_loop3A_877, %parallel_loop3A_872 : vector<16xi1>, vector<16xf32>
        %parallel_loop3A_904 = arith.select %parallel_loop3A_902, %parallel_loop3A_878, %parallel_loop3A_873 : vector<16xi1>, vector<16xi32>
        %parallel_loop3A_905 = arith.cmpf ogt, %parallel_loop3A_887, %parallel_loop3A_882 : vector<16xf32>
        %parallel_loop3A_906 = arith.select %parallel_loop3A_905, %parallel_loop3A_887, %parallel_loop3A_882 : vector<16xi1>, vector<16xf32>
        %parallel_loop3A_907 = arith.select %parallel_loop3A_905, %parallel_loop3A_888, %parallel_loop3A_883 : vector<16xi1>, vector<16xi32>
        %parallel_loop3A_908 = arith.cmpf ogt, %parallel_loop3A_897, %parallel_loop3A_892 : vector<16xf32>
        %parallel_loop3A_909 = arith.select %parallel_loop3A_908, %parallel_loop3A_897, %parallel_loop3A_892 : vector<16xi1>, vector<16xf32>
        %parallel_loop3A_910 = arith.select %parallel_loop3A_908, %parallel_loop3A_898, %parallel_loop3A_893 : vector<16xi1>, vector<16xi32>
        %parallel_loop3A_911 = arith.cmpf ogt, %parallel_loop3A_903, %parallel_loop3A_900 : vector<16xf32>
        %parallel_loop3A_912 = arith.select %parallel_loop3A_911, %parallel_loop3A_903, %parallel_loop3A_900 : vector<16xi1>, vector<16xf32>
        %parallel_loop3A_913 = arith.select %parallel_loop3A_911, %parallel_loop3A_904, %parallel_loop3A_901 : vector<16xi1>, vector<16xi32>
        %parallel_loop3A_914 = arith.cmpf ogt, %parallel_loop3A_909, %parallel_loop3A_906 : vector<16xf32>
        %parallel_loop3A_915 = arith.select %parallel_loop3A_914, %parallel_loop3A_909, %parallel_loop3A_906 : vector<16xi1>, vector<16xf32>
        %parallel_loop3A_916 = arith.select %parallel_loop3A_914, %parallel_loop3A_910, %parallel_loop3A_907 : vector<16xi1>, vector<16xi32>
        %parallel_loop3A_917 = arith.cmpf ogt, %parallel_loop3A_915, %parallel_loop3A_912 : vector<16xf32>
        %parallel_loop3A_918 = arith.select %parallel_loop3A_917, %parallel_loop3A_915, %parallel_loop3A_912 : vector<16xi1>, vector<16xf32>
        %parallel_loop3A_919 = arith.select %parallel_loop3A_917, %parallel_loop3A_916, %parallel_loop3A_913 : vector<16xi1>, vector<16xi32>
        tpu.vector_store_idx %arg5[%parallel_loop3A_38, %parallel_loop3A_919], %broadcast_in_dim3A_1 : memref<512x64xf32, #tpu.memory_space<vmem>>[vector<16xi32>, vector<16xi32>], vector<16xf32>,
        %parallel_loop3A_920 = arith.constant -8 : i32
        %parallel_loop3A_921 = vector.broadcast %parallel_loop3A_920 : i32 to vector<16xi32>
        %parallel_loop3A_922 = arith.andi %parallel_loop3A_919, %parallel_loop3A_921 : vector<16xi32>
        %parallel_loop3A_923 = arith.constant 0 : i32
        %parallel_loop3A_924 = vector.broadcast %parallel_loop3A_923 : i32 to vector<16xi32>
        %parallel_loop3A_925 = arith.addi %parallel_loop3A_922, %parallel_loop3A_924 : vector<16xi32>
        %parallel_loop3A_926 = tpu.vector_load_idx %arg5[%parallel_loop3A_38, %parallel_loop3A_925] : memref<512x64xf32, #tpu.memory_space<vmem>>[vector<16xi32>, vector<16xi32>], vector<16xf32>,
        %parallel_loop3A_927 = arith.addi %parallel_loop3A_922, %parallel_loop3A_924 : vector<16xi32>
        %parallel_loop3A_928 = arith.constant 1 : i32
        %parallel_loop3A_929 = vector.broadcast %parallel_loop3A_928 : i32 to vector<16xi32>
        %parallel_loop3A_930 = arith.addi %parallel_loop3A_922, %parallel_loop3A_929 : vector<16xi32>
        %parallel_loop3A_931 = tpu.vector_load_idx %arg5[%parallel_loop3A_38, %parallel_loop3A_930] : memref<512x64xf32, #tpu.memory_space<vmem>>[vector<16xi32>, vector<16xi32>], vector<16xf32>,
        %parallel_loop3A_932 = arith.addi %parallel_loop3A_922, %parallel_loop3A_929 : vector<16xi32>
        %parallel_loop3A_933 = arith.constant 2 : i32
        %parallel_loop3A_934 = vector.broadcast %parallel_loop3A_933 : i32 to vector<16xi32>
        %parallel_loop3A_935 = arith.addi %parallel_loop3A_922, %parallel_loop3A_934 : vector<16xi32>
        %parallel_loop3A_936 = tpu.vector_load_idx %arg5[%parallel_loop3A_38, %parallel_loop3A_935] : memref<512x64xf32, #tpu.memory_space<vmem>>[vector<16xi32>, vector<16xi32>], vector<16xf32>,
        %parallel_loop3A_937 = arith.addi %parallel_loop3A_922, %parallel_loop3A_934 : vector<16xi32>
        %parallel_loop3A_938 = arith.constant 3 : i32
        %parallel_loop3A_939 = vector.broadcast %parallel_loop3A_938 : i32 to vector<16xi32>
        %parallel_loop3A_940 = arith.addi %parallel_loop3A_922, %parallel_loop3A_939 : vector<16xi32>
        %parallel_loop3A_941 = tpu.vector_load_idx %arg5[%parallel_loop3A_38, %parallel_loop3A_940] : memref<512x64xf32, #tpu.memory_space<vmem>>[vector<16xi32>, vector<16xi32>], vector<16xf32>,
        %parallel_loop3A_942 = arith.addi %parallel_loop3A_922, %parallel_loop3A_939 : vector<16xi32>
        %parallel_loop3A_943 = arith.constant 4 : i32
        %parallel_loop3A_944 = vector.broadcast %parallel_loop3A_943 : i32 to vector<16xi32>
        %parallel_loop3A_945 = arith.addi %parallel_loop3A_922, %parallel_loop3A_944 : vector<16xi32>
        %parallel_loop3A_946 = tpu.vector_load_idx %arg5[%parallel_loop3A_38, %parallel_loop3A_945] : memref<512x64xf32, #tpu.memory_space<vmem>>[vector<16xi32>, vector<16xi32>], vector<16xf32>,
        %parallel_loop3A_947 = arith.addi %parallel_loop3A_922, %parallel_loop3A_944 : vector<16xi32>
        %parallel_loop3A_948 = arith.constant 5 : i32
        %parallel_loop3A_949 = vector.broadcast %parallel_loop3A_948 : i32 to vector<16xi32>
        %parallel_loop3A_950 = arith.addi %parallel_loop3A_922, %parallel_loop3A_949 : vector<16xi32>
        %parallel_loop3A_951 = tpu.vector_load_idx %arg5[%parallel_loop3A_38, %parallel_loop3A_950] : memref<512x64xf32, #tpu.memory_space<vmem>>[vector<16xi32>, vector<16xi32>], vector<16xf32>,
        %parallel_loop3A_952 = arith.addi %parallel_loop3A_922, %parallel_loop3A_949 : vector<16xi32>
        %parallel_loop3A_953 = arith.constant 6 : i32
        %parallel_loop3A_954 = vector.broadcast %parallel_loop3A_953 : i32 to vector<16xi32>
        %parallel_loop3A_955 = arith.addi %parallel_loop3A_922, %parallel_loop3A_954 : vector<16xi32>
        %parallel_loop3A_956 = tpu.vector_load_idx %arg5[%parallel_loop3A_38, %parallel_loop3A_955] : memref<512x64xf32, #tpu.memory_space<vmem>>[vector<16xi32>, vector<16xi32>], vector<16xf32>,
        %parallel_loop3A_957 = arith.addi %parallel_loop3A_922, %parallel_loop3A_954 : vector<16xi32>
        %parallel_loop3A_958 = arith.constant 7 : i32
        %parallel_loop3A_959 = vector.broadcast %parallel_loop3A_958 : i32 to vector<16xi32>
        %parallel_loop3A_960 = arith.addi %parallel_loop3A_922, %parallel_loop3A_959 : vector<16xi32>
        %parallel_loop3A_961 = tpu.vector_load_idx %arg5[%parallel_loop3A_38, %parallel_loop3A_960] : memref<512x64xf32, #tpu.memory_space<vmem>>[vector<16xi32>, vector<16xi32>], vector<16xf32>,
        %parallel_loop3A_962 = arith.addi %parallel_loop3A_922, %parallel_loop3A_959 : vector<16xi32>
        %parallel_loop3A_963 = arith.cmpf ogt, %parallel_loop3A_931, %parallel_loop3A_926 : vector<16xf32>
        %parallel_loop3A_964 = arith.select %parallel_loop3A_963, %parallel_loop3A_931, %parallel_loop3A_926 : vector<16xi1>, vector<16xf32>
        %parallel_loop3A_965 = arith.select %parallel_loop3A_963, %parallel_loop3A_932, %parallel_loop3A_927 : vector<16xi1>, vector<16xi32>
        %parallel_loop3A_966 = arith.cmpf ogt, %parallel_loop3A_941, %parallel_loop3A_936 : vector<16xf32>
        %parallel_loop3A_967 = arith.select %parallel_loop3A_966, %parallel_loop3A_941, %parallel_loop3A_936 : vector<16xi1>, vector<16xf32>
        %parallel_loop3A_968 = arith.select %parallel_loop3A_966, %parallel_loop3A_942, %parallel_loop3A_937 : vector<16xi1>, vector<16xi32>
        %parallel_loop3A_969 = arith.cmpf ogt, %parallel_loop3A_951, %parallel_loop3A_946 : vector<16xf32>
        %parallel_loop3A_970 = arith.select %parallel_loop3A_969, %parallel_loop3A_951, %parallel_loop3A_946 : vector<16xi1>, vector<16xf32>
        %parallel_loop3A_971 = arith.select %parallel_loop3A_969, %parallel_loop3A_952, %parallel_loop3A_947 : vector<16xi1>, vector<16xi32>
        %parallel_loop3A_972 = arith.cmpf ogt, %parallel_loop3A_961, %parallel_loop3A_956 : vector<16xf32>
        %parallel_loop3A_973 = arith.select %parallel_loop3A_972, %parallel_loop3A_961, %parallel_loop3A_956 : vector<16xi1>, vector<16xf32>
        %parallel_loop3A_974 = arith.select %parallel_loop3A_972, %parallel_loop3A_962, %parallel_loop3A_957 : vector<16xi1>, vector<16xi32>
        %parallel_loop3A_975 = arith.cmpf ogt, %parallel_loop3A_967, %parallel_loop3A_964 : vector<16xf32>
        %parallel_loop3A_976 = arith.select %parallel_loop3A_975, %parallel_loop3A_967, %parallel_loop3A_964 : vector<16xi1>, vector<16xf32>
        %parallel_loop3A_977 = arith.select %parallel_loop3A_975, %parallel_loop3A_968, %parallel_loop3A_965 : vector<16xi1>, vector<16xi32>
        %parallel_loop3A_978 = arith.cmpf ogt, %parallel_loop3A_973, %parallel_loop3A_970 : vector<16xf32>
        %parallel_loop3A_979 = arith.select %parallel_loop3A_978, %parallel_loop3A_973, %parallel_loop3A_970 : vector<16xi1>, vector<16xf32>
        %parallel_loop3A_980 = arith.select %parallel_loop3A_978, %parallel_loop3A_974, %parallel_loop3A_971 : vector<16xi1>, vector<16xi32>
        %parallel_loop3A_981 = arith.cmpf ogt, %parallel_loop3A_979, %parallel_loop3A_976 : vector<16xf32>
        %parallel_loop3A_982 = arith.select %parallel_loop3A_981, %parallel_loop3A_979, %parallel_loop3A_976 : vector<16xi1>, vector<16xf32>
        %parallel_loop3A_983 = arith.select %parallel_loop3A_981, %parallel_loop3A_980, %parallel_loop3A_977 : vector<16xi1>, vector<16xi32>
        %parallel_loop3A_984 = arith.constant 0 : i32
        %parallel_loop3A_985 = vector.broadcast %parallel_loop3A_984 : i32 to vector<16xi32>
        %parallel_loop3A_986 = arith.cmpi eq, %parallel_loop3A_922, %parallel_loop3A_985 : vector<16xi32>
        %parallel_loop3A_987 = arith.select %parallel_loop3A_986, %parallel_loop3A_982, %parallel_loop3A_862 : vector<16xi1>, vector<16xf32>
        %parallel_loop3A_988 = arith.select %parallel_loop3A_986, %parallel_loop3A_983, %parallel_loop3A_863 : vector<16xi1>, vector<16xi32>
        %parallel_loop3A_989 = arith.constant 8 : i32
        %parallel_loop3A_990 = vector.broadcast %parallel_loop3A_989 : i32 to vector<16xi32>
        %parallel_loop3A_991 = arith.cmpi eq, %parallel_loop3A_922, %parallel_loop3A_990 : vector<16xi32>
        %parallel_loop3A_992 = arith.select %parallel_loop3A_991, %parallel_loop3A_982, %parallel_loop3A_867 : vector<16xi1>, vector<16xf32>
        %parallel_loop3A_993 = arith.select %parallel_loop3A_991, %parallel_loop3A_983, %parallel_loop3A_868 : vector<16xi1>, vector<16xi32>
        %parallel_loop3A_994 = arith.constant 16 : i32
        %parallel_loop3A_995 = vector.broadcast %parallel_loop3A_994 : i32 to vector<16xi32>
        %parallel_loop3A_996 = arith.cmpi eq, %parallel_loop3A_922, %parallel_loop3A_995 : vector<16xi32>
        %parallel_loop3A_997 = arith.select %parallel_loop3A_996, %parallel_loop3A_982, %parallel_loop3A_872 : vector<16xi1>, vector<16xf32>
        %parallel_loop3A_998 = arith.select %parallel_loop3A_996, %parallel_loop3A_983, %parallel_loop3A_873 : vector<16xi1>, vector<16xi32>
        %parallel_loop3A_999 = arith.constant 24 : i32
        %parallel_loop3A_1000 = vector.broadcast %parallel_loop3A_999 : i32 to vector<16xi32>
        %parallel_loop3A_1001 = arith.cmpi eq, %parallel_loop3A_922, %parallel_loop3A_1000 : vector<16xi32>
        %parallel_loop3A_1002 = arith.select %parallel_loop3A_1001, %parallel_loop3A_982, %parallel_loop3A_877 : vector<16xi1>, vector<16xf32>
        %parallel_loop3A_1003 = arith.select %parallel_loop3A_1001, %parallel_loop3A_983, %parallel_loop3A_878 : vector<16xi1>, vector<16xi32>
        %parallel_loop3A_1004 = arith.constant 32 : i32
        %parallel_loop3A_1005 = vector.broadcast %parallel_loop3A_1004 : i32 to vector<16xi32>
        %parallel_loop3A_1006 = arith.cmpi eq, %parallel_loop3A_922, %parallel_loop3A_1005 : vector<16xi32>
        %parallel_loop3A_1007 = arith.select %parallel_loop3A_1006, %parallel_loop3A_982, %parallel_loop3A_882 : vector<16xi1>, vector<16xf32>
        %parallel_loop3A_1008 = arith.select %parallel_loop3A_1006, %parallel_loop3A_983, %parallel_loop3A_883 : vector<16xi1>, vector<16xi32>
        %parallel_loop3A_1009 = arith.constant 40 : i32
        %parallel_loop3A_1010 = vector.broadcast %parallel_loop3A_1009 : i32 to vector<16xi32>
        %parallel_loop3A_1011 = arith.cmpi eq, %parallel_loop3A_922, %parallel_loop3A_1010 : vector<16xi32>
        %parallel_loop3A_1012 = arith.select %parallel_loop3A_1011, %parallel_loop3A_982, %parallel_loop3A_887 : vector<16xi1>, vector<16xf32>
        %parallel_loop3A_1013 = arith.select %parallel_loop3A_1011, %parallel_loop3A_983, %parallel_loop3A_888 : vector<16xi1>, vector<16xi32>
        %parallel_loop3A_1014 = arith.constant 48 : i32
        %parallel_loop3A_1015 = vector.broadcast %parallel_loop3A_1014 : i32 to vector<16xi32>
        %parallel_loop3A_1016 = arith.cmpi eq, %parallel_loop3A_922, %parallel_loop3A_1015 : vector<16xi32>
        %parallel_loop3A_1017 = arith.select %parallel_loop3A_1016, %parallel_loop3A_982, %parallel_loop3A_892 : vector<16xi1>, vector<16xf32>
        %parallel_loop3A_1018 = arith.select %parallel_loop3A_1016, %parallel_loop3A_983, %parallel_loop3A_893 : vector<16xi1>, vector<16xi32>
        %parallel_loop3A_1019 = arith.constant 56 : i32
        %parallel_loop3A_1020 = vector.broadcast %parallel_loop3A_1019 : i32 to vector<16xi32>
        %parallel_loop3A_1021 = arith.cmpi eq, %parallel_loop3A_922, %parallel_loop3A_1020 : vector<16xi32>
        %parallel_loop3A_1022 = arith.select %parallel_loop3A_1021, %parallel_loop3A_982, %parallel_loop3A_897 : vector<16xi1>, vector<16xf32>
        %parallel_loop3A_1023 = arith.select %parallel_loop3A_1021, %parallel_loop3A_983, %parallel_loop3A_898 : vector<16xi1>, vector<16xi32>
        %parallel_loop3A_1024 = arith.cmpf ogt, %parallel_loop3A_992, %parallel_loop3A_987 : vector<16xf32>
        %parallel_loop3A_1025 = arith.select %parallel_loop3A_1024, %parallel_loop3A_992, %parallel_loop3A_987 : vector<16xi1>, vector<16xf32>
        %parallel_loop3A_1026 = arith.select %parallel_loop3A_1024, %parallel_loop3A_993, %parallel_loop3A_988 : vector<16xi1>, vector<16xi32>
        %parallel_loop3A_1027 = arith.cmpf ogt, %parallel_loop3A_1002, %parallel_loop3A_997 : vector<16xf32>
        %parallel_loop3A_1028 = arith.select %parallel_loop3A_1027, %parallel_loop3A_1002, %parallel_loop3A_997 : vector<16xi1>, vector<16xf32>
        %parallel_loop3A_1029 = arith.select %parallel_loop3A_1027, %parallel_loop3A_1003, %parallel_loop3A_998 : vector<16xi1>, vector<16xi32>
        %parallel_loop3A_1030 = arith.cmpf ogt, %parallel_loop3A_1012, %parallel_loop3A_1007 : vector<16xf32>
        %parallel_loop3A_1031 = arith.select %parallel_loop3A_1030, %parallel_loop3A_1012, %parallel_loop3A_1007 : vector<16xi1>, vector<16xf32>
        %parallel_loop3A_1032 = arith.select %parallel_loop3A_1030, %parallel_loop3A_1013, %parallel_loop3A_1008 : vector<16xi1>, vector<16xi32>
        %parallel_loop3A_1033 = arith.cmpf ogt, %parallel_loop3A_1022, %parallel_loop3A_1017 : vector<16xf32>
        %parallel_loop3A_1034 = arith.select %parallel_loop3A_1033, %parallel_loop3A_1022, %parallel_loop3A_1017 : vector<16xi1>, vector<16xf32>
        %parallel_loop3A_1035 = arith.select %parallel_loop3A_1033, %parallel_loop3A_1023, %parallel_loop3A_1018 : vector<16xi1>, vector<16xi32>
        %parallel_loop3A_1036 = arith.cmpf ogt, %parallel_loop3A_1028, %parallel_loop3A_1025 : vector<16xf32>
        %parallel_loop3A_1037 = arith.select %parallel_loop3A_1036, %parallel_loop3A_1028, %parallel_loop3A_1025 : vector<16xi1>, vector<16xf32>
        %parallel_loop3A_1038 = arith.select %parallel_loop3A_1036, %parallel_loop3A_1029, %parallel_loop3A_1026 : vector<16xi1>, vector<16xi32>
        %parallel_loop3A_1039 = arith.cmpf ogt, %parallel_loop3A_1034, %parallel_loop3A_1031 : vector<16xf32>
        %parallel_loop3A_1040 = arith.select %parallel_loop3A_1039, %parallel_loop3A_1034, %parallel_loop3A_1031 : vector<16xi1>, vector<16xf32>
        %parallel_loop3A_1041 = arith.select %parallel_loop3A_1039, %parallel_loop3A_1035, %parallel_loop3A_1032 : vector<16xi1>, vector<16xi32>
        %parallel_loop3A_1042 = arith.cmpf ogt, %parallel_loop3A_1040, %parallel_loop3A_1037 : vector<16xf32>
        %parallel_loop3A_1043 = arith.select %parallel_loop3A_1042, %parallel_loop3A_1040, %parallel_loop3A_1037 : vector<16xi1>, vector<16xf32>
        %parallel_loop3A_1044 = arith.select %parallel_loop3A_1042, %parallel_loop3A_1041, %parallel_loop3A_1038 : vector<16xi1>, vector<16xi32>
        tpu.vector_store_idx %arg5[%parallel_loop3A_38, %parallel_loop3A_1044], %broadcast_in_dim3A_1 : memref<512x64xf32, #tpu.memory_space<vmem>>[vector<16xi32>, vector<16xi32>], vector<16xf32>,
        %parallel_loop3A_1045 = arith.constant -8 : i32
        %parallel_loop3A_1046 = vector.broadcast %parallel_loop3A_1045 : i32 to vector<16xi32>
        %parallel_loop3A_1047 = arith.andi %parallel_loop3A_1044, %parallel_loop3A_1046 : vector<16xi32>
        %parallel_loop3A_1048 = arith.constant 0 : i32
        %parallel_loop3A_1049 = vector.broadcast %parallel_loop3A_1048 : i32 to vector<16xi32>
        %parallel_loop3A_1050 = arith.addi %parallel_loop3A_1047, %parallel_loop3A_1049 : vector<16xi32>
        %parallel_loop3A_1051 = tpu.vector_load_idx %arg5[%parallel_loop3A_38, %parallel_loop3A_1050] : memref<512x64xf32, #tpu.memory_space<vmem>>[vector<16xi32>, vector<16xi32>], vector<16xf32>,
        %parallel_loop3A_1052 = arith.addi %parallel_loop3A_1047, %parallel_loop3A_1049 : vector<16xi32>
        %parallel_loop3A_1053 = arith.constant 1 : i32
        %parallel_loop3A_1054 = vector.broadcast %parallel_loop3A_1053 : i32 to vector<16xi32>
        %parallel_loop3A_1055 = arith.addi %parallel_loop3A_1047, %parallel_loop3A_1054 : vector<16xi32>
        %parallel_loop3A_1056 = tpu.vector_load_idx %arg5[%parallel_loop3A_38, %parallel_loop3A_1055] : memref<512x64xf32, #tpu.memory_space<vmem>>[vector<16xi32>, vector<16xi32>], vector<16xf32>,
        %parallel_loop3A_1057 = arith.addi %parallel_loop3A_1047, %parallel_loop3A_1054 : vector<16xi32>
        %parallel_loop3A_1058 = arith.constant 2 : i32
        %parallel_loop3A_1059 = vector.broadcast %parallel_loop3A_1058 : i32 to vector<16xi32>
        %parallel_loop3A_1060 = arith.addi %parallel_loop3A_1047, %parallel_loop3A_1059 : vector<16xi32>
        %parallel_loop3A_1061 = tpu.vector_load_idx %arg5[%parallel_loop3A_38, %parallel_loop3A_1060] : memref<512x64xf32, #tpu.memory_space<vmem>>[vector<16xi32>, vector<16xi32>], vector<16xf32>,
        %parallel_loop3A_1062 = arith.addi %parallel_loop3A_1047, %parallel_loop3A_1059 : vector<16xi32>
        %parallel_loop3A_1063 = arith.constant 3 : i32
        %parallel_loop3A_1064 = vector.broadcast %parallel_loop3A_1063 : i32 to vector<16xi32>
        %parallel_loop3A_1065 = arith.addi %parallel_loop3A_1047, %parallel_loop3A_1064 : vector<16xi32>
        %parallel_loop3A_1066 = tpu.vector_load_idx %arg5[%parallel_loop3A_38, %parallel_loop3A_1065] : memref<512x64xf32, #tpu.memory_space<vmem>>[vector<16xi32>, vector<16xi32>], vector<16xf32>,
        %parallel_loop3A_1067 = arith.addi %parallel_loop3A_1047, %parallel_loop3A_1064 : vector<16xi32>
        %parallel_loop3A_1068 = arith.constant 4 : i32
        %parallel_loop3A_1069 = vector.broadcast %parallel_loop3A_1068 : i32 to vector<16xi32>
        %parallel_loop3A_1070 = arith.addi %parallel_loop3A_1047, %parallel_loop3A_1069 : vector<16xi32>
        %parallel_loop3A_1071 = tpu.vector_load_idx %arg5[%parallel_loop3A_38, %parallel_loop3A_1070] : memref<512x64xf32, #tpu.memory_space<vmem>>[vector<16xi32>, vector<16xi32>], vector<16xf32>,
        %parallel_loop3A_1072 = arith.addi %parallel_loop3A_1047, %parallel_loop3A_1069 : vector<16xi32>
        %parallel_loop3A_1073 = arith.constant 5 : i32
        %parallel_loop3A_1074 = vector.broadcast %parallel_loop3A_1073 : i32 to vector<16xi32>
        %parallel_loop3A_1075 = arith.addi %parallel_loop3A_1047, %parallel_loop3A_1074 : vector<16xi32>
        %parallel_loop3A_1076 = tpu.vector_load_idx %arg5[%parallel_loop3A_38, %parallel_loop3A_1075] : memref<512x64xf32, #tpu.memory_space<vmem>>[vector<16xi32>, vector<16xi32>], vector<16xf32>,
        %parallel_loop3A_1077 = arith.addi %parallel_loop3A_1047, %parallel_loop3A_1074 : vector<16xi32>
        %parallel_loop3A_1078 = arith.constant 6 : i32
        %parallel_loop3A_1079 = vector.broadcast %parallel_loop3A_1078 : i32 to vector<16xi32>
        %parallel_loop3A_1080 = arith.addi %parallel_loop3A_1047, %parallel_loop3A_1079 : vector<16xi32>
        %parallel_loop3A_1081 = tpu.vector_load_idx %arg5[%parallel_loop3A_38, %parallel_loop3A_1080] : memref<512x64xf32, #tpu.memory_space<vmem>>[vector<16xi32>, vector<16xi32>], vector<16xf32>,
        %parallel_loop3A_1082 = arith.addi %parallel_loop3A_1047, %parallel_loop3A_1079 : vector<16xi32>
        %parallel_loop3A_1083 = arith.constant 7 : i32
        %parallel_loop3A_1084 = vector.broadcast %parallel_loop3A_1083 : i32 to vector<16xi32>
        %parallel_loop3A_1085 = arith.addi %parallel_loop3A_1047, %parallel_loop3A_1084 : vector<16xi32>
        %parallel_loop3A_1086 = tpu.vector_load_idx %arg5[%parallel_loop3A_38, %parallel_loop3A_1085] : memref<512x64xf32, #tpu.memory_space<vmem>>[vector<16xi32>, vector<16xi32>], vector<16xf32>,
        %parallel_loop3A_1087 = arith.addi %parallel_loop3A_1047, %parallel_loop3A_1084 : vector<16xi32>
        %parallel_loop3A_1088 = arith.cmpf ogt, %parallel_loop3A_1056, %parallel_loop3A_1051 : vector<16xf32>
        %parallel_loop3A_1089 = arith.select %parallel_loop3A_1088, %parallel_loop3A_1056, %parallel_loop3A_1051 : vector<16xi1>, vector<16xf32>
        %parallel_loop3A_1090 = arith.select %parallel_loop3A_1088, %parallel_loop3A_1057, %parallel_loop3A_1052 : vector<16xi1>, vector<16xi32>
        %parallel_loop3A_1091 = arith.cmpf ogt, %parallel_loop3A_1066, %parallel_loop3A_1061 : vector<16xf32>
        %parallel_loop3A_1092 = arith.select %parallel_loop3A_1091, %parallel_loop3A_1066, %parallel_loop3A_1061 : vector<16xi1>, vector<16xf32>
        %parallel_loop3A_1093 = arith.select %parallel_loop3A_1091, %parallel_loop3A_1067, %parallel_loop3A_1062 : vector<16xi1>, vector<16xi32>
        %parallel_loop3A_1094 = arith.cmpf ogt, %parallel_loop3A_1076, %parallel_loop3A_1071 : vector<16xf32>
        %parallel_loop3A_1095 = arith.select %parallel_loop3A_1094, %parallel_loop3A_1076, %parallel_loop3A_1071 : vector<16xi1>, vector<16xf32>
        %parallel_loop3A_1096 = arith.select %parallel_loop3A_1094, %parallel_loop3A_1077, %parallel_loop3A_1072 : vector<16xi1>, vector<16xi32>
        %parallel_loop3A_1097 = arith.cmpf ogt, %parallel_loop3A_1086, %parallel_loop3A_1081 : vector<16xf32>
        %parallel_loop3A_1098 = arith.select %parallel_loop3A_1097, %parallel_loop3A_1086, %parallel_loop3A_1081 : vector<16xi1>, vector<16xf32>
        %parallel_loop3A_1099 = arith.select %parallel_loop3A_1097, %parallel_loop3A_1087, %parallel_loop3A_1082 : vector<16xi1>, vector<16xi32>
        %parallel_loop3A_1100 = arith.cmpf ogt, %parallel_loop3A_1092, %parallel_loop3A_1089 : vector<16xf32>
        %parallel_loop3A_1101 = arith.select %parallel_loop3A_1100, %parallel_loop3A_1092, %parallel_loop3A_1089 : vector<16xi1>, vector<16xf32>
        %parallel_loop3A_1102 = arith.select %parallel_loop3A_1100, %parallel_loop3A_1093, %parallel_loop3A_1090 : vector<16xi1>, vector<16xi32>
        %parallel_loop3A_1103 = arith.cmpf ogt, %parallel_loop3A_1098, %parallel_loop3A_1095 : vector<16xf32>
        %parallel_loop3A_1104 = arith.select %parallel_loop3A_1103, %parallel_loop3A_1098, %parallel_loop3A_1095 : vector<16xi1>, vector<16xf32>
        %parallel_loop3A_1105 = arith.select %parallel_loop3A_1103, %parallel_loop3A_1099, %parallel_loop3A_1096 : vector<16xi1>, vector<16xi32>
        %parallel_loop3A_1106 = arith.cmpf ogt, %parallel_loop3A_1104, %parallel_loop3A_1101 : vector<16xf32>
        %parallel_loop3A_1107 = arith.select %parallel_loop3A_1106, %parallel_loop3A_1104, %parallel_loop3A_1101 : vector<16xi1>, vector<16xf32>
        %parallel_loop3A_1108 = arith.select %parallel_loop3A_1106, %parallel_loop3A_1105, %parallel_loop3A_1102 : vector<16xi1>, vector<16xi32>
        %parallel_loop3A_1109 = arith.constant 0 : i32
        %parallel_loop3A_1110 = vector.broadcast %parallel_loop3A_1109 : i32 to vector<16xi32>
        %parallel_loop3A_1111 = arith.cmpi eq, %parallel_loop3A_1047, %parallel_loop3A_1110 : vector<16xi32>
        %parallel_loop3A_1112 = arith.select %parallel_loop3A_1111, %parallel_loop3A_1107, %parallel_loop3A_987 : vector<16xi1>, vector<16xf32>
        %parallel_loop3A_1113 = arith.select %parallel_loop3A_1111, %parallel_loop3A_1108, %parallel_loop3A_988 : vector<16xi1>, vector<16xi32>
        %parallel_loop3A_1114 = arith.constant 8 : i32
        %parallel_loop3A_1115 = vector.broadcast %parallel_loop3A_1114 : i32 to vector<16xi32>
        %parallel_loop3A_1116 = arith.cmpi eq, %parallel_loop3A_1047, %parallel_loop3A_1115 : vector<16xi32>
        %parallel_loop3A_1117 = arith.select %parallel_loop3A_1116, %parallel_loop3A_1107, %parallel_loop3A_992 : vector<16xi1>, vector<16xf32>
        %parallel_loop3A_1118 = arith.select %parallel_loop3A_1116, %parallel_loop3A_1108, %parallel_loop3A_993 : vector<16xi1>, vector<16xi32>
        %parallel_loop3A_1119 = arith.constant 16 : i32
        %parallel_loop3A_1120 = vector.broadcast %parallel_loop3A_1119 : i32 to vector<16xi32>
        %parallel_loop3A_1121 = arith.cmpi eq, %parallel_loop3A_1047, %parallel_loop3A_1120 : vector<16xi32>
        %parallel_loop3A_1122 = arith.select %parallel_loop3A_1121, %parallel_loop3A_1107, %parallel_loop3A_997 : vector<16xi1>, vector<16xf32>
        %parallel_loop3A_1123 = arith.select %parallel_loop3A_1121, %parallel_loop3A_1108, %parallel_loop3A_998 : vector<16xi1>, vector<16xi32>
        %parallel_loop3A_1124 = arith.constant 24 : i32
        %parallel_loop3A_1125 = vector.broadcast %parallel_loop3A_1124 : i32 to vector<16xi32>
        %parallel_loop3A_1126 = arith.cmpi eq, %parallel_loop3A_1047, %parallel_loop3A_1125 : vector<16xi32>
        %parallel_loop3A_1127 = arith.select %parallel_loop3A_1126, %parallel_loop3A_1107, %parallel_loop3A_1002 : vector<16xi1>, vector<16xf32>
        %parallel_loop3A_1128 = arith.select %parallel_loop3A_1126, %parallel_loop3A_1108, %parallel_loop3A_1003 : vector<16xi1>, vector<16xi32>
        %parallel_loop3A_1129 = arith.constant 32 : i32
        %parallel_loop3A_1130 = vector.broadcast %parallel_loop3A_1129 : i32 to vector<16xi32>
        %parallel_loop3A_1131 = arith.cmpi eq, %parallel_loop3A_1047, %parallel_loop3A_1130 : vector<16xi32>
        %parallel_loop3A_1132 = arith.select %parallel_loop3A_1131, %parallel_loop3A_1107, %parallel_loop3A_1007 : vector<16xi1>, vector<16xf32>
        %parallel_loop3A_1133 = arith.select %parallel_loop3A_1131, %parallel_loop3A_1108, %parallel_loop3A_1008 : vector<16xi1>, vector<16xi32>
        %parallel_loop3A_1134 = arith.constant 40 : i32
        %parallel_loop3A_1135 = vector.broadcast %parallel_loop3A_1134 : i32 to vector<16xi32>
        %parallel_loop3A_1136 = arith.cmpi eq, %parallel_loop3A_1047, %parallel_loop3A_1135 : vector<16xi32>
        %parallel_loop3A_1137 = arith.select %parallel_loop3A_1136, %parallel_loop3A_1107, %parallel_loop3A_1012 : vector<16xi1>, vector<16xf32>
        %parallel_loop3A_1138 = arith.select %parallel_loop3A_1136, %parallel_loop3A_1108, %parallel_loop3A_1013 : vector<16xi1>, vector<16xi32>
        %parallel_loop3A_1139 = arith.constant 48 : i32
        %parallel_loop3A_1140 = vector.broadcast %parallel_loop3A_1139 : i32 to vector<16xi32>
        %parallel_loop3A_1141 = arith.cmpi eq, %parallel_loop3A_1047, %parallel_loop3A_1140 : vector<16xi32>
        %parallel_loop3A_1142 = arith.select %parallel_loop3A_1141, %parallel_loop3A_1107, %parallel_loop3A_1017 : vector<16xi1>, vector<16xf32>
        %parallel_loop3A_1143 = arith.select %parallel_loop3A_1141, %parallel_loop3A_1108, %parallel_loop3A_1018 : vector<16xi1>, vector<16xi32>
        %parallel_loop3A_1144 = arith.constant 56 : i32
        %parallel_loop3A_1145 = vector.broadcast %parallel_loop3A_1144 : i32 to vector<16xi32>
        %parallel_loop3A_1146 = arith.cmpi eq, %parallel_loop3A_1047, %parallel_loop3A_1145 : vector<16xi32>
        %parallel_loop3A_1147 = arith.select %parallel_loop3A_1146, %parallel_loop3A_1107, %parallel_loop3A_1022 : vector<16xi1>, vector<16xf32>
        %parallel_loop3A_1148 = arith.select %parallel_loop3A_1146, %parallel_loop3A_1108, %parallel_loop3A_1023 : vector<16xi1>, vector<16xi32>
        %parallel_loop3A_1149 = arith.cmpf ogt, %parallel_loop3A_1117, %parallel_loop3A_1112 : vector<16xf32>
        %parallel_loop3A_1150 = arith.select %parallel_loop3A_1149, %parallel_loop3A_1117, %parallel_loop3A_1112 : vector<16xi1>, vector<16xf32>
        %parallel_loop3A_1151 = arith.select %parallel_loop3A_1149, %parallel_loop3A_1118, %parallel_loop3A_1113 : vector<16xi1>, vector<16xi32>
        %parallel_loop3A_1152 = arith.cmpf ogt, %parallel_loop3A_1127, %parallel_loop3A_1122 : vector<16xf32>
        %parallel_loop3A_1153 = arith.select %parallel_loop3A_1152, %parallel_loop3A_1127, %parallel_loop3A_1122 : vector<16xi1>, vector<16xf32>
        %parallel_loop3A_1154 = arith.select %parallel_loop3A_1152, %parallel_loop3A_1128, %parallel_loop3A_1123 : vector<16xi1>, vector<16xi32>
        %parallel_loop3A_1155 = arith.cmpf ogt, %parallel_loop3A_1137, %parallel_loop3A_1132 : vector<16xf32>
        %parallel_loop3A_1156 = arith.select %parallel_loop3A_1155, %parallel_loop3A_1137, %parallel_loop3A_1132 : vector<16xi1>, vector<16xf32>
        %parallel_loop3A_1157 = arith.select %parallel_loop3A_1155, %parallel_loop3A_1138, %parallel_loop3A_1133 : vector<16xi1>, vector<16xi32>
        %parallel_loop3A_1158 = arith.cmpf ogt, %parallel_loop3A_1147, %parallel_loop3A_1142 : vector<16xf32>
        %parallel_loop3A_1159 = arith.select %parallel_loop3A_1158, %parallel_loop3A_1147, %parallel_loop3A_1142 : vector<16xi1>, vector<16xf32>
        %parallel_loop3A_1160 = arith.select %parallel_loop3A_1158, %parallel_loop3A_1148, %parallel_loop3A_1143 : vector<16xi1>, vector<16xi32>
        %parallel_loop3A_1161 = arith.cmpf ogt, %parallel_loop3A_1153, %parallel_loop3A_1150 : vector<16xf32>
        %parallel_loop3A_1162 = arith.select %parallel_loop3A_1161, %parallel_loop3A_1153, %parallel_loop3A_1150 : vector<16xi1>, vector<16xf32>
        %parallel_loop3A_1163 = arith.select %parallel_loop3A_1161, %parallel_loop3A_1154, %parallel_loop3A_1151 : vector<16xi1>, vector<16xi32>
        %parallel_loop3A_1164 = arith.cmpf ogt, %parallel_loop3A_1159, %parallel_loop3A_1156 : vector<16xf32>
        %parallel_loop3A_1165 = arith.select %parallel_loop3A_1164, %parallel_loop3A_1159, %parallel_loop3A_1156 : vector<16xi1>, vector<16xf32>
        %parallel_loop3A_1166 = arith.select %parallel_loop3A_1164, %parallel_loop3A_1160, %parallel_loop3A_1157 : vector<16xi1>, vector<16xi32>
        %parallel_loop3A_1167 = arith.cmpf ogt, %parallel_loop3A_1165, %parallel_loop3A_1162 : vector<16xf32>
        %parallel_loop3A_1168 = arith.select %parallel_loop3A_1167, %parallel_loop3A_1165, %parallel_loop3A_1162 : vector<16xi1>, vector<16xf32>
        %parallel_loop3A_1169 = arith.select %parallel_loop3A_1167, %parallel_loop3A_1166, %parallel_loop3A_1163 : vector<16xi1>, vector<16xi32>
        tpu.vector_store_idx %arg5[%parallel_loop3A_38, %parallel_loop3A_1169], %broadcast_in_dim3A_1 : memref<512x64xf32, #tpu.memory_space<vmem>>[vector<16xi32>, vector<16xi32>], vector<16xf32>,
        %parallel_loop3A_1170 = arith.constant -8 : i32
        %parallel_loop3A_1171 = vector.broadcast %parallel_loop3A_1170 : i32 to vector<16xi32>
        %parallel_loop3A_1172 = arith.andi %parallel_loop3A_1169, %parallel_loop3A_1171 : vector<16xi32>
        %parallel_loop3A_1173 = arith.constant 0 : i32
        %parallel_loop3A_1174 = vector.broadcast %parallel_loop3A_1173 : i32 to vector<16xi32>
        %parallel_loop3A_1175 = arith.addi %parallel_loop3A_1172, %parallel_loop3A_1174 : vector<16xi32>
        %parallel_loop3A_1176 = tpu.vector_load_idx %arg5[%parallel_loop3A_38, %parallel_loop3A_1175] : memref<512x64xf32, #tpu.memory_space<vmem>>[vector<16xi32>, vector<16xi32>], vector<16xf32>,
        %parallel_loop3A_1177 = arith.addi %parallel_loop3A_1172, %parallel_loop3A_1174 : vector<16xi32>
        %parallel_loop3A_1178 = arith.constant 1 : i32
        %parallel_loop3A_1179 = vector.broadcast %parallel_loop3A_1178 : i32 to vector<16xi32>
        %parallel_loop3A_1180 = arith.addi %parallel_loop3A_1172, %parallel_loop3A_1179 : vector<16xi32>
        %parallel_loop3A_1181 = tpu.vector_load_idx %arg5[%parallel_loop3A_38, %parallel_loop3A_1180] : memref<512x64xf32, #tpu.memory_space<vmem>>[vector<16xi32>, vector<16xi32>], vector<16xf32>,
        %parallel_loop3A_1182 = arith.addi %parallel_loop3A_1172, %parallel_loop3A_1179 : vector<16xi32>
        %parallel_loop3A_1183 = arith.constant 2 : i32
        %parallel_loop3A_1184 = vector.broadcast %parallel_loop3A_1183 : i32 to vector<16xi32>
        %parallel_loop3A_1185 = arith.addi %parallel_loop3A_1172, %parallel_loop3A_1184 : vector<16xi32>
        %parallel_loop3A_1186 = tpu.vector_load_idx %arg5[%parallel_loop3A_38, %parallel_loop3A_1185] : memref<512x64xf32, #tpu.memory_space<vmem>>[vector<16xi32>, vector<16xi32>], vector<16xf32>,
        %parallel_loop3A_1187 = arith.addi %parallel_loop3A_1172, %parallel_loop3A_1184 : vector<16xi32>
        %parallel_loop3A_1188 = arith.constant 3 : i32
        %parallel_loop3A_1189 = vector.broadcast %parallel_loop3A_1188 : i32 to vector<16xi32>
        %parallel_loop3A_1190 = arith.addi %parallel_loop3A_1172, %parallel_loop3A_1189 : vector<16xi32>
        %parallel_loop3A_1191 = tpu.vector_load_idx %arg5[%parallel_loop3A_38, %parallel_loop3A_1190] : memref<512x64xf32, #tpu.memory_space<vmem>>[vector<16xi32>, vector<16xi32>], vector<16xf32>,
        %parallel_loop3A_1192 = arith.addi %parallel_loop3A_1172, %parallel_loop3A_1189 : vector<16xi32>
        %parallel_loop3A_1193 = arith.constant 4 : i32
        %parallel_loop3A_1194 = vector.broadcast %parallel_loop3A_1193 : i32 to vector<16xi32>
        %parallel_loop3A_1195 = arith.addi %parallel_loop3A_1172, %parallel_loop3A_1194 : vector<16xi32>
        %parallel_loop3A_1196 = tpu.vector_load_idx %arg5[%parallel_loop3A_38, %parallel_loop3A_1195] : memref<512x64xf32, #tpu.memory_space<vmem>>[vector<16xi32>, vector<16xi32>], vector<16xf32>,
        %parallel_loop3A_1197 = arith.addi %parallel_loop3A_1172, %parallel_loop3A_1194 : vector<16xi32>
        %parallel_loop3A_1198 = arith.constant 5 : i32
        %parallel_loop3A_1199 = vector.broadcast %parallel_loop3A_1198 : i32 to vector<16xi32>
        %parallel_loop3A_1200 = arith.addi %parallel_loop3A_1172, %parallel_loop3A_1199 : vector<16xi32>
        %parallel_loop3A_1201 = tpu.vector_load_idx %arg5[%parallel_loop3A_38, %parallel_loop3A_1200] : memref<512x64xf32, #tpu.memory_space<vmem>>[vector<16xi32>, vector<16xi32>], vector<16xf32>,
        %parallel_loop3A_1202 = arith.addi %parallel_loop3A_1172, %parallel_loop3A_1199 : vector<16xi32>
        %parallel_loop3A_1203 = arith.constant 6 : i32
        %parallel_loop3A_1204 = vector.broadcast %parallel_loop3A_1203 : i32 to vector<16xi32>
        %parallel_loop3A_1205 = arith.addi %parallel_loop3A_1172, %parallel_loop3A_1204 : vector<16xi32>
        %parallel_loop3A_1206 = tpu.vector_load_idx %arg5[%parallel_loop3A_38, %parallel_loop3A_1205] : memref<512x64xf32, #tpu.memory_space<vmem>>[vector<16xi32>, vector<16xi32>], vector<16xf32>,
        %parallel_loop3A_1207 = arith.addi %parallel_loop3A_1172, %parallel_loop3A_1204 : vector<16xi32>
        %parallel_loop3A_1208 = arith.constant 7 : i32
        %parallel_loop3A_1209 = vector.broadcast %parallel_loop3A_1208 : i32 to vector<16xi32>
        %parallel_loop3A_1210 = arith.addi %parallel_loop3A_1172, %parallel_loop3A_1209 : vector<16xi32>
        %parallel_loop3A_1211 = tpu.vector_load_idx %arg5[%parallel_loop3A_38, %parallel_loop3A_1210] : memref<512x64xf32, #tpu.memory_space<vmem>>[vector<16xi32>, vector<16xi32>], vector<16xf32>,
        %parallel_loop3A_1212 = arith.addi %parallel_loop3A_1172, %parallel_loop3A_1209 : vector<16xi32>
        %parallel_loop3A_1213 = arith.cmpf ogt, %parallel_loop3A_1181, %parallel_loop3A_1176 : vector<16xf32>
        %parallel_loop3A_1214 = arith.select %parallel_loop3A_1213, %parallel_loop3A_1181, %parallel_loop3A_1176 : vector<16xi1>, vector<16xf32>
        %parallel_loop3A_1215 = arith.select %parallel_loop3A_1213, %parallel_loop3A_1182, %parallel_loop3A_1177 : vector<16xi1>, vector<16xi32>
        %parallel_loop3A_1216 = arith.cmpf ogt, %parallel_loop3A_1191, %parallel_loop3A_1186 : vector<16xf32>
        %parallel_loop3A_1217 = arith.select %parallel_loop3A_1216, %parallel_loop3A_1191, %parallel_loop3A_1186 : vector<16xi1>, vector<16xf32>
        %parallel_loop3A_1218 = arith.select %parallel_loop3A_1216, %parallel_loop3A_1192, %parallel_loop3A_1187 : vector<16xi1>, vector<16xi32>
        %parallel_loop3A_1219 = arith.cmpf ogt, %parallel_loop3A_1201, %parallel_loop3A_1196 : vector<16xf32>
        %parallel_loop3A_1220 = arith.select %parallel_loop3A_1219, %parallel_loop3A_1201, %parallel_loop3A_1196 : vector<16xi1>, vector<16xf32>
        %parallel_loop3A_1221 = arith.select %parallel_loop3A_1219, %parallel_loop3A_1202, %parallel_loop3A_1197 : vector<16xi1>, vector<16xi32>
        %parallel_loop3A_1222 = arith.cmpf ogt, %parallel_loop3A_1211, %parallel_loop3A_1206 : vector<16xf32>
        %parallel_loop3A_1223 = arith.select %parallel_loop3A_1222, %parallel_loop3A_1211, %parallel_loop3A_1206 : vector<16xi1>, vector<16xf32>
        %parallel_loop3A_1224 = arith.select %parallel_loop3A_1222, %parallel_loop3A_1212, %parallel_loop3A_1207 : vector<16xi1>, vector<16xi32>
        %parallel_loop3A_1225 = arith.cmpf ogt, %parallel_loop3A_1217, %parallel_loop3A_1214 : vector<16xf32>
        %parallel_loop3A_1226 = arith.select %parallel_loop3A_1225, %parallel_loop3A_1217, %parallel_loop3A_1214 : vector<16xi1>, vector<16xf32>
        %parallel_loop3A_1227 = arith.select %parallel_loop3A_1225, %parallel_loop3A_1218, %parallel_loop3A_1215 : vector<16xi1>, vector<16xi32>
        %parallel_loop3A_1228 = arith.cmpf ogt, %parallel_loop3A_1223, %parallel_loop3A_1220 : vector<16xf32>
        %parallel_loop3A_1229 = arith.select %parallel_loop3A_1228, %parallel_loop3A_1223, %parallel_loop3A_1220 : vector<16xi1>, vector<16xf32>
        %parallel_loop3A_1230 = arith.select %parallel_loop3A_1228, %parallel_loop3A_1224, %parallel_loop3A_1221 : vector<16xi1>, vector<16xi32>
        %parallel_loop3A_1231 = arith.cmpf ogt, %parallel_loop3A_1229, %parallel_loop3A_1226 : vector<16xf32>
        %parallel_loop3A_1232 = arith.select %parallel_loop3A_1231, %parallel_loop3A_1229, %parallel_loop3A_1226 : vector<16xi1>, vector<16xf32>
        %parallel_loop3A_1233 = arith.select %parallel_loop3A_1231, %parallel_loop3A_1230, %parallel_loop3A_1227 : vector<16xi1>, vector<16xi32>
        %parallel_loop3A_1234 = arith.constant 0 : i32
        %parallel_loop3A_1235 = vector.broadcast %parallel_loop3A_1234 : i32 to vector<16xi32>
        %parallel_loop3A_1236 = arith.cmpi eq, %parallel_loop3A_1172, %parallel_loop3A_1235 : vector<16xi32>
        %parallel_loop3A_1237 = arith.select %parallel_loop3A_1236, %parallel_loop3A_1232, %parallel_loop3A_1112 : vector<16xi1>, vector<16xf32>
        %parallel_loop3A_1238 = arith.select %parallel_loop3A_1236, %parallel_loop3A_1233, %parallel_loop3A_1113 : vector<16xi1>, vector<16xi32>
        %parallel_loop3A_1239 = arith.constant 8 : i32
        %parallel_loop3A_1240 = vector.broadcast %parallel_loop3A_1239 : i32 to vector<16xi32>
        %parallel_loop3A_1241 = arith.cmpi eq, %parallel_loop3A_1172, %parallel_loop3A_1240 : vector<16xi32>
        %parallel_loop3A_1242 = arith.select %parallel_loop3A_1241, %parallel_loop3A_1232, %parallel_loop3A_1117 : vector<16xi1>, vector<16xf32>
        %parallel_loop3A_1243 = arith.select %parallel_loop3A_1241, %parallel_loop3A_1233, %parallel_loop3A_1118 : vector<16xi1>, vector<16xi32>
        %parallel_loop3A_1244 = arith.constant 16 : i32
        %parallel_loop3A_1245 = vector.broadcast %parallel_loop3A_1244 : i32 to vector<16xi32>
        %parallel_loop3A_1246 = arith.cmpi eq, %parallel_loop3A_1172, %parallel_loop3A_1245 : vector<16xi32>
        %parallel_loop3A_1247 = arith.select %parallel_loop3A_1246, %parallel_loop3A_1232, %parallel_loop3A_1122 : vector<16xi1>, vector<16xf32>
        %parallel_loop3A_1248 = arith.select %parallel_loop3A_1246, %parallel_loop3A_1233, %parallel_loop3A_1123 : vector<16xi1>, vector<16xi32>
        %parallel_loop3A_1249 = arith.constant 24 : i32
        %parallel_loop3A_1250 = vector.broadcast %parallel_loop3A_1249 : i32 to vector<16xi32>
        %parallel_loop3A_1251 = arith.cmpi eq, %parallel_loop3A_1172, %parallel_loop3A_1250 : vector<16xi32>
        %parallel_loop3A_1252 = arith.select %parallel_loop3A_1251, %parallel_loop3A_1232, %parallel_loop3A_1127 : vector<16xi1>, vector<16xf32>
        %parallel_loop3A_1253 = arith.select %parallel_loop3A_1251, %parallel_loop3A_1233, %parallel_loop3A_1128 : vector<16xi1>, vector<16xi32>
        %parallel_loop3A_1254 = arith.constant 32 : i32
        %parallel_loop3A_1255 = vector.broadcast %parallel_loop3A_1254 : i32 to vector<16xi32>
        %parallel_loop3A_1256 = arith.cmpi eq, %parallel_loop3A_1172, %parallel_loop3A_1255 : vector<16xi32>
        %parallel_loop3A_1257 = arith.select %parallel_loop3A_1256, %parallel_loop3A_1232, %parallel_loop3A_1132 : vector<16xi1>, vector<16xf32>
        %parallel_loop3A_1258 = arith.select %parallel_loop3A_1256, %parallel_loop3A_1233, %parallel_loop3A_1133 : vector<16xi1>, vector<16xi32>
        %parallel_loop3A_1259 = arith.constant 40 : i32
        %parallel_loop3A_1260 = vector.broadcast %parallel_loop3A_1259 : i32 to vector<16xi32>
        %parallel_loop3A_1261 = arith.cmpi eq, %parallel_loop3A_1172, %parallel_loop3A_1260 : vector<16xi32>
        %parallel_loop3A_1262 = arith.select %parallel_loop3A_1261, %parallel_loop3A_1232, %parallel_loop3A_1137 : vector<16xi1>, vector<16xf32>
        %parallel_loop3A_1263 = arith.select %parallel_loop3A_1261, %parallel_loop3A_1233, %parallel_loop3A_1138 : vector<16xi1>, vector<16xi32>
        %parallel_loop3A_1264 = arith.constant 48 : i32
        %parallel_loop3A_1265 = vector.broadcast %parallel_loop3A_1264 : i32 to vector<16xi32>
        %parallel_loop3A_1266 = arith.cmpi eq, %parallel_loop3A_1172, %parallel_loop3A_1265 : vector<16xi32>
        %parallel_loop3A_1267 = arith.select %parallel_loop3A_1266, %parallel_loop3A_1232, %parallel_loop3A_1142 : vector<16xi1>, vector<16xf32>
        %parallel_loop3A_1268 = arith.select %parallel_loop3A_1266, %parallel_loop3A_1233, %parallel_loop3A_1143 : vector<16xi1>, vector<16xi32>
        %parallel_loop3A_1269 = arith.constant 56 : i32
        %parallel_loop3A_1270 = vector.broadcast %parallel_loop3A_1269 : i32 to vector<16xi32>
        %parallel_loop3A_1271 = arith.cmpi eq, %parallel_loop3A_1172, %parallel_loop3A_1270 : vector<16xi32>
        %parallel_loop3A_1272 = arith.select %parallel_loop3A_1271, %parallel_loop3A_1232, %parallel_loop3A_1147 : vector<16xi1>, vector<16xf32>
        %parallel_loop3A_1273 = arith.select %parallel_loop3A_1271, %parallel_loop3A_1233, %parallel_loop3A_1148 : vector<16xi1>, vector<16xi32>
        %parallel_loop3A_1274 = arith.cmpf ogt, %parallel_loop3A_1242, %parallel_loop3A_1237 : vector<16xf32>
        %parallel_loop3A_1275 = arith.select %parallel_loop3A_1274, %parallel_loop3A_1242, %parallel_loop3A_1237 : vector<16xi1>, vector<16xf32>
        %parallel_loop3A_1276 = arith.select %parallel_loop3A_1274, %parallel_loop3A_1243, %parallel_loop3A_1238 : vector<16xi1>, vector<16xi32>
        %parallel_loop3A_1277 = arith.cmpf ogt, %parallel_loop3A_1252, %parallel_loop3A_1247 : vector<16xf32>
        %parallel_loop3A_1278 = arith.select %parallel_loop3A_1277, %parallel_loop3A_1252, %parallel_loop3A_1247 : vector<16xi1>, vector<16xf32>
        %parallel_loop3A_1279 = arith.select %parallel_loop3A_1277, %parallel_loop3A_1253, %parallel_loop3A_1248 : vector<16xi1>, vector<16xi32>
        %parallel_loop3A_1280 = arith.cmpf ogt, %parallel_loop3A_1262, %parallel_loop3A_1257 : vector<16xf32>
        %parallel_loop3A_1281 = arith.select %parallel_loop3A_1280, %parallel_loop3A_1262, %parallel_loop3A_1257 : vector<16xi1>, vector<16xf32>
        %parallel_loop3A_1282 = arith.select %parallel_loop3A_1280, %parallel_loop3A_1263, %parallel_loop3A_1258 : vector<16xi1>, vector<16xi32>
        %parallel_loop3A_1283 = arith.cmpf ogt, %parallel_loop3A_1272, %parallel_loop3A_1267 : vector<16xf32>
        %parallel_loop3A_1284 = arith.select %parallel_loop3A_1283, %parallel_loop3A_1272, %parallel_loop3A_1267 : vector<16xi1>, vector<16xf32>
        %parallel_loop3A_1285 = arith.select %parallel_loop3A_1283, %parallel_loop3A_1273, %parallel_loop3A_1268 : vector<16xi1>, vector<16xi32>
        %parallel_loop3A_1286 = arith.cmpf ogt, %parallel_loop3A_1278, %parallel_loop3A_1275 : vector<16xf32>
        %parallel_loop3A_1287 = arith.select %parallel_loop3A_1286, %parallel_loop3A_1278, %parallel_loop3A_1275 : vector<16xi1>, vector<16xf32>
        %parallel_loop3A_1288 = arith.select %parallel_loop3A_1286, %parallel_loop3A_1279, %parallel_loop3A_1276 : vector<16xi1>, vector<16xi32>
        %parallel_loop3A_1289 = arith.cmpf ogt, %parallel_loop3A_1284, %parallel_loop3A_1281 : vector<16xf32>
        %parallel_loop3A_1290 = arith.select %parallel_loop3A_1289, %parallel_loop3A_1284, %parallel_loop3A_1281 : vector<16xi1>, vector<16xf32>
        %parallel_loop3A_1291 = arith.select %parallel_loop3A_1289, %parallel_loop3A_1285, %parallel_loop3A_1282 : vector<16xi1>, vector<16xi32>
        %parallel_loop3A_1292 = arith.cmpf ogt, %parallel_loop3A_1290, %parallel_loop3A_1287 : vector<16xf32>
        %parallel_loop3A_1293 = arith.select %parallel_loop3A_1292, %parallel_loop3A_1290, %parallel_loop3A_1287 : vector<16xi1>, vector<16xf32>
        %parallel_loop3A_1294 = arith.select %parallel_loop3A_1292, %parallel_loop3A_1291, %parallel_loop3A_1288 : vector<16xi1>, vector<16xi32>
        %parallel_loop3A_1295 = arith.subf %parallel_loop3A_418, %parallel_loop3A_418 : vector<16xf32>
        %parallel_loop3A_1296 = math.exp %parallel_loop3A_1295 : vector<16xf32>
        %parallel_loop3A_1297 = arith.subf %parallel_loop3A_543, %parallel_loop3A_418 : vector<16xf32>
        %parallel_loop3A_1298 = math.exp %parallel_loop3A_1297 : vector<16xf32>
        %parallel_loop3A_1299 = arith.subf %parallel_loop3A_668, %parallel_loop3A_418 : vector<16xf32>
        %parallel_loop3A_1300 = math.exp %parallel_loop3A_1299 : vector<16xf32>
        %parallel_loop3A_1301 = arith.subf %parallel_loop3A_793, %parallel_loop3A_418 : vector<16xf32>
        %parallel_loop3A_1302 = math.exp %parallel_loop3A_1301 : vector<16xf32>
        %parallel_loop3A_1303 = arith.subf %parallel_loop3A_918, %parallel_loop3A_418 : vector<16xf32>
        %parallel_loop3A_1304 = math.exp %parallel_loop3A_1303 : vector<16xf32>
        %parallel_loop3A_1305 = arith.subf %parallel_loop3A_1043, %parallel_loop3A_418 : vector<16xf32>
        %parallel_loop3A_1306 = math.exp %parallel_loop3A_1305 : vector<16xf32>
        %parallel_loop3A_1307 = arith.subf %parallel_loop3A_1168, %parallel_loop3A_418 : vector<16xf32>
        %parallel_loop3A_1308 = math.exp %parallel_loop3A_1307 : vector<16xf32>
        %parallel_loop3A_1309 = arith.subf %parallel_loop3A_1293, %parallel_loop3A_418 : vector<16xf32>
        %parallel_loop3A_1310 = math.exp %parallel_loop3A_1309 : vector<16xf32>
        %parallel_loop3A_1311 = arith.addf %parallel_loop3A_1296, %parallel_loop3A_1298 : vector<16xf32>
        %parallel_loop3A_1312 = arith.addf %parallel_loop3A_1311, %parallel_loop3A_1300 : vector<16xf32>
        %parallel_loop3A_1313 = arith.addf %parallel_loop3A_1312, %parallel_loop3A_1302 : vector<16xf32>
        %parallel_loop3A_1314 = arith.addf %parallel_loop3A_1313, %parallel_loop3A_1304 : vector<16xf32>
        %parallel_loop3A_1315 = arith.addf %parallel_loop3A_1314, %parallel_loop3A_1306 : vector<16xf32>
        %parallel_loop3A_1316 = arith.addf %parallel_loop3A_1315, %parallel_loop3A_1308 : vector<16xf32>
        %parallel_loop3A_1317 = arith.addf %parallel_loop3A_1316, %parallel_loop3A_1310 : vector<16xf32>
        %parallel_loop3A_1318 = arith.constant 16 : i32
        %parallel_loop3A_1319 = arith.muli %parallel_loop3A_33, %parallel_loop3A_1318 : i32
        %parallel_loop3A_1320 = vector.broadcast %parallel_loop3A_1319 : i32 to vector<16xi32>
        %parallel_loop3A_1321 = arith.addi %parallel_loop3A_1320, %iota3A : vector<16xi32>
        %parallel_loop3A_1322 = arith.constant 0 : i32
        %parallel_loop3A_1323 = vector.broadcast %parallel_loop3A_1322 : i32 to vector<16xi32>
        tpu.vector_store_idx %arg6[%parallel_loop3A_1321, %parallel_loop3A_1323], %parallel_loop3A_419 : memref<128x8xi32, #tpu.memory_space<vmem>>[vector<16xi32>, vector<16xi32>], vector<16xi32>,
        %parallel_loop3A_1324 = arith.divf %parallel_loop3A_1296, %parallel_loop3A_1317 : vector<16xf32>
        tpu.vector_store_idx %arg7[%parallel_loop3A_1321, %parallel_loop3A_1323], %parallel_loop3A_1324 : memref<128x8xf32, #tpu.memory_space<vmem>>[vector<16xi32>, vector<16xi32>], vector<16xf32>,
        %parallel_loop3A_1325 = arith.constant 1 : i32
        %parallel_loop3A_1326 = vector.broadcast %parallel_loop3A_1325 : i32 to vector<16xi32>
        tpu.vector_store_idx %arg6[%parallel_loop3A_1321, %parallel_loop3A_1326], %parallel_loop3A_544 : memref<128x8xi32, #tpu.memory_space<vmem>>[vector<16xi32>, vector<16xi32>], vector<16xi32>,
        %parallel_loop3A_1327 = arith.divf %parallel_loop3A_1298, %parallel_loop3A_1317 : vector<16xf32>
        tpu.vector_store_idx %arg7[%parallel_loop3A_1321, %parallel_loop3A_1326], %parallel_loop3A_1327 : memref<128x8xf32, #tpu.memory_space<vmem>>[vector<16xi32>, vector<16xi32>], vector<16xf32>,
        %parallel_loop3A_1328 = arith.constant 2 : i32
        %parallel_loop3A_1329 = vector.broadcast %parallel_loop3A_1328 : i32 to vector<16xi32>
        tpu.vector_store_idx %arg6[%parallel_loop3A_1321, %parallel_loop3A_1329], %parallel_loop3A_669 : memref<128x8xi32, #tpu.memory_space<vmem>>[vector<16xi32>, vector<16xi32>], vector<16xi32>,
        %parallel_loop3A_1330 = arith.divf %parallel_loop3A_1300, %parallel_loop3A_1317 : vector<16xf32>
        tpu.vector_store_idx %arg7[%parallel_loop3A_1321, %parallel_loop3A_1329], %parallel_loop3A_1330 : memref<128x8xf32, #tpu.memory_space<vmem>>[vector<16xi32>, vector<16xi32>], vector<16xf32>,
        %parallel_loop3A_1331 = arith.constant 3 : i32
        %parallel_loop3A_1332 = vector.broadcast %parallel_loop3A_1331 : i32 to vector<16xi32>
        tpu.vector_store_idx %arg6[%parallel_loop3A_1321, %parallel_loop3A_1332], %parallel_loop3A_794 : memref<128x8xi32, #tpu.memory_space<vmem>>[vector<16xi32>, vector<16xi32>], vector<16xi32>,
        %parallel_loop3A_1333 = arith.divf %parallel_loop3A_1302, %parallel_loop3A_1317 : vector<16xf32>
        tpu.vector_store_idx %arg7[%parallel_loop3A_1321, %parallel_loop3A_1332], %parallel_loop3A_1333 : memref<128x8xf32, #tpu.memory_space<vmem>>[vector<16xi32>, vector<16xi32>], vector<16xf32>,
        %parallel_loop3A_1334 = arith.constant 4 : i32
        %parallel_loop3A_1335 = vector.broadcast %parallel_loop3A_1334 : i32 to vector<16xi32>
        tpu.vector_store_idx %arg6[%parallel_loop3A_1321, %parallel_loop3A_1335], %parallel_loop3A_919 : memref<128x8xi32, #tpu.memory_space<vmem>>[vector<16xi32>, vector<16xi32>], vector<16xi32>,
        %parallel_loop3A_1336 = arith.divf %parallel_loop3A_1304, %parallel_loop3A_1317 : vector<16xf32>
        tpu.vector_store_idx %arg7[%parallel_loop3A_1321, %parallel_loop3A_1335], %parallel_loop3A_1336 : memref<128x8xf32, #tpu.memory_space<vmem>>[vector<16xi32>, vector<16xi32>], vector<16xf32>,
        %parallel_loop3A_1337 = arith.constant 5 : i32
        %parallel_loop3A_1338 = vector.broadcast %parallel_loop3A_1337 : i32 to vector<16xi32>
        tpu.vector_store_idx %arg6[%parallel_loop3A_1321, %parallel_loop3A_1338], %parallel_loop3A_1044 : memref<128x8xi32, #tpu.memory_space<vmem>>[vector<16xi32>, vector<16xi32>], vector<16xi32>,
        %parallel_loop3A_1339 = arith.divf %parallel_loop3A_1306, %parallel_loop3A_1317 : vector<16xf32>
        tpu.vector_store_idx %arg7[%parallel_loop3A_1321, %parallel_loop3A_1338], %parallel_loop3A_1339 : memref<128x8xf32, #tpu.memory_space<vmem>>[vector<16xi32>, vector<16xi32>], vector<16xf32>,
        %parallel_loop3A_1340 = arith.constant 6 : i32
        %parallel_loop3A_1341 = vector.broadcast %parallel_loop3A_1340 : i32 to vector<16xi32>
        tpu.vector_store_idx %arg6[%parallel_loop3A_1321, %parallel_loop3A_1341], %parallel_loop3A_1169 : memref<128x8xi32, #tpu.memory_space<vmem>>[vector<16xi32>, vector<16xi32>], vector<16xi32>,
        %parallel_loop3A_1342 = arith.divf %parallel_loop3A_1308, %parallel_loop3A_1317 : vector<16xf32>
        tpu.vector_store_idx %arg7[%parallel_loop3A_1321, %parallel_loop3A_1341], %parallel_loop3A_1342 : memref<128x8xf32, #tpu.memory_space<vmem>>[vector<16xi32>, vector<16xi32>], vector<16xf32>,
        %parallel_loop3A_1343 = arith.constant 7 : i32
        %parallel_loop3A_1344 = vector.broadcast %parallel_loop3A_1343 : i32 to vector<16xi32>
        tpu.vector_store_idx %arg6[%parallel_loop3A_1321, %parallel_loop3A_1344], %parallel_loop3A_1294 : memref<128x8xi32, #tpu.memory_space<vmem>>[vector<16xi32>, vector<16xi32>], vector<16xi32>,
        %parallel_loop3A_1345 = arith.divf %parallel_loop3A_1310, %parallel_loop3A_1317 : vector<16xf32>
        tpu.vector_store_idx %arg7[%parallel_loop3A_1321, %parallel_loop3A_1344], %parallel_loop3A_1345 : memref<128x8xf32, #tpu.memory_space<vmem>>[vector<16xi32>, vector<16xi32>], vector<16xf32>,
      } {sc.loop_unroll_factor = 1 : i64, sc.parallel_access}
      %mul3A_26 = arith.constant 1024 : i32
      %mul3A_27 = arith.muli %add3A, %mul3A_26 : i32
      %add3A_28 = arith.constant 512 : i32
      %add3A_29 = arith.addi %mul3A_27, %add3A_28 : i32
      %mul3A_30 = arith.constant 128 : i32
      %mul3A_31 = arith.muli %scan3A_21, %mul3A_30 : i32
      %add3A_32 = arith.addi %add3A_29, %mul3A_31 : i32
      "tpu.region"() ({
        %run_scoped3A = tpu.sem_alloc : memref<!tpu.dma_semaphore, #tpu.memory_space<semaphore_mem>>
        %dma_start3A = arith.constant 0 : i32
        %dma_start3A_33 = tpu.memref_slice %arg3[%add3A_32, %dma_start3A] : memref<32768x8xi32, #tpu.memory_space<hbm>> -> memref<128x8xi32, #tpu.memory_space<hbm>>
        %dma_start3A_34 = arith.constant 0 : i32
        %dma_start3A_35 = tpu.memref_slice %arg3[%add3A_32, %dma_start3A_34] : memref<32768x8xi32, #tpu.memory_space<hbm>> -> memref<128x8xi32, #tpu.memory_space<hbm>>
        tpu.enqueue_dma source(%arg6 : memref<128x8xi32, #tpu.memory_space<vmem>>) target(%dma_start3A_35 : memref<128x8xi32, #tpu.memory_space<hbm>>) target_semaphore(%run_scoped3A : memref<!tpu.dma_semaphore, #tpu.memory_space<semaphore_mem>>)
        %dma_wait3A = arith.constant 0 : i32
        %dma_wait3A_36 = tpu.memref_slice %arg3[%add3A_32, %dma_wait3A] : memref<32768x8xi32, #tpu.memory_space<hbm>> -> memref<128x8xi32, #tpu.memory_space<hbm>>
        %dma_wait3A_37 = arith.constant 0 : i32
        %dma_wait3A_38 = tpu.memref_slice %arg3[%add3A_32, %dma_wait3A_37] : memref<32768x8xi32, #tpu.memory_space<hbm>> -> memref<128x8xi32, #tpu.memory_space<hbm>>
        tpu.wait_dma2 semaphore(%run_scoped3A : memref<!tpu.dma_semaphore, #tpu.memory_space<semaphore_mem>>) src(%arg6 : memref<128x8xi32, #tpu.memory_space<vmem>>) dst(%dma_wait3A_38 : memref<128x8xi32, #tpu.memory_space<hbm>>)
        tpu.yield
      }) : () -> ()
      "tpu.region"() ({
        %run_scoped3A = tpu.sem_alloc : memref<!tpu.dma_semaphore, #tpu.memory_space<semaphore_mem>>
        %dma_start3A = arith.constant 0 : i32
        %dma_start3A_33 = tpu.memref_slice %arg4[%add3A_32, %dma_start3A] : memref<32768x8xf32, #tpu.memory_space<hbm>> -> memref<128x8xf32, #tpu.memory_space<hbm>>
        %dma_start3A_34 = arith.constant 0 : i32
        %dma_start3A_35 = tpu.memref_slice %arg4[%add3A_32, %dma_start3A_34] : memref<32768x8xf32, #tpu.memory_space<hbm>> -> memref<128x8xf32, #tpu.memory_space<hbm>>
        tpu.enqueue_dma source(%arg7 : memref<128x8xf32, #tpu.memory_space<vmem>>) target(%dma_start3A_35 : memref<128x8xf32, #tpu.memory_space<hbm>>) target_semaphore(%run_scoped3A : memref<!tpu.dma_semaphore, #tpu.memory_space<semaphore_mem>>)
        %dma_wait3A = arith.constant 0 : i32
        %dma_wait3A_36 = tpu.memref_slice %arg4[%add3A_32, %dma_wait3A] : memref<32768x8xf32, #tpu.memory_space<hbm>> -> memref<128x8xf32, #tpu.memory_space<hbm>>
        %dma_wait3A_37 = arith.constant 0 : i32
        %dma_wait3A_38 = tpu.memref_slice %arg4[%add3A_32, %dma_wait3A_37] : memref<32768x8xf32, #tpu.memory_space<hbm>> -> memref<128x8xf32, #tpu.memory_space<hbm>>
        tpu.wait_dma2 semaphore(%run_scoped3A : memref<!tpu.dma_semaphore, #tpu.memory_space<semaphore_mem>>) src(%arg7 : memref<128x8xf32, #tpu.memory_space<vmem>>) dst(%dma_wait3A_38 : memref<128x8xf32, #tpu.memory_space<hbm>>)
        tpu.yield
      }) : () -> ()
    }
    %scan3A_20 = arith.constant 4 : i32
    return
  }
}

module attributes {stable_mosaic.version = 14 : i64} {
  func.func @_tc_body(%arg0: i32, %arg1: memref<4096x768xf32, #tpu.memory_space<vmem>>, %arg2: memref<64x768xf32, #tpu.memory_space<vmem>>, %arg3: memref<4096x64xf32, #tpu.memory_space<vmem>>, %arg4: memref<4096x64xf32, #tpu.memory_space<vmem>>) attributes {dimension_semantics = [#tpu.dimension_semantics<arbitrary>], iteration_bounds = array<i64: 8>, scalar_prefetch = 0 : i64, scratch_operands = 0 : i64, tpu.core_type = #tpu.core_type<tc>, window_params = [{transform_indices = @transform_0, window_bounds = array<i64: 4096, 768>}, {pipeline_mode = #tpu.pipeline_mode<synchronous>, transform_indices = @transform_1, window_bounds = array<i64: 64, 768>}, {transform_indices = @transform_2, window_bounds = array<i64: 4096, 64>}, {transform_indices = @transform_3, window_bounds = array<i64: 4096, 64>}]} {
    %get3A = arith.constant 0 : index
    %get3A_0 = arith.constant 0 : index
    %get3A_1 = vector.load %arg1[%get3A, %get3A_0] : memref<4096x768xf32, #tpu.memory_space<vmem>>, vector<4096x768xf32>
    %get3A_2 = arith.constant 0 : index
    %get3A_3 = arith.constant 0 : index
    %get3A_4 = vector.load %arg2[%get3A_2, %get3A_3] : memref<64x768xf32, #tpu.memory_space<vmem>>, vector<64x768xf32>
    %dot_general3A = arith.constant dense<0.000000e+00> : vector<4096x64xf32>
    %dot_general3A_5 = tpu.matmul %get3A_1, %get3A_4, %dot_general3A {dimension_numbers = #tpu.dot_dimension_numbers<[1], [1], [0], [0], [0, 0, 1, 0], [], []>, transpose_lhs_hint = false} : vector<4096x768xf32>, vector<64x768xf32>, vector<4096x64xf32> -> vector<4096x64xf32>
    %reduce_max3A = arith.constant dense<0xFF800000> : vector<4096xf32>
    %reduce_max3A_6 = vector.multi_reduction <maximumf>, %dot_general3A_5, %reduce_max3A [1] : vector<4096x64xf32> to vector<4096xf32>
    %broadcast_in_dim3A = vector.shape_cast %reduce_max3A_6 : vector<4096xf32> to vector<4096x1xf32>
    %sub3A = vector.broadcast %broadcast_in_dim3A : vector<4096x1xf32> to vector<4096x64xf32>
    %sub3A_7 = arith.subf %dot_general3A_5, %sub3A : vector<4096x64xf32>
    %exp3A = math.exp %sub3A_7 : vector<4096x64xf32>
    %reduce_sum3A = arith.constant dense<0.000000e+00> : vector<4096xf32>
    %reduce_sum3A_8 = vector.multi_reduction <add>, %exp3A, %reduce_sum3A [1] : vector<4096x64xf32> to vector<4096xf32>
    %broadcast_in_dim3A_9 = vector.shape_cast %reduce_sum3A_8 : vector<4096xf32> to vector<4096x1xf32>
    %div3A = vector.broadcast %broadcast_in_dim3A_9 : vector<4096x1xf32> to vector<4096x64xf32>
    %div3A_10 = arith.divf %exp3A, %div3A : vector<4096x64xf32>
    %swap3A = arith.constant 0 : index
    %swap3A_11 = arith.constant 0 : index
    %swap3A_12 = vector.load %arg3[%swap3A, %swap3A_11] : memref<4096x64xf32, #tpu.memory_space<vmem>>, vector<4096x64xf32>
    tpu.vector_store %arg3[%swap3A, %swap3A_11], %dot_general3A_5 {strides = array<i32>} : memref<4096x64xf32, #tpu.memory_space<vmem>>, vector<4096x64xf32>,
    %swap3A_13 = arith.constant 0 : index
    %swap3A_14 = arith.constant 0 : index
    %swap3A_15 = vector.load %arg4[%swap3A_13, %swap3A_14] : memref<4096x64xf32, #tpu.memory_space<vmem>>, vector<4096x64xf32>
    tpu.vector_store %arg4[%swap3A_13, %swap3A_14], %div3A_10 {strides = array<i32>} : memref<4096x64xf32, #tpu.memory_space<vmem>>, vector<4096x64xf32>,
    return
  }
  func.func @transform_0(%arg0: i32) -> (i32, i32) {
    %c0_i32 = arith.constant 0 : i32
    %c0_i32_0 = arith.constant 0 : i32
    return %arg0, %c0_i32 : i32, i32
  }
  func.func @transform_1(%arg0: i32) -> (i32, i32) {
    %c0_i32 = arith.constant 0 : i32
    %c0_i32_0 = arith.constant 0 : i32
    %c0_i32_1 = arith.constant 0 : i32
    return %c0_i32, %c0_i32_0 : i32, i32
  }
  func.func @transform_2(%arg0: i32) -> (i32, i32) {
    %c0_i32 = arith.constant 0 : i32
    %c0_i32_0 = arith.constant 0 : i32
    return %arg0, %c0_i32 : i32, i32
  }
  func.func @transform_3(%arg0: i32) -> (i32, i32) {
    %c0_i32 = arith.constant 0 : i32
    %c0_i32_0 = arith.constant 0 : i32
    return %arg0, %c0_i32 : i32, i32
  }
}

</mosaic_0001>

<sc_bundles>
// kernel: kernel.4.cloned.1.call-start
scs
__scs_entry_jumppad:
0x0: {  	(pc) =	sbr.rel $0x88, $3  }
0x1: {  	(tag) =	ssettag $0x0;
	lr =	simm.s32 $0x1  }
0x2: {  	[smem:$0x3F9F] =	sst lr;
	_ =	strace $0xD0000000  }
0x3: {  	_ = 	snop  }
0x4: {  	_ = 	snop  }
0x5: {  	_ = 	snop  }
0x6: {  	_ = 	snop  }
0x7: {  	_ = 	snop  }
__scs_overlays_trampoline_lowered:
0x8: {  	[smem:$0x3FAE] =	sst s0  }
0x9: {  	[smem:$0x3FAF] =	sst s1  }
0xa: {  	[smem:$0x3FB0] =	sst s2  }
0xb: {  	[smem:$0x3FB1] =	sst s3  }
0xc: {  	[smem:$0x3FB2] =	sst s4  }
0xd: {  	[smem:$0x3FB3] =	sst s5  }
0xe: {  	[smem:$0x3FB4] =	sst s6  }
0xf: {  	[smem:$0x3FB5] =	sst s7  }
0x10: {  	[smem:$0x3FB6] =	sst s8  }
0x11: {  	[smem:$0x3FB7] =	sst s9;
	s0 =	simm.s32 @!p0 $0x0  }
0x12: {  	s1 =	sld [smem:$0x3F9D];
	s0 =	simm.s32 @p0 $0x1  }
0x13: {  	[smem:$0x3FB8] =	sst s0;
	s0 =	simm.s32 @!p1 $0x0  }
0x14: {  	s2 =	sld [smem:$0x3F9C];
	s0 =	simm.s32 @p1 $0x1  }
0x15: {  	[smem:$0x3FB9] =	sst s0;
	s0 =	simm.s32 @!p2 $0x0  }
0x16: {  	s3 =	sld [smem:$0x3FDB];
	s0 =	simm.s32 @p2 $0x1  }
0x17: {  	s4 =	simm.s32 $0x1BF5;
	[smem:$0x3FBB] =	sst s0  }
0x18: {  	s0 =	sld [smem:$0x3F9E];
	_ =	swait.ge [sflag:s4], $0x0  }
0x19: {  	s7 =	sld [smem:$0x3F9F]  }
0x1a: {  	s8 =	sadd.s32 $0xFFFFE003, lr  }
0x1b: {  	s9 =	sadd.s32 $0xFFFFFEF7, lr;
	s5 =	simm.s32 $0xFFFFFFFF;
	p2 =	slt.u32 s8, $0xFFFFF086  }
0x1c: {  	p1 =	slt.u32 s9, $0xF7A;
	s5 =	simm.s32 @!p2 $0x0  }
0x1d: {  	s5 =	simm.s32 @p1 $0x1;
	p0 =	seq.s32 s7, s2  }
0x1e: {  	s7 =	smul.u32 @!p0 $0xF7A, s2;
	p2 =	seq.s32 @!p0 s5, $0x0  }
0x1f: {  	s9 =	smul.u32 $0xF7A, s1;
	s8 =	simm.s32 @!p0 $0x1BF5;
	p2 =	por !p2, p0  }
0x20: {  	[sflag:s8] =	ssyncset.s32 @!p0 $0xFFFFF086;
	s6 =	sadd.s32 @!p0 s3, s7;
	s7 =	simm.s32 @!p0 $0x108  }
0x21: {  	s3 =	sadd.s32 s3, s9;
	s6 =	sadd.s32 @!p0 $0x88, s6;
	s7 =	simm.s32 @p2 $0x1082  }
0x22: {  	[simem:s7], [sflag:s8] =	dma.local @!p0 [hbm:s6], $0xF7A  }
0x23: {  	s9 =	sor.u32 $0xD0000000, s2;
	s6 =	simm.s32 $0x108;
	_ =	swait.ge @!p0 [sflag:s8], $0x0  }
0x24: {  	s3 =	sadd.s32 $0x88, s3;
	s6 =	simm.s32 @!p1 $0x1082;
	[sflag:s4] =	ssyncset.s32 $0xFFFFF086  }
0x25: {  	[simem:s6], [sflag:s4] =	dma.local [hbm:s3], $0xF7A  }
0x26: {  	[smem:$0x3F9F] =	sst s1;
	(tag) =	ssettag s2;
	_ =	strace s9  }
0x27: {  	s1 =	sld [smem:$0x3FAF]  }
0x28: {  	s2 =	sld [smem:$0x3FB0]  }
0x29: {  	s4 =	sld [smem:$0x3FB2]  }
0x2a: {  	p0 =	seq.s32 s5, $0x0;
	s5 =	sld [smem:$0x3FB3]  }
0x2b: {  	s6 =	sld [smem:$0x3FB4]  }
0x2c: {  	s7 =	sld [smem:$0x3FB5]  }
0x2d: {  	s3 =	simm.s32 $0x108;
	s8 =	sld [smem:$0x3FB6]  }
0x2e: {  	s3 =	simm.s32 @!p0 $0x1082;
	s9 =	sld [smem:$0x3FB7]  }
0x2f: {  	lr =	sadd.s32 s0, s3;
	s0 =	sld [smem:$0x3FAE]  }
0x30: {  	s3 =	sld [smem:$0x3FB1]  }
0x31: {  	[smem:$0x3FBA] =	sst s10  }
0x32: {  	s10 =	sld [smem:$0x3FB8];
	_ =	sdelay $0x3  }
0x33: {  	p0 =	seq.s32 s10, $0x1;
	s10 =	sld [smem:$0x3FBA];
	_ =	sdelay $0x3  }
0x34: {  	[smem:$0x3FBA] =	sst s10  }
0x35: {  	s10 =	sld [smem:$0x3FB9];
	_ =	sdelay $0x3  }
0x36: {  	p1 =	seq.s32 s10, $0x1;
	s10 =	sld [smem:$0x3FBA];
	_ =	sdelay $0x3  }
0x37: {  	[smem:$0x3FBA] =	sst s10  }
0x38: {  	s10 =	sld [smem:$0x3FBB]  }
0x39: {  	_ = 	snop;
	(pc) =	sbr.ind lr, $3  }
0x3a: {  	_ = 	snop  }
0x3b: {  	_ = 	snop  }
0x3c: {  	p2 =	seq.s32 s10, $0x1;
	s10 =	sld [smem:$0x3FBA]  }
0x3d: {  	_ =	shalt  }
0x3e: {  	_ =	shalt  }
0x3f: {  	_ =	shalt  }
0x40: {  	_ =	shalt  }
0x41: {  	_ =	shalt  }
0x42: {  	_ =	shalt  }
0x43: {  	_ =	shalt  }
0x44: {  	_ =	shalt  }
0x45: {  	_ =	shalt  }
0x46: {  	_ =	shalt  }
0x47: {  	_ =	shalt  }
0x48: {  	_ =	shalt  }
0x49: {  	_ =	shalt  }
0x4a: {  	_ =	shalt  }
0x4b: {  	_ =	shalt  }
0x4c: {  	_ =	shalt  }
0x4d: {  	_ =	shalt  }
0x4e: {  	_ =	shalt  }
0x4f: {  	_ =	shalt  }
0x50: {  	_ =	shalt  }
0x51: {  	_ =	shalt  }
0x52: {  	_ =	shalt  }
0x53: {  	_ =	shalt  }
0x54: {  	_ =	shalt  }
0x55: {  	_ =	shalt  }
0x56: {  	_ =	shalt  }
0x57: {  	_ =	shalt  }
0x58: {  	_ =	shalt  }
0x59: {  	_ =	shalt  }
0x5a: {  	_ =	shalt  }
0x5b: {  	_ =	shalt  }
0x5c: {  	_ =	shalt  }
0x5d: {  	_ =	shalt  }
0x5e: {  	_ =	shalt  }
0x5f: {  	_ =	shalt  }
0x60: {  	_ =	shalt  }
0x61: {  	_ =	shalt  }
0x62: {  	_ =	shalt  }
0x63: {  	_ =	shalt  }
0x64: {  	_ =	shalt  }
0x65: {  	_ =	shalt  }
0x66: {  	_ =	shalt  }
0x67: {  	_ =	shalt  }
0x68: {  	_ =	shalt  }
0x69: {  	_ =	shalt  }
0x6a: {  	_ =	shalt  }
0x6b: {  	_ =	shalt  }
0x6c: {  	_ =	shalt  }
0x6d: {  	_ =	shalt  }
0x6e: {  	_ =	shalt  }
0x6f: {  	_ =	shalt  }
0x70: {  	_ =	shalt  }
0x71: {  	_ =	shalt  }
0x72: {  	_ =	shalt  }
0x73: {  	_ =	shalt  }
0x74: {  	_ =	shalt  }
0x75: {  	_ =	shalt  }
0x76: {  	_ =	shalt  }
0x77: {  	_ =	shalt  }
0x78: {  	_ =	shalt  }
0x79: {  	_ =	shalt  }
0x7a: {  	_ =	shalt  }
0x7b: {  	_ =	shalt  }
0x7c: {  	_ =	shalt  }
0x7d: {  	_ =	shalt  }
0x7e: {  	_ =	shalt  }
0x7f: {  	_ =	shalt  }
0x80: {  	_ =	shalt  }
0x81: {  	_ =	shalt  }
0x82: {  	_ =	shalt  }
0x83: {  	_ =	shalt  }
0x84: {  	_ =	shalt  }
0x85: {  	_ =	shalt  }
0x86: {  	_ =	shalt  }
0x87: {  	_ =	shalt  }
.Lfunc_end0:
.L_simem_size_0:
called_computation_lowered:
.L_overlay_start_0:
0x88: {  	s2 =	sld [smem:$0x3FD9]  }
0x89: {  	s3 =	sld [smem:$0x3FFE];
	_ =	sdelay $0x1  }
0x8a: {  	s1 =	srdreg.scid  }
0x8b: {  	s0 =	sand.u32 $0x1, s1  }
0x8c: {  	s16 =	sshll.u32 s0, $0xA;
	s2 =	sadd.s32 s3, s2  }
0x8d: {  	s2 =	sadd.s32 s2, s16  }
0x8e: {  	[smem:$0x3FC6] =	sst s2  }
0x8f: {  	_ = 	snop  }
0x90: {  	(tm) =	ssettm $0x1  }
0x91: {  	s17 =	sld [smem:$0x3FFB];
	_ =	sdelay $0x3  }
0x92: {  	_ =	strace s17  }
0x93: {  	s2 =	sld [smem:$0x3FFC];
	_ =	sdelay $0x3  }
0x94: {  	_ =	strace s2  }
0x95: {  	s2 =	sld [smem:$0x3FFD];
	_ =	sdelay $0x3  }
0x96: {  	_ =	strace s2  }
0x97: {  	_ =	strace $0x8FFFFFFF  }
0x98: {  	s18 =	sld [smem:$0x3FDB];
	_ =	sdelay $0x1  }
0x99: {  	s19 =	simm.s32 $_scs_section_size  }
0x9a: {  	s4 =	simm.s32 $_size__tile_overlayer_lowered;
	s5 =	simm.s32 $_tile_overlayer_lowered  }
0x9b: {  	s22 =	simm.s32 $0x1BFF;
	s21 =	sshll.u32 s5, $0x1;
	s2 =	sadd.s32 s19, s18  }
0x9c: {  	s6 =	simm.s32 $0x0;
	s20 =	sshll.u32 s4, $0x1;
	s4 =	sadd.s32 s21, s2  }
0x9d: {  	[timem:s6], [sflag:s22] =	dma.local [hbm:s4], s20  }
0x9e: {  	_ =	swait.ge [sflag:s22], s20  }
0x9f: {  	s3 =	ssub.s32 $0x0, s20;
	[sflag:s22] =	ssyncset.done $0x0  }
0xa0: {  	[sflag:s22] =	ssyncadd.s32 s3;
	_ =	sdelay $0x1  }
0xa1: {  	s23 =	simm.s32 $0x1B8B  }
0xa2: {  	_ =	swait.ge [sflag:s23], $0x1  }
0xa3: {  	[sflag:s23] =	ssyncset.done $0x0  }
0xa4: {  	s25 =	simm.s32 $0x1B8E;
	s24 =	sld [smem:$0x3FFE];
	[sflag:s23] =	ssyncadd.s32 $0xFFFFFFFF  }
0xa5: {  	s26 =	simm.s32 $execute0_lowered;
	[smem:$0x3FD2] =	sst s25  }
0xa6: {  	s4 =	sshll.u32 s26, $0x1;
	_ =	strace $0x80000046;
	[dreg:$0x1] =	wrdreg $0xFFFFFFFF  }
0xa7: {  	s28 =	simm.s32 $_size_execute0_lowered;
	s2 =	sadd.s32 s2, s4;
	[dreg:$0x0] =	wrdreg $0x0  }
0xa8: {  	s4 =	sshll.u32 s28, $0x1;
	[dreg:$0x2] =	wrdreg s2  }
0xa9: {  	[dreg:$0x3] =	wrdreg s4  }
0xaa: {  	[dreg:$0x4] =	wrdreg $0xC0  }
0xab: {  	_ =	task [dreg:s6], $0x5FFFF  }
0xac: {  	[dreg:$0x1] =	wrdreg $0xFFFFFFFF  }
0xad: {  	[dreg:$0x0] =	wrdreg $0x60  }
0xae: {  	[dreg:$0x2] =	wrdreg s24  }
0xaf: {  	[dreg:$0x3] =	wrdreg $0x9  }
0xb0: {  	_ =	task.clear_ibuf [dreg:s6], $0x4FFFF;
	_ =	strace $0x90000046  }
0xb1: {  	s29 =	simm.s32 $0x9;
	_ =	strace $0x80000048  }
0xb2: {  	_ =	swait.ge [sflag:s29], $0x1  }
0xb3: {  	[sflag:s29] =	ssyncadd.s32 $0xFFFFFFFF  }
0xb4: {  	_ =	strace $0x90000048  }
0xb5: {  	_ =	sfence  }
0xb6: {  	s30 =	sld [smem:$0x0];
	_ =	sdelay $0x2  }
0xb7: {  	s31 =	sshll.u32 s1, $0xD;
	s1 =	sshrl.u32 s1, $0x2  }
0xb8: {  	s3 =	sand.u32 $0x4000, s31;
	s1 =	sadd.s32 s1, s30  }
0xb9: {  	s0 =	sor.u32 s3, s0;
	s1 =	sshll.u32 s1, $0x11  }
0xba: {  	s0 =	sor.u32 s1, s0  }
0xbb: {  	s0 =	sadd.s32 $0x8F2B, s0  }
0xbc: {  	[sflag:s0] =	ssyncadd.remote.s32 $0x1  }
0xbd: {  	_ =	sfence.sel $0xFFFF  }
0xbe: {  	[dreg:$0x0] =	wrdreg $0xFFFFFFFF;
	(pc) =	sbr.abs _section_cstart, $3  }
0xbf: {  	[dreg:$0x1] =	wrdreg $0xFFFFFFFF  }
0xc0: {  	_ =	task.clear_ibuf [dreg:s6], $0x2FFFF;
	_ =	strace $0x9FFFFFFF  }
0xc1: {  	(tm) =	ssettm $0x7FFFFFFF  }
tec
execute0_lowered:
.L_overlay_start_1:
0x0: {  	(tag) =	ssettag $0x1  }
0x1: {  	v0 =	vlaneseq.u32;
	v15 =	vimm.s32 $0x2  }
0x2: {  	v17 =	vimm.s32 $0x4;
	v18 =	vimm.s32 $0x6;
	v5 =	vimm.s32 $0x0  }
0x3: {  	s4 =	rddreg [dreg:$0x0];
	v19 =	vimm.s32 $0x8;
	v20 =	vimm.s32 $0xA;
	v21 =	vimm.s32 $0xC  }
0x4: {  	s0 =	rddreg [dreg:$0x1];
	s1 =	simm.s32 $0x0;
	v22 =	vimm.s32 $0xE;
	v23 =	vimm.s32 $0x10;
	v51 =	vimm.s32 $0x12  }
0x5: {  	s5 =	srdreg.scid;
	v52 =	vimm.s32 $0x14;
	v53 =	vimm.s32 $0x16;
	s2 =	stileid.u32;
	v55 =	vimm.s32 $0x1A;
	s11 =	simm.s32 $0x10000  }
0x6: {  	v56 =	vimm.s32 $0x1C;
	v57 =	vimm.s32 $0x1E;
	v58 =	vimm.s32 $0x20;
	s12 =	simm.s32 $0x14000;
	s13 =	simm.s32 $0x0;
	[smem:$0x7FF] =	sst s1  }
0x7: {  	v59 =	vimm.s32 $0x22;
	v60 =	vimm.s32 $0x24;
	v61 =	vimm.s32 $0x26;
	s3 =	sadd.s32 $0x101200, s4;
	s5 =	sand.u32 $0x1, s5;
	s8 =	sadd.s32 $0x81200, s4  }
0x8: {  	v54 =	vimm.s32 $0x18;
	v62 =	vimm.s32 $0x28;
	v63 =	vimm.s32 $0x2A;
	s6 =	sshll.u32 s2, $0xB;
	s4 =	sadd.s32 $0x181200, s4;
	s7 =	sshll.u32 s5, $0xA  }
0x9: {  	v4 =	vimm.s32 $0x2C;
	v24 =	vimm.s32 $0x2E;
	v25 =	vimm.s32 $0x30;
	_ =	strace $0x80000047;
	s9 =	ssub.s32 $0x2, s5;
	s5 =	sor.u32 s7, s6  }
0xa: {  	v26 =	vimm.s32 $0x32;
	v27 =	vimm.s32 $0x34;
	v28 =	vimm.s32 $0x36;
	s30 =	sshrl.u32 s9, $0x1;
	s10 =	sshll.u32 s5, $0x4;
	s6 =	sor.u32 $0x200, s5  }
0xb: {  	v29 =	vimm.s32 $0x38;
	v30 =	vimm.s32 $0x3A;
	v31 =	vimm.s32 $0x3C;
	s9 =	ssub.s32 s9, s30;
	s7 =	sadd.s32 s8, s10;
	s31 =	sshll.u32 s6, $0x4  }
0xc: {  	v32 =	vimm.s32 $0x3E;
	v33 =	vimm.f32 $-Inf;
	v0 =	vmul.u32 $0x80, v0;
	s9 =	smax.u32 s9, $0x1;
	s10 =	simm.s32 $0x1;
	s8 =	sadd.s32 s8, s31  }
.LBB2_1:
0xd: {  	[tilespmem:s1], [sflag:$0x1] =	stream.linear.gather [hbm4b:s7+s1], $0x10000, $0x38;
	[tilespmem:$0x18000] =	vst v63  }
0xe: {  	_ =	swait.ge [sflag:s10], $0x10000  }
0xf: {  	[sflag:s10] =	ssyncset.done $0x0  }
0x10: {  	s14 =	simm.s32 $0x0;
	s15 =	simm.s32 $0x0;
	[sflag:s10] =	ssyncadd.s32 $0xFFFF0000  }
.LBB2_2:
0x11: {  	s16 =	sshll.u32 s15, $0x7;
	s17 =	simm.s32 $0x0  }
.LBB2_3:
0x12: {  	s18 =	sadd.s32 s17, s14  }
0x13: {  	v1 =	vmov s18  }
0x14: {  	v1 =	vshll.u32 v1, $0x7  }
0x15: {  	v34 =	vor.u32 v0, v1  }
0x16: {  	v1 =	vor.u32 $0x1, v34  }
0x17: {  	v2 =	vor.u32 $0x2, v34  }
0x18: {  	v3 =	vor.u32 $0x3, v34  }
0x19: {  	v35 =	vor.u32 $0x4, v34  }
0x1a: {  	v37 =	vor.u32 $0x5, v34;
	v36 =	vld.idx.msk [tilespmem:v34+s1+$0x0], $0xffff  }
0x1b: {  	v38 =	vor.u32 $0x6, v34;
	v1 =	vld.idx.msk [tilespmem:v1+s1+$0x0], $0xffff  }
0x1c: {  	v39 =	vor.u32 $0x7, v34;
	v2 =	vld.idx.msk [tilespmem:v2+s1+$0x0], $0xffff  }
0x1d: {  	v42 =	vor.u32 $0xA, v34;
	v3 =	vld.idx.msk [tilespmem:v3+s1+$0x0], $0xffff  }
0x1e: {  	v43 =	vor.u32 $0xB, v34;
	v35 =	vld.idx.msk [tilespmem:v35+s1+$0x0], $0xffff  }
0x1f: {  	v37 =	vld.idx.msk [tilespmem:v37+s1+$0x0], $0xffff  }
0x20: {  	v38 =	vld.idx.msk [tilespmem:v38+s1+$0x0], $0xffff  }
0x21: {  	v39 =	vld.idx.msk [tilespmem:v39+s1+$0x0], $0xffff  }
0x22: {  	v42 =	vld.idx.msk [tilespmem:v42+s1+$0x0], $0xffff  }
0x23: {  	v44 =	vor.u32 $0xC, v34;
	v43 =	vld.idx.msk [tilespmem:v43+s1+$0x0], $0xffff  }
0x24: {  	v40 =	vor.u32 $0x8, v34;
	v41 =	vor.u32 $0x9, v34;
	v50 =	vor.u32 $0xD, v34  }
0x25: {  	v8 =	vor.u32 $0xE, v34;
	v47 =	vor.u32 $0xF, v34;
	v11 =	vor.u32 $0x10, v34  }
0x26: {  	v48 =	vor.u32 $0x12, v34;
	v49 =	vor.u32 $0x17, v34;
	vm0 =	vgt.f32 v1, v36  }
0x27: {  	vm1 =	vgt.f32 v3, v2;
	vm13 =	vgt.f32 v37, v35;
	vm14 =	vgt.f32 v39, v38  }
0x28: {  	v44 =	vld.idx.msk [tilespmem:v44+s1+$0x0], $0xffff;
	vm7 =	vgt.f32 v43, v42;
	v1 =	vsel vm0, v1, v36;
	v45 =	vsel vm0, $0x1, v5  }
0x29: {  	v36 =	vld.idx.msk [tilespmem:v40+s1+$0x0], $0xffff;
	v2 =	vsel vm1, v3, v2;
	v46 =	vsel vm1, $0x3, v15;
	v35 =	vsel vm13, v37, v35  }
0x2a: {  	v3 =	vld.idx.msk [tilespmem:v41+s1+$0x0], $0xffff;
	v9 =	vsel vm13, $0x5, v17;
	v38 =	vsel vm14, v39, v38;
	v10 =	vsel vm14, $0x7, v18  }
0x2b: {  	v41 =	vld.idx.msk [tilespmem:v8+s1+$0x0], $0xffff;
	v8 =	vor.u32 $0x11, v34;
	v40 =	vor.u32 $0x15, v34;
	vm15 =	vgt.f32 v2, v1  }
0x2c: {  	v47 =	vld.idx.msk [tilespmem:v47+s1+$0x0], $0xffff;
	v42 =	vsel vm7, v43, v42;
	vm4 =	vgt.f32 v38, v35;
	v1 =	vsel vm15, v2, v1  }
0x2d: {  	v2 =	vld.idx.msk [tilespmem:v50+s1+$0x0], $0xffff;
	v45 =	vsel vm15, v46, v45;
	v35 =	vsel vm4, v38, v35;
	v37 =	vsel vm4, v10, v9  }
0x2e: {  	v9 =	vsel vm7, $0xB, v20;
	v10 =	vor.u32 $0x16, v34;
	vm5 =	vgt.f32 v35, v1  }
0x2f: {  	v50 =	vor.u32 $0x18, v34;
	v38 =	vsel vm5, v35, v1;
	v1 =	vor.u32 $0x13, v34  }
0x30: {  	v39 =	vsel vm5, v37, v45;
	v35 =	vor.u32 $0x14, v34;
	v37 =	vld.idx.msk [tilespmem:v11+s1+$0x0], $0xffff;
	vm6 =	vgt.f32 v3, v36  }
0x31: {  	v45 =	vld.idx.msk [tilespmem:v8+s1+$0x0], $0xffff;
	vm9 =	vgt.f32 v47, v41;
	v3 =	vsel vm6, v3, v36;
	v36 =	vsel vm6, $0x9, v19  }
0x32: {  	v48 =	vld.idx.msk [tilespmem:v48+s1+$0x0], $0xffff;
	v41 =	vsel vm9, v47, v41;
	vm8 =	vgt.f32 v2, v44;
	vm10 =	vgt.f32 v42, v3  }
0x33: {  	v8 =	vsel vm9, $0xF, v22;
	v2 =	vsel vm8, v2, v44;
	v3 =	vsel vm10, v42, v3;
	v42 =	vld.idx.msk [tilespmem:v40+s1+$0x0], $0xffff  }
0x34: {  	v36 =	vsel vm10, v9, v36;
	v9 =	vor.u32 $0x19, v34;
	v1 =	vld.idx.msk [tilespmem:v1+s1+$0x0], $0xffff;
	vm11 =	vgt.f32 v41, v2  }
0x35: {  	v11 =	vsel vm8, $0xD, v21;
	v44 =	vor.u32 $0x1C, v34;
	v35 =	vld.idx.msk [tilespmem:v35+s1+$0x0], $0xffff;
	v2 =	vsel vm11, v41, v2  }
0x36: {  	v43 =	vld.idx.msk [tilespmem:v10+s1+$0x0], $0xffff;
	v10 =	vsel vm11, v8, v11;
	vm13 =	vgt.f32 v45, v37;
	vm12 =	vgt.f32 v2, v3  }
0x37: {  	v11 =	vor.u32 $0x1B, v34;
	v8 =	vor.u32 $0x1E, v34;
	v40 =	vsel vm12, v2, v3;
	v2 =	vld.idx.msk [tilespmem:v49+s1+$0x0], $0xffff  }
0x38: {  	v47 =	vld.idx.msk [tilespmem:v50+s1+$0x0], $0xffff;
	v37 =	vsel vm13, v45, v37;
	v45 =	vsel vm13, $0x11, v23;
	v3 =	vor.u32 $0x1A, v34  }
0x39: {  	v41 =	vsel vm12, v10, v36;
	v46 =	vld.idx.msk [tilespmem:v9+s1+$0x0], $0xffff;
	v9 =	vor.u32 $0x1F, v34;
	vm14 =	vgt.f32 v1, v48  }
0x3a: {  	vm15 =	vgt.f32 v42, v35;
	v1 =	vsel vm14, v1, v48;
	v48 =	vor.u32 $0x1D, v34  }
0x3b: {  	v49 =	vsel vm14, $0x13, v51;
	v35 =	vsel vm15, v42, v35;
	vm5 =	vgt.f32 v1, v37  }
0x3c: {  	v10 =	vsel vm15, $0x15, v52;
	v36 =	vld.idx.msk [tilespmem:v11+s1+$0x0], $0xffff;
	vm4 =	vgt.f32 v2, v43;
	v1 =	vsel vm5, v1, v37  }
0x3d: {  	v3 =	vld.idx.msk [tilespmem:v3+s1+$0x0], $0xffff;
	v52 =	vsel vm5, v49, v45;
	v2 =	vsel vm4, v2, v43;
	v11 =	vsel vm4, $0x17, v53  }
0x3e: {  	v37 =	vld.idx.msk [tilespmem:v44+s1+$0x0], $0xffff;
	v53 =	vor.u32 $0x20, v34;
	vm8 =	vgt.f32 v46, v47;
	vm6 =	vgt.f32 v2, v35  }
0x3f: {  	v44 =	vsel vm8, v46, v47;
	v46 =	vor.u32 $0x23, v34;
	v2 =	vsel vm6, v2, v35;
	v35 =	vld.idx.msk [tilespmem:v48+s1+$0x0], $0xffff  }
0x40: {  	v49 =	vor.u32 $0x26, v34;
	v48 =	vld.idx.msk [tilespmem:v8+s1+$0x0], $0xffff;
	v8 =	vor.u32 $0x21, v34;
	vm7 =	vgt.f32 v2, v1  }
0x41: {  	v43 =	vsel vm6, v11, v10;
	v10 =	vor.u32 $0x25, v34;
	v42 =	vsel vm7, v2, v1;
	v1 =	vld.idx.msk [tilespmem:v9+s1+$0x0], $0xffff  }
0x42: {  	v47 =	vsel vm8, $0x19, v54;
	vm9 =	vgt.f32 v36, v3;
	v9 =	vor.u32 $0x24, v34  }
0x43: {  	v2 =	vor.u32 $0x22, v34;
	v43 =	vsel vm7, v43, v52;
	v3 =	vsel vm9, v36, v3;
	v36 =	vld.idx.msk [tilespmem:v53+s1+$0x0], $0xffff  }
0x44: {  	v11 =	vsel vm9, $0x1B, v55;
	vm12 =	vgt.f32 v3, v44;
	v46 =	vld.idx.msk [tilespmem:v46+s1+$0x0], $0xffff;
	vm10 =	vgt.f32 v35, v37  }
0x45: {  	v47 =	vsel vm12, v11, v47;
	v11 =	vor.u32 $0x29, v34;
	v35 =	vsel vm10, v35, v37;
	v37 =	vld.idx.msk [tilespmem:v8+s1+$0x0], $0xffff  }
0x46: {  	v53 =	vor.u32 $0x27, v34;
	v3 =	vsel vm12, v3, v44;
	v10 =	vld.idx.msk [tilespmem:v10+s1+$0x0], $0xffff;
	vm11 =	vgt.f32 v1, v48  }
0x47: {  	v52 =	vsel vm10, $0x1D, v56;
	v50 =	vld.idx.msk [tilespmem:v9+s1+$0x0], $0xffff;
	v9 =	vor.u32 $0x28, v34;
	v1 =	vsel vm11, v1, v48  }
0x48: {  	v2 =	vld.idx.msk [tilespmem:v2+s1+$0x0], $0xffff;
	v8 =	vsel vm11, $0x1F, v57;
	v57 =	vor.u32 $0x2A, v34;
	vm13 =	vgt.f32 v1, v35  }
0x49: {  	v48 =	vld.idx.msk [tilespmem:v49+s1+$0x0], $0xffff;
	v1 =	vsel vm13, v1, v35;
	v56 =	vsel vm13, v8, v52;
	v8 =	vor.u32 $0x2D, v34  }
0x4a: {  	v51 =	vld.idx.msk [tilespmem:v11+s1+$0x0], $0xffff;
	v11 =	vor.u32 $0x30, v34;
	vm14 =	vgt.f32 v1, v3;
	vm15 =	vgt.f32 v37, v36  }
0x4b: {  	v44 =	vsel vm14, v1, v3;
	v1 =	vld.idx.msk [tilespmem:v53+s1+$0x0], $0xffff;
	v3 =	vor.u32 $0x2B, v34;
	v45 =	vsel vm14, v56, v47  }
0x4c: {  	v36 =	vsel vm15, v37, v36;
	v37 =	vor.u32 $0x2C, v34;
	v47 =	vsel vm15, $0x21, v58;
	v52 =	vld.idx.msk [tilespmem:v9+s1+$0x0], $0xffff  }
0x4d: {  	vm4 =	vgt.f32 v46, v2;
	vm5 =	vgt.f32 v10, v50;
	v56 =	vor.u32 $0x37, v34  }
0x4e: {  	v2 =	vsel vm4, v46, v2;
	v35 =	vsel vm5, v10, v50;
	v49 =	vld.idx.msk [tilespmem:v57+s1+$0x0], $0xffff;
	v10 =	vor.u32 $0x2F, v34  }
0x4f: {  	v9 =	vor.u32 $0x2E, v34;
	v54 =	vsel vm4, $0x23, v59;
	vm7 =	vgt.f32 v2, v36;
	v53 =	vld.idx.msk [tilespmem:v8+s1+$0x0], $0xffff  }
0x50: {  	v55 =	vsel vm5, $0x25, v60;
	v8 =	vor.u32 $0x32, v34;
	v2 =	vsel vm7, v2, v36;
	v3 =	vld.idx.msk [tilespmem:v3+s1+$0x0], $0xffff  }
0x51: {  	v47 =	vsel vm7, v54, v47;
	vm6 =	vgt.f32 v1, v48;
	v37 =	vld.idx.msk [tilespmem:v37+s1+$0x0], $0xffff;
	vm10 =	vgt.f32 v51, v52  }
0x52: {  	v56 =	vld.idx.msk [tilespmem:v56+s1+$0x0], $0xffff;
	v1 =	vsel vm6, v1, v48;
	v60 =	vsel vm6, $0x27, v61;
	v61 =	vor.u32 $0x31, v34  }
0x53: {  	v50 =	vld.idx.msk [tilespmem:v10+s1+$0x0], $0xffff;
	v10 =	vor.u32 $0x34, v34;
	v51 =	vsel vm10, v51, v52;
	vm8 =	vgt.f32 v1, v35  }
0x54: {  	v57 =	vsel vm10, $0x29, v62;
	v1 =	vsel vm8, v1, v35;
	v35 =	vld.idx.msk [tilespmem:v9+s1+$0x0], $0xffff;
	v9 =	vor.u32 $0x33, v34  }
0x55: {  	v62 =	vor.u32 $0x3C, v34;
	v52 =	vld.idx.msk [tilespmem:v8+s1+$0x0], $0xffff;
	v8 =	vor.u32 $0x38, v34;
	vm9 =	vgt.f32 v1, v2  }
0x56: {  	v48 =	vsel vm8, v60, v55;
	v46 =	vsel vm9, v1, v2;
	v1 =	vld.idx.msk [tilespmem:v11+s1+$0x0], $0xffff;
	v2 =	vor.u32 $0x35, v34  }
0x57: {  	v47 =	vsel vm9, v48, v47;
	v11 =	vor.u32 $0x36, v34;
	vm11 =	vgt.f32 v3, v49;
	v55 =	vld.idx.msk [tilespmem:v61+s1+$0x0], $0xffff  }
0x58: {  	vm12 =	vgt.f32 v53, v37;
	v3 =	vsel vm11, v3, v49;
	v54 =	vld.idx.msk [tilespmem:v10+s1+$0x0], $0xffff;
	v10 =	vor.u32 $0x39, v34  }
0x59: {  	v37 =	vsel vm12, v53, v37;
	v53 =	vor.u32 $0x3A, v34;
	vm14 =	vgt.f32 v3, v51;
	v36 =	vld.idx.msk [tilespmem:v9+s1+$0x0], $0xffff  }
0x5a: {  	v60 =	vsel vm12, $0x2D, v4;
	vm13 =	vgt.f32 v50, v35;
	v3 =	vsel vm14, v3, v51;
	v51 =	vld.idx.msk [tilespmem:v8+s1+$0x0], $0xffff  }
0x5b: {  	v61 =	vor.u32 $0x3B, v34;
	v9 =	vsel vm11, $0x2B, v63;
	v35 =	vsel vm13, v50, v35;
	v2 =	vld.idx.msk [tilespmem:v2+s1+$0x0], $0xffff  }
0x5c: {  	v8 =	vor.u32 $0x3D, v34;
	v9 =	vsel vm14, v9, v57;
	v50 =	vld.idx.msk [tilespmem:v11+s1+$0x0], $0xffff;
	vm15 =	vgt.f32 v35, v37  }
0x5d: {  	v11 =	vsel vm13, $0x2F, v24;
	v35 =	vsel vm15, v35, v37;
	v37 =	vld.idx.msk [tilespmem:v10+s1+$0x0], $0xffff;
	v10 =	vor.u32 $0x3E, v34  }
0x5e: {  	v11 =	vsel vm15, v11, v60;
	vm5 =	vgt.f32 v55, v1;
	vm4 =	vgt.f32 v35, v3  }
0x5f: {  	v53 =	vld.idx.msk [tilespmem:v53+s1+$0x0], $0xffff;
	v60 =	vor.u32 $0x3F, v34;
	v1 =	vsel vm5, v55, v1;
	v48 =	vsel vm4, v35, v3  }
0x60: {  	v49 =	vsel vm4, v11, v9;
	v3 =	vld.idx.msk [tilespmem:v61+s1+$0x0], $0xffff;
	v61 =	vsel vm5, $0x31, v25;
	vm6 =	vgt.f32 v36, v52  }
0x61: {  	v36 =	vsel vm6, v36, v52;
	v52 =	vld.idx.msk [tilespmem:v8+s1+$0x0], $0xffff;
	v8 =	vsel vm6, $0x33, v26;
	vm6 =	vgt.f32 v40, v38  }
0x62: {  	v55 =	vld.idx.msk [tilespmem:v62+s1+$0x0], $0xffff;
	vm7 =	vgt.f32 v2, v54;
	vm2 =	vgt.f32 v56, v50;
	vm8 =	vgt.f32 v36, v1  }
0x63: {  	v57 =	vsel vm6, v40, v38;
	v58 =	vsel vm6, v41, v39;
	v2 =	vsel vm7, v2, v54;
	v54 =	vld.idx.msk [tilespmem:v10+s1+$0x0], $0xffff  }
0x64: {  	v50 =	vsel vm2, v56, v50;
	v9 =	vsel vm7, $0x35, v27;
	v10 =	vld.idx.msk [tilespmem:v60+s1+$0x0], $0xffff;
	v11 =	vsel vm2, $0x37, v28  }
0x65: {  	v1 =	vsel vm8, v36, v1;
	v35 =	vsel vm8, v8, v61;
	vm11 =	vgt.f32 v37, v51  }
0x66: {  	vm7 =	vgt.f32 v44, v42;
	vm8 =	vgt.f32 v48, v46;
	vm9 =	vgt.f32 v50, v2  }
0x67: {  	v61 =	vsel vm11, v37, v51;
	v62 =	vsel vm11, $0x39, v29;
	v59 =	vsel vm7, v44, v42  }
0x68: {  	v2 =	vsel vm9, v50, v2;
	v60 =	vsel vm9, v11, v9;
	vm12 =	vgt.f32 v3, v53  }
0x69: {  	vm10 =	vgt.f32 v2, v1;
	vm13 =	vgt.f32 v52, v55;
	vm14 =	vgt.f32 v10, v54  }
0x6a: {  	v3 =	vsel vm12, v3, v53;
	v8 =	vsel vm13, v52, v55;
	v9 =	vsel vm14, v10, v54  }
0x6b: {  	v63 =	vsel vm12, $0x3B, v30;
	vm15 =	vgt.f32 v3, v61;
	vm4 =	vgt.f32 v9, v8  }
0x6c: {  	v1 =	vsel vm10, v2, v1;
	v3 =	vsel vm15, v3, v61;
	v55 =	vsel vm4, v9, v8  }
0x6d: {  	v2 =	vsel vm10, v60, v35;
	v60 =	vsel vm7, v45, v43;
	vm5 =	vgt.f32 v55, v3  }
0x6e: {  	vm10 =	vgt.f32 v59, v57;
	v36 =	vsel vm15, v63, v62;
	v3 =	vsel vm5, v55, v3  }
0x6f: {  	v10 =	vsel vm13, $0x3D, v31;
	v11 =	vsel vm14, $0x3F, v32;
	vm9 =	vgt.f32 v3, v1  }
0x70: {  	v61 =	vsel vm8, v48, v46;
	v56 =	vsel vm4, v11, v10;
	v62 =	vsel vm9, v3, v1  }
0x71: {  	v63 =	vsel vm8, v49, v47;
	v50 =	vsel vm5, v56, v36;
	vm11 =	vgt.f32 v62, v61  }
0x72: {  	v36 =	vsel vm10, v59, v57;
	v8 =	vsel vm9, v50, v2;
	v37 =	vsel vm11, v62, v61  }
0x73: {  	v9 =	vsel vm10, v60, v58;
	v10 =	vsel vm11, v8, v63;
	vm0 =	vgt.f32 v37, v36  }
0x74: {  	v35 =	vsel vm0, v10, v9  }
0x75: {  	v51 =	vand.u32 $0xFFFFFFF8, v35  }
0x76: {  	v11 =	vor.u32 v34, v35;
	v62 =	vand.u32 $0x78, v35;
	v5 =	vor.u32 $0x7, v35  }
0x77: {  	v54 =	vor.u32 $0x1, v51;
	v53 =	vor.u32 v34, v62;
	v56 =	vor.u32 $0x2, v51  }
0x78: {  	v58 =	vor.u32 $0x3, v51;
	v6 =	vor.u32 v34, v5;
	v63 =	vand.u32 $0x79, v54  }
0x79: {  	v60 =	vor.u32 $0x4, v51;
	v8 =	vand.u32 $0x7A, v56;
	v55 =	vor.u32 v34, v63  }
0x7a: {  	v62 =	vor.u32 $0x5, v51;
	v9 =	vand.u32 $0x7B, v58;
	v57 =	vor.u32 v34, v8  }
0x7b: {  	v10 =	vand.u32 $0x7C, v60;
	v59 =	vor.u32 v34, v9;
	v9 =	vand.u32 $0x7D, v62;
	[tilespmem:v11+s1+$0x0] =	vst.idx.msk $0xffff, v33  }
0x7c: {  	v61 =	vor.u32 v34, v9;
	v11 =	vor.u32 v34, v10;
	v10 =	vor.u32 $0x6, v51;
	v53 =	vld.idx.msk [tilespmem:v53+s1+$0x0], $0xffff  }
0x7d: {  	v4 =	vand.u32 $0x7E, v10;
	v6 =	vld.idx.msk [tilespmem:v6+s1+$0x0], $0xffff  }
0x7e: {  	v4 =	vor.u32 v34, v4;
	v55 =	vld.idx.msk [tilespmem:v55+s1+$0x0], $0xffff  }
0x7f: {  	v57 =	vld.idx.msk [tilespmem:v57+s1+$0x0], $0xffff  }
0x80: {  	v59 =	vld.idx.msk [tilespmem:v59+s1+$0x0], $0xffff  }
0x81: {  	v61 =	vld.idx.msk [tilespmem:v61+s1+$0x0], $0xffff  }
0x82: {  	v52 =	vld.idx.msk [tilespmem:v11+s1+$0x0], $0xffff  }
0x83: {  	v4 =	vld.idx.msk [tilespmem:v4+s1+$0x0], $0xffff  }
0x84: {  	vm6 =	veq.s32 v51, $0x0  }
0x85: {  	vm7 =	veq.s32 v51, $0x8;
	vm8 =	veq.s32 v51, $0x10;
	vm9 =	veq.s32 v51, $0x18  }
0x86: {  	vm10 =	veq.s32 v51, $0x20;
	vm11 =	veq.s32 v51, $0x28;
	vm12 =	vgt.f32 v55, v53  }
0x87: {  	vm13 =	vgt.f32 v59, v57;
	v53 =	vsel vm12, v55, v53;
	v54 =	vsel vm12, v54, v51  }
0x88: {  	v11 =	vsel vm13, v59, v57;
	vm14 =	vgt.f32 v61, v52;
	vm3 =	vgt.f32 v6, v4  }
0x89: {  	vm15 =	vgt.f32 v11, v53;
	v52 =	vsel vm14, v61, v52;
	v4 =	vsel vm3, v6, v4  }
0x8a: {  	v56 =	vsel vm13, v58, v56;
	v53 =	vsel vm15, v11, v53;
	vm4 =	vgt.f32 v4, v52  }
0x8b: {  	v6 =	vsel vm14, v62, v60;
	v5 =	vsel vm3, v5, v10;
	v4 =	vsel vm4, v4, v52  }
0x8c: {  	v58 =	vsel vm15, v56, v54;
	v5 =	vsel vm4, v5, v6;
	vm5 =	vgt.f32 v4, v53  }
0x8d: {  	vm12 =	veq.s32 v51, $0x30;
	v4 =	vsel vm5, v4, v53;
	v5 =	vsel vm5, v5, v58  }
0x8e: {  	vm13 =	veq.s32 v51, $0x38;
	v6 =	vsel vm6, v4, v38;
	v39 =	vsel vm6, v5, v39  }
0x8f: {  	v52 =	vsel vm7, v4, v40;
	v53 =	vsel vm7, v5, v41;
	v42 =	vsel vm8, v4, v42  }
0x90: {  	v43 =	vsel vm8, v5, v43;
	v44 =	vsel vm9, v4, v44;
	v45 =	vsel vm9, v5, v45  }
0x91: {  	v46 =	vsel vm10, v4, v46;
	v47 =	vsel vm10, v5, v47;
	v48 =	vsel vm11, v4, v48  }
0x92: {  	v49 =	vsel vm11, v5, v49;
	v1 =	vsel vm12, v4, v1;
	v2 =	vsel vm12, v5, v2  }
0x93: {  	v3 =	vsel vm13, v4, v3;
	v4 =	vsel vm13, v5, v50;
	vm14 =	vgt.f32 v52, v6  }
0x94: {  	vm15 =	vgt.f32 v44, v42;
	vm6 =	vgt.f32 v48, v46;
	vm7 =	vgt.f32 v3, v1  }
0x95: {  	v5 =	vsel vm14, v52, v6;
	v59 =	vsel vm14, v53, v39;
	v60 =	vsel vm15, v44, v42  }
0x96: {  	v61 =	vsel vm15, v45, v43;
	v62 =	vsel vm6, v48, v46;
	v63 =	vsel vm7, v3, v1  }
0x97: {  	v8 =	vsel vm6, v49, v47;
	vm8 =	vgt.f32 v60, v5;
	vm9 =	vgt.f32 v63, v62  }
0x98: {  	v9 =	vsel vm7, v4, v2;
	v40 =	vsel vm8, v60, v5;
	v41 =	vsel vm9, v63, v62  }
0x99: {  	v5 =	vsel vm8, v61, v59;
	v10 =	vsel vm9, v9, v8;
	vm1 =	vgt.f32 v41, v40  }
0x9a: {  	v38 =	vsel vm1, v10, v5  }
0x9b: {  	v5 =	vand.u32 $0xFFFFFFF8, v38  }
0x9c: {  	v11 =	vor.u32 v34, v38;
	v62 =	vand.u32 $0x78, v38;
	v54 =	vor.u32 $0x1, v5  }
0x9d: {  	v51 =	vor.u32 v34, v62;
	v56 =	vor.u32 $0x2, v5;
	v63 =	vand.u32 $0x79, v54  }
0x9e: {  	v58 =	vor.u32 $0x3, v5;
	v8 =	vand.u32 $0x7A, v56;
	v55 =	vor.u32 v34, v63  }
0x9f: {  	v60 =	vor.u32 $0x4, v5;
	v9 =	vand.u32 $0x7B, v58;
	v57 =	vor.u32 v34, v8  }
0xa0: {  	v10 =	vand.u32 $0x7C, v60;
	v59 =	vor.u32 v34, v9  }
0xa1: {  	v50 =	vor.u32 v34, v10;
	v63 =	vor.u32 $0x6, v5;
	v8 =	vor.u32 $0x7, v38;
	[tilespmem:v11+s1+$0x0] =	vst.idx.msk $0xffff, v33  }
0xa2: {  	v62 =	vor.u32 $0x5, v5;
	v7 =	vand.u32 $0x7E, v63;
	v9 =	vor.u32 v34, v8;
	v51 =	vld.idx.msk [tilespmem:v51+s1+$0x0], $0xffff  }
0xa3: {  	v11 =	vand.u32 $0x7D, v62;
	v7 =	vor.u32 v34, v7;
	v55 =	vld.idx.msk [tilespmem:v55+s1+$0x0], $0xffff  }
0xa4: {  	v61 =	vor.u32 v34, v11;
	v57 =	vld.idx.msk [tilespmem:v57+s1+$0x0], $0xffff  }
0xa5: {  	v59 =	vld.idx.msk [tilespmem:v59+s1+$0x0], $0xffff  }
0xa6: {  	v50 =	vld.idx.msk [tilespmem:v50+s1+$0x0], $0xffff  }
0xa7: {  	v9 =	vld.idx.msk [tilespmem:v9+s1+$0x0], $0xffff  }
0xa8: {  	v7 =	vld.idx.msk [tilespmem:v7+s1+$0x0], $0xffff  }
0xa9: {  	v61 =	vld.idx.msk [tilespmem:v61+s1+$0x0], $0xffff  }
0xaa: {  	vm5 =	veq.s32 v5, $0x8  }
0xab: {  	vm6 =	veq.s32 v5, $0x10;
	vm7 =	veq.s32 v5, $0x18;
	vm8 =	veq.s32 v5, $0x20  }
0xac: {  	vm9 =	veq.s32 v5, $0x28;
	vm10 =	vgt.f32 v55, v51;
	vm11 =	vgt.f32 v59, v57  }
0xad: {  	v51 =	vsel vm10, v55, v51;
	v54 =	vsel vm10, v54, v5;
	v55 =	vsel vm11, v59, v57  }
0xae: {  	v56 =	vsel vm11, v58, v56;
	vm4 =	vgt.f32 v9, v7;
	vm12 =	vgt.f32 v61, v50  }
0xaf: {  	vm10 =	veq.s32 v5, $0x30;
	v7 =	vsel vm4, v9, v7;
	v50 =	vsel vm12, v61, v50  }
0xb0: {  	vm13 =	vgt.f32 v55, v51;
	v8 =	vsel vm4, v8, v63;
	vm14 =	vgt.f32 v7, v50  }
0xb1: {  	v51 =	vsel vm13, v55, v51;
	v59 =	vsel vm12, v62, v60;
	v7 =	vsel vm14, v7, v50  }
0xb2: {  	v60 =	vsel vm13, v56, v54;
	v8 =	vsel vm14, v8, v59;
	vm15 =	vgt.f32 v7, v51  }
0xb3: {  	vm4 =	veq.s32 v5, $0x0;
	v7 =	vsel vm15, v7, v51;
	v8 =	vsel vm15, v8, v60  }
0xb4: {  	vm11 =	veq.s32 v5, $0x38;
	v6 =	vsel vm4, v7, v6;
	v9 =	vsel vm4, v8, v39  }
0xb5: {  	v50 =	vsel vm5, v7, v52;
	v51 =	vsel vm5, v8, v53;
	v42 =	vsel vm6, v7, v42  }
0xb6: {  	v52 =	vsel vm6, v8, v43;
	v53 =	vsel vm7, v7, v44;
	v45 =	vsel vm7, v8, v45  }
0xb7: {  	v46 =	vsel vm8, v7, v46;
	v47 =	vsel vm8, v8, v47;
	v48 =	vsel vm9, v7, v48  }
0xb8: {  	v49 =	vsel vm9, v8, v49;
	v1 =	vsel vm10, v7, v1;
	v2 =	vsel vm10, v8, v2  }
0xb9: {  	v3 =	vsel vm11, v7, v3;
	v4 =	vsel vm11, v8, v4;
	vm12 =	vgt.f32 v50, v6  }
0xba: {  	vm13 =	vgt.f32 v53, v42;
	vm14 =	vgt.f32 v48, v46;
	vm15 =	vgt.f32 v3, v1  }
0xbb: {  	v5 =	vsel vm12, v50, v6;
	v7 =	vsel vm12, v51, v9;
	v61 =	vsel vm13, v53, v42  }
0xbc: {  	v62 =	vsel vm13, v45, v52;
	v63 =	vsel vm14, v48, v46;
	v10 =	vsel vm15, v3, v1  }
0xbd: {  	v11 =	vsel vm14, v49, v47;
	vm6 =	vgt.f32 v61, v5;
	vm7 =	vgt.f32 v10, v63  }
0xbe: {  	v60 =	vsel vm15, v4, v2;
	v43 =	vsel vm6, v61, v5;
	v44 =	vsel vm7, v10, v63  }
0xbf: {  	v5 =	vsel vm6, v62, v7;
	v7 =	vsel vm7, v60, v11;
	vm2 =	vgt.f32 v44, v43  }
0xc0: {  	v39 =	vsel vm2, v7, v5  }
0xc1: {  	v5 =	vand.u32 $0xFFFFFFF8, v39  }
0xc2: {  	v7 =	vor.u32 v34, v39;
	v61 =	vand.u32 $0x78, v39;
	v54 =	vor.u32 $0x1, v5  }
0xc3: {  	v8 =	vor.u32 v34, v61;
	v56 =	vor.u32 $0x2, v5;
	v62 =	vand.u32 $0x79, v54  }
0xc4: {  	v58 =	vor.u32 $0x3, v5;
	v63 =	vand.u32 $0x7A, v56;
	v55 =	vor.u32 v34, v62  }
0xc5: {  	v60 =	vor.u32 $0x4, v5;
	v10 =	vand.u32 $0x7B, v58;
	v57 =	vor.u32 v34, v63  }
0xc6: {  	v11 =	vand.u32 $0x7C, v60;
	v59 =	vor.u32 v34, v10;
	v62 =	vor.u32 $0x5, v5  }
0xc7: {  	v63 =	vor.u32 $0x6, v5;
	v61 =	vand.u32 $0x7D, v62;
	[tilespmem:v7+s1+$0x0] =	vst.idx.msk $0xffff, v33;
	v7 =	vor.u32 v34, v11  }
0xc8: {  	v10 =	vand.u32 $0x7E, v63;
	v61 =	vor.u32 v34, v61;
	v8 =	vld.idx.msk [tilespmem:v8+s1+$0x0], $0xffff  }
0xc9: {  	v10 =	vor.u32 v34, v10;
	v11 =	vor.u32 $0x7, v39;
	v55 =	vld.idx.msk [tilespmem:v55+s1+$0x0], $0xffff  }
0xca: {  	v12 =	vor.u32 v34, v11;
	v57 =	vld.idx.msk [tilespmem:v57+s1+$0x0], $0xffff  }
0xcb: {  	v59 =	vld.idx.msk [tilespmem:v59+s1+$0x0], $0xffff  }
0xcc: {  	v7 =	vld.idx.msk [tilespmem:v7+s1+$0x0], $0xffff  }
0xcd: {  	v61 =	vld.idx.msk [tilespmem:v61+s1+$0x0], $0xffff  }
0xce: {  	v10 =	vld.idx.msk [tilespmem:v10+s1+$0x0], $0xffff  }
0xcf: {  	v12 =	vld.idx.msk [tilespmem:v12+s1+$0x0], $0xffff  }
0xd0: {  	vm14 =	veq.s32 v5, $0x0  }
0xd1: {  	vm15 =	veq.s32 v5, $0x8;
	vm6 =	veq.s32 v5, $0x10;
	vm8 =	vgt.f32 v55, v8  }
0xd2: {  	vm7 =	veq.s32 v5, $0x18;
	vm9 =	vgt.f32 v59, v57;
	v8 =	vsel vm8, v55, v8  }
0xd3: {  	v54 =	vsel vm8, v54, v5;
	v55 =	vsel vm9, v59, v57;
	v56 =	vsel vm9, v58, v56  }
0xd4: {  	vm8 =	veq.s32 v5, $0x20;
	vm10 =	vgt.f32 v61, v7;
	vm5 =	vgt.f32 v12, v10  }
0xd5: {  	vm11 =	vgt.f32 v55, v8;
	v7 =	vsel vm10, v61, v7;
	v10 =	vsel vm5, v12, v10  }
0xd6: {  	vm9 =	veq.s32 v5, $0x28;
	v8 =	vsel vm11, v55, v8;
	vm12 =	vgt.f32 v10, v7  }
0xd7: {  	v12 =	vsel vm10, v62, v60;
	v11 =	vsel vm5, v11, v63;
	v7 =	vsel vm12, v10, v7  }
0xd8: {  	v59 =	vsel vm11, v56, v54;
	v11 =	vsel vm12, v11, v12;
	vm13 =	vgt.f32 v7, v8  }
0xd9: {  	vm11 =	veq.s32 v5, $0x38;
	v7 =	vsel vm13, v7, v8;
	v60 =	vsel vm13, v11, v59  }
0xda: {  	vm10 =	veq.s32 v5, $0x30;
	v6 =	vsel vm14, v7, v6;
	v9 =	vsel vm14, v60, v9  }
0xdb: {  	v10 =	vsel vm15, v7, v50;
	v11 =	vsel vm15, v60, v51;
	v12 =	vsel vm6, v7, v42  }
0xdc: {  	v50 =	vsel vm6, v60, v52;
	v51 =	vsel vm7, v7, v53;
	v45 =	vsel vm7, v60, v45  }
0xdd: {  	v52 =	vsel vm8, v7, v46;
	v53 =	vsel vm8, v60, v47;
	v48 =	vsel vm9, v7, v48  }
0xde: {  	v49 =	vsel vm9, v60, v49;
	v1 =	vsel vm10, v7, v1;
	v2 =	vsel vm10, v60, v2  }
0xdf: {  	v3 =	vsel vm11, v7, v3;
	v4 =	vsel vm11, v60, v4;
	vm12 =	vgt.f32 v10, v6  }
0xe0: {  	vm13 =	vgt.f32 v51, v12;
	vm14 =	vgt.f32 v48, v52;
	vm15 =	vgt.f32 v3, v1  }
0xe1: {  	v5 =	vsel vm12, v10, v6;
	v7 =	vsel vm12, v11, v9;
	v8 =	vsel vm13, v51, v12  }
0xe2: {  	v42 =	vsel vm13, v45, v50;
	v61 =	vsel vm14, v48, v52;
	v62 =	vsel vm15, v3, v1  }
0xe3: {  	v63 =	vsel vm14, v49, v53;
	vm8 =	vgt.f32 v8, v5;
	vm9 =	vgt.f32 v62, v61  }
0xe4: {  	v60 =	vsel vm15, v4, v2;
	v46 =	vsel vm8, v8, v5;
	v47 =	vsel vm9, v62, v61  }
0xe5: {  	v5 =	vsel vm8, v42, v7;
	v7 =	vsel vm9, v60, v63;
	vm3 =	vgt.f32 v47, v46  }
0xe6: {  	v42 =	vsel vm3, v7, v5  }
0xe7: {  	v5 =	vand.u32 $0xFFFFFFF8, v42;
	v7 =	vor.u32 v34, v42;
	v61 =	vand.u32 $0x78, v42  }
0xe8: {  	v14 =	vor.u32 $0x7, v42;
	v54 =	vor.u32 $0x1, v5;
	v8 =	vor.u32 v34, v61  }
0xe9: {  	v56 =	vor.u32 $0x2, v5;
	v15 =	vor.u32 v34, v14;
	v62 =	vand.u32 $0x79, v54  }
0xea: {  	v58 =	vor.u32 $0x3, v5;
	v63 =	vand.u32 $0x7A, v56;
	v55 =	vor.u32 v34, v62  }
0xeb: {  	v60 =	vor.u32 $0x4, v5;
	v59 =	vand.u32 $0x7B, v58;
	v57 =	vor.u32 v34, v63  }
0xec: {  	v61 =	vand.u32 $0x7C, v60;
	v59 =	vor.u32 v34, v59;
	v63 =	vor.u32 $0x6, v5;
	[tilespmem:v7+s1+$0x0] =	vst.idx.msk $0xffff, v33  }
0xed: {  	v62 =	vor.u32 $0x5, v5;
	v13 =	vand.u32 $0x7E, v63;
	v7 =	vor.u32 v34, v61;
	v8 =	vld.idx.msk [tilespmem:v8+s1+$0x0], $0xffff  }
0xee: {  	v61 =	vand.u32 $0x7D, v62;
	v13 =	vor.u32 v34, v13;
	v15 =	vld.idx.msk [tilespmem:v15+s1+$0x0], $0xffff  }
0xef: {  	v61 =	vor.u32 v34, v61;
	v55 =	vld.idx.msk [tilespmem:v55+s1+$0x0], $0xffff  }
0xf0: {  	v57 =	vld.idx.msk [tilespmem:v57+s1+$0x0], $0xffff  }
0xf1: {  	v59 =	vld.idx.msk [tilespmem:v59+s1+$0x0], $0xffff  }
0xf2: {  	v7 =	vld.idx.msk [tilespmem:v7+s1+$0x0], $0xffff  }
0xf3: {  	v13 =	vld.idx.msk [tilespmem:v13+s1+$0x0], $0xffff  }
0xf4: {  	v61 =	vld.idx.msk [tilespmem:v61+s1+$0x0], $0xffff  }
0xf5: {  	vm8 =	veq.s32 v5, $0x0  }
0xf6: {  	vm9 =	veq.s32 v5, $0x8;
	vm10 =	vgt.f32 v55, v8;
	vm11 =	vgt.f32 v59, v57  }
0xf7: {  	v8 =	vsel vm10, v55, v8;
	v54 =	vsel vm10, v54, v5;
	v55 =	vsel vm11, v59, v57  }
0xf8: {  	v56 =	vsel vm11, v58, v56;
	vm10 =	veq.s32 v5, $0x10;
	vm11 =	veq.s32 v5, $0x18  }
0xf9: {  	vm6 =	vgt.f32 v15, v13;
	vm13 =	vgt.f32 v55, v8;
	vm12 =	vgt.f32 v61, v7  }
0xfa: {  	v13 =	vsel vm6, v15, v13;
	v14 =	vsel vm6, v14, v63;
	v7 =	vsel vm12, v61, v7  }
0xfb: {  	v8 =	vsel vm13, v55, v8;
	v15 =	vsel vm12, v62, v60;
	vm14 =	vgt.f32 v13, v7  }
0xfc: {  	vm12 =	veq.s32 v5, $0x20;
	v7 =	vsel vm14, v13, v7;
	v13 =	vsel vm13, v56, v54  }
0xfd: {  	v14 =	vsel vm14, v14, v15;
	vm13 =	veq.s32 v5, $0x28;
	vm15 =	vgt.f32 v7, v8  }
0xfe: {  	vm14 =	veq.s32 v5, $0x30;
	v7 =	vsel vm15, v7, v8;
	v59 =	vsel vm15, v14, v13  }
0xff: {  	vm15 =	veq.s32 v5, $0x38;
	v6 =	vsel vm8, v7, v6;
	v9 =	vsel vm8, v59, v9  }
0x100: {  	v10 =	vsel vm9, v7, v10;
	v11 =	vsel vm9, v59, v11;
	v12 =	vsel vm10, v7, v12  }
0x101: {  	v13 =	vsel vm10, v59, v50;
	v14 =	vsel vm11, v7, v51;
	v15 =	vsel vm11, v59, v45  }
0x102: {  	v51 =	vsel vm12, v7, v52;
	v52 =	vsel vm12, v59, v53;
	v48 =	vsel vm13, v7, v48  }
0x103: {  	v53 =	vsel vm13, v59, v49;
	v1 =	vsel vm14, v7, v1;
	v2 =	vsel vm14, v59, v2  }
0x104: {  	v3 =	vsel vm15, v7, v3;
	v4 =	vsel vm15, v59, v4;
	vm8 =	vgt.f32 v10, v6  }
0x105: {  	vm9 =	vgt.f32 v14, v12;
	vm10 =	vgt.f32 v48, v51;
	vm11 =	vgt.f32 v3, v1  }
0x106: {  	v5 =	vsel vm8, v10, v6;
	v7 =	vsel vm8, v11, v9;
	v8 =	vsel vm9, v14, v12  }
0x107: {  	v45 =	vsel vm9, v15, v13;
	v60 =	vsel vm10, v48, v51;
	v61 =	vsel vm11, v3, v1  }
0x108: {  	v62 =	vsel vm10, v53, v52;
	vm12 =	vgt.f32 v8, v5;
	vm13 =	vgt.f32 v61, v60  }
0x109: {  	v63 =	vsel vm11, v4, v2;
	v49 =	vsel vm12, v8, v5;
	v50 =	vsel vm13, v61, v60  }
0x10a: {  	v5 =	vsel vm12, v45, v7;
	v7 =	vsel vm13, v63, v62;
	vm4 =	vgt.f32 v50, v49  }
0x10b: {  	v45 =	vsel vm4, v7, v5  }
0x10c: {  	v5 =	vand.u32 $0xFFFFFFF8, v45;
	v7 =	vor.u32 v34, v45;
	v59 =	vand.u32 $0x78, v45  }
0x10d: {  	v17 =	vor.u32 $0x7, v45;
	v54 =	vor.u32 $0x1, v5;
	v8 =	vor.u32 v34, v59  }
0x10e: {  	v56 =	vor.u32 $0x2, v5;
	v18 =	vor.u32 v34, v17;
	v60 =	vand.u32 $0x79, v54  }
0x10f: {  	v58 =	vor.u32 $0x3, v5;
	v61 =	vand.u32 $0x7A, v56;
	v55 =	vor.u32 v34, v60  }
0x110: {  	v63 =	vor.u32 $0x6, v5;
	v59 =	vand.u32 $0x7B, v58;
	v57 =	vor.u32 v34, v61  }
0x111: {  	v16 =	vand.u32 $0x7E, v63;
	v60 =	vor.u32 $0x4, v5;
	v59 =	vor.u32 v34, v59;
	[tilespmem:v7+s1+$0x0] =	vst.idx.msk $0xffff, v33  }
0x112: {  	v62 =	vor.u32 $0x5, v5;
	v16 =	vor.u32 v34, v16;
	v61 =	vand.u32 $0x7C, v60;
	v8 =	vld.idx.msk [tilespmem:v8+s1+$0x0], $0xffff  }
0x113: {  	v7 =	vor.u32 v34, v61;
	v61 =	vand.u32 $0x7D, v62;
	v18 =	vld.idx.msk [tilespmem:v18+s1+$0x0], $0xffff  }
0x114: {  	v61 =	vor.u32 v34, v61;
	v55 =	vld.idx.msk [tilespmem:v55+s1+$0x0], $0xffff  }
0x115: {  	v57 =	vld.idx.msk [tilespmem:v57+s1+$0x0], $0xffff  }
0x116: {  	v59 =	vld.idx.msk [tilespmem:v59+s1+$0x0], $0xffff  }
0x117: {  	v16 =	vld.idx.msk [tilespmem:v16+s1+$0x0], $0xffff  }
0x118: {  	v7 =	vld.idx.msk [tilespmem:v7+s1+$0x0], $0xffff  }
0x119: {  	v61 =	vld.idx.msk [tilespmem:v61+s1+$0x0], $0xffff  }
0x11a: {  	vm13 =	veq.s32 v5, $0x0  }
0x11b: {  	vm8 =	veq.s32 v5, $0x18;
	vm14 =	vgt.f32 v55, v8;
	vm15 =	vgt.f32 v59, v57  }
0x11c: {  	vm7 =	vgt.f32 v18, v16;
	v8 =	vsel vm14, v55, v8;
	v54 =	vsel vm14, v54, v5  }
0x11d: {  	v55 =	vsel vm15, v59, v57;
	v56 =	vsel vm15, v58, v56;
	v16 =	vsel vm7, v18, v16  }
0x11e: {  	v17 =	vsel vm7, v17, v63;
	vm14 =	veq.s32 v5, $0x8;
	vm9 =	vgt.f32 v61, v7  }
0x11f: {  	vm15 =	veq.s32 v5, $0x10;
	vm10 =	vgt.f32 v55, v8;
	v7 =	vsel vm9, v61, v7  }
0x120: {  	v8 =	vsel vm10, v55, v8;
	v18 =	vsel vm9, v62, v60;
	vm11 =	vgt.f32 v16, v7  }
0x121: {  	vm9 =	veq.s32 v5, $0x20;
	v7 =	vsel vm11, v16, v7;
	v16 =	vsel vm10, v56, v54  }
0x122: {  	v17 =	vsel vm11, v17, v18;
	vm10 =	veq.s32 v5, $0x28;
	vm12 =	vgt.f32 v7, v8  }
0x123: {  	vm11 =	veq.s32 v5, $0x30;
	v7 =	vsel vm12, v7, v8;
	v62 =	vsel vm12, v17, v16  }
0x124: {  	vm12 =	veq.s32 v5, $0x38;
	v6 =	vsel vm13, v7, v6;
	v9 =	vsel vm13, v62, v9  }
0x125: {  	v10 =	vsel vm14, v7, v10;
	v11 =	vsel vm14, v62, v11;
	v12 =	vsel vm15, v7, v12  }
0x126: {  	v13 =	vsel vm15, v62, v13;
	v14 =	vsel vm8, v7, v14;
	v15 =	vsel vm8, v62, v15  }
0x127: {  	v16 =	vsel vm9, v7, v51;
	v17 =	vsel vm9, v62, v52;
	v18 =	vsel vm10, v7, v48  }
0x128: {  	v56 =	vsel vm10, v62, v53;
	v1 =	vsel vm11, v7, v1;
	v2 =	vsel vm11, v62, v2  }
0x129: {  	v3 =	vsel vm12, v7, v3;
	v4 =	vsel vm12, v62, v4;
	vm13 =	vgt.f32 v10, v6  }
0x12a: {  	vm14 =	vgt.f32 v14, v12;
	vm15 =	vgt.f32 v18, v16;
	vm9 =	vgt.f32 v3, v1  }
0x12b: {  	v5 =	vsel vm13, v10, v6;
	v7 =	vsel vm13, v11, v9;
	v63 =	vsel vm14, v14, v12  }
0x12c: {  	v58 =	vsel vm14, v15, v13;
	v51 =	vsel vm15, v18, v16;
	v59 =	vsel vm9, v3, v1  }
0x12d: {  	v53 =	vsel vm15, v56, v17;
	vm10 =	vgt.f32 v63, v5;
	vm11 =	vgt.f32 v59, v51  }
0x12e: {  	v57 =	vsel vm9, v4, v2;
	v60 =	vsel vm10, v63, v5;
	v61 =	vsel vm11, v59, v51  }
0x12f: {  	v5 =	vsel vm10, v58, v7;
	v7 =	vsel vm11, v57, v53;
	vm5 =	vgt.f32 v61, v60  }
0x130: {  	v48 =	vsel vm5, v7, v5  }
0x131: {  	v5 =	vand.u32 $0xFFFFFFF8, v48;
	v7 =	vor.u32 v34, v48;
	v58 =	vand.u32 $0x78, v48  }
0x132: {  	v20 =	vor.u32 $0x7, v48;
	v51 =	vor.u32 $0x1, v5;
	v8 =	vor.u32 v34, v58  }
0x133: {  	v53 =	vor.u32 $0x2, v5;
	v21 =	vor.u32 v34, v20;
	v59 =	vand.u32 $0x79, v51  }
0x134: {  	v55 =	vor.u32 $0x3, v5;
	v62 =	vand.u32 $0x7A, v53;
	v52 =	vor.u32 v34, v59  }
0x135: {  	v58 =	vor.u32 $0x4, v5;
	v63 =	vand.u32 $0x7B, v55;
	v54 =	vor.u32 v34, v62  }
0x136: {  	v57 =	vor.u32 v34, v63;
	v59 =	vand.u32 $0x7C, v58;
	v63 =	vor.u32 $0x6, v5;
	[tilespmem:v7+s1+$0x0] =	vst.idx.msk $0xffff, v33  }
0x137: {  	v62 =	vor.u32 $0x5, v5;
	v19 =	vand.u32 $0x7E, v63;
	v7 =	vor.u32 v34, v59;
	v8 =	vld.idx.msk [tilespmem:v8+s1+$0x0], $0xffff  }
0x138: {  	v59 =	vand.u32 $0x7D, v62;
	v19 =	vor.u32 v34, v19;
	v21 =	vld.idx.msk [tilespmem:v21+s1+$0x0], $0xffff  }
0x139: {  	v59 =	vor.u32 v34, v59;
	v52 =	vld.idx.msk [tilespmem:v52+s1+$0x0], $0xffff  }
0x13a: {  	v54 =	vld.idx.msk [tilespmem:v54+s1+$0x0], $0xffff  }
0x13b: {  	v57 =	vld.idx.msk [tilespmem:v57+s1+$0x0], $0xffff  }
0x13c: {  	v7 =	vld.idx.msk [tilespmem:v7+s1+$0x0], $0xffff  }
0x13d: {  	v19 =	vld.idx.msk [tilespmem:v19+s1+$0x0], $0xffff  }
0x13e: {  	v59 =	vld.idx.msk [tilespmem:v59+s1+$0x0], $0xffff  }
0x13f: {  	vm12 =	vgt.f32 v52, v8  }
0x140: {  	vm11 =	veq.s32 v5, $0x0;
	vm13 =	vgt.f32 v57, v54;
	v8 =	vsel vm12, v52, v8  }
0x141: {  	v51 =	vsel vm12, v51, v5;
	v57 =	vsel vm13, v57, v54;
	v53 =	vsel vm13, v55, v53  }
0x142: {  	vm12 =	veq.s32 v5, $0x8;
	vm13 =	veq.s32 v5, $0x10;
	vm8 =	vgt.f32 v21, v19  }
0x143: {  	vm15 =	vgt.f32 v57, v8;
	vm14 =	vgt.f32 v59, v7;
	v19 =	vsel vm8, v21, v19  }
0x144: {  	v20 =	vsel vm8, v20, v63;
	v8 =	vsel vm15, v57, v8;
	v7 =	vsel vm14, v59, v7  }
0x145: {  	v21 =	vsel vm14, v62, v58;
	vm14 =	veq.s32 v5, $0x18;
	vm9 =	vgt.f32 v19, v7  }
0x146: {  	v7 =	vsel vm9, v19, v7;
	v19 =	vsel vm15, v53, v51;
	v20 =	vsel vm9, v20, v21  }
0x147: {  	vm15 =	veq.s32 v5, $0x20;
	vm9 =	veq.s32 v5, $0x28;
	vm10 =	vgt.f32 v7, v8  }
0x148: {  	v7 =	vsel vm10, v7, v8;
	v62 =	vsel vm10, v20, v19;
	vm10 =	veq.s32 v5, $0x30  }
0x149: {  	v6 =	vsel vm11, v7, v6;
	v51 =	vsel vm11, v62, v9;
	v9 =	vsel vm12, v7, v10  }
0x14a: {  	v53 =	vsel vm12, v62, v11;
	v10 =	vsel vm13, v7, v12;
	v52 =	vsel vm13, v62, v13  }
0x14b: {  	v11 =	vsel vm14, v7, v14;
	v54 =	vsel vm14, v62, v15;
	v12 =	vsel vm15, v7, v16  }
0x14c: {  	v55 =	vsel vm15, v62, v17;
	v13 =	vsel vm9, v7, v18;
	v56 =	vsel vm9, v62, v56  }
0x14d: {  	v14 =	vsel vm10, v7, v1;
	v57 =	vsel vm10, v62, v2;
	vm11 =	veq.s32 v5, $0x38  }
0x14e: {  	v5 =	vsel vm11, v7, v3;
	v58 =	vsel vm11, v62, v4;
	vm12 =	vgt.f32 v9, v6  }
0x14f: {  	vm13 =	vgt.f32 v11, v10;
	vm14 =	vgt.f32 v13, v12;
	v1 =	vsel vm12, v9, v6  }
0x150: {  	v2 =	vsel vm12, v53, v51;
	v3 =	vsel vm13, v11, v10;
	vm15 =	vgt.f32 v5, v14  }
0x151: {  	v4 =	vsel vm13, v54, v52;
	v7 =	vsel vm14, v13, v12;
	v63 =	vsel vm15, v5, v14  }
0x152: {  	v15 =	vsel vm14, v56, v55;
	vm11 =	vgt.f32 v3, v1;
	vm12 =	vgt.f32 v63, v7  }
0x153: {  	v16 =	vsel vm15, v58, v57;
	v17 =	vsel vm11, v3, v1;
	v7 =	vsel vm12, v63, v7  }
0x154: {  	v1 =	vsel vm11, v4, v2;
	v2 =	vsel vm12, v16, v15;
	vm13 =	vgt.f32 v7, v17  }
0x155: {  	v59 =	vsel vm13, v2, v1  }
0x156: {  	v62 =	vand.u32 $0xFFFFFFF8, v59  }
0x157: {  	v4 =	vor.u32 v34, v59;
	v1 =	vand.u32 $0x78, v59;
	v63 =	vor.u32 $0x1, v62  }
0x158: {  	v8 =	vor.u32 v34, v1;
	v1 =	vor.u32 $0x2, v62;
	v2 =	vand.u32 $0x79, v63  }
0x159: {  	v3 =	vand.u32 $0x7A, v1;
	v15 =	vor.u32 v34, v2;
	v2 =	vor.u32 $0x3, v62  }
0x15a: {  	v16 =	vor.u32 v34, v3;
	v3 =	vor.u32 $0x4, v62;
	v18 =	vand.u32 $0x7B, v2  }
0x15b: {  	v20 =	vor.u32 $0x5, v62;
	v19 =	vand.u32 $0x7C, v3;
	v18 =	vor.u32 v34, v18  }
0x15c: {  	v21 =	vor.u32 $0x6, v62;
	[tilespmem:v4+s1+$0x0] =	vst.idx.msk $0xffff, v33;
	v4 =	vor.u32 v34, v19;
	v19 =	vand.u32 $0x7D, v20  }
0x15d: {  	v22 =	vand.u32 $0x7E, v21;
	v8 =	vld.idx.msk [tilespmem:v8+s1+$0x0], $0xffff;
	v19 =	vor.u32 v34, v19  }
0x15e: {  	v23 =	vor.u32 $0x7, v59;
	v22 =	vor.u32 v34, v22;
	v15 =	vld.idx.msk [tilespmem:v15+s1+$0x0], $0xffff  }
0x15f: {  	v34 =	vor.u32 v34, v23;
	v16 =	vld.idx.msk [tilespmem:v16+s1+$0x0], $0xffff  }
0x160: {  	v18 =	vld.idx.msk [tilespmem:v18+s1+$0x0], $0xffff  }
0x161: {  	v4 =	vld.idx.msk [tilespmem:v4+s1+$0x0], $0xffff  }
0x162: {  	v19 =	vld.idx.msk [tilespmem:v19+s1+$0x0], $0xffff  }
0x163: {  	v36 =	vsel vm0, v37, v36;
	v37 =	vimm.s32 $0x0;
	v7 =	vsel vm13, v7, v17;
	v22 =	vld.idx.msk [tilespmem:v22+s1+$0x0], $0xffff  }
0x164: {  	vm6 =	veq.s32 v62, $0x0;
	vm10 =	veq.s32 v62, $0x10;
	v34 =	vld.idx.msk [tilespmem:v34+s1+$0x0], $0xffff;
	vm14 =	vgt.f32 v15, v8  }
0x165: {  	v8 =	vsel vm14, v15, v8;
	v15 =	vimm.s32 $0x0;
	vm15 =	vgt.f32 v18, v16  }
0x166: {  	vm12 =	veq.s32 v62, $0x28;
	vm13 =	veq.s32 v62, $0x30;
	v15 =	vsel vm15, $0xFFFFFFFF, v15  }
0x167: {  	v37 =	vsel vm14, $0xFFFFFFFF, v37;
	vm7 =	vgt.f32 v19, v4;
	[tilespmem:$0x1FFA0] =	vst v15;
	v15 =	vimm.s32 $0x0  }
0x168: {  	vm14 =	veq.s32 v62, $0x38;
	[tilespmem:$0x1FF90] =	vst v37;
	v37 =	vsel vm1, v41, v40;
	v15 =	vsel vm7, $0xFFFFFFFF, v15  }
0x169: {  	v40 =	vsel vm2, v44, v43;
	vm8 =	vgt.f32 v34, v22;
	[tilespmem:$0x1FFB0] =	vst v15;
	v15 =	vimm.s32 $0x0  }
0x16a: {  	v44 =	vimm.s32 $0x0;
	v4 =	vsel vm7, v19, v4;
	v15 =	vsel vm8, $0xFFFFFFFF, v15  }
0x16b: {  	v19 =	vimm.s32 $0x0;
	[tilespmem:$0x1FFC0] =	vst v15;
	v15 =	vsel vm15, v18, v16;
	v16 =	vsel vm8, v34, v22  }
0x16c: {  	v18 =	vsel vm3, v47, v46;
	vm9 =	vgt.f32 v15, v8;
	vm0 =	vgt.f32 v16, v4  }
0x16d: {  	v19 =	vsel vm9, $0xFFFFFFFF, v19;
	v8 =	vsel vm9, v15, v8;
	v4 =	vsel vm0, v16, v4  }
0x16e: {  	vm8 =	veq.s32 v62, $0x8;
	[tilespmem:$0x1FFD0] =	vst v19;
	v19 =	vimm.s32 $0x0;
	vm11 =	vgt.f32 v4, v8  }
0x16f: {  	v15 =	vsel vm5, v61, v60;
	v19 =	vsel vm0, $0xFFFFFFFF, v19;
	v4 =	vsel vm11, v4, v8  }
0x170: {  	vm9 =	veq.s32 v62, $0x18;
	[tilespmem:$0x1FFE0] =	vst v19;
	v19 =	vsel vm4, v50, v49;
	v8 =	vsel vm8, v4, v9  }
0x171: {  	v9 =	vsel vm10, $0xFFFFFFFF, v44;
	v46 =	vsel vm10, v4, v10;
	vm10 =	veq.s32 v62, $0x20  }
0x172: {  	v49 =	vsel vm10, v4, v12;
	v12 =	vsel vm12, v4, v13;
	v13 =	vsub.f32 v36, v36  }
0x173: {  	v16 =	vsub.f32 v37, v36;
	v6 =	vsel vm6, v4, v6;
	v47 =	vsel vm9, v4, v11  }
0x174: {  	v14 =	vsel vm13, v4, v14;
	v4 =	vsel vm14, v4, v5;
	v5 =	vmul.f32 $1.442695020e+00, v13  }
0x175: {  	v50 =	vmul.f32 $1.442695020e+00, v16;
	vm15 =	vgt.f32 v8, v6;
	vm5 =	vgt.f32 v47, v46  }
0x176: {  	v37 =	vsub.f32 v19, v36;
	v13 =	vsub.f32 v40, v36;
	(erf) = vpow2.f32 v5  }
0x177: {  	v6 =	vsel vm15, v8, v6;
	v5 =	vsub.f32 v18, v36;
	(erf) = vpow2.f32 v50  }
0x178: {  	[tilespmem:$0x1FFF0] =	vst v9;
	v9 =	vsel vm5, v47, v46;
	vm4 =	vgt.f32 v12, v49;
	v34 =	vmul.f32 $1.442695020e+00, v13  }
0x179: {  	vm3 =	vgt.f32 v4, v14;
	v11 =	vsel vm4, v12, v49;
	v5 =	vmul.f32 $1.442695020e+00, v5  }
0x17a: {  	v4 =	vsel vm3, v4, v14;
	v40 =	vsub.f32 v15, v36;
	(erf) = vpow2.f32 v34  }
0x17b: {  	vm2 =	vgt.f32 v9, v6;
	(erf) = vpow2.f32 v5;
	v5 =	vmul.f32 $1.442695020e+00, v37  }
0x17c: {  	v7 =	vsub.f32 v7, v36;
	vm1 =	vgt.f32 v4, v11;
	v6 =	vsel vm2, v9, v6  }
0x17d: {  	v4 =	vsel vm1, v4, v11;
	(erf) = vpow2.f32 v5;
	v5 =	vmul.f32 $1.442695020e+00, v40  }
0x17e: {  	vm0 =	vgt.f32 v4, v6  }
0x17f: {  	v4 =	vsel vm0, v4, v6;
	v6 =	vpop (erf);
	(erf) = vpow2.f32 v5;
	v5 =	vmul.f32 $1.442695020e+00, v7  }
0x180: {  	v4 =	vsub.f32 v4, v36;
	v7 =	vpop (erf)  }
0x181: {  	(erf) = vpow2.f32 v5;
	v5 =	vadd.f32 v7, v6  }
0x182: {  	v4 =	vmul.f32 $1.442695020e+00, v4  }
0x183: {  	v41 =	vpop (erf)  }
0x184: {  	(erf) = vpow2.f32 v4;
	v4 =	vadd.f32 v41, v5  }
0x185: {  	v5 =	vpop (erf)  }
0x186: {  	v4 =	vadd.f32 v5, v4  }
0x187: {  	v43 =	vpop (erf)  }
0x188: {  	v4 =	vadd.f32 v43, v4  }
0x189: {  	v44 =	vpop (erf)  }
0x18a: {  	v4 =	vadd.f32 v44, v4  }
0x18b: {  	v46 =	vpop (erf)  }
0x18c: {  	v4 =	vadd.f32 v46, v4  }
0x18d: {  	v12 =	vpop (erf)  }
0x18e: {  	v4 =	vadd.f32 v12, v4;
	_ =	sdelay $0x1  }
0x18f: {  	(erf) = vrcp.f32 v4;
	_ =	sdelay $0x3  }
0x190: {  	v4 =	vmov s17  }
0x191: {  	v4 =	vshll.u32 v4, $0x7  }
0x192: {  	v4 =	vor.u32 v0, v4;
	_ =	sdelay $0x1  }
0x193: {  	v13 =	vor.u32 $0x1, v4  }
0x194: {  	v14 =	vpop (erf)  }
0x195: {  	v6 =	vmul.f32 v14, v6  }
0x196: {  	[tilespmem:v4+s11+$0x0] =	vst.idx.msk $0xffff, v35  }
0x197: {  	[tilespmem:v4+s12+$0x0] =	vst.idx.msk $0xffff, v6;
	v6 =	vmul.f32 v14, v7  }
0x198: {  	[tilespmem:v13+s11+$0x0] =	vst.idx.msk $0xffff, v38  }
0x199: {  	[tilespmem:v13+s12+$0x0] =	vst.idx.msk $0xffff, v6;
	v13 =	vld [tilespmem:$0x1FF90]  }
0x19a: {  	v16 =	vld [tilespmem:$0x1FFA0]  }
0x19b: {  	v15 =	vor.u32 $0x2, v4;
	_ =	sdelay $0x2  }
0x19c: {  	vm7 =	vnez.u8 v13  }
0x19d: {  	v6 =	vmul.f32 v14, v41;
	v13 =	vsel vm7, v63, v62;
	vm7 =	vnez.u8 v16  }
0x19e: {  	[tilespmem:v15+s11+$0x0] =	vst.idx.msk $0xffff, v39;
	v1 =	vsel vm7, v2, v1;
	v2 =	vld [tilespmem:$0x1FFB0]  }
0x19f: {  	[tilespmem:v15+s12+$0x0] =	vst.idx.msk $0xffff, v6;
	v6 =	vld [tilespmem:$0x1FFC0]  }
0x1a0: {  	v16 =	vld [tilespmem:$0x1FFD0]  }
0x1a1: {  	v7 =	vor.u32 $0x3, v4;
	_ =	sdelay $0x1  }
0x1a2: {  	v47 =	vor.u32 $0x4, v4;
	vm7 =	vnez.u8 v2  }
0x1a3: {  	v2 =	vsel vm7, v20, v3;
	v3 =	vmul.f32 v14, v5;
	vm7 =	vnez.u8 v6  }
0x1a4: {  	v5 =	vor.u32 $0x5, v4;
	v6 =	vsel vm7, v23, v21;
	vm7 =	vnez.u8 v16  }
0x1a5: {  	[tilespmem:v7+s11+$0x0] =	vst.idx.msk $0xffff, v42;
	v1 =	vsel vm7, v1, v13;
	v13 =	vld [tilespmem:$0x1FFE0]  }
0x1a6: {  	[tilespmem:v7+s12+$0x0] =	vst.idx.msk $0xffff, v3;
	v3 =	vmul.f32 v14, v43  }
0x1a7: {  	v17 =	vimm.s32 $0x4;
	v22 =	vimm.s32 $0xE;
	[tilespmem:v47+s11+$0x0] =	vst.idx.msk $0xffff, v45  }
0x1a8: {  	v61 =	vimm.s32 $0x26;
	v60 =	vimm.s32 $0x24;
	v19 =	vimm.s32 $0x8;
	[tilespmem:v47+s12+$0x0] =	vst.idx.msk $0xffff, v3  }
0x1a9: {  	v18 =	vimm.s32 $0x6;
	v15 =	vimm.s32 $0x2;
	v63 =	vimm.s32 $0x2A;
	[tilespmem:v5+s11+$0x0] =	vst.idx.msk $0xffff, v48;
	v48 =	vld [tilespmem:$0x1FFF0]  }
0x1aa: {  	v62 =	vimm.s32 $0x28;
	v20 =	vimm.s32 $0xA;
	vm7 =	vnez.u8 v13  }
0x1ab: {  	v23 =	vimm.s32 $0x10;
	v21 =	vimm.s32 $0xC;
	v2 =	vsel vm7, v6, v2  }
0x1ac: {  	v7 =	vor.u32 $0x6, v4;
	v4 =	vor.u32 $0x7, v4;
	v1 =	vsel vm11, v2, v1  }
0x1ad: {  	v6 =	vmul.f32 v14, v44;
	v2 =	vsel vm6, v1, v51;
	v51 =	vimm.s32 $0x12  }
0x1ae: {  	v3 =	vsel vm8, v1, v53;
	v53 =	vimm.s32 $0x16;
	vm11 =	vnez.u8 v48  }
0x1af: {  	v49 =	vsel vm9, v1, v54;
	v54 =	vimm.s32 $0x18;
	v50 =	vsel vm10, v1, v55;
	[tilespmem:v5+s12+$0x0] =	vst.idx.msk $0xffff, v6  }
0x1b0: {  	v5 =	vsel vm12, v1, v56;
	v6 =	vsel vm13, v1, v57;
	v8 =	vsel vm11, v1, v52  }
0x1b1: {  	p0 =	sne.s32 s17, $0x70;
	v1 =	vsel vm14, v1, v58;
	v2 =	vsel vm15, v3, v2;
	v5 =	vsel vm4, v5, v50  }
.Ltmp0:
0x1b2: {  	v3 =	vsel vm5, v49, v8;
	v1 =	vsel vm3, v1, v6;
	v6 =	vmul.f32 v14, v46;
	(pc) =	sbr.rel @p0 .LBB2_3-.Ltmp0, $4  }
0x1b3: {  	v55 =	vimm.s32 $0x1A;
	[tilespmem:v7+s11+$0x0] =	vst.idx.msk $0xffff, v59;
	v2 =	vsel vm2, v3, v2;
	v1 =	vsel vm1, v1, v5  }
0x1b4: {  	v56 =	vimm.s32 $0x1C;
	[tilespmem:v7+s12+$0x0] =	vst.idx.msk $0xffff, v6;
	v1 =	vsel vm0, v1, v2;
	v2 =	vmul.f32 v14, v12  }
0x1b5: {  	v57 =	vimm.s32 $0x1E;
	v52 =	vimm.s32 $0x14;
	v58 =	vimm.s32 $0x20;
	[tilespmem:v4+s11+$0x0] =	vst.idx.msk $0xffff, v1  }
0x1b6: {  	s17 =	sadd.s32 $0x10, s17;
	v59 =	vimm.s32 $0x22;
	v5 =	vimm.s32 $0x0;
	[tilespmem:v4+s12+$0x0] =	vst.idx.msk $0xffff, v2;
	v4 =	vimm.s32 $0x2C  }
0x1b7: {  	s16 =	sor.u32 s5, s16  }
0x1b8: {  	s16 =	sshll.u32 s16, $0x4  }
0x1b9: {  	s17 =	sadd.s32 s3, s16  }
0x1ba: {  	[hbm4b:s17+s1] =	stream.linear.scatter [tilespmem:s11], [sflag:$0x1], $0x4000, $0x38;
	[tilespmem:$0x18000] =	vst v63  }
0x1bb: {  	s15 =	sadd.s32 $0x1, s15;
	_ =	swait.ge [sflag:s10], $0x4000  }
0x1bc: {  	p0 =	sne.s32 s15, $0x4;
	[sflag:s10] =	ssyncset.done $0x0  }
.Ltmp1:
0x1bd: {  	s16 =	sadd.s32 s4, s16;
	[sflag:s10] =	ssyncadd.s32 $0xFFFFC000;
	(pc) =	sbr.rel @p0 .LBB2_2-.Ltmp1, $4  }
0x1be: {  	[hbm4b:s16+s1] =	stream.linear.scatter [tilespmem:s12], [sflag:$0x1], $0x4000, $0x38;
	[tilespmem:$0x18000] =	vst v63  }
0x1bf: {  	_ =	swait.ge [sflag:s10], $0x4000  }
0x1c0: {  	[sflag:s10] =	ssyncset.done $0x0  }
0x1c1: {  	s14 =	sadd.s32 $0x80, s14;
	[sflag:s10] =	ssyncadd.s32 $0xFFFFC000  }
0x1c2: {  	s14 =	simm.s32 $0x0  }
0x1c3: {  	[tilespmem:s14], [sflag:$0x1] =	stream.linear.gather [hbm4b:s8+s14], $0x10000, $0x38;
	[tilespmem:$0x18000] =	vst v63  }
0x1c4: {  	_ =	swait.ge [sflag:s10], $0x10000  }
0x1c5: {  	[sflag:s10] =	ssyncset.done $0x0  }
0x1c6: {  	s15 =	simm.s32 $0x0;
	[sflag:s10] =	ssyncadd.s32 $0xFFFF0000  }
.LBB2_6:
0x1c7: {  	v25 =	vimm.s32 $0x2E;
	v26 =	vimm.s32 $0x30;
	v27 =	vimm.s32 $0x32  }
0x1c8: {  	v28 =	vimm.s32 $0x34;
	v29 =	vimm.s32 $0x36;
	v30 =	vimm.s32 $0x38  }
0x1c9: {  	s16 =	sshll.u32 s15, $0x7;
	s17 =	simm.s32 $0x0;
	v31 =	vimm.s32 $0x3A;
	v32 =	vimm.s32 $0x3C;
	v24 =	vimm.s32 $0x3E  }
.LBB2_7:
0x1ca: {  	s18 =	sadd.s32 s17, s14  }
0x1cb: {  	v1 =	vmov s18  }
0x1cc: {  	v1 =	vshll.u32 v1, $0x7  }
0x1cd: {  	v34 =	vor.u32 v0, v1  }
0x1ce: {  	v1 =	vor.u32 $0x1, v34  }
0x1cf: {  	v2 =	vor.u32 $0x2, v34  }
0x1d0: {  	v3 =	vor.u32 $0x3, v34  }
0x1d1: {  	v4 =	vor.u32 $0x4, v34  }
0x1d2: {  	v6 =	vor.u32 $0x5, v34;
	v5 =	vld.idx.msk [tilespmem:v34+s1+$0x0], $0xffff  }
0x1d3: {  	v7 =	vor.u32 $0x6, v34;
	v1 =	vld.idx.msk [tilespmem:v1+s1+$0x0], $0xffff  }
0x1d4: {  	v8 =	vor.u32 $0x7, v34;
	v2 =	vld.idx.msk [tilespmem:v2+s1+$0x0], $0xffff  }
0x1d5: {  	v11 =	vor.u32 $0xA, v34;
	v3 =	vld.idx.msk [tilespmem:v3+s1+$0x0], $0xffff  }
0x1d6: {  	v12 =	vor.u32 $0xB, v34;
	v4 =	vld.idx.msk [tilespmem:v4+s1+$0x0], $0xffff  }
0x1d7: {  	v6 =	vld.idx.msk [tilespmem:v6+s1+$0x0], $0xffff  }
0x1d8: {  	v7 =	vld.idx.msk [tilespmem:v7+s1+$0x0], $0xffff  }
0x1d9: {  	v16 =	vor.u32 $0xF, v34;
	v8 =	vld.idx.msk [tilespmem:v8+s1+$0x0], $0xffff  }
0x1da: {  	v11 =	vld.idx.msk [tilespmem:v11+s1+$0x0], $0xffff  }
0x1db: {  	v14 =	vimm.s32 $0x0;
	v15 =	vimm.s32 $0x2;
	v9 =	vor.u32 $0x8, v34;
	v12 =	vld.idx.msk [tilespmem:v12+s1+$0x0], $0xffff  }
0x1dc: {  	v10 =	vor.u32 $0x9, v34;
	v13 =	vor.u32 $0xC, v34;
	v45 =	vor.u32 $0xD, v34  }
0x1dd: {  	v46 =	vor.u32 $0xE, v34;
	v48 =	vor.u32 $0x10, v34;
	v49 =	vor.u32 $0x11, v34  }
0x1de: {  	v35 =	vor.u32 $0x15, v34;
	v37 =	vor.u32 $0x18, v34;
	v50 =	vld.idx.msk [tilespmem:v16+s1+$0x0], $0xffff;
	v16 =	vor.u32 $0x17, v34  }
0x1df: {  	vm0 =	vgt.f32 v1, v5;
	vm1 =	vgt.f32 v3, v2;
	vm13 =	vgt.f32 v6, v4  }
0x1e0: {  	vm14 =	vgt.f32 v8, v7;
	vm7 =	vgt.f32 v12, v11;
	v1 =	vsel vm0, v1, v5  }
0x1e1: {  	v13 =	vld.idx.msk [tilespmem:v13+s1+$0x0], $0xffff;
	v14 =	vsel vm0, $0x1, v14;
	v2 =	vsel vm1, v3, v2;
	v15 =	vsel vm1, $0x3, v15  }
0x1e2: {  	v5 =	vld.idx.msk [tilespmem:v9+s1+$0x0], $0xffff;
	v4 =	vsel vm13, v6, v4;
	v6 =	vsel vm13, $0x5, v17;
	v7 =	vsel vm14, v8, v7  }
0x1e3: {  	v3 =	vld.idx.msk [tilespmem:v10+s1+$0x0], $0xffff;
	v47 =	vsel vm14, $0x7, v18;
	v11 =	vsel vm7, v12, v11;
	v12 =	vsel vm7, $0xB, v20  }
0x1e4: {  	v10 =	vld.idx.msk [tilespmem:v49+s1+$0x0], $0xffff;
	v49 =	vor.u32 $0x20, v34;
	vm15 =	vgt.f32 v2, v1;
	vm4 =	vgt.f32 v7, v4  }
0x1e5: {  	v17 =	vor.u32 $0x30, v34;
	v1 =	vsel vm15, v2, v1;
	v2 =	vld.idx.msk [tilespmem:v45+s1+$0x0], $0xffff;
	v4 =	vsel vm4, v7, v4  }
0x1e6: {  	v14 =	vsel vm15, v15, v14;
	v7 =	vld.idx.msk [tilespmem:v46+s1+$0x0], $0xffff;
	v15 =	vor.u32 $0x12, v34;
	vm5 =	vgt.f32 v4, v1  }
0x1e7: {  	v18 =	vor.u32 $0x31, v34;
	v38 =	vsel vm5, v4, v1;
	v1 =	vor.u32 $0x13, v34  }
0x1e8: {  	v9 =	vld.idx.msk [tilespmem:v37+s1+$0x0], $0xffff;
	v37 =	vor.u32 $0x3D, v34;
	v6 =	vsel vm4, v47, v6;
	v4 =	vor.u32 $0x14, v34  }
0x1e9: {  	v45 =	vor.u32 $0x1C, v34;
	v39 =	vsel vm5, v6, v14;
	vm6 =	vgt.f32 v3, v5  }
0x1ea: {  	v6 =	vld.idx.msk [tilespmem:v48+s1+$0x0], $0xffff;
	v14 =	vor.u32 $0x16, v34;
	v3 =	vsel vm6, v3, v5;
	v5 =	vsel vm6, $0x9, v19  }
0x1eb: {  	v19 =	vor.u32 $0x32, v34;
	vm8 =	vgt.f32 v2, v13;
	vm9 =	vgt.f32 v50, v7;
	v15 =	vld.idx.msk [tilespmem:v15+s1+$0x0], $0xffff  }
0x1ec: {  	vm10 =	vgt.f32 v11, v3;
	v2 =	vsel vm8, v2, v13;
	v7 =	vsel vm9, v50, v7;
	v1 =	vld.idx.msk [tilespmem:v1+s1+$0x0], $0xffff  }
0x1ed: {  	v5 =	vsel vm10, v12, v5;
	v12 =	vor.u32 $0x19, v34;
	vm11 =	vgt.f32 v7, v2;
	v4 =	vld.idx.msk [tilespmem:v4+s1+$0x0], $0xffff  }
0x1ee: {  	v13 =	vsel vm8, $0xD, v21;
	v3 =	vsel vm10, v11, v3;
	v2 =	vsel vm11, v7, v2;
	v7 =	vld.idx.msk [tilespmem:v35+s1+$0x0], $0xffff  }
0x1ef: {  	v36 =	vsel vm9, $0xF, v22;
	v50 =	vor.u32 $0x23, v34;
	v44 =	vld.idx.msk [tilespmem:v14+s1+$0x0], $0xffff;
	vm12 =	vgt.f32 v2, v3  }
0x1f0: {  	v8 =	vsel vm11, v36, v13;
	v40 =	vsel vm12, v2, v3;
	v2 =	vld.idx.msk [tilespmem:v16+s1+$0x0], $0xffff;
	v3 =	vor.u32 $0x1A, v34  }
0x1f1: {  	vm13 =	vgt.f32 v10, v6;
	v41 =	vsel vm12, v8, v5;
	v5 =	vor.u32 $0x1B, v34  }
0x1f2: {  	v6 =	vsel vm13, v10, v6;
	v46 =	vsel vm13, $0x11, v23;
	v12 =	vld.idx.msk [tilespmem:v12+s1+$0x0], $0xffff;
	vm14 =	vgt.f32 v1, v15  }
0x1f3: {  	v13 =	vor.u32 $0x1D, v34;
	v1 =	vsel vm14, v1, v15;
	vm15 =	vgt.f32 v7, v4  }
0x1f4: {  	v35 =	vld.idx.msk [tilespmem:v19+s1+$0x0], $0xffff;
	v14 =	vsel vm14, $0x13, v51;
	v15 =	vor.u32 $0x1E, v34;
	v4 =	vsel vm15, v7, v4  }
0x1f5: {  	v7 =	vor.u32 $0x1F, v34;
	vm5 =	vgt.f32 v1, v6;
	vm4 =	vgt.f32 v2, v44;
	v3 =	vld.idx.msk [tilespmem:v3+s1+$0x0], $0xffff  }
0x1f6: {  	v16 =	vsel vm15, $0x15, v52;
	v5 =	vld.idx.msk [tilespmem:v5+s1+$0x0], $0xffff;
	v1 =	vsel vm5, v1, v6;
	v2 =	vsel vm4, v2, v44  }
0x1f7: {  	v6 =	vld.idx.msk [tilespmem:v45+s1+$0x0], $0xffff;
	v48 =	vsel vm5, v14, v46;
	vm8 =	vgt.f32 v12, v9;
	vm6 =	vgt.f32 v2, v4  }
0x1f8: {  	v51 =	vsel vm8, $0x19, v54;
	v54 =	vor.u32 $0x28, v34;
	v2 =	vsel vm6, v2, v4;
	v4 =	vld.idx.msk [tilespmem:v13+s1+$0x0], $0xffff  }
0x1f9: {  	v14 =	vor.u32 $0x21, v34;
	v47 =	vsel vm4, $0x17, v53;
	v13 =	vld.idx.msk [tilespmem:v15+s1+$0x0], $0xffff;
	vm7 =	vgt.f32 v2, v1  }
0x1fa: {  	v52 =	vor.u32 $0x24, v34;
	v11 =	vsel vm6, v47, v16;
	v42 =	vsel vm7, v2, v1;
	v1 =	vld.idx.msk [tilespmem:v7+s1+$0x0], $0xffff  }
0x1fb: {  	v8 =	vld.idx.msk [tilespmem:v50+s1+$0x0], $0xffff;
	v2 =	vor.u32 $0x22, v34;
	v7 =	vsel vm8, v12, v9;
	vm9 =	vgt.f32 v5, v3  }
0x1fc: {  	v3 =	vsel vm9, v5, v3;
	v5 =	vld.idx.msk [tilespmem:v49+s1+$0x0], $0xffff;
	v12 =	vsel vm9, $0x1B, v55;
	v55 =	vor.u32 $0x29, v34  }
0x1fd: {  	v53 =	vor.u32 $0x25, v34;
	v43 =	vsel vm7, v11, v48;
	v11 =	vld.idx.msk [tilespmem:v54+s1+$0x0], $0xffff;
	vm10 =	vgt.f32 v4, v6  }
0x1fe: {  	vm12 =	vgt.f32 v3, v7;
	v4 =	vsel vm10, v4, v6;
	v6 =	vld.idx.msk [tilespmem:v14+s1+$0x0], $0xffff;
	v14 =	vor.u32 $0x26, v34  }
0x1ff: {  	v16 =	vor.u32 $0x27, v34;
	v3 =	vsel vm12, v3, v7;
	v7 =	vld.idx.msk [tilespmem:v52+s1+$0x0], $0xffff;
	vm11 =	vgt.f32 v1, v13  }
0x200: {  	v21 =	vor.u32 $0x3C, v34;
	v19 =	vimm.s32 $0x2C;
	v2 =	vld.idx.msk [tilespmem:v2+s1+$0x0], $0xffff;
	v1 =	vsel vm11, v1, v13  }
0x201: {  	v15 =	vsel vm10, $0x1D, v56;
	v13 =	vsel vm11, $0x1F, v57;
	v57 =	vld.idx.msk [tilespmem:v55+s1+$0x0], $0xffff;
	vm13 =	vgt.f32 v1, v4  }
0x202: {  	v9 =	vsel vm12, v12, v51;
	v1 =	vsel vm13, v1, v4;
	v4 =	vld.idx.msk [tilespmem:v53+s1+$0x0], $0xffff;
	v12 =	vsel vm13, v13, v15  }
0x203: {  	vm14 =	vgt.f32 v1, v3;
	v13 =	vld.idx.msk [tilespmem:v14+s1+$0x0], $0xffff;
	v14 =	vor.u32 $0x2A, v34;
	vm15 =	vgt.f32 v6, v5  }
0x204: {  	v44 =	vsel vm14, v1, v3;
	v1 =	vld.idx.msk [tilespmem:v16+s1+$0x0], $0xffff;
	v3 =	vor.u32 $0x2B, v34;
	v45 =	vsel vm14, v12, v9  }
0x205: {  	v5 =	vsel vm15, v6, v5;
	v6 =	vor.u32 $0x2C, v34;
	vm4 =	vgt.f32 v8, v2  }
0x206: {  	v56 =	vsel vm15, $0x21, v58;
	v12 =	vor.u32 $0x2D, v34;
	v2 =	vsel vm4, v8, v2  }
0x207: {  	v58 =	vor.u32 $0x2E, v34;
	vm7 =	vgt.f32 v2, v5;
	vm5 =	vgt.f32 v4, v7  }
0x208: {  	v2 =	vsel vm7, v2, v5;
	v5 =	vor.u32 $0x33, v34;
	v4 =	vsel vm5, v4, v7;
	v7 =	vld.idx.msk [tilespmem:v14+s1+$0x0], $0xffff  }
0x209: {  	vm10 =	vgt.f32 v57, v11;
	v14 =	vor.u32 $0x2F, v34;
	vm6 =	vgt.f32 v1, v13;
	v3 =	vld.idx.msk [tilespmem:v3+s1+$0x0], $0xffff  }
0x20a: {  	v15 =	vsel vm4, $0x23, v59;
	v8 =	vsel vm10, v57, v11;
	v6 =	vld.idx.msk [tilespmem:v6+s1+$0x0], $0xffff;
	v1 =	vsel vm6, v1, v13  }
0x20b: {  	v9 =	vsel vm7, v15, v56;
	v15 =	vor.u32 $0x37, v34;
	v12 =	vld.idx.msk [tilespmem:v12+s1+$0x0], $0xffff;
	vm8 =	vgt.f32 v1, v4  }
0x20c: {  	v16 =	vsel vm5, $0x25, v60;
	v13 =	vsel vm6, $0x27, v61;
	v61 =	vld.idx.msk [tilespmem:v18+s1+$0x0], $0xffff;
	v1 =	vsel vm8, v1, v4  }
0x20d: {  	v18 =	vor.u32 $0x39, v34;
	v13 =	vsel vm8, v13, v16;
	v5 =	vld.idx.msk [tilespmem:v5+s1+$0x0], $0xffff;
	vm9 =	vgt.f32 v1, v2  }
0x20e: {  	v16 =	vsel vm10, $0x29, v62;
	v60 =	vld.idx.msk [tilespmem:v14+s1+$0x0], $0xffff;
	v14 =	vor.u32 $0x34, v34;
	v46 =	vsel vm9, v1, v2  }
0x20f: {  	v4 =	vld.idx.msk [tilespmem:v58+s1+$0x0], $0xffff;
	v2 =	vor.u32 $0x35, v34;
	v47 =	vsel vm9, v13, v9;
	vm11 =	vgt.f32 v3, v7  }
0x210: {  	v1 =	vld.idx.msk [tilespmem:v17+s1+$0x0], $0xffff;
	v13 =	vor.u32 $0x36, v34;
	vm12 =	vgt.f32 v12, v6;
	v3 =	vsel vm11, v3, v7  }
0x211: {  	v52 =	vld.idx.msk [tilespmem:v21+s1+$0x0], $0xffff;
	v7 =	vor.u32 $0x38, v34;
	v17 =	vsel vm11, $0x2B, v63;
	v6 =	vsel vm12, v12, v6  }
0x212: {  	v15 =	vld.idx.msk [tilespmem:v15+s1+$0x0], $0xffff;
	v12 =	vor.u32 $0x3A, v34;
	v19 =	vsel vm12, $0x2D, v19;
	vm14 =	vgt.f32 v3, v8  }
0x213: {  	v3 =	vsel vm14, v3, v8;
	v16 =	vsel vm14, v17, v16;
	vm6 =	vgt.f32 v5, v35;
	v8 =	vld.idx.msk [tilespmem:v37+s1+$0x0], $0xffff  }
0x214: {  	v17 =	vor.u32 $0x3E, v34;
	v14 =	vld.idx.msk [tilespmem:v14+s1+$0x0], $0xffff;
	vm13 =	vgt.f32 v60, v4;
	v5 =	vsel vm6, v5, v35  }
0x215: {  	v4 =	vsel vm13, v60, v4;
	v36 =	vld.idx.msk [tilespmem:v13+s1+$0x0], $0xffff;
	v13 =	vor.u32 $0x3B, v34;
	vm5 =	vgt.f32 v61, v1  }
0x216: {  	v2 =	vld.idx.msk [tilespmem:v2+s1+$0x0], $0xffff;
	v20 =	vsel vm13, $0x2F, v25;
	vm15 =	vgt.f32 v4, v6;
	v1 =	vsel vm5, v61, v1  }
0x217: {  	v4 =	vsel vm15, v4, v6;
	v6 =	vld.idx.msk [tilespmem:v18+s1+$0x0], $0xffff;
	v18 =	vsel vm15, v20, v19;
	v19 =	vor.u32 $0x3F, v34  }
0x218: {  	v53 =	vsel vm6, $0x33, v27;
	vm6 =	vgt.f32 v40, v38;
	v7 =	vld.idx.msk [tilespmem:v7+s1+$0x0], $0xffff;
	vm8 =	vgt.f32 v5, v1  }
0x219: {  	v12 =	vld.idx.msk [tilespmem:v12+s1+$0x0], $0xffff;
	vm4 =	vgt.f32 v4, v3;
	v1 =	vsel vm8, v5, v1;
	vm13 =	vgt.f32 v8, v52  }
0x21a: {  	v48 =	vsel vm4, v4, v3;
	v49 =	vsel vm4, v18, v16;
	v4 =	vsel vm5, $0x31, v26;
	v3 =	vld.idx.msk [tilespmem:v13+s1+$0x0], $0xffff  }
0x21b: {  	v55 =	vsel vm13, $0x3D, v32;
	vm7 =	vgt.f32 v2, v14;
	vm2 =	vgt.f32 v15, v36;
	v13 =	vld.idx.msk [tilespmem:v17+s1+$0x0], $0xffff  }
0x21c: {  	v4 =	vsel vm8, v53, v4;
	v2 =	vsel vm7, v2, v14;
	v10 =	vsel vm2, v15, v36;
	v15 =	vld.idx.msk [tilespmem:v19+s1+$0x0], $0xffff  }
0x21d: {  	vm8 =	vgt.f32 v48, v46;
	v14 =	vsel vm7, $0x35, v28;
	vm9 =	vgt.f32 v10, v2  }
0x21e: {  	v16 =	vsel vm2, $0x37, v29;
	vm7 =	vgt.f32 v44, v42;
	v2 =	vsel vm9, v10, v2  }
0x21f: {  	v58 =	vsel vm8, v48, v46;
	v5 =	vsel vm9, v16, v14;
	vm10 =	vgt.f32 v2, v1  }
0x220: {  	vm11 =	vgt.f32 v6, v7;
	v1 =	vsel vm10, v2, v1;
	v2 =	vsel vm10, v5, v4  }
0x221: {  	v4 =	vsel vm11, v6, v7;
	vm12 =	vgt.f32 v3, v12;
	vm14 =	vgt.f32 v15, v13  }
0x222: {  	v7 =	vsel vm13, v8, v52;
	v3 =	vsel vm12, v3, v12;
	v54 =	vsel vm14, v15, v13  }
0x223: {  	v60 =	vsel vm8, v49, v47;
	vm15 =	vgt.f32 v3, v4;
	vm4 =	vgt.f32 v54, v7  }
0x224: {  	v57 =	vsel vm7, v45, v43;
	v3 =	vsel vm15, v3, v4;
	v4 =	vsel vm4, v54, v7  }
0x225: {  	v5 =	vsel vm11, $0x39, v30;
	v6 =	vsel vm12, $0x3B, v31;
	vm5 =	vgt.f32 v4, v3  }
0x226: {  	v56 =	vsel vm14, $0x3F, v24;
	v5 =	vsel vm15, v6, v5;
	v3 =	vsel vm5, v4, v3  }
0x227: {  	v6 =	vsel vm4, v56, v55;
	v7 =	vsel vm7, v44, v42;
	vm9 =	vgt.f32 v3, v1  }
0x228: {  	v4 =	vsel vm5, v6, v5;
	v5 =	vsel vm6, v40, v38;
	v59 =	vsel vm9, v3, v1  }
0x229: {  	v6 =	vsel vm6, v41, v39;
	vm10 =	vgt.f32 v7, v5;
	vm11 =	vgt.f32 v59, v58  }
0x22a: {  	v12 =	vsel vm9, v4, v2;
	v36 =	vsel vm10, v7, v5;
	v37 =	vsel vm11, v59, v58  }
0x22b: {  	v5 =	vsel vm10, v57, v6;
	v6 =	vsel vm11, v12, v60;
	vm0 =	vgt.f32 v37, v36  }
0x22c: {  	v35 =	vsel vm0, v6, v5  }
0x22d: {  	v5 =	vand.u32 $0xFFFFFFF8, v35;
	v6 =	vor.u32 v34, v35;
	v7 =	vand.u32 $0x78, v35  }
0x22e: {  	v19 =	vor.u32 $0x7, v35;
	v61 =	vor.u32 $0x1, v5;
	v7 =	vor.u32 v34, v7  }
0x22f: {  	v63 =	vor.u32 $0x2, v5;
	v20 =	vor.u32 v34, v19;
	v62 =	vand.u32 $0x79, v61  }
0x230: {  	v12 =	vor.u32 $0x3, v5;
	v50 =	vand.u32 $0x7A, v63;
	v9 =	vor.u32 v34, v62  }
0x231: {  	v17 =	vor.u32 $0x6, v5;
	v13 =	vand.u32 $0x7B, v12;
	v11 =	vor.u32 v34, v50  }
0x232: {  	v14 =	vor.u32 $0x4, v5;
	v18 =	vand.u32 $0x7E, v17;
	v13 =	vor.u32 v34, v13;
	[tilespmem:v6+s1+$0x0] =	vst.idx.msk $0xffff, v33  }
0x233: {  	v16 =	vor.u32 $0x5, v5;
	v15 =	vand.u32 $0x7C, v14;
	v18 =	vor.u32 v34, v18;
	v7 =	vld.idx.msk [tilespmem:v7+s1+$0x0], $0xffff  }
0x234: {  	v6 =	vor.u32 v34, v15;
	v15 =	vand.u32 $0x7D, v16;
	v20 =	vld.idx.msk [tilespmem:v20+s1+$0x0], $0xffff  }
0x235: {  	v15 =	vor.u32 v34, v15;
	v9 =	vld.idx.msk [tilespmem:v9+s1+$0x0], $0xffff  }
0x236: {  	v11 =	vld.idx.msk [tilespmem:v11+s1+$0x0], $0xffff  }
0x237: {  	v13 =	vld.idx.msk [tilespmem:v13+s1+$0x0], $0xffff  }
0x238: {  	v18 =	vld.idx.msk [tilespmem:v18+s1+$0x0], $0xffff  }
0x239: {  	v6 =	vld.idx.msk [tilespmem:v6+s1+$0x0], $0xffff  }
0x23a: {  	v15 =	vld.idx.msk [tilespmem:v15+s1+$0x0], $0xffff  }
0x23b: {  	vm6 =	veq.s32 v5, $0x0  }
0x23c: {  	vm7 =	veq.s32 v5, $0x8;
	vm8 =	veq.s32 v5, $0x10;
	vm9 =	veq.s32 v5, $0x18  }
0x23d: {  	vm10 =	veq.s32 v5, $0x20;
	vm11 =	veq.s32 v5, $0x28;
	vm12 =	vgt.f32 v9, v7  }
0x23e: {  	vm13 =	vgt.f32 v13, v11;
	vm3 =	vgt.f32 v20, v18;
	v7 =	vsel vm12, v9, v7  }
0x23f: {  	v8 =	vsel vm12, v61, v5;
	v51 =	vsel vm13, v13, v11;
	vm14 =	vgt.f32 v15, v6  }
0x240: {  	v10 =	vsel vm13, v12, v63;
	v52 =	vsel vm3, v20, v18;
	v6 =	vsel vm14, v15, v6  }
0x241: {  	v13 =	vsel vm3, v19, v17;
	vm15 =	vgt.f32 v51, v7;
	vm4 =	vgt.f32 v52, v6  }
0x242: {  	v7 =	vsel vm15, v51, v7;
	v12 =	vsel vm14, v16, v14;
	v6 =	vsel vm4, v52, v6  }
0x243: {  	v8 =	vsel vm15, v10, v8;
	v53 =	vsel vm4, v13, v12;
	vm5 =	vgt.f32 v6, v7  }
0x244: {  	vm12 =	veq.s32 v5, $0x30;
	v6 =	vsel vm5, v6, v7;
	v7 =	vsel vm5, v53, v8  }
0x245: {  	vm13 =	veq.s32 v5, $0x38;
	v8 =	vsel vm6, v6, v38;
	v9 =	vsel vm6, v7, v39  }
0x246: {  	v10 =	vsel vm7, v6, v40;
	v11 =	vsel vm7, v7, v41;
	v12 =	vsel vm8, v6, v42  }
0x247: {  	v13 =	vsel vm8, v7, v43;
	v14 =	vsel vm9, v6, v44;
	v15 =	vsel vm9, v7, v45  }
0x248: {  	v16 =	vsel vm10, v6, v46;
	v17 =	vsel vm10, v7, v47;
	v18 =	vsel vm11, v6, v48  }
0x249: {  	v19 =	vsel vm11, v7, v49;
	v1 =	vsel vm12, v6, v1;
	v2 =	vsel vm12, v7, v2  }
0x24a: {  	v3 =	vsel vm13, v6, v3;
	v4 =	vsel vm13, v7, v4;
	vm14 =	vgt.f32 v10, v8  }
0x24b: {  	vm15 =	vgt.f32 v14, v12;
	vm6 =	vgt.f32 v18, v16;
	vm7 =	vgt.f32 v3, v1  }
0x24c: {  	v5 =	vsel vm14, v10, v8;
	v6 =	vsel vm14, v11, v9;
	v7 =	vsel vm15, v14, v12  }
0x24d: {  	v20 =	vsel vm15, v15, v13;
	v21 =	vsel vm6, v18, v16;
	v22 =	vsel vm7, v3, v1  }
0x24e: {  	v23 =	vsel vm6, v19, v17;
	vm8 =	vgt.f32 v7, v5;
	vm9 =	vgt.f32 v22, v21  }
0x24f: {  	v54 =	vsel vm7, v4, v2;
	v40 =	vsel vm8, v7, v5;
	v41 =	vsel vm9, v22, v21  }
0x250: {  	v5 =	vsel vm8, v20, v6;
	v6 =	vsel vm9, v54, v23;
	vm1 =	vgt.f32 v41, v40  }
0x251: {  	v38 =	vsel vm1, v6, v5  }
0x252: {  	v5 =	vand.u32 $0xFFFFFFF8, v38;
	v6 =	vor.u32 v34, v38;
	v7 =	vand.u32 $0x78, v38  }
0x253: {  	v63 =	vor.u32 $0x7, v38;
	v20 =	vor.u32 $0x1, v5;
	v7 =	vor.u32 v34, v7  }
0x254: {  	v22 =	vor.u32 $0x2, v5;
	v52 =	vor.u32 v34, v63;
	v21 =	vand.u32 $0x79, v20  }
0x255: {  	v55 =	vor.u32 $0x3, v5;
	v23 =	vand.u32 $0x7A, v22;
	v21 =	vor.u32 v34, v21  }
0x256: {  	v59 =	vor.u32 $0x5, v5;
	v56 =	vand.u32 $0x7B, v55;
	v23 =	vor.u32 v34, v23  }
0x257: {  	v61 =	vor.u32 $0x6, v5;
	v60 =	vand.u32 $0x7D, v59;
	v42 =	vor.u32 v34, v56;
	[tilespmem:v6+s1+$0x0] =	vst.idx.msk $0xffff, v33  }
0x258: {  	v57 =	vor.u32 $0x4, v5;
	v62 =	vand.u32 $0x7E, v61;
	v44 =	vor.u32 v34, v60;
	v7 =	vld.idx.msk [tilespmem:v7+s1+$0x0], $0xffff  }
0x259: {  	v58 =	vand.u32 $0x7C, v57;
	v47 =	vor.u32 v34, v62;
	v49 =	vld.idx.msk [tilespmem:v52+s1+$0x0], $0xffff  }
0x25a: {  	v6 =	vor.u32 v34, v58;
	v21 =	vld.idx.msk [tilespmem:v21+s1+$0x0], $0xffff  }
0x25b: {  	v23 =	vld.idx.msk [tilespmem:v23+s1+$0x0], $0xffff  }
0x25c: {  	v42 =	vld.idx.msk [tilespmem:v42+s1+$0x0], $0xffff  }
0x25d: {  	v44 =	vld.idx.msk [tilespmem:v44+s1+$0x0], $0xffff  }
0x25e: {  	v47 =	vld.idx.msk [tilespmem:v47+s1+$0x0], $0xffff  }
0x25f: {  	v6 =	vld.idx.msk [tilespmem:v6+s1+$0x0], $0xffff  }
0x260: {  	vm5 =	veq.s32 v5, $0x8  }
0x261: {  	vm6 =	veq.s32 v5, $0x10;
	vm7 =	veq.s32 v5, $0x18;
	vm8 =	veq.s32 v5, $0x20  }
0x262: {  	vm9 =	veq.s32 v5, $0x28;
	vm10 =	vgt.f32 v21, v7;
	vm11 =	vgt.f32 v42, v23  }
0x263: {  	vm4 =	vgt.f32 v49, v47;
	v7 =	vsel vm10, v21, v7;
	v20 =	vsel vm10, v20, v5  }
0x264: {  	v21 =	vsel vm11, v42, v23;
	v22 =	vsel vm11, v55, v22;
	vm12 =	vgt.f32 v44, v6  }
0x265: {  	v23 =	vsel vm4, v49, v47;
	v54 =	vsel vm4, v63, v61;
	v6 =	vsel vm12, v44, v6  }
0x266: {  	vm4 =	veq.s32 v5, $0x0;
	vm13 =	vgt.f32 v21, v7;
	vm14 =	vgt.f32 v23, v6  }
0x267: {  	v53 =	vsel vm12, v59, v57;
	v7 =	vsel vm13, v21, v7;
	v6 =	vsel vm14, v23, v6  }
0x268: {  	v20 =	vsel vm13, v22, v20;
	v21 =	vsel vm14, v54, v53;
	vm15 =	vgt.f32 v6, v7  }
0x269: {  	vm10 =	veq.s32 v5, $0x30;
	v6 =	vsel vm15, v6, v7;
	v7 =	vsel vm15, v21, v20  }
0x26a: {  	vm11 =	veq.s32 v5, $0x38;
	v8 =	vsel vm4, v6, v8;
	v9 =	vsel vm4, v7, v9  }
0x26b: {  	v10 =	vsel vm5, v6, v10;
	v11 =	vsel vm5, v7, v11;
	v12 =	vsel vm6, v6, v12  }
0x26c: {  	v13 =	vsel vm6, v7, v13;
	v14 =	vsel vm7, v6, v14;
	v15 =	vsel vm7, v7, v15  }
0x26d: {  	v16 =	vsel vm8, v6, v16;
	v17 =	vsel vm8, v7, v17;
	v18 =	vsel vm9, v6, v18  }
0x26e: {  	v19 =	vsel vm9, v7, v19;
	v1 =	vsel vm10, v6, v1;
	v2 =	vsel vm10, v7, v2  }
0x26f: {  	v3 =	vsel vm11, v6, v3;
	v4 =	vsel vm11, v7, v4;
	vm12 =	vgt.f32 v10, v8  }
0x270: {  	vm13 =	vgt.f32 v14, v12;
	vm14 =	vgt.f32 v18, v16;
	vm15 =	vgt.f32 v3, v1  }
0x271: {  	v5 =	vsel vm12, v10, v8;
	v6 =	vsel vm12, v11, v9;
	v7 =	vsel vm13, v14, v12  }
0x272: {  	v20 =	vsel vm13, v15, v13;
	v21 =	vsel vm14, v18, v16;
	v22 =	vsel vm15, v3, v1  }
0x273: {  	v23 =	vsel vm14, v19, v17;
	vm6 =	vgt.f32 v7, v5;
	vm7 =	vgt.f32 v22, v21  }
0x274: {  	v55 =	vsel vm15, v4, v2;
	v43 =	vsel vm6, v7, v5;
	v44 =	vsel vm7, v22, v21  }
0x275: {  	v5 =	vsel vm6, v20, v6;
	v6 =	vsel vm7, v55, v23;
	vm2 =	vgt.f32 v44, v43  }
0x276: {  	v39 =	vsel vm2, v6, v5  }
0x277: {  	v5 =	vand.u32 $0xFFFFFFF8, v39;
	v6 =	vor.u32 v34, v39;
	v7 =	vand.u32 $0x78, v39  }
0x278: {  	v62 =	vor.u32 $0x7, v39;
	v20 =	vor.u32 $0x1, v5;
	v7 =	vor.u32 v34, v7  }
0x279: {  	v22 =	vor.u32 $0x2, v5;
	v63 =	vor.u32 v34, v62;
	v21 =	vand.u32 $0x79, v20  }
0x27a: {  	v42 =	vor.u32 $0x3, v5;
	v23 =	vand.u32 $0x7A, v22;
	v21 =	vor.u32 v34, v21  }
0x27b: {  	v61 =	vor.u32 $0x6, v5;
	v56 =	vand.u32 $0x7B, v42;
	v23 =	vor.u32 v34, v23  }
0x27c: {  	v59 =	vor.u32 $0x5, v5;
	v50 =	vand.u32 $0x7E, v61;
	v45 =	vor.u32 v34, v56;
	[tilespmem:v6+s1+$0x0] =	vst.idx.msk $0xffff, v33  }
0x27d: {  	v57 =	vor.u32 $0x4, v5;
	v60 =	vand.u32 $0x7D, v59;
	v50 =	vor.u32 v34, v50;
	v7 =	vld.idx.msk [tilespmem:v7+s1+$0x0], $0xffff  }
0x27e: {  	v58 =	vand.u32 $0x7C, v57;
	v47 =	vor.u32 v34, v60;
	v52 =	vld.idx.msk [tilespmem:v63+s1+$0x0], $0xffff  }
0x27f: {  	v6 =	vor.u32 v34, v58;
	v21 =	vld.idx.msk [tilespmem:v21+s1+$0x0], $0xffff  }
0x280: {  	v23 =	vld.idx.msk [tilespmem:v23+s1+$0x0], $0xffff  }
0x281: {  	v45 =	vld.idx.msk [tilespmem:v45+s1+$0x0], $0xffff  }
0x282: {  	v50 =	vld.idx.msk [tilespmem:v50+s1+$0x0], $0xffff  }
0x283: {  	v47 =	vld.idx.msk [tilespmem:v47+s1+$0x0], $0xffff  }
0x284: {  	v6 =	vld.idx.msk [tilespmem:v6+s1+$0x0], $0xffff  }
0x285: {  	vm14 =	veq.s32 v5, $0x0  }
0x286: {  	vm15 =	veq.s32 v5, $0x8;
	vm6 =	veq.s32 v5, $0x10;
	vm7 =	veq.s32 v5, $0x18  }
0x287: {  	vm8 =	vgt.f32 v21, v7;
	vm9 =	vgt.f32 v45, v23;
	vm5 =	vgt.f32 v52, v50  }
0x288: {  	v7 =	vsel vm8, v21, v7;
	v20 =	vsel vm8, v20, v5;
	v21 =	vsel vm9, v45, v23  }
0x289: {  	v22 =	vsel vm9, v42, v22;
	v23 =	vsel vm5, v52, v50;
	vm10 =	vgt.f32 v47, v6  }
0x28a: {  	v54 =	vsel vm5, v62, v61;
	vm8 =	veq.s32 v5, $0x20;
	v6 =	vsel vm10, v47, v6  }
0x28b: {  	vm9 =	veq.s32 v5, $0x28;
	vm11 =	vgt.f32 v21, v7;
	vm12 =	vgt.f32 v23, v6  }
0x28c: {  	v53 =	vsel vm10, v59, v57;
	v7 =	vsel vm11, v21, v7;
	v6 =	vsel vm12, v23, v6  }
0x28d: {  	v20 =	vsel vm11, v22, v20;
	v21 =	vsel vm12, v54, v53;
	vm13 =	vgt.f32 v6, v7  }
0x28e: {  	vm10 =	veq.s32 v5, $0x30;
	v6 =	vsel vm13, v6, v7;
	v7 =	vsel vm13, v21, v20  }
0x28f: {  	vm11 =	veq.s32 v5, $0x38;
	v8 =	vsel vm14, v6, v8;
	v9 =	vsel vm14, v7, v9  }
0x290: {  	v10 =	vsel vm15, v6, v10;
	v11 =	vsel vm15, v7, v11;
	v12 =	vsel vm6, v6, v12  }
0x291: {  	v13 =	vsel vm6, v7, v13;
	v14 =	vsel vm7, v6, v14;
	v15 =	vsel vm7, v7, v15  }
0x292: {  	v16 =	vsel vm8, v6, v16;
	v17 =	vsel vm8, v7, v17;
	v18 =	vsel vm9, v6, v18  }
0x293: {  	v19 =	vsel vm9, v7, v19;
	v1 =	vsel vm10, v6, v1;
	v2 =	vsel vm10, v7, v2  }
0x294: {  	v3 =	vsel vm11, v6, v3;
	v4 =	vsel vm11, v7, v4;
	vm12 =	vgt.f32 v10, v8  }
0x295: {  	vm13 =	vgt.f32 v14, v12;
	vm14 =	vgt.f32 v18, v16;
	vm15 =	vgt.f32 v3, v1  }
0x296: {  	v5 =	vsel vm12, v10, v8;
	v6 =	vsel vm12, v11, v9;
	v7 =	vsel vm13, v14, v12  }
0x297: {  	v20 =	vsel vm13, v15, v13;
	v21 =	vsel vm14, v18, v16;
	v22 =	vsel vm15, v3, v1  }
0x298: {  	v23 =	vsel vm14, v19, v17;
	vm8 =	vgt.f32 v7, v5;
	vm9 =	vgt.f32 v22, v21  }
0x299: {  	v55 =	vsel vm15, v4, v2;
	v46 =	vsel vm8, v7, v5;
	v47 =	vsel vm9, v22, v21  }
0x29a: {  	v5 =	vsel vm8, v20, v6;
	v6 =	vsel vm9, v55, v23;
	vm3 =	vgt.f32 v47, v46  }
0x29b: {  	v42 =	vsel vm3, v6, v5  }
0x29c: {  	v5 =	vand.u32 $0xFFFFFFF8, v42;
	v6 =	vor.u32 v34, v42;
	v7 =	vand.u32 $0x78, v42  }
0x29d: {  	v62 =	vor.u32 $0x7, v42;
	v20 =	vor.u32 $0x1, v5;
	v7 =	vor.u32 v34, v7  }
0x29e: {  	v22 =	vor.u32 $0x2, v5;
	v63 =	vor.u32 v34, v62;
	v21 =	vand.u32 $0x79, v20  }
0x29f: {  	v45 =	vor.u32 $0x3, v5;
	v23 =	vand.u32 $0x7A, v22;
	v21 =	vor.u32 v34, v21  }
0x2a0: {  	v60 =	vor.u32 $0x6, v5;
	v56 =	vand.u32 $0x7B, v45;
	v23 =	vor.u32 v34, v23  }
0x2a1: {  	v58 =	vor.u32 $0x5, v5;
	v61 =	vand.u32 $0x7E, v60;
	v48 =	vor.u32 v34, v56;
	[tilespmem:v6+s1+$0x0] =	vst.idx.msk $0xffff, v33  }
0x2a2: {  	v49 =	vor.u32 $0x4, v5;
	v59 =	vand.u32 $0x7D, v58;
	v53 =	vor.u32 v34, v61;
	v7 =	vld.idx.msk [tilespmem:v7+s1+$0x0], $0xffff  }
0x2a3: {  	v57 =	vand.u32 $0x7C, v49;
	v50 =	vor.u32 v34, v59;
	v55 =	vld.idx.msk [tilespmem:v63+s1+$0x0], $0xffff  }
0x2a4: {  	v6 =	vor.u32 v34, v57;
	v21 =	vld.idx.msk [tilespmem:v21+s1+$0x0], $0xffff  }
0x2a5: {  	v23 =	vld.idx.msk [tilespmem:v23+s1+$0x0], $0xffff  }
0x2a6: {  	v48 =	vld.idx.msk [tilespmem:v48+s1+$0x0], $0xffff  }
0x2a7: {  	v53 =	vld.idx.msk [tilespmem:v53+s1+$0x0], $0xffff  }
0x2a8: {  	v50 =	vld.idx.msk [tilespmem:v50+s1+$0x0], $0xffff  }
0x2a9: {  	v6 =	vld.idx.msk [tilespmem:v6+s1+$0x0], $0xffff  }
0x2aa: {  	vm8 =	veq.s32 v5, $0x0  }
0x2ab: {  	vm9 =	veq.s32 v5, $0x8;
	vm10 =	vgt.f32 v21, v7;
	vm11 =	vgt.f32 v48, v23  }
0x2ac: {  	vm6 =	vgt.f32 v55, v53;
	v7 =	vsel vm10, v21, v7;
	v20 =	vsel vm10, v20, v5  }
0x2ad: {  	v21 =	vsel vm11, v48, v23;
	v22 =	vsel vm11, v45, v22;
	v23 =	vsel vm6, v55, v53  }
0x2ae: {  	v55 =	vsel vm6, v62, v60;
	vm10 =	veq.s32 v5, $0x10;
	vm12 =	vgt.f32 v50, v6  }
0x2af: {  	vm11 =	veq.s32 v5, $0x18;
	vm13 =	vgt.f32 v21, v7;
	v6 =	vsel vm12, v50, v6  }
0x2b0: {  	v53 =	vsel vm12, v58, v49;
	v7 =	vsel vm13, v21, v7;
	vm14 =	vgt.f32 v23, v6  }
0x2b1: {  	v20 =	vsel vm13, v22, v20;
	vm12 =	veq.s32 v5, $0x20;
	v6 =	vsel vm14, v23, v6  }
0x2b2: {  	vm13 =	veq.s32 v5, $0x28;
	v21 =	vsel vm14, v55, v53;
	vm15 =	vgt.f32 v6, v7  }
0x2b3: {  	vm14 =	veq.s32 v5, $0x30;
	v6 =	vsel vm15, v6, v7;
	v7 =	vsel vm15, v21, v20  }
0x2b4: {  	vm15 =	veq.s32 v5, $0x38;
	v8 =	vsel vm8, v6, v8;
	v9 =	vsel vm8, v7, v9  }
0x2b5: {  	v10 =	vsel vm9, v6, v10;
	v11 =	vsel vm9, v7, v11;
	v12 =	vsel vm10, v6, v12  }
0x2b6: {  	v13 =	vsel vm10, v7, v13;
	v14 =	vsel vm11, v6, v14;
	v15 =	vsel vm11, v7, v15  }
0x2b7: {  	v16 =	vsel vm12, v6, v16;
	v17 =	vsel vm12, v7, v17;
	v18 =	vsel vm13, v6, v18  }
0x2b8: {  	v19 =	vsel vm13, v7, v19;
	v1 =	vsel vm14, v6, v1;
	v2 =	vsel vm14, v7, v2  }
0x2b9: {  	v3 =	vsel vm15, v6, v3;
	v4 =	vsel vm15, v7, v4;
	vm8 =	vgt.f32 v10, v8  }
0x2ba: {  	vm9 =	vgt.f32 v14, v12;
	vm10 =	vgt.f32 v18, v16;
	vm11 =	vgt.f32 v3, v1  }
0x2bb: {  	v5 =	vsel vm8, v10, v8;
	v6 =	vsel vm8, v11, v9;
	v7 =	vsel vm9, v14, v12  }
0x2bc: {  	v20 =	vsel vm9, v15, v13;
	v21 =	vsel vm10, v18, v16;
	v22 =	vsel vm11, v3, v1  }
0x2bd: {  	v23 =	vsel vm10, v19, v17;
	vm12 =	vgt.f32 v7, v5;
	vm13 =	vgt.f32 v22, v21  }
0x2be: {  	v56 =	vsel vm11, v4, v2;
	v49 =	vsel vm12, v7, v5;
	v50 =	vsel vm13, v22, v21  }
0x2bf: {  	v5 =	vsel vm12, v20, v6;
	v6 =	vsel vm13, v56, v23;
	vm4 =	vgt.f32 v50, v49  }
0x2c0: {  	v45 =	vsel vm4, v6, v5  }
0x2c1: {  	v5 =	vand.u32 $0xFFFFFFF8, v45  }
0x2c2: {  	v6 =	vor.u32 v34, v45;
	v7 =	vand.u32 $0x78, v45;
	v62 =	vor.u32 $0x7, v45  }
0x2c3: {  	v20 =	vor.u32 $0x1, v5;
	v7 =	vor.u32 v34, v7;
	v22 =	vor.u32 $0x2, v5  }
0x2c4: {  	v48 =	vor.u32 $0x3, v5;
	v63 =	vor.u32 v34, v62;
	v21 =	vand.u32 $0x79, v20  }
0x2c5: {  	v52 =	vor.u32 $0x4, v5;
	v23 =	vand.u32 $0x7A, v22;
	v21 =	vor.u32 v34, v21  }
0x2c6: {  	v60 =	vor.u32 $0x6, v5;
	v57 =	vand.u32 $0x7B, v48;
	v23 =	vor.u32 v34, v23  }
0x2c7: {  	v54 =	vor.u32 $0x5, v5;
	v61 =	vand.u32 $0x7E, v60;
	v51 =	vor.u32 v34, v57;
	[tilespmem:v6+s1+$0x0] =	vst.idx.msk $0xffff, v33  }
0x2c8: {  	v58 =	vand.u32 $0x7C, v52;
	v59 =	vand.u32 $0x7D, v54;
	v56 =	vor.u32 v34, v61;
	v7 =	vld.idx.msk [tilespmem:v7+s1+$0x0], $0xffff  }
0x2c9: {  	v53 =	vor.u32 v34, v59;
	v6 =	vor.u32 v34, v58;
	v58 =	vld.idx.msk [tilespmem:v63+s1+$0x0], $0xffff  }
0x2ca: {  	v21 =	vld.idx.msk [tilespmem:v21+s1+$0x0], $0xffff  }
0x2cb: {  	v23 =	vld.idx.msk [tilespmem:v23+s1+$0x0], $0xffff  }
0x2cc: {  	v51 =	vld.idx.msk [tilespmem:v51+s1+$0x0], $0xffff  }
0x2cd: {  	v56 =	vld.idx.msk [tilespmem:v56+s1+$0x0], $0xffff  }
0x2ce: {  	v53 =	vld.idx.msk [tilespmem:v53+s1+$0x0], $0xffff  }
0x2cf: {  	v6 =	vld.idx.msk [tilespmem:v6+s1+$0x0], $0xffff  }
0x2d0: {  	vm13 =	veq.s32 v5, $0x0  }
0x2d1: {  	vm8 =	veq.s32 v5, $0x18;
	vm14 =	vgt.f32 v21, v7;
	vm15 =	vgt.f32 v51, v23  }
0x2d2: {  	vm7 =	vgt.f32 v58, v56;
	v7 =	vsel vm14, v21, v7;
	v20 =	vsel vm14, v20, v5  }
0x2d3: {  	v21 =	vsel vm15, v51, v23;
	v22 =	vsel vm15, v48, v22;
	v23 =	vsel vm7, v58, v56  }
0x2d4: {  	v57 =	vsel vm7, v62, v60;
	vm14 =	veq.s32 v5, $0x8;
	vm9 =	vgt.f32 v53, v6  }
0x2d5: {  	vm15 =	veq.s32 v5, $0x10;
	vm10 =	vgt.f32 v21, v7;
	v6 =	vsel vm9, v53, v6  }
0x2d6: {  	v56 =	vsel vm9, v54, v52;
	v7 =	vsel vm10, v21, v7;
	vm11 =	vgt.f32 v23, v6  }
0x2d7: {  	v20 =	vsel vm10, v22, v20;
	vm9 =	veq.s32 v5, $0x20;
	v6 =	vsel vm11, v23, v6  }
0x2d8: {  	vm10 =	veq.s32 v5, $0x28;
	v21 =	vsel vm11, v57, v56;
	vm12 =	vgt.f32 v6, v7  }
0x2d9: {  	vm11 =	veq.s32 v5, $0x30;
	v6 =	vsel vm12, v6, v7;
	v7 =	vsel vm12, v21, v20  }
0x2da: {  	vm12 =	veq.s32 v5, $0x38;
	v8 =	vsel vm13, v6, v8;
	v9 =	vsel vm13, v7, v9  }
0x2db: {  	v10 =	vsel vm14, v6, v10;
	v11 =	vsel vm14, v7, v11;
	v12 =	vsel vm15, v6, v12  }
0x2dc: {  	v13 =	vsel vm15, v7, v13;
	v14 =	vsel vm8, v6, v14;
	v15 =	vsel vm8, v7, v15  }
0x2dd: {  	v16 =	vsel vm9, v6, v16;
	v17 =	vsel vm9, v7, v17;
	v18 =	vsel vm10, v6, v18  }
0x2de: {  	v19 =	vsel vm10, v7, v19;
	v1 =	vsel vm11, v6, v1;
	v2 =	vsel vm11, v7, v2  }
0x2df: {  	v3 =	vsel vm12, v6, v3;
	v4 =	vsel vm12, v7, v4;
	vm13 =	vgt.f32 v10, v8  }
0x2e0: {  	vm14 =	vgt.f32 v14, v12;
	vm15 =	vgt.f32 v18, v16;
	vm9 =	vgt.f32 v3, v1  }
0x2e1: {  	v5 =	vsel vm13, v10, v8;
	v6 =	vsel vm13, v11, v9;
	v7 =	vsel vm14, v14, v12  }
0x2e2: {  	v20 =	vsel vm14, v15, v13;
	v21 =	vsel vm15, v18, v16;
	v22 =	vsel vm9, v3, v1  }
0x2e3: {  	v23 =	vsel vm15, v19, v17;
	vm10 =	vgt.f32 v7, v5;
	vm11 =	vgt.f32 v22, v21  }
0x2e4: {  	v58 =	vsel vm9, v4, v2;
	v60 =	vsel vm10, v7, v5;
	v61 =	vsel vm11, v22, v21  }
0x2e5: {  	v5 =	vsel vm10, v20, v6;
	v6 =	vsel vm11, v58, v23;
	vm5 =	vgt.f32 v61, v60  }
0x2e6: {  	v48 =	vsel vm5, v6, v5  }
0x2e7: {  	v5 =	vand.u32 $0xFFFFFFF8, v48  }
0x2e8: {  	v6 =	vor.u32 v34, v48;
	v7 =	vand.u32 $0x78, v48;
	v20 =	vor.u32 $0x1, v5  }
0x2e9: {  	v7 =	vor.u32 v34, v7;
	v22 =	vor.u32 $0x2, v5;
	v21 =	vand.u32 $0x79, v20  }
0x2ea: {  	v51 =	vor.u32 $0x3, v5;
	v23 =	vand.u32 $0x7A, v22;
	v21 =	vor.u32 v34, v21  }
0x2eb: {  	v55 =	vor.u32 $0x5, v5;
	v59 =	vand.u32 $0x7B, v51;
	v23 =	vor.u32 v34, v23  }
0x2ec: {  	v63 =	vand.u32 $0x7D, v55;
	v52 =	vor.u32 v34, v59  }
0x2ed: {  	v58 =	vor.u32 $0x7, v48;
	v53 =	vor.u32 $0x4, v5;
	v54 =	vor.u32 v34, v63;
	[tilespmem:v6+s1+$0x0] =	vst.idx.msk $0xffff, v33  }
0x2ee: {  	v56 =	vor.u32 $0x6, v5;
	v62 =	vand.u32 $0x7C, v53;
	v63 =	vor.u32 v34, v58;
	v7 =	vld.idx.msk [tilespmem:v7+s1+$0x0], $0xffff  }
0x2ef: {  	v6 =	vor.u32 v34, v62;
	v62 =	vand.u32 $0x7E, v56;
	v21 =	vld.idx.msk [tilespmem:v21+s1+$0x0], $0xffff  }
0x2f0: {  	v57 =	vor.u32 v34, v62;
	v23 =	vld.idx.msk [tilespmem:v23+s1+$0x0], $0xffff  }
0x2f1: {  	v52 =	vld.idx.msk [tilespmem:v52+s1+$0x0], $0xffff  }
0x2f2: {  	v54 =	vld.idx.msk [tilespmem:v54+s1+$0x0], $0xffff  }
0x2f3: {  	v59 =	vld.idx.msk [tilespmem:v63+s1+$0x0], $0xffff  }
0x2f4: {  	v6 =	vld.idx.msk [tilespmem:v6+s1+$0x0], $0xffff  }
0x2f5: {  	v57 =	vld.idx.msk [tilespmem:v57+s1+$0x0], $0xffff  }
0x2f6: {  	vm12 =	vgt.f32 v21, v7  }
0x2f7: {  	vm11 =	veq.s32 v5, $0x0;
	vm13 =	vgt.f32 v52, v23;
	v7 =	vsel vm12, v21, v7  }
0x2f8: {  	v20 =	vsel vm12, v20, v5;
	v21 =	vsel vm13, v52, v23;
	v22 =	vsel vm13, v51, v22  }
0x2f9: {  	vm12 =	veq.s32 v5, $0x8;
	vm13 =	veq.s32 v5, $0x10;
	vm14 =	vgt.f32 v54, v6  }
0x2fa: {  	vm15 =	vgt.f32 v21, v7;
	vm8 =	vgt.f32 v59, v57;
	v6 =	vsel vm14, v54, v6  }
0x2fb: {  	v62 =	vsel vm14, v55, v53;
	v7 =	vsel vm15, v21, v7;
	v23 =	vsel vm8, v59, v57  }
0x2fc: {  	v20 =	vsel vm15, v22, v20;
	vm14 =	veq.s32 v5, $0x18;
	vm9 =	vgt.f32 v23, v6  }
0x2fd: {  	vm15 =	veq.s32 v5, $0x20;
	v63 =	vsel vm8, v58, v56;
	v6 =	vsel vm9, v23, v6  }
0x2fe: {  	v21 =	vsel vm9, v63, v62;
	vm9 =	veq.s32 v5, $0x28;
	vm10 =	vgt.f32 v6, v7  }
0x2ff: {  	v6 =	vsel vm10, v6, v7;
	v7 =	vsel vm10, v21, v20;
	vm10 =	veq.s32 v5, $0x30  }
0x300: {  	v8 =	vsel vm11, v6, v8;
	v51 =	vsel vm11, v7, v9;
	v9 =	vsel vm12, v6, v10  }
0x301: {  	v53 =	vsel vm12, v7, v11;
	v10 =	vsel vm13, v6, v12;
	v52 =	vsel vm13, v7, v13  }
0x302: {  	v11 =	vsel vm14, v6, v14;
	v54 =	vsel vm14, v7, v15;
	v12 =	vsel vm15, v6, v16  }
0x303: {  	v55 =	vsel vm15, v7, v17;
	v13 =	vsel vm9, v6, v18;
	v56 =	vsel vm9, v7, v19  }
0x304: {  	v14 =	vsel vm10, v6, v1;
	v57 =	vsel vm10, v7, v2;
	vm11 =	veq.s32 v5, $0x38  }
0x305: {  	v5 =	vsel vm11, v6, v3;
	v58 =	vsel vm11, v7, v4;
	vm12 =	vgt.f32 v9, v8  }
0x306: {  	vm13 =	vgt.f32 v11, v10;
	vm14 =	vgt.f32 v13, v12;
	v1 =	vsel vm12, v9, v8  }
0x307: {  	v2 =	vsel vm12, v53, v51;
	v3 =	vsel vm13, v11, v10;
	vm15 =	vgt.f32 v5, v14  }
0x308: {  	v4 =	vsel vm13, v54, v52;
	v6 =	vsel vm14, v13, v12;
	v7 =	vsel vm15, v5, v14  }
0x309: {  	v15 =	vsel vm14, v56, v55;
	vm11 =	vgt.f32 v3, v1;
	vm12 =	vgt.f32 v7, v6  }
0x30a: {  	v16 =	vsel vm15, v58, v57;
	v17 =	vsel vm11, v3, v1;
	v6 =	vsel vm12, v7, v6  }
0x30b: {  	v1 =	vsel vm11, v4, v2;
	v2 =	vsel vm12, v16, v15;
	vm13 =	vgt.f32 v6, v17  }
0x30c: {  	v59 =	vsel vm13, v2, v1  }
0x30d: {  	v62 =	vand.u32 $0xFFFFFFF8, v59  }
0x30e: {  	v4 =	vor.u32 v34, v59;
	v1 =	vand.u32 $0x78, v59;
	v63 =	vor.u32 $0x1, v62  }
0x30f: {  	v7 =	vor.u32 v34, v1;
	v1 =	vor.u32 $0x2, v62;
	v2 =	vand.u32 $0x79, v63  }
0x310: {  	v3 =	vand.u32 $0x7A, v1;
	v15 =	vor.u32 v34, v2;
	v2 =	vor.u32 $0x3, v62  }
0x311: {  	v16 =	vor.u32 v34, v3;
	v3 =	vor.u32 $0x4, v62;
	v18 =	vand.u32 $0x7B, v2  }
0x312: {  	v20 =	vor.u32 $0x5, v62;
	v19 =	vand.u32 $0x7C, v3;
	v18 =	vor.u32 v34, v18  }
0x313: {  	v21 =	vor.u32 $0x6, v62;
	[tilespmem:v4+s1+$0x0] =	vst.idx.msk $0xffff, v33;
	v4 =	vor.u32 v34, v19;
	v19 =	vand.u32 $0x7D, v20  }
0x314: {  	v22 =	vand.u32 $0x7E, v21;
	v7 =	vld.idx.msk [tilespmem:v7+s1+$0x0], $0xffff;
	v19 =	vor.u32 v34, v19  }
0x315: {  	v23 =	vor.u32 $0x7, v59;
	v22 =	vor.u32 v34, v22;
	v15 =	vld.idx.msk [tilespmem:v15+s1+$0x0], $0xffff  }
0x316: {  	v34 =	vor.u32 v34, v23;
	v16 =	vld.idx.msk [tilespmem:v16+s1+$0x0], $0xffff  }
0x317: {  	v18 =	vld.idx.msk [tilespmem:v18+s1+$0x0], $0xffff  }
0x318: {  	v4 =	vld.idx.msk [tilespmem:v4+s1+$0x0], $0xffff  }
0x319: {  	v19 =	vld.idx.msk [tilespmem:v19+s1+$0x0], $0xffff  }
0x31a: {  	v36 =	vsel vm0, v37, v36;
	v37 =	vimm.s32 $0x0;
	v6 =	vsel vm13, v6, v17;
	v22 =	vld.idx.msk [tilespmem:v22+s1+$0x0], $0xffff  }
0x31b: {  	vm6 =	veq.s32 v62, $0x0;
	vm10 =	veq.s32 v62, $0x10;
	v34 =	vld.idx.msk [tilespmem:v34+s1+$0x0], $0xffff;
	vm14 =	vgt.f32 v15, v7  }
0x31c: {  	v7 =	vsel vm14, v15, v7;
	v15 =	vimm.s32 $0x0;
	vm15 =	vgt.f32 v18, v16  }
0x31d: {  	vm12 =	veq.s32 v62, $0x28;
	vm13 =	veq.s32 v62, $0x30;
	v15 =	vsel vm15, $0xFFFFFFFF, v15  }
0x31e: {  	v37 =	vsel vm14, $0xFFFFFFFF, v37;
	vm7 =	vgt.f32 v19, v4;
	[tilespmem:$0x1FF30] =	vst v15;
	v15 =	vimm.s32 $0x0  }
0x31f: {  	vm14 =	veq.s32 v62, $0x38;
	[tilespmem:$0x1FF20] =	vst v37;
	v37 =	vsel vm1, v41, v40;
	v15 =	vsel vm7, $0xFFFFFFFF, v15  }
0x320: {  	v40 =	vsel vm2, v44, v43;
	vm8 =	vgt.f32 v34, v22;
	[tilespmem:$0x1FF40] =	vst v15;
	v15 =	vimm.s32 $0x0  }
0x321: {  	v44 =	vimm.s32 $0x0;
	v4 =	vsel vm7, v19, v4;
	v15 =	vsel vm8, $0xFFFFFFFF, v15  }
0x322: {  	v19 =	vimm.s32 $0x0;
	[tilespmem:$0x1FF50] =	vst v15;
	v15 =	vsel vm15, v18, v16;
	v16 =	vsel vm8, v34, v22  }
0x323: {  	v18 =	vsel vm3, v47, v46;
	vm9 =	vgt.f32 v15, v7;
	vm0 =	vgt.f32 v16, v4  }
0x324: {  	v19 =	vsel vm9, $0xFFFFFFFF, v19;
	v7 =	vsel vm9, v15, v7;
	v4 =	vsel vm0, v16, v4  }
0x325: {  	vm8 =	veq.s32 v62, $0x8;
	[tilespmem:$0x1FF60] =	vst v19;
	v19 =	vimm.s32 $0x0;
	vm11 =	vgt.f32 v4, v7  }
0x326: {  	v15 =	vsel vm5, v61, v60;
	v19 =	vsel vm0, $0xFFFFFFFF, v19;
	v4 =	vsel vm11, v4, v7  }
0x327: {  	vm9 =	veq.s32 v62, $0x18;
	[tilespmem:$0x1FF70] =	vst v19;
	v19 =	vsel vm4, v50, v49;
	v43 =	vsel vm8, v4, v9  }
0x328: {  	v9 =	vsel vm10, $0xFFFFFFFF, v44;
	v46 =	vsel vm10, v4, v10;
	vm10 =	veq.s32 v62, $0x20  }
0x329: {  	v49 =	vsel vm10, v4, v12;
	v12 =	vsel vm12, v4, v13;
	v13 =	vsub.f32 v36, v36  }
0x32a: {  	v16 =	vsub.f32 v37, v36;
	v7 =	vsel vm6, v4, v8;
	v47 =	vsel vm9, v4, v11  }
0x32b: {  	v14 =	vsel vm13, v4, v14;
	v4 =	vsel vm14, v4, v5;
	v5 =	vmul.f32 $1.442695020e+00, v13  }
0x32c: {  	v50 =	vmul.f32 $1.442695020e+00, v16;
	vm15 =	vgt.f32 v43, v7;
	vm5 =	vgt.f32 v47, v46  }
0x32d: {  	v37 =	vsub.f32 v19, v36;
	v13 =	vsub.f32 v40, v36;
	(erf) = vpow2.f32 v5  }
0x32e: {  	v7 =	vsel vm15, v43, v7;
	v5 =	vsub.f32 v18, v36;
	(erf) = vpow2.f32 v50  }
0x32f: {  	[tilespmem:$0x1FF80] =	vst v9;
	v9 =	vsel vm5, v47, v46;
	vm4 =	vgt.f32 v12, v49;
	v34 =	vmul.f32 $1.442695020e+00, v13  }
0x330: {  	vm3 =	vgt.f32 v4, v14;
	v11 =	vsel vm4, v12, v49;
	v5 =	vmul.f32 $1.442695020e+00, v5  }
0x331: {  	v4 =	vsel vm3, v4, v14;
	v40 =	vsub.f32 v15, v36;
	(erf) = vpow2.f32 v34  }
0x332: {  	vm2 =	vgt.f32 v9, v7;
	(erf) = vpow2.f32 v5;
	v5 =	vmul.f32 $1.442695020e+00, v37  }
0x333: {  	v6 =	vsub.f32 v6, v36;
	vm1 =	vgt.f32 v4, v11;
	v7 =	vsel vm2, v9, v7  }
0x334: {  	v4 =	vsel vm1, v4, v11;
	(erf) = vpow2.f32 v5;
	v5 =	vmul.f32 $1.442695020e+00, v40  }
0x335: {  	vm0 =	vgt.f32 v4, v7  }
0x336: {  	v4 =	vsel vm0, v4, v7;
	v7 =	vpop (erf);
	(erf) = vpow2.f32 v5;
	v5 =	vmul.f32 $1.442695020e+00, v6  }
0x337: {  	v4 =	vsub.f32 v4, v36;
	v6 =	vpop (erf)  }
0x338: {  	(erf) = vpow2.f32 v5;
	v5 =	vadd.f32 v6, v7  }
0x339: {  	v4 =	vmul.f32 $1.442695020e+00, v4  }
0x33a: {  	v41 =	vpop (erf)  }
0x33b: {  	(erf) = vpow2.f32 v4;
	v4 =	vadd.f32 v41, v5  }
0x33c: {  	v5 =	vpop (erf)  }
0x33d: {  	v4 =	vadd.f32 v5, v4  }
0x33e: {  	v43 =	vpop (erf)  }
0x33f: {  	v4 =	vadd.f32 v43, v4  }
0x340: {  	v44 =	vpop (erf)  }
0x341: {  	v4 =	vadd.f32 v44, v4  }
0x342: {  	v46 =	vpop (erf)  }
0x343: {  	v4 =	vadd.f32 v46, v4  }
0x344: {  	v12 =	vpop (erf)  }
0x345: {  	v4 =	vadd.f32 v12, v4;
	_ =	sdelay $0x1  }
0x346: {  	(erf) = vrcp.f32 v4;
	_ =	sdelay $0x3  }
0x347: {  	v4 =	vmov s17  }
0x348: {  	v4 =	vshll.u32 v4, $0x7  }
0x349: {  	v4 =	vor.u32 v0, v4;
	_ =	sdelay $0x1  }
0x34a: {  	v13 =	vor.u32 $0x1, v4  }
0x34b: {  	v14 =	vpop (erf)  }
0x34c: {  	v7 =	vmul.f32 v14, v7  }
0x34d: {  	[tilespmem:v4+s11+$0x0] =	vst.idx.msk $0xffff, v35  }
0x34e: {  	v6 =	vmul.f32 v14, v6;
	[tilespmem:v4+s12+$0x0] =	vst.idx.msk $0xffff, v7  }
0x34f: {  	[tilespmem:v13+s11+$0x0] =	vst.idx.msk $0xffff, v38  }
0x350: {  	[tilespmem:v13+s12+$0x0] =	vst.idx.msk $0xffff, v6;
	v13 =	vld [tilespmem:$0x1FF20]  }
0x351: {  	v16 =	vld [tilespmem:$0x1FF30]  }
0x352: {  	v15 =	vor.u32 $0x2, v4;
	_ =	sdelay $0x2  }
0x353: {  	vm7 =	vnez.u8 v13  }
0x354: {  	v6 =	vmul.f32 v14, v41;
	v13 =	vsel vm7, v63, v62;
	vm7 =	vnez.u8 v16  }
0x355: {  	[tilespmem:v15+s11+$0x0] =	vst.idx.msk $0xffff, v39;
	v1 =	vsel vm7, v2, v1;
	v2 =	vld [tilespmem:$0x1FF40]  }
0x356: {  	[tilespmem:v15+s12+$0x0] =	vst.idx.msk $0xffff, v6;
	v6 =	vld [tilespmem:$0x1FF50]  }
0x357: {  	v16 =	vld [tilespmem:$0x1FF60];
	_ =	sdelay $0x1  }
0x358: {  	v7 =	vor.u32 $0x3, v4  }
0x359: {  	vm7 =	vnez.u8 v2  }
0x35a: {  	v47 =	vor.u32 $0x4, v4;
	v2 =	vsel vm7, v20, v3;
	vm7 =	vnez.u8 v6  }
0x35b: {  	v6 =	vsel vm7, v23, v21;
	vm7 =	vnez.u8 v16  }
0x35c: {  	v3 =	vmul.f32 v14, v5;
	v5 =	vor.u32 $0x5, v4;
	v1 =	vsel vm7, v1, v13;
	v13 =	vld [tilespmem:$0x1FF70]  }
0x35d: {  	[tilespmem:v7+s11+$0x0] =	vst.idx.msk $0xffff, v42  }
0x35e: {  	v17 =	vimm.s32 $0x4;
	[tilespmem:v7+s12+$0x0] =	vst.idx.msk $0xffff, v3;
	v3 =	vmul.f32 v14, v43  }
0x35f: {  	v22 =	vimm.s32 $0xE;
	v61 =	vimm.s32 $0x26;
	v60 =	vimm.s32 $0x24;
	[tilespmem:v47+s11+$0x0] =	vst.idx.msk $0xffff, v45  }
0x360: {  	v19 =	vimm.s32 $0x8;
	v18 =	vimm.s32 $0x6;
	v15 =	vimm.s32 $0x2;
	[tilespmem:v47+s12+$0x0] =	vst.idx.msk $0xffff, v3  }
0x361: {  	v63 =	vimm.s32 $0x2A;
	v62 =	vimm.s32 $0x28;
	[tilespmem:v5+s11+$0x0] =	vst.idx.msk $0xffff, v48;
	v48 =	vld [tilespmem:$0x1FF80];
	vm7 =	vnez.u8 v13  }
0x362: {  	v20 =	vimm.s32 $0xA;
	v23 =	vimm.s32 $0x10;
	v2 =	vsel vm7, v6, v2  }
0x363: {  	v21 =	vimm.s32 $0xC;
	v7 =	vor.u32 $0x6, v4;
	v1 =	vsel vm11, v2, v1  }
0x364: {  	v4 =	vor.u32 $0x7, v4;
	v6 =	vmul.f32 v14, v44;
	v2 =	vsel vm6, v1, v51  }
0x365: {  	v51 =	vimm.s32 $0x12;
	v3 =	vsel vm8, v1, v53;
	v53 =	vimm.s32 $0x16  }
0x366: {  	vm11 =	vnez.u8 v48;
	v49 =	vsel vm9, v1, v54;
	v50 =	vsel vm10, v1, v55;
	[tilespmem:v5+s12+$0x0] =	vst.idx.msk $0xffff, v6  }
0x367: {  	v5 =	vsel vm12, v1, v56;
	v6 =	vsel vm13, v1, v57;
	v8 =	vsel vm11, v1, v52  }
0x368: {  	p0 =	sne.s32 s17, $0x70;
	v1 =	vsel vm14, v1, v58;
	v2 =	vsel vm15, v3, v2;
	v5 =	vsel vm4, v5, v50  }
.Ltmp2:
0x369: {  	v3 =	vsel vm5, v49, v8;
	v1 =	vsel vm3, v1, v6;
	v6 =	vmul.f32 v14, v46;
	(pc) =	sbr.rel @p0 .LBB2_7-.Ltmp2, $4  }
0x36a: {  	v54 =	vimm.s32 $0x18;
	[tilespmem:v7+s11+$0x0] =	vst.idx.msk $0xffff, v59;
	v2 =	vsel vm2, v3, v2;
	v1 =	vsel vm1, v1, v5  }
0x36b: {  	v55 =	vimm.s32 $0x1A;
	[tilespmem:v7+s12+$0x0] =	vst.idx.msk $0xffff, v6;
	v1 =	vsel vm0, v1, v2;
	v2 =	vmul.f32 v14, v12  }
0x36c: {  	v56 =	vimm.s32 $0x1C;
	v57 =	vimm.s32 $0x1E;
	v52 =	vimm.s32 $0x14;
	[tilespmem:v4+s11+$0x0] =	vst.idx.msk $0xffff, v1  }
0x36d: {  	s17 =	sadd.s32 $0x10, s17;
	v58 =	vimm.s32 $0x20;
	v59 =	vimm.s32 $0x22;
	v5 =	vimm.s32 $0x0;
	[tilespmem:v4+s12+$0x0] =	vst.idx.msk $0xffff, v2  }
0x36e: {  	s16 =	sor.u32 s6, s16  }
0x36f: {  	s16 =	sshll.u32 s16, $0x4  }
0x370: {  	s17 =	sadd.s32 s3, s16  }
0x371: {  	[hbm4b:s17+s1] =	stream.linear.scatter [tilespmem:s11], [sflag:$0x1], $0x4000, $0x38;
	[tilespmem:$0x18000] =	vst v63  }
0x372: {  	s15 =	sadd.s32 $0x1, s15;
	_ =	swait.ge [sflag:s10], $0x4000  }
0x373: {  	p0 =	sne.s32 s15, $0x4;
	[sflag:s10] =	ssyncset.done $0x0  }
.Ltmp3:
0x374: {  	s16 =	sadd.s32 s4, s16;
	[sflag:s10] =	ssyncadd.s32 $0xFFFFC000;
	(pc) =	sbr.rel @p0 .LBB2_6-.Ltmp3, $4  }
0x375: {  	[hbm4b:s16+s1] =	stream.linear.scatter [tilespmem:s12], [sflag:$0x1], $0x4000, $0x38;
	[tilespmem:$0x18000] =	vst v63  }
0x376: {  	_ =	swait.ge [sflag:s10], $0x4000  }
0x377: {  	[sflag:s10] =	ssyncset.done $0x0  }
0x378: {  	s14 =	sadd.s32 $0x80, s14;
	[sflag:s10] =	ssyncadd.s32 $0xFFFFC000  }
0x379: {  	s13 =	sadd.s32 $0x1, s13  }
0x37a: {  	p0 =	sne.s32 s13, s9  }
.Ltmp4:
0x37b: {  	_ = 	snop;
	(pc) =	sbr.rel @p0 .LBB2_1-.Ltmp4, $4  }
0x37c: {  	v4 =	vimm.s32 $0x2C  }
0x37d: {  	v24 =	vimm.s32 $0x2E;
	v25 =	vimm.s32 $0x30;
	v26 =	vimm.s32 $0x32  }
0x37e: {  	v27 =	vimm.s32 $0x34;
	v28 =	vimm.s32 $0x36;
	v29 =	vimm.s32 $0x38  }
0x37f: {  	v30 =	vimm.s32 $0x3A;
	v31 =	vimm.s32 $0x3C;
	v32 =	vimm.s32 $0x3E  }
0x380: {  	_ =	sfence.sel $0x180000  }
0x381: {  	[bflag:$0x0] =	sbarrier.arrive $0xFFFF  }
0x382: {  	p0 =	sne.s32 s2, $0x0;
	_ =	strace $0x90000047  }
0x383: {  	s0 =	sadd.s32 @!p0 $0x100000, s0;
	[bflag:$0x2] =	sbarrier.arrive $0xFFFF  }
0x384: {  	[sflag:s0] =	ssyncadd.tile.s32 @!p0 $0x1;
	_ =	shalt  }
.Lfunc_end2:
_tile_overlayer_lowered:
.L_overlay_start_2:
0x385: {  	(tag) =	ssettag $0x2  }
0x386: {  	s0 =	rddreg [dreg:$0x0];
	s2 =	stileid.u32  }
0x387: {  	s1 =	rddreg [dreg:$0x1];
	p0 =	sne.s32 s2, $0x0  }
0x388: {  	s3 =	rddreg [dreg:$0x2];
	[bflag:$0x3] =	sbarrier.arrive $0xFFFF;
	s2 =	simm.s32 @!p0 $0x1C01  }
0x389: {  	[timem:s3], [sflag:s2] =	dma.local @!p0 [hbm:s0], s1  }
0x38a: {  	s0 =	simm.s32 @!p0 $0x1  }
0x38b: {  	_ =	swait.ge @!p0 [sflag:s0], s1  }
0x38c: {  	s1 =	ssub.s32 @!p0 $0x0, s1;
	[sflag:s0] =	ssyncset.done @!p0 $0x0  }
0x38d: {  	[sflag:s0] =	ssyncadd.s32 @!p0 s1  }
0x38e: {  	[bflag:$0x3] =	sbarrier.arrive $0xFFFF  }
0x38f: {  	_ =	shalt  }

</sc_bundles>
